<compile_context>
chip_gen: v7x
topology: tpu7x:2x2x1
jax: 0.10.2.dev20260603
libtpu: 0.0.44.dev20260713+nightly
codegen_flags: <defaults>
</compile_context>

<pallas_src>
import jax
import jax.numpy as jnp
from jax import lax
from jax.experimental import pallas as pl
from jax.experimental.pallas import tpu as pltpu
from jax.experimental.pallas import tpu_sc as plsc

B, V, M, L, C, D = 64, 8, 25, 32, 64, 128
S = V * B
CHUNK = 80
NCHUNK_W = 160
VCH = 64
NVCH_W = 16
NW = 32
SEG_PER_W = S // NW
B_PER_W = B // NW
IT_OFF = 0
VL_OFF = NCHUNK_W * CHUNK
V_OFF = 2 * VL_OFF
IDX_W = V_OFF + 3 * NVCH_W * VCH
OUT_ROWS = S + 3 * B


def _sc_body(idx_all, emb_i, emb_v, emb_c, emb_p, emb_d,
             out_hbm, ids, rows, ob,
             sa0, sb0, sa1, sb1, sa2, sb2, sa3, sb3):
    w = lax.axis_index("s") * 2 + lax.axis_index("c")
    zeros8 = tuple(jnp.zeros((16,), jnp.float32) for _ in range(8))
    zero = jnp.zeros((16,), jnp.float32)
    sems = ((sa0, sb0), (sa1, sb1), (sa2, sb2), (sa3, sb3))

    pltpu.sync_copy(idx_all.at[w], ids)

    def issue(t, k):
        sa, sb = sems[k]
        pltpu.async_copy(emb_i.at[ids.at[pl.ds(IT_OFF + t * CHUNK, CHUNK)]],
                         rows.at[pl.ds(160 * k, CHUNK)], sa)
        pltpu.async_copy(emb_v.at[ids.at[pl.ds(VL_OFF + t * CHUNK, CHUNK)]],
                         rows.at[pl.ds(160 * k + CHUNK, CHUNK)], sb)

    def wait_rows(base, n, sem):
        pltpu.make_async_copy(emb_i.at[pl.ds(0, n)],
                              rows.at[pl.ds(base, n)], sem).wait()

    def accum_pair(k, accs):
        ao, bo = 160 * k, 160 * k + CHUNK

        def row_body(r, a2):
            out = list(a2)
            for u in range(4):
                rr = r * 4 + u
                for j in range(8):
                    out[j] = out[j] + (rows[ao + rr, pl.ds(16 * j, 16)] *
                                       rows[bo + rr, pl.ds(16 * j, 16)])
            return tuple(out)

        return lax.fori_loop(0, CHUNK // 4, row_body, accs)

    for k in range(3):
        issue(k, k)

    def mon_body(i, accs):
        for u in range(4):
            t = 4 * i + u

            @pl.when(t + 3 < NCHUNK_W)
            def _(t=t, u=u):
                issue(t + 3, (u + 3) % 4)

            sa, sb = sems[u]
            wait_rows(160 * u, CHUNK, sa)
            wait_rows(160 * u + CHUNK, CHUNK, sb)
            accs = accum_pair(u, accs)
            flush = (t % 10) == 9

            @pl.when(flush)
            def _(t=t, accs=accs):
                sl = t // 10
                for j in range(8):
                    ob[sl, pl.ds(16 * j, 16)] = accs[j]

            accs = tuple(jnp.where(flush, zero, a) for a in accs)
        return accs

    lax.fori_loop(0, NCHUNK_W // 4, mon_body, zeros8)
    pltpu.sync_copy(ob.at[pl.ds(0, SEG_PER_W)],
                    out_hbm.at[pl.ds(w * SEG_PER_W, SEG_PER_W)])

    embs_v = (emb_c, emb_p, emb_d)

    def issue_v(t, u, odd):
        base = 160 * u + (CHUNK if odd else 0)
        sem = sems[u][1 if odd else 0]
        off = V_OFF + u * NVCH_W * VCH + t * VCH
        pltpu.async_copy(embs_v[u].at[ids.at[pl.ds(off, VCH)]],
                         rows.at[pl.ds(base, VCH)], sem)

    def accum_v(u, odd, accs):
        base = 160 * u + (CHUNK if odd else 0)

        def row_body(r, a2):
            out = list(a2)
            for q in range(4):
                rr = r * 4 + q
                for j in range(8):
                    out[j] = out[j] + rows[base + rr, pl.ds(16 * j, 16)]
            return tuple(out)

        return lax.fori_loop(0, VCH // 4, row_body, accs)

    for u in range(3):
        issue_v(0, u, False)
        issue_v(1, u, True)

    def vis_body(i, carry):
        accs3 = [list(carry[u * 8:(u + 1) * 8]) for u in range(3)]
        for u in range(3):
            for odd in (False, True):
                t = 2 * i + (1 if odd else 0)
                base = 160 * u + (CHUNK if odd else 0)
                wait_rows(base, VCH, sems[u][1 if odd else 0])
                accs3[u] = list(accum_v(u, odd, tuple(accs3[u])))

                @pl.when(t + 2 < NVCH_W)
                def _(t=t, u=u, odd=odd):
                    issue_v(t + 2, u, odd)

            flush = (i % 4) == 3

            @pl.when(flush)
            def _(i=i, u=u, a=accs3[u]):
                bl = i // 4
                for j in range(8):
                    ob[SEG_PER_W + u * B_PER_W + bl, pl.ds(16 * j, 16)] = a[j]

            accs3[u] = [jnp.where(flush, zero, a) for a in accs3[u]]
        return tuple(accs3[0] + accs3[1] + accs3[2])

    lax.fori_loop(0, NVCH_W // 2, vis_body,
                  tuple(jnp.zeros((16,), jnp.float32) for _ in range(24)))
    for u in range(3):
        pltpu.sync_copy(
            ob.at[pl.ds(SEG_PER_W + u * B_PER_W, B_PER_W)],
            out_hbm.at[pl.ds(S + u * B + w * B_PER_W, B_PER_W)])


_sc_pool = pl.kernel(
    _sc_body,
    out_type=jax.ShapeDtypeStruct((OUT_ROWS, D), jnp.float32),
    mesh=plsc.VectorSubcoreMesh(core_axis_name="c", subcore_axis_name="s"),
    scratch_types=[
        pltpu.VMEM((IDX_W,), jnp.int32),
        pltpu.VMEM((4 * 2 * CHUNK, D), jnp.float32),
        pltpu.VMEM((SEG_PER_W + 3 * B_PER_W, D), jnp.float32),
        pltpu.SemaphoreType.DMA,
        pltpu.SemaphoreType.DMA,
        pltpu.SemaphoreType.DMA,
        pltpu.SemaphoreType.DMA,
        pltpu.SemaphoreType.DMA,
        pltpu.SemaphoreType.DMA,
        pltpu.SemaphoreType.DMA,
        pltpu.SemaphoreType.DMA,
    ],
)


def _tc_body(big, weight, age,
             mon_W, mon_b, mlp_c_W, mlp_c_b, mlp_p_W, mlp_p_b,
             mlp_d_W, mlp_d_b, mlp_w_W, mlp_w_b, mlp_a_W, mlp_a_b,
             fc_w_W, fc_w_b, fc_a_W, fc_a_b, fcp_W, fcp_b, out):
    f32 = jnp.float32
    allb = big[...]
    pooled = lax.slice(allb, (0, 0), (S, D))
    sc_ = lax.slice(allb, (S, 0), (S + B, D))
    sp_ = lax.slice(allb, (S + B, 0), (S + 2 * B, D))
    sd_ = lax.slice(allb, (S + 2 * B, 0), (S + 3 * B, D))

    def mm(x, w_):
        return jnp.dot(x, w_[...], preferred_element_type=f32)

    h = jnp.maximum(mm(pooled, mon_W) + mon_b[...], 0.0)
    ri = lax.broadcasted_iota(jnp.int32, (B, S), 0)
    cj = lax.broadcasted_iota(jnp.int32, (B, S), 1)
    sm = (cj // V == ri).astype(f32)
    e0 = jnp.dot(sm, h, preferred_element_type=f32)

    e1 = jnp.maximum(mm(sc_, mlp_c_W) + mlp_c_b[...], 0.0)
    e2 = jnp.maximum(mm(sp_, mlp_p_W) + mlp_p_b[...], 0.0)
    e3 = jnp.maximum(mm(sd_, mlp_d_W) + mlp_d_b[...], 0.0)

    def scalar_feat(vals_ref, fcW, fcb, mlpW, mlpb):
        vals = vals_ref[...]
        nz = (vals != 0.0).astype(f32)
        s1 = jnp.sum(vals, axis=1, keepdims=True)
        n = jnp.sum(nz, axis=1, keepdims=True)
        hv = s1 * fcW[...] + n * fcb[...]
        return jnp.maximum(mm(hv, mlpW) + mlpb[...], 0.0)

    e4 = scalar_feat(weight, fc_w_W, fc_w_b, mlp_w_W, mlp_w_b)
    e5 = scalar_feat(age, fc_a_W, fc_a_b, mlp_a_W, mlp_a_b)

    acc = fcp_b[...]
    for i, e in enumerate((e0, e1, e2, e3, e4, e5)):
        acc = acc + jnp.dot(e, fcp_W[i * D:(i + 1) * D, :],
                            preferred_element_type=f32)
    out[...] = acc


def kernel(lab_item, lab_value, cond, proc, drug, weight, age,
           emb_lab_item, emb_lab_value, emb_cond, emb_proc, emb_drug,
           mon_W, mon_b,
           mlp_cond_W, mlp_cond_b, mlp_proc_W, mlp_proc_b, mlp_drug_W, mlp_drug_b,
           mlp_weight_W, mlp_weight_b, mlp_age_W, mlp_age_b,
           fc_weight_W, fc_weight_b, fc_age_W, fc_age_b,
           fc_patient_W, fc_patient_b):
    i32 = jnp.int32
    idx_all = jnp.concatenate(
        [lab_item.astype(i32).reshape(NW, VL_OFF),
         lab_value.astype(i32).reshape(NW, VL_OFF),
         cond.astype(i32).reshape(NW, NVCH_W * VCH),
         proc.astype(i32).reshape(NW, NVCH_W * VCH),
         drug.astype(i32).reshape(NW, NVCH_W * VCH)], axis=1)

    big = _sc_pool(idx_all, emb_lab_item, emb_lab_value,
                   emb_cond, emb_proc, emb_drug)

    r2 = lambda x: x.reshape(1, -1)
    out = pl.pallas_call(
        _tc_body,
        out_shape=jax.ShapeDtypeStruct((B, D), jnp.float32),
    )(big, weight, age,
      mon_W, r2(mon_b), mlp_cond_W, r2(mlp_cond_b), mlp_proc_W, r2(mlp_proc_b),
      mlp_drug_W, r2(mlp_drug_b), mlp_weight_W, r2(mlp_weight_b),
      mlp_age_W, r2(mlp_age_b),
      fc_weight_W, r2(fc_weight_b), fc_age_W, r2(fc_age_b),
      fc_patient_W, r2(fc_patient_b))
    return out

# --- scband reference (transcript-rebuilt; emitter-appended) ---
"""Pipeline reference for scband-mlp-74354473828808 (READ-ONLY COPY).

The authoritative reference and input builder live on the scoring server;
editing this copy changes nothing except your own understanding.
"""

import jax, jax.numpy as jnp
import numpy as np

VOCAB = 100000
D = 128
OUT = 128

def setup_inputs(seed: int = 0) -> dict:
    key = jax.random.key(seed)
    ks = jax.random.split(key, 32)
    B, V, M, L, C = 64, 8, 25, 32, 64
    s = 0.02
    inp = {}
    inp['lab_item'] = jax.random.randint(ks[0], (B, V, M, L), 0, VOCAB)
    inp['lab_value'] = jax.random.randint(ks[1], (B, V, M, L), 0, VOCAB)
    inp['cond'] = jax.random.randint(ks[2], (B, V, C), 0, VOCAB)
    inp['proc'] = jax.random.randint(ks[3], (B, V, C), 0, VOCAB)
    inp['drug'] = jax.random.randint(ks[4], (B, V, C), 0, VOCAB)
    inp['weight'] = jax.random.uniform(ks[5], (B, V), dtype=jnp.float32)
    inp['age'] = jax.random.uniform(ks[6], (B, V), dtype=jnp.float32)
    inp['emb_lab_item'] = jax.random.normal(ks[7], (VOCAB, D), dtype=jnp.float32) * s
    inp['emb_lab_value'] = jax.random.normal(ks[8], (VOCAB, D), dtype=jnp.float32) * s
    inp['emb_cond'] = jax.random.normal(ks[9], (VOCAB, D), dtype=jnp.float32) * s
    inp['emb_proc'] = jax.random.normal(ks[10], (VOCAB, D), dtype=jnp.float32) * s
    inp['emb_drug'] = jax.random.normal(ks[11], (VOCAB, D), dtype=jnp.float32) * s
    inp['mon_W'] = jax.random.normal(ks[12], (D, D), dtype=jnp.float32) * s
    inp['mon_b'] = jnp.zeros((D,), dtype=jnp.float32)
    for i, name in enumerate(['cond', 'proc', 'drug', 'weight', 'age']):
        inp['mlp_' + name + '_W'] = jax.random.normal(ks[13 + i], (D, D), dtype=jnp.float32) * s
        inp['mlp_' + name + '_b'] = jnp.zeros((D,), dtype=jnp.float32)
    inp['fc_weight_W'] = jax.random.normal(ks[20], (1, D), dtype=jnp.float32) * s
    inp['fc_weight_b'] = jnp.zeros((D,), dtype=jnp.float32)
    inp['fc_age_W'] = jax.random.normal(ks[21], (1, D), dtype=jnp.float32) * s
    inp['fc_age_b'] = jnp.zeros((D,), dtype=jnp.float32)
    inp['fc_patient_W'] = jax.random.normal(ks[22], (6 * D, OUT), dtype=jnp.float32) * s
    inp['fc_patient_b'] = jnp.zeros((OUT,), dtype=jnp.float32)
    return inp

def reference(lab_item, lab_value, cond, proc, drug, weight, age,
              emb_lab_item, emb_lab_value, emb_cond, emb_proc, emb_drug,
              mon_W, mon_b,
              mlp_cond_W, mlp_cond_b, mlp_proc_W, mlp_proc_b, mlp_drug_W, mlp_drug_b,
              mlp_weight_W, mlp_weight_b, mlp_age_W, mlp_age_b,
              fc_weight_W, fc_weight_b, fc_age_W, fc_age_b,
              fc_patient_W, fc_patient_b):
    embs = []
    # monitor event pair (lab_item, lab_value): embed, elementwise mul, sum over code and monitor dims
    x1 = jnp.take(emb_lab_item, lab_item, axis=0)   # [B,V,M,L,D]
    x2 = jnp.take(emb_lab_value, lab_value, axis=0)
    x = (x1 * x2).sum(axis=3).sum(axis=2)           # [B,V,D]
    x = jax.nn.relu(x @ mon_W + mon_b)              # monitor_mlp (dropout=0)
    embs.append(x.sum(axis=1))                      # sum over visits -> [B,D]
    # visit events: embed, sum over codes, sum over visits, visit_mlp
    for idx, tab, W, b in [(cond, emb_cond, mlp_cond_W, mlp_cond_b),
                           (proc, emb_proc, mlp_proc_W, mlp_proc_b),
                           (drug, emb_drug, mlp_drug_W, mlp_drug_b)]:
        e = jnp.take(tab, idx, axis=0).sum(axis=2).sum(axis=1)  # [B,D]
        embs.append(jax.nn.relu(e @ W + b))
    # scalar features weight, age: Linear(1->D), zero-mask padding, sum over visits, visit_mlp
    for vals, fcW, fcb, W, b in [(weight, fc_weight_W, fc_weight_b, mlp_weight_W, mlp_weight_b),
                                 (age, fc_age_W, fc_age_b, mlp_age_W, mlp_age_b)]:
        B, V = vals.shape
        xv = vals.reshape(-1, 1)
        mask = (xv == 0)
        h = xv @ fcW + fcb
        h = h * (~mask)
        h = h.reshape(B, V, -1).sum(axis=1)
        embs.append(jax.nn.relu(h @ W + b))
    pe = jnp.concatenate(embs, axis=-1)             # [B, 6*D]
    logits = jax.nn.relu(pe) @ fc_patient_W + fc_patient_b
    return logits

if __name__ == "__main__":
    import jax
    _d = setup_inputs()
    print(jax.jit(kernel)(*tuple(_d.values())))

</pallas_src>

<mosaic_0001>
#map = affine_map<(d0, d1) -> (0, 0)>
module attributes {stable_mosaic.version = 14 : i64} {
  func.func @_sc_body(%arg0: i32, %arg1: i32, %arg2: memref<32x28672xi32, #tpu.memory_space<hbm>>, %arg3: memref<100000x128xf32, #tpu.memory_space<hbm>>, %arg4: memref<100000x128xf32, #tpu.memory_space<hbm>>, %arg5: memref<100000x128xf32, #tpu.memory_space<hbm>>, %arg6: memref<100000x128xf32, #tpu.memory_space<hbm>>, %arg7: memref<100000x128xf32, #tpu.memory_space<hbm>>, %arg8: memref<704x128xf32, #tpu.memory_space<hbm>>, %arg9: memref<28672xi32, #tpu.memory_space<vmem>>, %arg10: memref<640x128xf32, #tpu.memory_space<vmem>>, %arg11: memref<22x128xf32, #tpu.memory_space<vmem>>, %arg12: memref<!tpu.dma_semaphore, #tpu.memory_space<semaphore_mem>>, %arg13: memref<!tpu.dma_semaphore, #tpu.memory_space<semaphore_mem>>, %arg14: memref<!tpu.dma_semaphore, #tpu.memory_space<semaphore_mem>>, %arg15: memref<!tpu.dma_semaphore, #tpu.memory_space<semaphore_mem>>, %arg16: memref<!tpu.dma_semaphore, #tpu.memory_space<semaphore_mem>>, %arg17: memref<!tpu.dma_semaphore, #tpu.memory_space<semaphore_mem>>, %arg18: memref<!tpu.dma_semaphore, #tpu.memory_space<semaphore_mem>>, %arg19: memref<!tpu.dma_semaphore, #tpu.memory_space<semaphore_mem>>) attributes {dimension_semantics = [#tpu.dimension_semantics<core_parallel>, #tpu.dimension_semantics<subcore_parallel>], iteration_bounds = array<i64: 2, 16>, scalar_prefetch = 0 : i64, scratch_operands = 11 : i64, tpu.core_type = #tpu.core_type<sc_vector_subcore>, window_params = [{transform_indices = #map}, {transform_indices = #map}, {transform_indices = #map}, {transform_indices = #map}, {transform_indices = #map}, {transform_indices = #map}, {transform_indices = #map}]} {
    %mul3A = arith.constant 2 : i32
    %mul3A_0 = arith.muli %arg1, %mul3A : i32
    %add3A = arith.addi %mul3A_0, %arg0 : i32
    %broadcast_in_dim3A = arith.constant 0.000000e+00 : f32
    %broadcast_in_dim3A_1 = vector.broadcast %broadcast_in_dim3A : f32 to vector<16xf32>
    %broadcast_in_dim3A_2 = arith.constant 0.000000e+00 : f32
    %broadcast_in_dim3A_3 = vector.broadcast %broadcast_in_dim3A_2 : f32 to vector<16xf32>
    %broadcast_in_dim3A_4 = arith.constant 0.000000e+00 : f32
    %broadcast_in_dim3A_5 = vector.broadcast %broadcast_in_dim3A_4 : f32 to vector<16xf32>
    %broadcast_in_dim3A_6 = arith.constant 0.000000e+00 : f32
    %broadcast_in_dim3A_7 = vector.broadcast %broadcast_in_dim3A_6 : f32 to vector<16xf32>
    %broadcast_in_dim3A_8 = arith.constant 0.000000e+00 : f32
    %broadcast_in_dim3A_9 = vector.broadcast %broadcast_in_dim3A_8 : f32 to vector<16xf32>
    %broadcast_in_dim3A_10 = arith.constant 0.000000e+00 : f32
    %broadcast_in_dim3A_11 = vector.broadcast %broadcast_in_dim3A_10 : f32 to vector<16xf32>
    %broadcast_in_dim3A_12 = arith.constant 0.000000e+00 : f32
    %broadcast_in_dim3A_13 = vector.broadcast %broadcast_in_dim3A_12 : f32 to vector<16xf32>
    %broadcast_in_dim3A_14 = arith.constant 0.000000e+00 : f32
    %broadcast_in_dim3A_15 = vector.broadcast %broadcast_in_dim3A_14 : f32 to vector<16xf32>
    %broadcast_in_dim3A_16 = arith.constant 0.000000e+00 : f32
    %broadcast_in_dim3A_17 = vector.broadcast %broadcast_in_dim3A_16 : f32 to vector<16xf32>
    "tpu.region"() ({
      %run_scoped3A = tpu.sem_alloc : memref<!tpu.dma_semaphore, #tpu.memory_space<semaphore_mem>>
      %dma_start3A_186 = arith.constant 0 : i32
      %dma_start3A_187 = tpu.memref_slice %arg2[%add3A, %dma_start3A_186] : memref<32x28672xi32, #tpu.memory_space<hbm>> -> memref<1x28672xi32, #tpu.memory_space<hbm>>
      %dma_start3A_188 = tpu.memref_squeeze %dma_start3A_187 : memref<1x28672xi32, #tpu.memory_space<hbm>> -> memref<28672xi32, #tpu.memory_space<hbm>>
      %dma_start3A_189 = arith.constant 0 : i32
      %dma_start3A_190 = tpu.memref_slice %arg2[%add3A, %dma_start3A_189] : memref<32x28672xi32, #tpu.memory_space<hbm>> -> memref<1x28672xi32, #tpu.memory_space<hbm>>
      %dma_start3A_191 = tpu.memref_squeeze %dma_start3A_190 : memref<1x28672xi32, #tpu.memory_space<hbm>> -> memref<28672xi32, #tpu.memory_space<hbm>>
      tpu.enqueue_dma source(%dma_start3A_191 : memref<28672xi32, #tpu.memory_space<hbm>>) target(%arg9 : memref<28672xi32, #tpu.memory_space<vmem>>) target_semaphore(%run_scoped3A : memref<!tpu.dma_semaphore, #tpu.memory_space<semaphore_mem>>)
      %dma_wait3A = arith.constant 0 : i32
      %dma_wait3A_192 = tpu.memref_slice %arg2[%add3A, %dma_wait3A] : memref<32x28672xi32, #tpu.memory_space<hbm>> -> memref<1x28672xi32, #tpu.memory_space<hbm>>
      %dma_wait3A_193 = tpu.memref_squeeze %dma_wait3A_192 : memref<1x28672xi32, #tpu.memory_space<hbm>> -> memref<28672xi32, #tpu.memory_space<hbm>>
      %dma_wait3A_194 = arith.constant 0 : i32
      %dma_wait3A_195 = tpu.memref_slice %arg2[%add3A, %dma_wait3A_194] : memref<32x28672xi32, #tpu.memory_space<hbm>> -> memref<1x28672xi32, #tpu.memory_space<hbm>>
      %dma_wait3A_196 = tpu.memref_squeeze %dma_wait3A_195 : memref<1x28672xi32, #tpu.memory_space<hbm>> -> memref<28672xi32, #tpu.memory_space<hbm>>
      tpu.wait_dma2 semaphore(%run_scoped3A : memref<!tpu.dma_semaphore, #tpu.memory_space<semaphore_mem>>) src(%dma_wait3A_196 : memref<28672xi32, #tpu.memory_space<hbm>>) dst(%arg9 : memref<28672xi32, #tpu.memory_space<vmem>>)
      tpu.yield
    }) : () -> ()
    %dma_start3A = arith.constant 0 : i32
    %dma_start3A_18 = arith.constant 0 : i32
    %dma_start3A_19 = tpu.memref_slice %arg10[%dma_start3A, %dma_start3A_18] : memref<640x128xf32, #tpu.memory_space<vmem>> -> memref<80x128xf32, #tpu.memory_space<vmem>>
    %dma_start3A_20 = arith.constant 0 : i32
    %dma_start3A_21 = tpu.memref_slice %arg9[%dma_start3A_20] : memref<28672xi32, #tpu.memory_space<vmem>> -> memref<80xi32, #tpu.memory_space<vmem>>
    %dma_start3A_22 = arith.constant 0 : i32
    %dma_start3A_23 = arith.constant 0 : i32
    %dma_start3A_24 = tpu.memref_slice %arg3[%dma_start3A_22, %dma_start3A_23] : memref<100000x128xf32, #tpu.memory_space<hbm>> -> memref<100000x128xf32, #tpu.memory_space<hbm>>
    tpu.enqueue_indirect_dma source(%dma_start3A_24 : memref<100000x128xf32, #tpu.memory_space<hbm>>) target(%dma_start3A_19 : memref<80x128xf32, #tpu.memory_space<vmem>>) offsets(%dma_start3A_21 : memref<80xi32, #tpu.memory_space<vmem>>) semaphore(%arg12 : memref<!tpu.dma_semaphore, #tpu.memory_space<semaphore_mem>>)
    %dma_start3A_25 = arith.constant 80 : i32
    %dma_start3A_26 = arith.constant 0 : i32
    %dma_start3A_27 = tpu.memref_slice %arg10[%dma_start3A_25, %dma_start3A_26] : memref<640x128xf32, #tpu.memory_space<vmem>> -> memref<80x128xf32, #tpu.memory_space<vmem>>
    %dma_start3A_28 = arith.constant 12800 : i32
    %dma_start3A_29 = tpu.memref_slice %arg9[%dma_start3A_28] : memref<28672xi32, #tpu.memory_space<vmem>> -> memref<80xi32, #tpu.memory_space<vmem>>
    %dma_start3A_30 = arith.constant 0 : i32
    %dma_start3A_31 = arith.constant 0 : i32
    %dma_start3A_32 = tpu.memref_slice %arg4[%dma_start3A_30, %dma_start3A_31] : memref<100000x128xf32, #tpu.memory_space<hbm>> -> memref<100000x128xf32, #tpu.memory_space<hbm>>
    tpu.enqueue_indirect_dma source(%dma_start3A_32 : memref<100000x128xf32, #tpu.memory_space<hbm>>) target(%dma_start3A_27 : memref<80x128xf32, #tpu.memory_space<vmem>>) offsets(%dma_start3A_29 : memref<80xi32, #tpu.memory_space<vmem>>) semaphore(%arg13 : memref<!tpu.dma_semaphore, #tpu.memory_space<semaphore_mem>>)
    %dma_start3A_33 = arith.constant 160 : i32
    %dma_start3A_34 = arith.constant 0 : i32
    %dma_start3A_35 = tpu.memref_slice %arg10[%dma_start3A_33, %dma_start3A_34] : memref<640x128xf32, #tpu.memory_space<vmem>> -> memref<80x128xf32, #tpu.memory_space<vmem>>
    %dma_start3A_36 = arith.constant 80 : i32
    %dma_start3A_37 = tpu.memref_slice %arg9[%dma_start3A_36] : memref<28672xi32, #tpu.memory_space<vmem>> -> memref<80xi32, #tpu.memory_space<vmem>>
    %dma_start3A_38 = arith.constant 0 : i32
    %dma_start3A_39 = arith.constant 0 : i32
    %dma_start3A_40 = tpu.memref_slice %arg3[%dma_start3A_38, %dma_start3A_39] : memref<100000x128xf32, #tpu.memory_space<hbm>> -> memref<100000x128xf32, #tpu.memory_space<hbm>>
    tpu.enqueue_indirect_dma source(%dma_start3A_40 : memref<100000x128xf32, #tpu.memory_space<hbm>>) target(%dma_start3A_35 : memref<80x128xf32, #tpu.memory_space<vmem>>) offsets(%dma_start3A_37 : memref<80xi32, #tpu.memory_space<vmem>>) semaphore(%arg14 : memref<!tpu.dma_semaphore, #tpu.memory_space<semaphore_mem>>)
    %dma_start3A_41 = arith.constant 240 : i32
    %dma_start3A_42 = arith.constant 0 : i32
    %dma_start3A_43 = tpu.memref_slice %arg10[%dma_start3A_41, %dma_start3A_42] : memref<640x128xf32, #tpu.memory_space<vmem>> -> memref<80x128xf32, #tpu.memory_space<vmem>>
    %dma_start3A_44 = arith.constant 12880 : i32
    %dma_start3A_45 = tpu.memref_slice %arg9[%dma_start3A_44] : memref<28672xi32, #tpu.memory_space<vmem>> -> memref<80xi32, #tpu.memory_space<vmem>>
    %dma_start3A_46 = arith.constant 0 : i32
    %dma_start3A_47 = arith.constant 0 : i32
    %dma_start3A_48 = tpu.memref_slice %arg4[%dma_start3A_46, %dma_start3A_47] : memref<100000x128xf32, #tpu.memory_space<hbm>> -> memref<100000x128xf32, #tpu.memory_space<hbm>>
    tpu.enqueue_indirect_dma source(%dma_start3A_48 : memref<100000x128xf32, #tpu.memory_space<hbm>>) target(%dma_start3A_43 : memref<80x128xf32, #tpu.memory_space<vmem>>) offsets(%dma_start3A_45 : memref<80xi32, #tpu.memory_space<vmem>>) semaphore(%arg15 : memref<!tpu.dma_semaphore, #tpu.memory_space<semaphore_mem>>)
    %dma_start3A_49 = arith.constant 320 : i32
    %dma_start3A_50 = arith.constant 0 : i32
    %dma_start3A_51 = tpu.memref_slice %arg10[%dma_start3A_49, %dma_start3A_50] : memref<640x128xf32, #tpu.memory_space<vmem>> -> memref<80x128xf32, #tpu.memory_space<vmem>>
    %dma_start3A_52 = arith.constant 160 : i32
    %dma_start3A_53 = tpu.memref_slice %arg9[%dma_start3A_52] : memref<28672xi32, #tpu.memory_space<vmem>> -> memref<80xi32, #tpu.memory_space<vmem>>
    %dma_start3A_54 = arith.constant 0 : i32
    %dma_start3A_55 = arith.constant 0 : i32
    %dma_start3A_56 = tpu.memref_slice %arg3[%dma_start3A_54, %dma_start3A_55] : memref<100000x128xf32, #tpu.memory_space<hbm>> -> memref<100000x128xf32, #tpu.memory_space<hbm>>
    tpu.enqueue_indirect_dma source(%dma_start3A_56 : memref<100000x128xf32, #tpu.memory_space<hbm>>) target(%dma_start3A_51 : memref<80x128xf32, #tpu.memory_space<vmem>>) offsets(%dma_start3A_53 : memref<80xi32, #tpu.memory_space<vmem>>) semaphore(%arg16 : memref<!tpu.dma_semaphore, #tpu.memory_space<semaphore_mem>>)
    %dma_start3A_57 = arith.constant 400 : i32
    %dma_start3A_58 = arith.constant 0 : i32
    %dma_start3A_59 = tpu.memref_slice %arg10[%dma_start3A_57, %dma_start3A_58] : memref<640x128xf32, #tpu.memory_space<vmem>> -> memref<80x128xf32, #tpu.memory_space<vmem>>
    %dma_start3A_60 = arith.constant 12960 : i32
    %dma_start3A_61 = tpu.memref_slice %arg9[%dma_start3A_60] : memref<28672xi32, #tpu.memory_space<vmem>> -> memref<80xi32, #tpu.memory_space<vmem>>
    %dma_start3A_62 = arith.constant 0 : i32
    %dma_start3A_63 = arith.constant 0 : i32
    %dma_start3A_64 = tpu.memref_slice %arg4[%dma_start3A_62, %dma_start3A_63] : memref<100000x128xf32, #tpu.memory_space<hbm>> -> memref<100000x128xf32, #tpu.memory_space<hbm>>
    tpu.enqueue_indirect_dma source(%dma_start3A_64 : memref<100000x128xf32, #tpu.memory_space<hbm>>) target(%dma_start3A_59 : memref<80x128xf32, #tpu.memory_space<vmem>>) offsets(%dma_start3A_61 : memref<80xi32, #tpu.memory_space<vmem>>) semaphore(%arg17 : memref<!tpu.dma_semaphore, #tpu.memory_space<semaphore_mem>>)
    %scan3A = arith.constant 0 : i32
    %scan3A_65 = arith.constant 40 : i32
    %scan3A_66 = arith.addi %scan3A, %scan3A_65 : i32
    %scan3A_67 = arith.constant 1 : i32
    %scan3A_68:8 = scf.for %scan3A_186 = %scan3A to %scan3A_66 step %scan3A_67 iter_args(%scan3A_187 = %broadcast_in_dim3A_1, %scan3A_188 = %broadcast_in_dim3A_3, %scan3A_189 = %broadcast_in_dim3A_5, %scan3A_190 = %broadcast_in_dim3A_7, %scan3A_191 = %broadcast_in_dim3A_9, %scan3A_192 = %broadcast_in_dim3A_11, %scan3A_193 = %broadcast_in_dim3A_13, %scan3A_194 = %broadcast_in_dim3A_15) -> (vector<16xf32>, vector<16xf32>, vector<16xf32>, vector<16xf32>, vector<16xf32>, vector<16xf32>, vector<16xf32>, vector<16xf32>)  : i32 {
      %mul3A_195 = arith.constant 4 : i32
      %mul3A_196 = arith.muli %mul3A_195, %scan3A_186 : i32
      %add3A_197 = arith.constant 0 : i32
      %add3A_198 = arith.addi %mul3A_196, %add3A_197 : i32
      %add3A_199 = arith.constant 3 : i32
      %add3A_200 = arith.addi %add3A_198, %add3A_199 : i32
      %lt3A = arith.constant 160 : i32
      %lt3A_201 = arith.cmpi slt, %add3A_200, %lt3A : i32
      %convert_element_type3A = arith.extui %lt3A_201 : i1 to i32
      %cond3A = arith.constant 0 : i32
      %cond3A_202 = arith.cmpi ne, %convert_element_type3A, %cond3A : i32
      scf.if %cond3A_202 {
        %add3A_465 = arith.constant 3 : i32
        %add3A_466 = arith.addi %add3A_198, %add3A_465 : i32
        %mul3A_467 = arith.constant 80 : i32
        %mul3A_468 = arith.muli %add3A_466, %mul3A_467 : i32
        %add3A_469 = arith.constant 0 : i32
        %add3A_470 = arith.addi %add3A_469, %mul3A_468 : i32
        %dma_start3A_471 = arith.constant 480 : i32
        %dma_start3A_472 = arith.constant 0 : i32
        %dma_start3A_473 = tpu.memref_slice %arg10[%dma_start3A_471, %dma_start3A_472] : memref<640x128xf32, #tpu.memory_space<vmem>> -> memref<80x128xf32, #tpu.memory_space<vmem>>
        %dma_start3A_474 = tpu.memref_slice %arg9[%add3A_470] : memref<28672xi32, #tpu.memory_space<vmem>> -> memref<80xi32, #tpu.memory_space<vmem>>
        %dma_start3A_475 = arith.constant 0 : i32
        %dma_start3A_476 = arith.constant 0 : i32
        %dma_start3A_477 = tpu.memref_slice %arg3[%dma_start3A_475, %dma_start3A_476] : memref<100000x128xf32, #tpu.memory_space<hbm>> -> memref<100000x128xf32, #tpu.memory_space<hbm>>
        tpu.enqueue_indirect_dma source(%dma_start3A_477 : memref<100000x128xf32, #tpu.memory_space<hbm>>) target(%dma_start3A_473 : memref<80x128xf32, #tpu.memory_space<vmem>>) offsets(%dma_start3A_474 : memref<80xi32, #tpu.memory_space<vmem>>) semaphore(%arg18 : memref<!tpu.dma_semaphore, #tpu.memory_space<semaphore_mem>>)
        %mul3A_478 = arith.constant 80 : i32
        %mul3A_479 = arith.muli %add3A_466, %mul3A_478 : i32
        %add3A_480 = arith.constant 12800 : i32
        %add3A_481 = arith.addi %add3A_480, %mul3A_479 : i32
        %dma_start3A_482 = arith.constant 560 : i32
        %dma_start3A_483 = arith.constant 0 : i32
        %dma_start3A_484 = tpu.memref_slice %arg10[%dma_start3A_482, %dma_start3A_483] : memref<640x128xf32, #tpu.memory_space<vmem>> -> memref<80x128xf32, #tpu.memory_space<vmem>>
        %dma_start3A_485 = tpu.memref_slice %arg9[%add3A_481] : memref<28672xi32, #tpu.memory_space<vmem>> -> memref<80xi32, #tpu.memory_space<vmem>>
        %dma_start3A_486 = arith.constant 0 : i32
        %dma_start3A_487 = arith.constant 0 : i32
        %dma_start3A_488 = tpu.memref_slice %arg4[%dma_start3A_486, %dma_start3A_487] : memref<100000x128xf32, #tpu.memory_space<hbm>> -> memref<100000x128xf32, #tpu.memory_space<hbm>>
        tpu.enqueue_indirect_dma source(%dma_start3A_488 : memref<100000x128xf32, #tpu.memory_space<hbm>>) target(%dma_start3A_484 : memref<80x128xf32, #tpu.memory_space<vmem>>) offsets(%dma_start3A_485 : memref<80xi32, #tpu.memory_space<vmem>>) semaphore(%arg19 : memref<!tpu.dma_semaphore, #tpu.memory_space<semaphore_mem>>)
      } else {
      }
      %dma_wait3A = arith.constant 0 : i32
      %dma_wait3A_203 = arith.constant 0 : i32
      %dma_wait3A_204 = tpu.memref_slice %arg10[%dma_wait3A, %dma_wait3A_203] : memref<640x128xf32, #tpu.memory_space<vmem>> -> memref<80x128xf32, #tpu.memory_space<vmem>>
      %dma_wait3A_205 = arith.constant 0 : i32
      %dma_wait3A_206 = arith.constant 0 : i32
      %dma_wait3A_207 = tpu.memref_slice %arg3[%dma_wait3A_205, %dma_wait3A_206] : memref<100000x128xf32, #tpu.memory_space<hbm>> -> memref<80x128xf32, #tpu.memory_space<hbm>>
      %dma_wait3A_208 = arith.constant 0 : i32
      %dma_wait3A_209 = arith.constant 0 : i32
      %dma_wait3A_210 = tpu.memref_slice %arg10[%dma_wait3A_208, %dma_wait3A_209] : memref<640x128xf32, #tpu.memory_space<vmem>> -> memref<80x128xf32, #tpu.memory_space<vmem>>
      %dma_wait3A_211 = arith.constant 0 : i32
      %dma_wait3A_212 = arith.constant 0 : i32
      %dma_wait3A_213 = tpu.memref_slice %arg3[%dma_wait3A_211, %dma_wait3A_212] : memref<100000x128xf32, #tpu.memory_space<hbm>> -> memref<80x128xf32, #tpu.memory_space<hbm>>
      tpu.wait_dma2 semaphore(%arg12 : memref<!tpu.dma_semaphore, #tpu.memory_space<semaphore_mem>>) src(%dma_wait3A_213 : memref<80x128xf32, #tpu.memory_space<hbm>>) dst(%dma_wait3A_210 : memref<80x128xf32, #tpu.memory_space<vmem>>)
      %dma_wait3A_214 = arith.constant 80 : i32
      %dma_wait3A_215 = arith.constant 0 : i32
      %dma_wait3A_216 = tpu.memref_slice %arg10[%dma_wait3A_214, %dma_wait3A_215] : memref<640x128xf32, #tpu.memory_space<vmem>> -> memref<80x128xf32, #tpu.memory_space<vmem>>
      %dma_wait3A_217 = arith.constant 0 : i32
      %dma_wait3A_218 = arith.constant 0 : i32
      %dma_wait3A_219 = tpu.memref_slice %arg3[%dma_wait3A_217, %dma_wait3A_218] : memref<100000x128xf32, #tpu.memory_space<hbm>> -> memref<80x128xf32, #tpu.memory_space<hbm>>
      %dma_wait3A_220 = arith.constant 80 : i32
      %dma_wait3A_221 = arith.constant 0 : i32
      %dma_wait3A_222 = tpu.memref_slice %arg10[%dma_wait3A_220, %dma_wait3A_221] : memref<640x128xf32, #tpu.memory_space<vmem>> -> memref<80x128xf32, #tpu.memory_space<vmem>>
      %dma_wait3A_223 = arith.constant 0 : i32
      %dma_wait3A_224 = arith.constant 0 : i32
      %dma_wait3A_225 = tpu.memref_slice %arg3[%dma_wait3A_223, %dma_wait3A_224] : memref<100000x128xf32, #tpu.memory_space<hbm>> -> memref<80x128xf32, #tpu.memory_space<hbm>>
      tpu.wait_dma2 semaphore(%arg13 : memref<!tpu.dma_semaphore, #tpu.memory_space<semaphore_mem>>) src(%dma_wait3A_225 : memref<80x128xf32, #tpu.memory_space<hbm>>) dst(%dma_wait3A_222 : memref<80x128xf32, #tpu.memory_space<vmem>>)
      %scan3A_226 = arith.constant 0 : i32
      %scan3A_227 = arith.constant 20 : i32
      %scan3A_228 = arith.addi %scan3A_226, %scan3A_227 : i32
      %scan3A_229 = arith.constant 1 : i32
      %scan3A_230:8 = scf.for %scan3A_465 = %scan3A_226 to %scan3A_228 step %scan3A_229 iter_args(%scan3A_466 = %scan3A_187, %scan3A_467 = %scan3A_188, %scan3A_468 = %scan3A_189, %scan3A_469 = %scan3A_190, %scan3A_470 = %scan3A_191, %scan3A_471 = %scan3A_192, %scan3A_472 = %scan3A_193, %scan3A_473 = %scan3A_194) -> (vector<16xf32>, vector<16xf32>, vector<16xf32>, vector<16xf32>, vector<16xf32>, vector<16xf32>, vector<16xf32>, vector<16xf32>)  : i32 {
        %mul3A_474 = arith.constant 4 : i32
        %mul3A_475 = arith.muli %scan3A_465, %mul3A_474 : i32
        %add3A_476 = arith.constant 0 : i32
        %add3A_477 = arith.addi %mul3A_475, %add3A_476 : i32
        %add3A_478 = arith.constant 0 : i32
        %add3A_479 = arith.addi %add3A_478, %add3A_477 : i32
        %get3A = arith.index_cast %add3A_479 : i32 to index
        %get3A_480 = arith.constant 0 : index
        %get3A_481 = tpu.vector_load %arg10[%get3A, %get3A_480] {strides = array<i32>} : memref<640x128xf32, #tpu.memory_space<vmem>>, vector<1x16xf32>,
        %get3A_482 = vector.shape_cast %get3A_481 : vector<1x16xf32> to vector<16xf32>
        %add3A_483 = arith.constant 80 : i32
        %add3A_484 = arith.addi %add3A_483, %add3A_477 : i32
        %get3A_485 = arith.index_cast %add3A_484 : i32 to index
        %get3A_486 = arith.constant 0 : index
        %get3A_487 = tpu.vector_load %arg10[%get3A_485, %get3A_486] {strides = array<i32>} : memref<640x128xf32, #tpu.memory_space<vmem>>, vector<1x16xf32>,
        %get3A_488 = vector.shape_cast %get3A_487 : vector<1x16xf32> to vector<16xf32>
        %mul3A_489 = arith.mulf %get3A_482, %get3A_488 : vector<16xf32>
        %add3A_490 = arith.addf %scan3A_466, %mul3A_489 : vector<16xf32>
        %add3A_491 = arith.constant 0 : i32
        %add3A_492 = arith.addi %add3A_491, %add3A_477 : i32
        %get3A_493 = arith.index_cast %add3A_492 : i32 to index
        %get3A_494 = arith.constant 16 : index
        %get3A_495 = tpu.vector_load %arg10[%get3A_493, %get3A_494] {strides = array<i32>} : memref<640x128xf32, #tpu.memory_space<vmem>>, vector<1x16xf32>,
        %get3A_496 = vector.shape_cast %get3A_495 : vector<1x16xf32> to vector<16xf32>
        %add3A_497 = arith.constant 80 : i32
        %add3A_498 = arith.addi %add3A_497, %add3A_477 : i32
        %get3A_499 = arith.index_cast %add3A_498 : i32 to index
        %get3A_500 = arith.constant 16 : index
        %get3A_501 = tpu.vector_load %arg10[%get3A_499, %get3A_500] {strides = array<i32>} : memref<640x128xf32, #tpu.memory_space<vmem>>, vector<1x16xf32>,
        %get3A_502 = vector.shape_cast %get3A_501 : vector<1x16xf32> to vector<16xf32>
        %mul3A_503 = arith.mulf %get3A_496, %get3A_502 : vector<16xf32>
        %add3A_504 = arith.addf %scan3A_467, %mul3A_503 : vector<16xf32>
        %add3A_505 = arith.constant 0 : i32
        %add3A_506 = arith.addi %add3A_505, %add3A_477 : i32
        %get3A_507 = arith.index_cast %add3A_506 : i32 to index
        %get3A_508 = arith.constant 32 : index
        %get3A_509 = tpu.vector_load %arg10[%get3A_507, %get3A_508] {strides = array<i32>} : memref<640x128xf32, #tpu.memory_space<vmem>>, vector<1x16xf32>,
        %get3A_510 = vector.shape_cast %get3A_509 : vector<1x16xf32> to vector<16xf32>
        %add3A_511 = arith.constant 80 : i32
        %add3A_512 = arith.addi %add3A_511, %add3A_477 : i32
        %get3A_513 = arith.index_cast %add3A_512 : i32 to index
        %get3A_514 = arith.constant 32 : index
        %get3A_515 = tpu.vector_load %arg10[%get3A_513, %get3A_514] {strides = array<i32>} : memref<640x128xf32, #tpu.memory_space<vmem>>, vector<1x16xf32>,
        %get3A_516 = vector.shape_cast %get3A_515 : vector<1x16xf32> to vector<16xf32>
        %mul3A_517 = arith.mulf %get3A_510, %get3A_516 : vector<16xf32>
        %add3A_518 = arith.addf %scan3A_468, %mul3A_517 : vector<16xf32>
        %add3A_519 = arith.constant 0 : i32
        %add3A_520 = arith.addi %add3A_519, %add3A_477 : i32
        %get3A_521 = arith.index_cast %add3A_520 : i32 to index
        %get3A_522 = arith.constant 48 : index
        %get3A_523 = tpu.vector_load %arg10[%get3A_521, %get3A_522] {strides = array<i32>} : memref<640x128xf32, #tpu.memory_space<vmem>>, vector<1x16xf32>,
        %get3A_524 = vector.shape_cast %get3A_523 : vector<1x16xf32> to vector<16xf32>
        %add3A_525 = arith.constant 80 : i32
        %add3A_526 = arith.addi %add3A_525, %add3A_477 : i32
        %get3A_527 = arith.index_cast %add3A_526 : i32 to index
        %get3A_528 = arith.constant 48 : index
        %get3A_529 = tpu.vector_load %arg10[%get3A_527, %get3A_528] {strides = array<i32>} : memref<640x128xf32, #tpu.memory_space<vmem>>, vector<1x16xf32>,
        %get3A_530 = vector.shape_cast %get3A_529 : vector<1x16xf32> to vector<16xf32>
        %mul3A_531 = arith.mulf %get3A_524, %get3A_530 : vector<16xf32>
        %add3A_532 = arith.addf %scan3A_469, %mul3A_531 : vector<16xf32>
        %add3A_533 = arith.constant 0 : i32
        %add3A_534 = arith.addi %add3A_533, %add3A_477 : i32
        %get3A_535 = arith.index_cast %add3A_534 : i32 to index
        %get3A_536 = arith.constant 64 : index
        %get3A_537 = tpu.vector_load %arg10[%get3A_535, %get3A_536] {strides = array<i32>} : memref<640x128xf32, #tpu.memory_space<vmem>>, vector<1x16xf32>,
        %get3A_538 = vector.shape_cast %get3A_537 : vector<1x16xf32> to vector<16xf32>
        %add3A_539 = arith.constant 80 : i32
        %add3A_540 = arith.addi %add3A_539, %add3A_477 : i32
        %get3A_541 = arith.index_cast %add3A_540 : i32 to index
        %get3A_542 = arith.constant 64 : index
        %get3A_543 = tpu.vector_load %arg10[%get3A_541, %get3A_542] {strides = array<i32>} : memref<640x128xf32, #tpu.memory_space<vmem>>, vector<1x16xf32>,
        %get3A_544 = vector.shape_cast %get3A_543 : vector<1x16xf32> to vector<16xf32>
        %mul3A_545 = arith.mulf %get3A_538, %get3A_544 : vector<16xf32>
        %add3A_546 = arith.addf %scan3A_470, %mul3A_545 : vector<16xf32>
        %add3A_547 = arith.constant 0 : i32
        %add3A_548 = arith.addi %add3A_547, %add3A_477 : i32
        %get3A_549 = arith.index_cast %add3A_548 : i32 to index
        %get3A_550 = arith.constant 80 : index
        %get3A_551 = tpu.vector_load %arg10[%get3A_549, %get3A_550] {strides = array<i32>} : memref<640x128xf32, #tpu.memory_space<vmem>>, vector<1x16xf32>,
        %get3A_552 = vector.shape_cast %get3A_551 : vector<1x16xf32> to vector<16xf32>
        %add3A_553 = arith.constant 80 : i32
        %add3A_554 = arith.addi %add3A_553, %add3A_477 : i32
        %get3A_555 = arith.index_cast %add3A_554 : i32 to index
        %get3A_556 = arith.constant 80 : index
        %get3A_557 = tpu.vector_load %arg10[%get3A_555, %get3A_556] {strides = array<i32>} : memref<640x128xf32, #tpu.memory_space<vmem>>, vector<1x16xf32>,
        %get3A_558 = vector.shape_cast %get3A_557 : vector<1x16xf32> to vector<16xf32>
        %mul3A_559 = arith.mulf %get3A_552, %get3A_558 : vector<16xf32>
        %add3A_560 = arith.addf %scan3A_471, %mul3A_559 : vector<16xf32>
        %add3A_561 = arith.constant 0 : i32
        %add3A_562 = arith.addi %add3A_561, %add3A_477 : i32
        %get3A_563 = arith.index_cast %add3A_562 : i32 to index
        %get3A_564 = arith.constant 96 : index
        %get3A_565 = tpu.vector_load %arg10[%get3A_563, %get3A_564] {strides = array<i32>} : memref<640x128xf32, #tpu.memory_space<vmem>>, vector<1x16xf32>,
        %get3A_566 = vector.shape_cast %get3A_565 : vector<1x16xf32> to vector<16xf32>
        %add3A_567 = arith.constant 80 : i32
        %add3A_568 = arith.addi %add3A_567, %add3A_477 : i32
        %get3A_569 = arith.index_cast %add3A_568 : i32 to index
        %get3A_570 = arith.constant 96 : index
        %get3A_571 = tpu.vector_load %arg10[%get3A_569, %get3A_570] {strides = array<i32>} : memref<640x128xf32, #tpu.memory_space<vmem>>, vector<1x16xf32>,
        %get3A_572 = vector.shape_cast %get3A_571 : vector<1x16xf32> to vector<16xf32>
        %mul3A_573 = arith.mulf %get3A_566, %get3A_572 : vector<16xf32>
        %add3A_574 = arith.addf %scan3A_472, %mul3A_573 : vector<16xf32>
        %add3A_575 = arith.constant 0 : i32
        %add3A_576 = arith.addi %add3A_575, %add3A_477 : i32
        %get3A_577 = arith.index_cast %add3A_576 : i32 to index
        %get3A_578 = arith.constant 112 : index
        %get3A_579 = tpu.vector_load %arg10[%get3A_577, %get3A_578] {strides = array<i32>} : memref<640x128xf32, #tpu.memory_space<vmem>>, vector<1x16xf32>,
        %get3A_580 = vector.shape_cast %get3A_579 : vector<1x16xf32> to vector<16xf32>
        %add3A_581 = arith.constant 80 : i32
        %add3A_582 = arith.addi %add3A_581, %add3A_477 : i32
        %get3A_583 = arith.index_cast %add3A_582 : i32 to index
        %get3A_584 = arith.constant 112 : index
        %get3A_585 = tpu.vector_load %arg10[%get3A_583, %get3A_584] {strides = array<i32>} : memref<640x128xf32, #tpu.memory_space<vmem>>, vector<1x16xf32>,
        %get3A_586 = vector.shape_cast %get3A_585 : vector<1x16xf32> to vector<16xf32>
        %mul3A_587 = arith.mulf %get3A_580, %get3A_586 : vector<16xf32>
        %add3A_588 = arith.addf %scan3A_473, %mul3A_587 : vector<16xf32>
        %mul3A_589 = arith.constant 4 : i32
        %mul3A_590 = arith.muli %scan3A_465, %mul3A_589 : i32
        %add3A_591 = arith.constant 1 : i32
        %add3A_592 = arith.addi %mul3A_590, %add3A_591 : i32
        %add3A_593 = arith.constant 0 : i32
        %add3A_594 = arith.addi %add3A_593, %add3A_592 : i32
        %get3A_595 = arith.index_cast %add3A_594 : i32 to index
        %get3A_596 = arith.constant 0 : index
        %get3A_597 = tpu.vector_load %arg10[%get3A_595, %get3A_596] {strides = array<i32>} : memref<640x128xf32, #tpu.memory_space<vmem>>, vector<1x16xf32>,
        %get3A_598 = vector.shape_cast %get3A_597 : vector<1x16xf32> to vector<16xf32>
        %add3A_599 = arith.constant 80 : i32
        %add3A_600 = arith.addi %add3A_599, %add3A_592 : i32
        %get3A_601 = arith.index_cast %add3A_600 : i32 to index
        %get3A_602 = arith.constant 0 : index
        %get3A_603 = tpu.vector_load %arg10[%get3A_601, %get3A_602] {strides = array<i32>} : memref<640x128xf32, #tpu.memory_space<vmem>>, vector<1x16xf32>,
        %get3A_604 = vector.shape_cast %get3A_603 : vector<1x16xf32> to vector<16xf32>
        %mul3A_605 = arith.mulf %get3A_598, %get3A_604 : vector<16xf32>
        %add3A_606 = arith.addf %add3A_490, %mul3A_605 : vector<16xf32>
        %add3A_607 = arith.constant 0 : i32
        %add3A_608 = arith.addi %add3A_607, %add3A_592 : i32
        %get3A_609 = arith.index_cast %add3A_608 : i32 to index
        %get3A_610 = arith.constant 16 : index
        %get3A_611 = tpu.vector_load %arg10[%get3A_609, %get3A_610] {strides = array<i32>} : memref<640x128xf32, #tpu.memory_space<vmem>>, vector<1x16xf32>,
        %get3A_612 = vector.shape_cast %get3A_611 : vector<1x16xf32> to vector<16xf32>
        %add3A_613 = arith.constant 80 : i32
        %add3A_614 = arith.addi %add3A_613, %add3A_592 : i32
        %get3A_615 = arith.index_cast %add3A_614 : i32 to index
        %get3A_616 = arith.constant 16 : index
        %get3A_617 = tpu.vector_load %arg10[%get3A_615, %get3A_616] {strides = array<i32>} : memref<640x128xf32, #tpu.memory_space<vmem>>, vector<1x16xf32>,
        %get3A_618 = vector.shape_cast %get3A_617 : vector<1x16xf32> to vector<16xf32>
        %mul3A_619 = arith.mulf %get3A_612, %get3A_618 : vector<16xf32>
        %add3A_620 = arith.addf %add3A_504, %mul3A_619 : vector<16xf32>
        %add3A_621 = arith.constant 0 : i32
        %add3A_622 = arith.addi %add3A_621, %add3A_592 : i32
        %get3A_623 = arith.index_cast %add3A_622 : i32 to index
        %get3A_624 = arith.constant 32 : index
        %get3A_625 = tpu.vector_load %arg10[%get3A_623, %get3A_624] {strides = array<i32>} : memref<640x128xf32, #tpu.memory_space<vmem>>, vector<1x16xf32>,
        %get3A_626 = vector.shape_cast %get3A_625 : vector<1x16xf32> to vector<16xf32>
        %add3A_627 = arith.constant 80 : i32
        %add3A_628 = arith.addi %add3A_627, %add3A_592 : i32
        %get3A_629 = arith.index_cast %add3A_628 : i32 to index
        %get3A_630 = arith.constant 32 : index
        %get3A_631 = tpu.vector_load %arg10[%get3A_629, %get3A_630] {strides = array<i32>} : memref<640x128xf32, #tpu.memory_space<vmem>>, vector<1x16xf32>,
        %get3A_632 = vector.shape_cast %get3A_631 : vector<1x16xf32> to vector<16xf32>
        %mul3A_633 = arith.mulf %get3A_626, %get3A_632 : vector<16xf32>
        %add3A_634 = arith.addf %add3A_518, %mul3A_633 : vector<16xf32>
        %add3A_635 = arith.constant 0 : i32
        %add3A_636 = arith.addi %add3A_635, %add3A_592 : i32
        %get3A_637 = arith.index_cast %add3A_636 : i32 to index
        %get3A_638 = arith.constant 48 : index
        %get3A_639 = tpu.vector_load %arg10[%get3A_637, %get3A_638] {strides = array<i32>} : memref<640x128xf32, #tpu.memory_space<vmem>>, vector<1x16xf32>,
        %get3A_640 = vector.shape_cast %get3A_639 : vector<1x16xf32> to vector<16xf32>
        %add3A_641 = arith.constant 80 : i32
        %add3A_642 = arith.addi %add3A_641, %add3A_592 : i32
        %get3A_643 = arith.index_cast %add3A_642 : i32 to index
        %get3A_644 = arith.constant 48 : index
        %get3A_645 = tpu.vector_load %arg10[%get3A_643, %get3A_644] {strides = array<i32>} : memref<640x128xf32, #tpu.memory_space<vmem>>, vector<1x16xf32>,
        %get3A_646 = vector.shape_cast %get3A_645 : vector<1x16xf32> to vector<16xf32>
        %mul3A_647 = arith.mulf %get3A_640, %get3A_646 : vector<16xf32>
        %add3A_648 = arith.addf %add3A_532, %mul3A_647 : vector<16xf32>
        %add3A_649 = arith.constant 0 : i32
        %add3A_650 = arith.addi %add3A_649, %add3A_592 : i32
        %get3A_651 = arith.index_cast %add3A_650 : i32 to index
        %get3A_652 = arith.constant 64 : index
        %get3A_653 = tpu.vector_load %arg10[%get3A_651, %get3A_652] {strides = array<i32>} : memref<640x128xf32, #tpu.memory_space<vmem>>, vector<1x16xf32>,
        %get3A_654 = vector.shape_cast %get3A_653 : vector<1x16xf32> to vector<16xf32>
        %add3A_655 = arith.constant 80 : i32
        %add3A_656 = arith.addi %add3A_655, %add3A_592 : i32
        %get3A_657 = arith.index_cast %add3A_656 : i32 to index
        %get3A_658 = arith.constant 64 : index
        %get3A_659 = tpu.vector_load %arg10[%get3A_657, %get3A_658] {strides = array<i32>} : memref<640x128xf32, #tpu.memory_space<vmem>>, vector<1x16xf32>,
        %get3A_660 = vector.shape_cast %get3A_659 : vector<1x16xf32> to vector<16xf32>
        %mul3A_661 = arith.mulf %get3A_654, %get3A_660 : vector<16xf32>
        %add3A_662 = arith.addf %add3A_546, %mul3A_661 : vector<16xf32>
        %add3A_663 = arith.constant 0 : i32
        %add3A_664 = arith.addi %add3A_663, %add3A_592 : i32
        %get3A_665 = arith.index_cast %add3A_664 : i32 to index
        %get3A_666 = arith.constant 80 : index
        %get3A_667 = tpu.vector_load %arg10[%get3A_665, %get3A_666] {strides = array<i32>} : memref<640x128xf32, #tpu.memory_space<vmem>>, vector<1x16xf32>,
        %get3A_668 = vector.shape_cast %get3A_667 : vector<1x16xf32> to vector<16xf32>
        %add3A_669 = arith.constant 80 : i32
        %add3A_670 = arith.addi %add3A_669, %add3A_592 : i32
        %get3A_671 = arith.index_cast %add3A_670 : i32 to index
        %get3A_672 = arith.constant 80 : index
        %get3A_673 = tpu.vector_load %arg10[%get3A_671, %get3A_672] {strides = array<i32>} : memref<640x128xf32, #tpu.memory_space<vmem>>, vector<1x16xf32>,
        %get3A_674 = vector.shape_cast %get3A_673 : vector<1x16xf32> to vector<16xf32>
        %mul3A_675 = arith.mulf %get3A_668, %get3A_674 : vector<16xf32>
        %add3A_676 = arith.addf %add3A_560, %mul3A_675 : vector<16xf32>
        %add3A_677 = arith.constant 0 : i32
        %add3A_678 = arith.addi %add3A_677, %add3A_592 : i32
        %get3A_679 = arith.index_cast %add3A_678 : i32 to index
        %get3A_680 = arith.constant 96 : index
        %get3A_681 = tpu.vector_load %arg10[%get3A_679, %get3A_680] {strides = array<i32>} : memref<640x128xf32, #tpu.memory_space<vmem>>, vector<1x16xf32>,
        %get3A_682 = vector.shape_cast %get3A_681 : vector<1x16xf32> to vector<16xf32>
        %add3A_683 = arith.constant 80 : i32
        %add3A_684 = arith.addi %add3A_683, %add3A_592 : i32
        %get3A_685 = arith.index_cast %add3A_684 : i32 to index
        %get3A_686 = arith.constant 96 : index
        %get3A_687 = tpu.vector_load %arg10[%get3A_685, %get3A_686] {strides = array<i32>} : memref<640x128xf32, #tpu.memory_space<vmem>>, vector<1x16xf32>,
        %get3A_688 = vector.shape_cast %get3A_687 : vector<1x16xf32> to vector<16xf32>
        %mul3A_689 = arith.mulf %get3A_682, %get3A_688 : vector<16xf32>
        %add3A_690 = arith.addf %add3A_574, %mul3A_689 : vector<16xf32>
        %add3A_691 = arith.constant 0 : i32
        %add3A_692 = arith.addi %add3A_691, %add3A_592 : i32
        %get3A_693 = arith.index_cast %add3A_692 : i32 to index
        %get3A_694 = arith.constant 112 : index
        %get3A_695 = tpu.vector_load %arg10[%get3A_693, %get3A_694] {strides = array<i32>} : memref<640x128xf32, #tpu.memory_space<vmem>>, vector<1x16xf32>,
        %get3A_696 = vector.shape_cast %get3A_695 : vector<1x16xf32> to vector<16xf32>
        %add3A_697 = arith.constant 80 : i32
        %add3A_698 = arith.addi %add3A_697, %add3A_592 : i32
        %get3A_699 = arith.index_cast %add3A_698 : i32 to index
        %get3A_700 = arith.constant 112 : index
        %get3A_701 = tpu.vector_load %arg10[%get3A_699, %get3A_700] {strides = array<i32>} : memref<640x128xf32, #tpu.memory_space<vmem>>, vector<1x16xf32>,
        %get3A_702 = vector.shape_cast %get3A_701 : vector<1x16xf32> to vector<16xf32>
        %mul3A_703 = arith.mulf %get3A_696, %get3A_702 : vector<16xf32>
        %add3A_704 = arith.addf %add3A_588, %mul3A_703 : vector<16xf32>
        %mul3A_705 = arith.constant 4 : i32
        %mul3A_706 = arith.muli %scan3A_465, %mul3A_705 : i32
        %add3A_707 = arith.constant 2 : i32
        %add3A_708 = arith.addi %mul3A_706, %add3A_707 : i32
        %add3A_709 = arith.constant 0 : i32
        %add3A_710 = arith.addi %add3A_709, %add3A_708 : i32
        %get3A_711 = arith.index_cast %add3A_710 : i32 to index
        %get3A_712 = arith.constant 0 : index
        %get3A_713 = tpu.vector_load %arg10[%get3A_711, %get3A_712] {strides = array<i32>} : memref<640x128xf32, #tpu.memory_space<vmem>>, vector<1x16xf32>,
        %get3A_714 = vector.shape_cast %get3A_713 : vector<1x16xf32> to vector<16xf32>
        %add3A_715 = arith.constant 80 : i32
        %add3A_716 = arith.addi %add3A_715, %add3A_708 : i32
        %get3A_717 = arith.index_cast %add3A_716 : i32 to index
        %get3A_718 = arith.constant 0 : index
        %get3A_719 = tpu.vector_load %arg10[%get3A_717, %get3A_718] {strides = array<i32>} : memref<640x128xf32, #tpu.memory_space<vmem>>, vector<1x16xf32>,
        %get3A_720 = vector.shape_cast %get3A_719 : vector<1x16xf32> to vector<16xf32>
        %mul3A_721 = arith.mulf %get3A_714, %get3A_720 : vector<16xf32>
        %add3A_722 = arith.addf %add3A_606, %mul3A_721 : vector<16xf32>
        %add3A_723 = arith.constant 0 : i32
        %add3A_724 = arith.addi %add3A_723, %add3A_708 : i32
        %get3A_725 = arith.index_cast %add3A_724 : i32 to index
        %get3A_726 = arith.constant 16 : index
        %get3A_727 = tpu.vector_load %arg10[%get3A_725, %get3A_726] {strides = array<i32>} : memref<640x128xf32, #tpu.memory_space<vmem>>, vector<1x16xf32>,
        %get3A_728 = vector.shape_cast %get3A_727 : vector<1x16xf32> to vector<16xf32>
        %add3A_729 = arith.constant 80 : i32
        %add3A_730 = arith.addi %add3A_729, %add3A_708 : i32
        %get3A_731 = arith.index_cast %add3A_730 : i32 to index
        %get3A_732 = arith.constant 16 : index
        %get3A_733 = tpu.vector_load %arg10[%get3A_731, %get3A_732] {strides = array<i32>} : memref<640x128xf32, #tpu.memory_space<vmem>>, vector<1x16xf32>,
        %get3A_734 = vector.shape_cast %get3A_733 : vector<1x16xf32> to vector<16xf32>
        %mul3A_735 = arith.mulf %get3A_728, %get3A_734 : vector<16xf32>
        %add3A_736 = arith.addf %add3A_620, %mul3A_735 : vector<16xf32>
        %add3A_737 = arith.constant 0 : i32
        %add3A_738 = arith.addi %add3A_737, %add3A_708 : i32
        %get3A_739 = arith.index_cast %add3A_738 : i32 to index
        %get3A_740 = arith.constant 32 : index
        %get3A_741 = tpu.vector_load %arg10[%get3A_739, %get3A_740] {strides = array<i32>} : memref<640x128xf32, #tpu.memory_space<vmem>>, vector<1x16xf32>,
        %get3A_742 = vector.shape_cast %get3A_741 : vector<1x16xf32> to vector<16xf32>
        %add3A_743 = arith.constant 80 : i32
        %add3A_744 = arith.addi %add3A_743, %add3A_708 : i32
        %get3A_745 = arith.index_cast %add3A_744 : i32 to index
        %get3A_746 = arith.constant 32 : index
        %get3A_747 = tpu.vector_load %arg10[%get3A_745, %get3A_746] {strides = array<i32>} : memref<640x128xf32, #tpu.memory_space<vmem>>, vector<1x16xf32>,
        %get3A_748 = vector.shape_cast %get3A_747 : vector<1x16xf32> to vector<16xf32>
        %mul3A_749 = arith.mulf %get3A_742, %get3A_748 : vector<16xf32>
        %add3A_750 = arith.addf %add3A_634, %mul3A_749 : vector<16xf32>
        %add3A_751 = arith.constant 0 : i32
        %add3A_752 = arith.addi %add3A_751, %add3A_708 : i32
        %get3A_753 = arith.index_cast %add3A_752 : i32 to index
        %get3A_754 = arith.constant 48 : index
        %get3A_755 = tpu.vector_load %arg10[%get3A_753, %get3A_754] {strides = array<i32>} : memref<640x128xf32, #tpu.memory_space<vmem>>, vector<1x16xf32>,
        %get3A_756 = vector.shape_cast %get3A_755 : vector<1x16xf32> to vector<16xf32>
        %add3A_757 = arith.constant 80 : i32
        %add3A_758 = arith.addi %add3A_757, %add3A_708 : i32
        %get3A_759 = arith.index_cast %add3A_758 : i32 to index
        %get3A_760 = arith.constant 48 : index
        %get3A_761 = tpu.vector_load %arg10[%get3A_759, %get3A_760] {strides = array<i32>} : memref<640x128xf32, #tpu.memory_space<vmem>>, vector<1x16xf32>,
        %get3A_762 = vector.shape_cast %get3A_761 : vector<1x16xf32> to vector<16xf32>
        %mul3A_763 = arith.mulf %get3A_756, %get3A_762 : vector<16xf32>
        %add3A_764 = arith.addf %add3A_648, %mul3A_763 : vector<16xf32>
        %add3A_765 = arith.constant 0 : i32
        %add3A_766 = arith.addi %add3A_765, %add3A_708 : i32
        %get3A_767 = arith.index_cast %add3A_766 : i32 to index
        %get3A_768 = arith.constant 64 : index
        %get3A_769 = tpu.vector_load %arg10[%get3A_767, %get3A_768] {strides = array<i32>} : memref<640x128xf32, #tpu.memory_space<vmem>>, vector<1x16xf32>,
        %get3A_770 = vector.shape_cast %get3A_769 : vector<1x16xf32> to vector<16xf32>
        %add3A_771 = arith.constant 80 : i32
        %add3A_772 = arith.addi %add3A_771, %add3A_708 : i32
        %get3A_773 = arith.index_cast %add3A_772 : i32 to index
        %get3A_774 = arith.constant 64 : index
        %get3A_775 = tpu.vector_load %arg10[%get3A_773, %get3A_774] {strides = array<i32>} : memref<640x128xf32, #tpu.memory_space<vmem>>, vector<1x16xf32>,
        %get3A_776 = vector.shape_cast %get3A_775 : vector<1x16xf32> to vector<16xf32>
        %mul3A_777 = arith.mulf %get3A_770, %get3A_776 : vector<16xf32>
        %add3A_778 = arith.addf %add3A_662, %mul3A_777 : vector<16xf32>
        %add3A_779 = arith.constant 0 : i32
        %add3A_780 = arith.addi %add3A_779, %add3A_708 : i32
        %get3A_781 = arith.index_cast %add3A_780 : i32 to index
        %get3A_782 = arith.constant 80 : index
        %get3A_783 = tpu.vector_load %arg10[%get3A_781, %get3A_782] {strides = array<i32>} : memref<640x128xf32, #tpu.memory_space<vmem>>, vector<1x16xf32>,
        %get3A_784 = vector.shape_cast %get3A_783 : vector<1x16xf32> to vector<16xf32>
        %add3A_785 = arith.constant 80 : i32
        %add3A_786 = arith.addi %add3A_785, %add3A_708 : i32
        %get3A_787 = arith.index_cast %add3A_786 : i32 to index
        %get3A_788 = arith.constant 80 : index
        %get3A_789 = tpu.vector_load %arg10[%get3A_787, %get3A_788] {strides = array<i32>} : memref<640x128xf32, #tpu.memory_space<vmem>>, vector<1x16xf32>,
        %get3A_790 = vector.shape_cast %get3A_789 : vector<1x16xf32> to vector<16xf32>
        %mul3A_791 = arith.mulf %get3A_784, %get3A_790 : vector<16xf32>
        %add3A_792 = arith.addf %add3A_676, %mul3A_791 : vector<16xf32>
        %add3A_793 = arith.constant 0 : i32
        %add3A_794 = arith.addi %add3A_793, %add3A_708 : i32
        %get3A_795 = arith.index_cast %add3A_794 : i32 to index
        %get3A_796 = arith.constant 96 : index
        %get3A_797 = tpu.vector_load %arg10[%get3A_795, %get3A_796] {strides = array<i32>} : memref<640x128xf32, #tpu.memory_space<vmem>>, vector<1x16xf32>,
        %get3A_798 = vector.shape_cast %get3A_797 : vector<1x16xf32> to vector<16xf32>
        %add3A_799 = arith.constant 80 : i32
        %add3A_800 = arith.addi %add3A_799, %add3A_708 : i32
        %get3A_801 = arith.index_cast %add3A_800 : i32 to index
        %get3A_802 = arith.constant 96 : index
        %get3A_803 = tpu.vector_load %arg10[%get3A_801, %get3A_802] {strides = array<i32>} : memref<640x128xf32, #tpu.memory_space<vmem>>, vector<1x16xf32>,
        %get3A_804 = vector.shape_cast %get3A_803 : vector<1x16xf32> to vector<16xf32>
        %mul3A_805 = arith.mulf %get3A_798, %get3A_804 : vector<16xf32>
        %add3A_806 = arith.addf %add3A_690, %mul3A_805 : vector<16xf32>
        %add3A_807 = arith.constant 0 : i32
        %add3A_808 = arith.addi %add3A_807, %add3A_708 : i32
        %get3A_809 = arith.index_cast %add3A_808 : i32 to index
        %get3A_810 = arith.constant 112 : index
        %get3A_811 = tpu.vector_load %arg10[%get3A_809, %get3A_810] {strides = array<i32>} : memref<640x128xf32, #tpu.memory_space<vmem>>, vector<1x16xf32>,
        %get3A_812 = vector.shape_cast %get3A_811 : vector<1x16xf32> to vector<16xf32>
        %add3A_813 = arith.constant 80 : i32
        %add3A_814 = arith.addi %add3A_813, %add3A_708 : i32
        %get3A_815 = arith.index_cast %add3A_814 : i32 to index
        %get3A_816 = arith.constant 112 : index
        %get3A_817 = tpu.vector_load %arg10[%get3A_815, %get3A_816] {strides = array<i32>} : memref<640x128xf32, #tpu.memory_space<vmem>>, vector<1x16xf32>,
        %get3A_818 = vector.shape_cast %get3A_817 : vector<1x16xf32> to vector<16xf32>
        %mul3A_819 = arith.mulf %get3A_812, %get3A_818 : vector<16xf32>
        %add3A_820 = arith.addf %add3A_704, %mul3A_819 : vector<16xf32>
        %mul3A_821 = arith.constant 4 : i32
        %mul3A_822 = arith.muli %scan3A_465, %mul3A_821 : i32
        %add3A_823 = arith.constant 3 : i32
        %add3A_824 = arith.addi %mul3A_822, %add3A_823 : i32
        %add3A_825 = arith.constant 0 : i32
        %add3A_826 = arith.addi %add3A_825, %add3A_824 : i32
        %get3A_827 = arith.index_cast %add3A_826 : i32 to index
        %get3A_828 = arith.constant 0 : index
        %get3A_829 = tpu.vector_load %arg10[%get3A_827, %get3A_828] {strides = array<i32>} : memref<640x128xf32, #tpu.memory_space<vmem>>, vector<1x16xf32>,
        %get3A_830 = vector.shape_cast %get3A_829 : vector<1x16xf32> to vector<16xf32>
        %add3A_831 = arith.constant 80 : i32
        %add3A_832 = arith.addi %add3A_831, %add3A_824 : i32
        %get3A_833 = arith.index_cast %add3A_832 : i32 to index
        %get3A_834 = arith.constant 0 : index
        %get3A_835 = tpu.vector_load %arg10[%get3A_833, %get3A_834] {strides = array<i32>} : memref<640x128xf32, #tpu.memory_space<vmem>>, vector<1x16xf32>,
        %get3A_836 = vector.shape_cast %get3A_835 : vector<1x16xf32> to vector<16xf32>
        %mul3A_837 = arith.mulf %get3A_830, %get3A_836 : vector<16xf32>
        %add3A_838 = arith.addf %add3A_722, %mul3A_837 : vector<16xf32>
        %add3A_839 = arith.constant 0 : i32
        %add3A_840 = arith.addi %add3A_839, %add3A_824 : i32
        %get3A_841 = arith.index_cast %add3A_840 : i32 to index
        %get3A_842 = arith.constant 16 : index
        %get3A_843 = tpu.vector_load %arg10[%get3A_841, %get3A_842] {strides = array<i32>} : memref<640x128xf32, #tpu.memory_space<vmem>>, vector<1x16xf32>,
        %get3A_844 = vector.shape_cast %get3A_843 : vector<1x16xf32> to vector<16xf32>
        %add3A_845 = arith.constant 80 : i32
        %add3A_846 = arith.addi %add3A_845, %add3A_824 : i32
        %get3A_847 = arith.index_cast %add3A_846 : i32 to index
        %get3A_848 = arith.constant 16 : index
        %get3A_849 = tpu.vector_load %arg10[%get3A_847, %get3A_848] {strides = array<i32>} : memref<640x128xf32, #tpu.memory_space<vmem>>, vector<1x16xf32>,
        %get3A_850 = vector.shape_cast %get3A_849 : vector<1x16xf32> to vector<16xf32>
        %mul3A_851 = arith.mulf %get3A_844, %get3A_850 : vector<16xf32>
        %add3A_852 = arith.addf %add3A_736, %mul3A_851 : vector<16xf32>
        %add3A_853 = arith.constant 0 : i32
        %add3A_854 = arith.addi %add3A_853, %add3A_824 : i32
        %get3A_855 = arith.index_cast %add3A_854 : i32 to index
        %get3A_856 = arith.constant 32 : index
        %get3A_857 = tpu.vector_load %arg10[%get3A_855, %get3A_856] {strides = array<i32>} : memref<640x128xf32, #tpu.memory_space<vmem>>, vector<1x16xf32>,
        %get3A_858 = vector.shape_cast %get3A_857 : vector<1x16xf32> to vector<16xf32>
        %add3A_859 = arith.constant 80 : i32
        %add3A_860 = arith.addi %add3A_859, %add3A_824 : i32
        %get3A_861 = arith.index_cast %add3A_860 : i32 to index
        %get3A_862 = arith.constant 32 : index
        %get3A_863 = tpu.vector_load %arg10[%get3A_861, %get3A_862] {strides = array<i32>} : memref<640x128xf32, #tpu.memory_space<vmem>>, vector<1x16xf32>,
        %get3A_864 = vector.shape_cast %get3A_863 : vector<1x16xf32> to vector<16xf32>
        %mul3A_865 = arith.mulf %get3A_858, %get3A_864 : vector<16xf32>
        %add3A_866 = arith.addf %add3A_750, %mul3A_865 : vector<16xf32>
        %add3A_867 = arith.constant 0 : i32
        %add3A_868 = arith.addi %add3A_867, %add3A_824 : i32
        %get3A_869 = arith.index_cast %add3A_868 : i32 to index
        %get3A_870 = arith.constant 48 : index
        %get3A_871 = tpu.vector_load %arg10[%get3A_869, %get3A_870] {strides = array<i32>} : memref<640x128xf32, #tpu.memory_space<vmem>>, vector<1x16xf32>,
        %get3A_872 = vector.shape_cast %get3A_871 : vector<1x16xf32> to vector<16xf32>
        %add3A_873 = arith.constant 80 : i32
        %add3A_874 = arith.addi %add3A_873, %add3A_824 : i32
        %get3A_875 = arith.index_cast %add3A_874 : i32 to index
        %get3A_876 = arith.constant 48 : index
        %get3A_877 = tpu.vector_load %arg10[%get3A_875, %get3A_876] {strides = array<i32>} : memref<640x128xf32, #tpu.memory_space<vmem>>, vector<1x16xf32>,
        %get3A_878 = vector.shape_cast %get3A_877 : vector<1x16xf32> to vector<16xf32>
        %mul3A_879 = arith.mulf %get3A_872, %get3A_878 : vector<16xf32>
        %add3A_880 = arith.addf %add3A_764, %mul3A_879 : vector<16xf32>
        %add3A_881 = arith.constant 0 : i32
        %add3A_882 = arith.addi %add3A_881, %add3A_824 : i32
        %get3A_883 = arith.index_cast %add3A_882 : i32 to index
        %get3A_884 = arith.constant 64 : index
        %get3A_885 = tpu.vector_load %arg10[%get3A_883, %get3A_884] {strides = array<i32>} : memref<640x128xf32, #tpu.memory_space<vmem>>, vector<1x16xf32>,
        %get3A_886 = vector.shape_cast %get3A_885 : vector<1x16xf32> to vector<16xf32>
        %add3A_887 = arith.constant 80 : i32
        %add3A_888 = arith.addi %add3A_887, %add3A_824 : i32
        %get3A_889 = arith.index_cast %add3A_888 : i32 to index
        %get3A_890 = arith.constant 64 : index
        %get3A_891 = tpu.vector_load %arg10[%get3A_889, %get3A_890] {strides = array<i32>} : memref<640x128xf32, #tpu.memory_space<vmem>>, vector<1x16xf32>,
        %get3A_892 = vector.shape_cast %get3A_891 : vector<1x16xf32> to vector<16xf32>
        %mul3A_893 = arith.mulf %get3A_886, %get3A_892 : vector<16xf32>
        %add3A_894 = arith.addf %add3A_778, %mul3A_893 : vector<16xf32>
        %add3A_895 = arith.constant 0 : i32
        %add3A_896 = arith.addi %add3A_895, %add3A_824 : i32
        %get3A_897 = arith.index_cast %add3A_896 : i32 to index
        %get3A_898 = arith.constant 80 : index
        %get3A_899 = tpu.vector_load %arg10[%get3A_897, %get3A_898] {strides = array<i32>} : memref<640x128xf32, #tpu.memory_space<vmem>>, vector<1x16xf32>,
        %get3A_900 = vector.shape_cast %get3A_899 : vector<1x16xf32> to vector<16xf32>
        %add3A_901 = arith.constant 80 : i32
        %add3A_902 = arith.addi %add3A_901, %add3A_824 : i32
        %get3A_903 = arith.index_cast %add3A_902 : i32 to index
        %get3A_904 = arith.constant 80 : index
        %get3A_905 = tpu.vector_load %arg10[%get3A_903, %get3A_904] {strides = array<i32>} : memref<640x128xf32, #tpu.memory_space<vmem>>, vector<1x16xf32>,
        %get3A_906 = vector.shape_cast %get3A_905 : vector<1x16xf32> to vector<16xf32>
        %mul3A_907 = arith.mulf %get3A_900, %get3A_906 : vector<16xf32>
        %add3A_908 = arith.addf %add3A_792, %mul3A_907 : vector<16xf32>
        %add3A_909 = arith.constant 0 : i32
        %add3A_910 = arith.addi %add3A_909, %add3A_824 : i32
        %get3A_911 = arith.index_cast %add3A_910 : i32 to index
        %get3A_912 = arith.constant 96 : index
        %get3A_913 = tpu.vector_load %arg10[%get3A_911, %get3A_912] {strides = array<i32>} : memref<640x128xf32, #tpu.memory_space<vmem>>, vector<1x16xf32>,
        %get3A_914 = vector.shape_cast %get3A_913 : vector<1x16xf32> to vector<16xf32>
        %add3A_915 = arith.constant 80 : i32
        %add3A_916 = arith.addi %add3A_915, %add3A_824 : i32
        %get3A_917 = arith.index_cast %add3A_916 : i32 to index
        %get3A_918 = arith.constant 96 : index
        %get3A_919 = tpu.vector_load %arg10[%get3A_917, %get3A_918] {strides = array<i32>} : memref<640x128xf32, #tpu.memory_space<vmem>>, vector<1x16xf32>,
        %get3A_920 = vector.shape_cast %get3A_919 : vector<1x16xf32> to vector<16xf32>
        %mul3A_921 = arith.mulf %get3A_914, %get3A_920 : vector<16xf32>
        %add3A_922 = arith.addf %add3A_806, %mul3A_921 : vector<16xf32>
        %add3A_923 = arith.constant 0 : i32
        %add3A_924 = arith.addi %add3A_923, %add3A_824 : i32
        %get3A_925 = arith.index_cast %add3A_924 : i32 to index
        %get3A_926 = arith.constant 112 : index
        %get3A_927 = tpu.vector_load %arg10[%get3A_925, %get3A_926] {strides = array<i32>} : memref<640x128xf32, #tpu.memory_space<vmem>>, vector<1x16xf32>,
        %get3A_928 = vector.shape_cast %get3A_927 : vector<1x16xf32> to vector<16xf32>
        %add3A_929 = arith.constant 80 : i32
        %add3A_930 = arith.addi %add3A_929, %add3A_824 : i32
        %get3A_931 = arith.index_cast %add3A_930 : i32 to index
        %get3A_932 = arith.constant 112 : index
        %get3A_933 = tpu.vector_load %arg10[%get3A_931, %get3A_932] {strides = array<i32>} : memref<640x128xf32, #tpu.memory_space<vmem>>, vector<1x16xf32>,
        %get3A_934 = vector.shape_cast %get3A_933 : vector<1x16xf32> to vector<16xf32>
        %mul3A_935 = arith.mulf %get3A_928, %get3A_934 : vector<16xf32>
        %add3A_936 = arith.addf %add3A_820, %mul3A_935 : vector<16xf32>
        scf.yield %add3A_838, %add3A_852, %add3A_866, %add3A_880, %add3A_894, %add3A_908, %add3A_922, %add3A_936 : vector<16xf32>, vector<16xf32>, vector<16xf32>, vector<16xf32>, vector<16xf32>, vector<16xf32>, vector<16xf32>, vector<16xf32>
      }
      %scan3A_231 = arith.constant 20 : i32
      %jit3A = arith.constant 10 : i32
      %eq3A = arith.constant 0 : i32
      %eq3A_232 = arith.cmpi eq, %jit3A, %eq3A : i32
      %jit3A_233 = arith.constant 1 : i32
      %select_n3A = arith.select %eq3A_232, %jit3A_233, %jit3A : i32
      %rem3A = arith.remsi %add3A_198, %select_n3A : i32
      %ne3A = arith.constant 0 : i32
      %ne3A_234 = arith.cmpi ne, %rem3A, %ne3A : i32
      %lt3A_235 = arith.constant 0 : i32
      %lt3A_236 = arith.cmpi slt, %rem3A, %lt3A_235 : i32
      %lt3A_237 = arith.constant 0 : i32
      %lt3A_238 = arith.cmpi slt, %select_n3A, %lt3A_237 : i32
      %ne3A_239 = arith.xori %lt3A_236, %lt3A_238 : i1
      %and3A = arith.andi %ne3A_239, %ne3A_234 : i1
      %add3A_240 = arith.addi %rem3A, %select_n3A : i32
      %select_n3A_241 = arith.select %and3A, %add3A_240, %rem3A : i32
      %eq3A_242 = arith.constant 9 : i32
      %eq3A_243 = arith.cmpi eq, %select_n3A_241, %eq3A_242 : i32
      %convert_element_type3A_244 = arith.extui %eq3A_243 : i1 to i32
      %cond3A_245 = arith.constant 0 : i32
      %cond3A_246 = arith.cmpi ne, %convert_element_type3A_244, %cond3A_245 : i32
      scf.if %cond3A_246 {
        %jit3A_465 = arith.constant 10 : i32
        %div3A = arith.divsi %add3A_198, %jit3A_465 : i32
        %sign3A = arith.constant 0 : i32
        %sign3A_466 = arith.cmpi sgt, %add3A_198, %sign3A : i32
        %sign3A_467 = arith.extui %sign3A_466 : i1 to i32
        %sign3A_468 = arith.constant 0 : i32
        %sign3A_469 = arith.cmpi slt, %add3A_198, %sign3A_468 : i32
        %sign3A_470 = arith.extui %sign3A_469 : i1 to i32
        %sign3A_471 = arith.subi %sign3A_467, %sign3A_470 : i32
        %sign3A_472 = arith.constant 0 : i32
        %sign3A_473 = arith.cmpi sgt, %jit3A_465, %sign3A_472 : i32
        %sign3A_474 = arith.extui %sign3A_473 : i1 to i32
        %sign3A_475 = arith.constant 0 : i32
        %sign3A_476 = arith.cmpi slt, %jit3A_465, %sign3A_475 : i32
        %sign3A_477 = arith.extui %sign3A_476 : i1 to i32
        %sign3A_478 = arith.subi %sign3A_474, %sign3A_477 : i32
        %ne3A_479 = arith.cmpi ne, %sign3A_471, %sign3A_478 : i32
        %rem3A_480 = arith.remsi %add3A_198, %jit3A_465 : i32
        %ne3A_481 = arith.constant 0 : i32
        %ne3A_482 = arith.cmpi ne, %rem3A_480, %ne3A_481 : i32
        %and3A_483 = arith.andi %ne3A_479, %ne3A_482 : i1
        %sub3A = arith.constant 1 : i32
        %sub3A_484 = arith.subi %div3A, %sub3A : i32
        %select_n3A_485 = arith.select %and3A_483, %sub3A_484, %div3A : i32
        %swap3A = arith.index_cast %select_n3A_485 : i32 to index
        %swap3A_486 = arith.constant 0 : index
        %swap3A_487 = tpu.vector_load %arg11[%swap3A, %swap3A_486] {strides = array<i32>} : memref<22x128xf32, #tpu.memory_space<vmem>>, vector<1x16xf32>,
        %swap3A_488 = vector.shape_cast %swap3A_487 : vector<1x16xf32> to vector<16xf32>
        %swap3A_489 = vector.shape_cast %scan3A_230#0 : vector<16xf32> to vector<1x16xf32>
        tpu.vector_store %arg11[%swap3A, %swap3A_486], %swap3A_489 {strides = array<i32>} : memref<22x128xf32, #tpu.memory_space<vmem>>, vector<1x16xf32>,
        %swap3A_490 = arith.index_cast %select_n3A_485 : i32 to index
        %swap3A_491 = arith.constant 16 : index
        %swap3A_492 = tpu.vector_load %arg11[%swap3A_490, %swap3A_491] {strides = array<i32>} : memref<22x128xf32, #tpu.memory_space<vmem>>, vector<1x16xf32>,
        %swap3A_493 = vector.shape_cast %swap3A_492 : vector<1x16xf32> to vector<16xf32>
        %swap3A_494 = vector.shape_cast %scan3A_230#1 : vector<16xf32> to vector<1x16xf32>
        tpu.vector_store %arg11[%swap3A_490, %swap3A_491], %swap3A_494 {strides = array<i32>} : memref<22x128xf32, #tpu.memory_space<vmem>>, vector<1x16xf32>,
        %swap3A_495 = arith.index_cast %select_n3A_485 : i32 to index
        %swap3A_496 = arith.constant 32 : index
        %swap3A_497 = tpu.vector_load %arg11[%swap3A_495, %swap3A_496] {strides = array<i32>} : memref<22x128xf32, #tpu.memory_space<vmem>>, vector<1x16xf32>,
        %swap3A_498 = vector.shape_cast %swap3A_497 : vector<1x16xf32> to vector<16xf32>
        %swap3A_499 = vector.shape_cast %scan3A_230#2 : vector<16xf32> to vector<1x16xf32>
        tpu.vector_store %arg11[%swap3A_495, %swap3A_496], %swap3A_499 {strides = array<i32>} : memref<22x128xf32, #tpu.memory_space<vmem>>, vector<1x16xf32>,
        %swap3A_500 = arith.index_cast %select_n3A_485 : i32 to index
        %swap3A_501 = arith.constant 48 : index
        %swap3A_502 = tpu.vector_load %arg11[%swap3A_500, %swap3A_501] {strides = array<i32>} : memref<22x128xf32, #tpu.memory_space<vmem>>, vector<1x16xf32>,
        %swap3A_503 = vector.shape_cast %swap3A_502 : vector<1x16xf32> to vector<16xf32>
        %swap3A_504 = vector.shape_cast %scan3A_230#3 : vector<16xf32> to vector<1x16xf32>
        tpu.vector_store %arg11[%swap3A_500, %swap3A_501], %swap3A_504 {strides = array<i32>} : memref<22x128xf32, #tpu.memory_space<vmem>>, vector<1x16xf32>,
        %swap3A_505 = arith.index_cast %select_n3A_485 : i32 to index
        %swap3A_506 = arith.constant 64 : index
        %swap3A_507 = tpu.vector_load %arg11[%swap3A_505, %swap3A_506] {strides = array<i32>} : memref<22x128xf32, #tpu.memory_space<vmem>>, vector<1x16xf32>,
        %swap3A_508 = vector.shape_cast %swap3A_507 : vector<1x16xf32> to vector<16xf32>
        %swap3A_509 = vector.shape_cast %scan3A_230#4 : vector<16xf32> to vector<1x16xf32>
        tpu.vector_store %arg11[%swap3A_505, %swap3A_506], %swap3A_509 {strides = array<i32>} : memref<22x128xf32, #tpu.memory_space<vmem>>, vector<1x16xf32>,
        %swap3A_510 = arith.index_cast %select_n3A_485 : i32 to index
        %swap3A_511 = arith.constant 80 : index
        %swap3A_512 = tpu.vector_load %arg11[%swap3A_510, %swap3A_511] {strides = array<i32>} : memref<22x128xf32, #tpu.memory_space<vmem>>, vector<1x16xf32>,
        %swap3A_513 = vector.shape_cast %swap3A_512 : vector<1x16xf32> to vector<16xf32>
        %swap3A_514 = vector.shape_cast %scan3A_230#5 : vector<16xf32> to vector<1x16xf32>
        tpu.vector_store %arg11[%swap3A_510, %swap3A_511], %swap3A_514 {strides = array<i32>} : memref<22x128xf32, #tpu.memory_space<vmem>>, vector<1x16xf32>,
        %swap3A_515 = arith.index_cast %select_n3A_485 : i32 to index
        %swap3A_516 = arith.constant 96 : index
        %swap3A_517 = tpu.vector_load %arg11[%swap3A_515, %swap3A_516] {strides = array<i32>} : memref<22x128xf32, #tpu.memory_space<vmem>>, vector<1x16xf32>,
        %swap3A_518 = vector.shape_cast %swap3A_517 : vector<1x16xf32> to vector<16xf32>
        %swap3A_519 = vector.shape_cast %scan3A_230#6 : vector<16xf32> to vector<1x16xf32>
        tpu.vector_store %arg11[%swap3A_515, %swap3A_516], %swap3A_519 {strides = array<i32>} : memref<22x128xf32, #tpu.memory_space<vmem>>, vector<1x16xf32>,
        %swap3A_520 = arith.index_cast %select_n3A_485 : i32 to index
        %swap3A_521 = arith.constant 112 : index
        %swap3A_522 = tpu.vector_load %arg11[%swap3A_520, %swap3A_521] {strides = array<i32>} : memref<22x128xf32, #tpu.memory_space<vmem>>, vector<1x16xf32>,
        %swap3A_523 = vector.shape_cast %swap3A_522 : vector<1x16xf32> to vector<16xf32>
        %swap3A_524 = vector.shape_cast %scan3A_230#7 : vector<16xf32> to vector<1x16xf32>
        tpu.vector_store %arg11[%swap3A_520, %swap3A_521], %swap3A_524 {strides = array<i32>} : memref<22x128xf32, #tpu.memory_space<vmem>>, vector<1x16xf32>,
      } else {
      }
      %select_n3A_247 = arith.select %eq3A_243, %broadcast_in_dim3A_17, %scan3A_230#0 : vector<16xf32>
      %select_n3A_248 = arith.select %eq3A_243, %broadcast_in_dim3A_17, %scan3A_230#1 : vector<16xf32>
      %select_n3A_249 = arith.select %eq3A_243, %broadcast_in_dim3A_17, %scan3A_230#2 : vector<16xf32>
      %select_n3A_250 = arith.select %eq3A_243, %broadcast_in_dim3A_17, %scan3A_230#3 : vector<16xf32>
      %select_n3A_251 = arith.select %eq3A_243, %broadcast_in_dim3A_17, %scan3A_230#4 : vector<16xf32>
      %select_n3A_252 = arith.select %eq3A_243, %broadcast_in_dim3A_17, %scan3A_230#5 : vector<16xf32>
      %select_n3A_253 = arith.select %eq3A_243, %broadcast_in_dim3A_17, %scan3A_230#6 : vector<16xf32>
      %select_n3A_254 = arith.select %eq3A_243, %broadcast_in_dim3A_17, %scan3A_230#7 : vector<16xf32>
      %mul3A_255 = arith.constant 4 : i32
      %mul3A_256 = arith.muli %mul3A_255, %scan3A_186 : i32
      %add3A_257 = arith.constant 1 : i32
      %add3A_258 = arith.addi %mul3A_256, %add3A_257 : i32
      %add3A_259 = arith.constant 3 : i32
      %add3A_260 = arith.addi %add3A_258, %add3A_259 : i32
      %lt3A_261 = arith.constant 160 : i32
      %lt3A_262 = arith.cmpi slt, %add3A_260, %lt3A_261 : i32
      %convert_element_type3A_263 = arith.extui %lt3A_262 : i1 to i32
      %cond3A_264 = arith.constant 0 : i32
      %cond3A_265 = arith.cmpi ne, %convert_element_type3A_263, %cond3A_264 : i32
      scf.if %cond3A_265 {
        %add3A_465 = arith.constant 3 : i32
        %add3A_466 = arith.addi %add3A_258, %add3A_465 : i32
        %mul3A_467 = arith.constant 80 : i32
        %mul3A_468 = arith.muli %add3A_466, %mul3A_467 : i32
        %add3A_469 = arith.constant 0 : i32
        %add3A_470 = arith.addi %add3A_469, %mul3A_468 : i32
        %dma_start3A_471 = arith.constant 0 : i32
        %dma_start3A_472 = arith.constant 0 : i32
        %dma_start3A_473 = tpu.memref_slice %arg10[%dma_start3A_471, %dma_start3A_472] : memref<640x128xf32, #tpu.memory_space<vmem>> -> memref<80x128xf32, #tpu.memory_space<vmem>>
        %dma_start3A_474 = tpu.memref_slice %arg9[%add3A_470] : memref<28672xi32, #tpu.memory_space<vmem>> -> memref<80xi32, #tpu.memory_space<vmem>>
        %dma_start3A_475 = arith.constant 0 : i32
        %dma_start3A_476 = arith.constant 0 : i32
        %dma_start3A_477 = tpu.memref_slice %arg3[%dma_start3A_475, %dma_start3A_476] : memref<100000x128xf32, #tpu.memory_space<hbm>> -> memref<100000x128xf32, #tpu.memory_space<hbm>>
        tpu.enqueue_indirect_dma source(%dma_start3A_477 : memref<100000x128xf32, #tpu.memory_space<hbm>>) target(%dma_start3A_473 : memref<80x128xf32, #tpu.memory_space<vmem>>) offsets(%dma_start3A_474 : memref<80xi32, #tpu.memory_space<vmem>>) semaphore(%arg12 : memref<!tpu.dma_semaphore, #tpu.memory_space<semaphore_mem>>)
        %mul3A_478 = arith.constant 80 : i32
        %mul3A_479 = arith.muli %add3A_466, %mul3A_478 : i32
        %add3A_480 = arith.constant 12800 : i32
        %add3A_481 = arith.addi %add3A_480, %mul3A_479 : i32
        %dma_start3A_482 = arith.constant 80 : i32
        %dma_start3A_483 = arith.constant 0 : i32
        %dma_start3A_484 = tpu.memref_slice %arg10[%dma_start3A_482, %dma_start3A_483] : memref<640x128xf32, #tpu.memory_space<vmem>> -> memref<80x128xf32, #tpu.memory_space<vmem>>
        %dma_start3A_485 = tpu.memref_slice %arg9[%add3A_481] : memref<28672xi32, #tpu.memory_space<vmem>> -> memref<80xi32, #tpu.memory_space<vmem>>
        %dma_start3A_486 = arith.constant 0 : i32
        %dma_start3A_487 = arith.constant 0 : i32
        %dma_start3A_488 = tpu.memref_slice %arg4[%dma_start3A_486, %dma_start3A_487] : memref<100000x128xf32, #tpu.memory_space<hbm>> -> memref<100000x128xf32, #tpu.memory_space<hbm>>
        tpu.enqueue_indirect_dma source(%dma_start3A_488 : memref<100000x128xf32, #tpu.memory_space<hbm>>) target(%dma_start3A_484 : memref<80x128xf32, #tpu.memory_space<vmem>>) offsets(%dma_start3A_485 : memref<80xi32, #tpu.memory_space<vmem>>) semaphore(%arg13 : memref<!tpu.dma_semaphore, #tpu.memory_space<semaphore_mem>>)
      } else {
      }
      %dma_wait3A_266 = arith.constant 160 : i32
      %dma_wait3A_267 = arith.constant 0 : i32
      %dma_wait3A_268 = tpu.memref_slice %arg10[%dma_wait3A_266, %dma_wait3A_267] : memref<640x128xf32, #tpu.memory_space<vmem>> -> memref<80x128xf32, #tpu.memory_space<vmem>>
      %dma_wait3A_269 = arith.constant 0 : i32
      %dma_wait3A_270 = arith.constant 0 : i32
      %dma_wait3A_271 = tpu.memref_slice %arg3[%dma_wait3A_269, %dma_wait3A_270] : memref<100000x128xf32, #tpu.memory_space<hbm>> -> memref<80x128xf32, #tpu.memory_space<hbm>>
      %dma_wait3A_272 = arith.constant 160 : i32
      %dma_wait3A_273 = arith.constant 0 : i32
      %dma_wait3A_274 = tpu.memref_slice %arg10[%dma_wait3A_272, %dma_wait3A_273] : memref<640x128xf32, #tpu.memory_space<vmem>> -> memref<80x128xf32, #tpu.memory_space<vmem>>
      %dma_wait3A_275 = arith.constant 0 : i32
      %dma_wait3A_276 = arith.constant 0 : i32
      %dma_wait3A_277 = tpu.memref_slice %arg3[%dma_wait3A_275, %dma_wait3A_276] : memref<100000x128xf32, #tpu.memory_space<hbm>> -> memref<80x128xf32, #tpu.memory_space<hbm>>
      tpu.wait_dma2 semaphore(%arg14 : memref<!tpu.dma_semaphore, #tpu.memory_space<semaphore_mem>>) src(%dma_wait3A_277 : memref<80x128xf32, #tpu.memory_space<hbm>>) dst(%dma_wait3A_274 : memref<80x128xf32, #tpu.memory_space<vmem>>)
      %dma_wait3A_278 = arith.constant 240 : i32
      %dma_wait3A_279 = arith.constant 0 : i32
      %dma_wait3A_280 = tpu.memref_slice %arg10[%dma_wait3A_278, %dma_wait3A_279] : memref<640x128xf32, #tpu.memory_space<vmem>> -> memref<80x128xf32, #tpu.memory_space<vmem>>
      %dma_wait3A_281 = arith.constant 0 : i32
      %dma_wait3A_282 = arith.constant 0 : i32
      %dma_wait3A_283 = tpu.memref_slice %arg3[%dma_wait3A_281, %dma_wait3A_282] : memref<100000x128xf32, #tpu.memory_space<hbm>> -> memref<80x128xf32, #tpu.memory_space<hbm>>
      %dma_wait3A_284 = arith.constant 240 : i32
      %dma_wait3A_285 = arith.constant 0 : i32
      %dma_wait3A_286 = tpu.memref_slice %arg10[%dma_wait3A_284, %dma_wait3A_285] : memref<640x128xf32, #tpu.memory_space<vmem>> -> memref<80x128xf32, #tpu.memory_space<vmem>>
      %dma_wait3A_287 = arith.constant 0 : i32
      %dma_wait3A_288 = arith.constant 0 : i32
      %dma_wait3A_289 = tpu.memref_slice %arg3[%dma_wait3A_287, %dma_wait3A_288] : memref<100000x128xf32, #tpu.memory_space<hbm>> -> memref<80x128xf32, #tpu.memory_space<hbm>>
      tpu.wait_dma2 semaphore(%arg15 : memref<!tpu.dma_semaphore, #tpu.memory_space<semaphore_mem>>) src(%dma_wait3A_289 : memref<80x128xf32, #tpu.memory_space<hbm>>) dst(%dma_wait3A_286 : memref<80x128xf32, #tpu.memory_space<vmem>>)
      %scan3A_290 = arith.constant 0 : i32
      %scan3A_291 = arith.constant 20 : i32
      %scan3A_292 = arith.addi %scan3A_290, %scan3A_291 : i32
      %scan3A_293 = arith.constant 1 : i32
      %scan3A_294:8 = scf.for %scan3A_465 = %scan3A_290 to %scan3A_292 step %scan3A_293 iter_args(%scan3A_466 = %select_n3A_247, %scan3A_467 = %select_n3A_248, %scan3A_468 = %select_n3A_249, %scan3A_469 = %select_n3A_250, %scan3A_470 = %select_n3A_251, %scan3A_471 = %select_n3A_252, %scan3A_472 = %select_n3A_253, %scan3A_473 = %select_n3A_254) -> (vector<16xf32>, vector<16xf32>, vector<16xf32>, vector<16xf32>, vector<16xf32>, vector<16xf32>, vector<16xf32>, vector<16xf32>)  : i32 {
        %mul3A_474 = arith.constant 4 : i32
        %mul3A_475 = arith.muli %scan3A_465, %mul3A_474 : i32
        %add3A_476 = arith.constant 0 : i32
        %add3A_477 = arith.addi %mul3A_475, %add3A_476 : i32
        %add3A_478 = arith.constant 160 : i32
        %add3A_479 = arith.addi %add3A_478, %add3A_477 : i32
        %get3A = arith.index_cast %add3A_479 : i32 to index
        %get3A_480 = arith.constant 0 : index
        %get3A_481 = tpu.vector_load %arg10[%get3A, %get3A_480] {strides = array<i32>} : memref<640x128xf32, #tpu.memory_space<vmem>>, vector<1x16xf32>,
        %get3A_482 = vector.shape_cast %get3A_481 : vector<1x16xf32> to vector<16xf32>
        %add3A_483 = arith.constant 240 : i32
        %add3A_484 = arith.addi %add3A_483, %add3A_477 : i32
        %get3A_485 = arith.index_cast %add3A_484 : i32 to index
        %get3A_486 = arith.constant 0 : index
        %get3A_487 = tpu.vector_load %arg10[%get3A_485, %get3A_486] {strides = array<i32>} : memref<640x128xf32, #tpu.memory_space<vmem>>, vector<1x16xf32>,
        %get3A_488 = vector.shape_cast %get3A_487 : vector<1x16xf32> to vector<16xf32>
        %mul3A_489 = arith.mulf %get3A_482, %get3A_488 : vector<16xf32>
        %add3A_490 = arith.addf %scan3A_466, %mul3A_489 : vector<16xf32>
        %add3A_491 = arith.constant 160 : i32
        %add3A_492 = arith.addi %add3A_491, %add3A_477 : i32
        %get3A_493 = arith.index_cast %add3A_492 : i32 to index
        %get3A_494 = arith.constant 16 : index
        %get3A_495 = tpu.vector_load %arg10[%get3A_493, %get3A_494] {strides = array<i32>} : memref<640x128xf32, #tpu.memory_space<vmem>>, vector<1x16xf32>,
        %get3A_496 = vector.shape_cast %get3A_495 : vector<1x16xf32> to vector<16xf32>
        %add3A_497 = arith.constant 240 : i32
        %add3A_498 = arith.addi %add3A_497, %add3A_477 : i32
        %get3A_499 = arith.index_cast %add3A_498 : i32 to index
        %get3A_500 = arith.constant 16 : index
        %get3A_501 = tpu.vector_load %arg10[%get3A_499, %get3A_500] {strides = array<i32>} : memref<640x128xf32, #tpu.memory_space<vmem>>, vector<1x16xf32>,
        %get3A_502 = vector.shape_cast %get3A_501 : vector<1x16xf32> to vector<16xf32>
        %mul3A_503 = arith.mulf %get3A_496, %get3A_502 : vector<16xf32>
        %add3A_504 = arith.addf %scan3A_467, %mul3A_503 : vector<16xf32>
        %add3A_505 = arith.constant 160 : i32
        %add3A_506 = arith.addi %add3A_505, %add3A_477 : i32
        %get3A_507 = arith.index_cast %add3A_506 : i32 to index
        %get3A_508 = arith.constant 32 : index
        %get3A_509 = tpu.vector_load %arg10[%get3A_507, %get3A_508] {strides = array<i32>} : memref<640x128xf32, #tpu.memory_space<vmem>>, vector<1x16xf32>,
        %get3A_510 = vector.shape_cast %get3A_509 : vector<1x16xf32> to vector<16xf32>
        %add3A_511 = arith.constant 240 : i32
        %add3A_512 = arith.addi %add3A_511, %add3A_477 : i32
        %get3A_513 = arith.index_cast %add3A_512 : i32 to index
        %get3A_514 = arith.constant 32 : index
        %get3A_515 = tpu.vector_load %arg10[%get3A_513, %get3A_514] {strides = array<i32>} : memref<640x128xf32, #tpu.memory_space<vmem>>, vector<1x16xf32>,
        %get3A_516 = vector.shape_cast %get3A_515 : vector<1x16xf32> to vector<16xf32>
        %mul3A_517 = arith.mulf %get3A_510, %get3A_516 : vector<16xf32>
        %add3A_518 = arith.addf %scan3A_468, %mul3A_517 : vector<16xf32>
        %add3A_519 = arith.constant 160 : i32
        %add3A_520 = arith.addi %add3A_519, %add3A_477 : i32
        %get3A_521 = arith.index_cast %add3A_520 : i32 to index
        %get3A_522 = arith.constant 48 : index
        %get3A_523 = tpu.vector_load %arg10[%get3A_521, %get3A_522] {strides = array<i32>} : memref<640x128xf32, #tpu.memory_space<vmem>>, vector<1x16xf32>,
        %get3A_524 = vector.shape_cast %get3A_523 : vector<1x16xf32> to vector<16xf32>
        %add3A_525 = arith.constant 240 : i32
        %add3A_526 = arith.addi %add3A_525, %add3A_477 : i32
        %get3A_527 = arith.index_cast %add3A_526 : i32 to index
        %get3A_528 = arith.constant 48 : index
        %get3A_529 = tpu.vector_load %arg10[%get3A_527, %get3A_528] {strides = array<i32>} : memref<640x128xf32, #tpu.memory_space<vmem>>, vector<1x16xf32>,
        %get3A_530 = vector.shape_cast %get3A_529 : vector<1x16xf32> to vector<16xf32>
        %mul3A_531 = arith.mulf %get3A_524, %get3A_530 : vector<16xf32>
        %add3A_532 = arith.addf %scan3A_469, %mul3A_531 : vector<16xf32>
        %add3A_533 = arith.constant 160 : i32
        %add3A_534 = arith.addi %add3A_533, %add3A_477 : i32
        %get3A_535 = arith.index_cast %add3A_534 : i32 to index
        %get3A_536 = arith.constant 64 : index
        %get3A_537 = tpu.vector_load %arg10[%get3A_535, %get3A_536] {strides = array<i32>} : memref<640x128xf32, #tpu.memory_space<vmem>>, vector<1x16xf32>,
        %get3A_538 = vector.shape_cast %get3A_537 : vector<1x16xf32> to vector<16xf32>
        %add3A_539 = arith.constant 240 : i32
        %add3A_540 = arith.addi %add3A_539, %add3A_477 : i32
        %get3A_541 = arith.index_cast %add3A_540 : i32 to index
        %get3A_542 = arith.constant 64 : index
        %get3A_543 = tpu.vector_load %arg10[%get3A_541, %get3A_542] {strides = array<i32>} : memref<640x128xf32, #tpu.memory_space<vmem>>, vector<1x16xf32>,
        %get3A_544 = vector.shape_cast %get3A_543 : vector<1x16xf32> to vector<16xf32>
        %mul3A_545 = arith.mulf %get3A_538, %get3A_544 : vector<16xf32>
        %add3A_546 = arith.addf %scan3A_470, %mul3A_545 : vector<16xf32>
        %add3A_547 = arith.constant 160 : i32
        %add3A_548 = arith.addi %add3A_547, %add3A_477 : i32
        %get3A_549 = arith.index_cast %add3A_548 : i32 to index
        %get3A_550 = arith.constant 80 : index
        %get3A_551 = tpu.vector_load %arg10[%get3A_549, %get3A_550] {strides = array<i32>} : memref<640x128xf32, #tpu.memory_space<vmem>>, vector<1x16xf32>,
        %get3A_552 = vector.shape_cast %get3A_551 : vector<1x16xf32> to vector<16xf32>
        %add3A_553 = arith.constant 240 : i32
        %add3A_554 = arith.addi %add3A_553, %add3A_477 : i32
        %get3A_555 = arith.index_cast %add3A_554 : i32 to index
        %get3A_556 = arith.constant 80 : index
        %get3A_557 = tpu.vector_load %arg10[%get3A_555, %get3A_556] {strides = array<i32>} : memref<640x128xf32, #tpu.memory_space<vmem>>, vector<1x16xf32>,
        %get3A_558 = vector.shape_cast %get3A_557 : vector<1x16xf32> to vector<16xf32>
        %mul3A_559 = arith.mulf %get3A_552, %get3A_558 : vector<16xf32>
        %add3A_560 = arith.addf %scan3A_471, %mul3A_559 : vector<16xf32>
        %add3A_561 = arith.constant 160 : i32
        %add3A_562 = arith.addi %add3A_561, %add3A_477 : i32
        %get3A_563 = arith.index_cast %add3A_562 : i32 to index
        %get3A_564 = arith.constant 96 : index
        %get3A_565 = tpu.vector_load %arg10[%get3A_563, %get3A_564] {strides = array<i32>} : memref<640x128xf32, #tpu.memory_space<vmem>>, vector<1x16xf32>,
        %get3A_566 = vector.shape_cast %get3A_565 : vector<1x16xf32> to vector<16xf32>
        %add3A_567 = arith.constant 240 : i32
        %add3A_568 = arith.addi %add3A_567, %add3A_477 : i32
        %get3A_569 = arith.index_cast %add3A_568 : i32 to index
        %get3A_570 = arith.constant 96 : index
        %get3A_571 = tpu.vector_load %arg10[%get3A_569, %get3A_570] {strides = array<i32>} : memref<640x128xf32, #tpu.memory_space<vmem>>, vector<1x16xf32>,
        %get3A_572 = vector.shape_cast %get3A_571 : vector<1x16xf32> to vector<16xf32>
        %mul3A_573 = arith.mulf %get3A_566, %get3A_572 : vector<16xf32>
        %add3A_574 = arith.addf %scan3A_472, %mul3A_573 : vector<16xf32>
        %add3A_575 = arith.constant 160 : i32
        %add3A_576 = arith.addi %add3A_575, %add3A_477 : i32
        %get3A_577 = arith.index_cast %add3A_576 : i32 to index
        %get3A_578 = arith.constant 112 : index
        %get3A_579 = tpu.vector_load %arg10[%get3A_577, %get3A_578] {strides = array<i32>} : memref<640x128xf32, #tpu.memory_space<vmem>>, vector<1x16xf32>,
        %get3A_580 = vector.shape_cast %get3A_579 : vector<1x16xf32> to vector<16xf32>
        %add3A_581 = arith.constant 240 : i32
        %add3A_582 = arith.addi %add3A_581, %add3A_477 : i32
        %get3A_583 = arith.index_cast %add3A_582 : i32 to index
        %get3A_584 = arith.constant 112 : index
        %get3A_585 = tpu.vector_load %arg10[%get3A_583, %get3A_584] {strides = array<i32>} : memref<640x128xf32, #tpu.memory_space<vmem>>, vector<1x16xf32>,
        %get3A_586 = vector.shape_cast %get3A_585 : vector<1x16xf32> to vector<16xf32>
        %mul3A_587 = arith.mulf %get3A_580, %get3A_586 : vector<16xf32>
        %add3A_588 = arith.addf %scan3A_473, %mul3A_587 : vector<16xf32>
        %mul3A_589 = arith.constant 4 : i32
        %mul3A_590 = arith.muli %scan3A_465, %mul3A_589 : i32
        %add3A_591 = arith.constant 1 : i32
        %add3A_592 = arith.addi %mul3A_590, %add3A_591 : i32
        %add3A_593 = arith.constant 160 : i32
        %add3A_594 = arith.addi %add3A_593, %add3A_592 : i32
        %get3A_595 = arith.index_cast %add3A_594 : i32 to index
        %get3A_596 = arith.constant 0 : index
        %get3A_597 = tpu.vector_load %arg10[%get3A_595, %get3A_596] {strides = array<i32>} : memref<640x128xf32, #tpu.memory_space<vmem>>, vector<1x16xf32>,
        %get3A_598 = vector.shape_cast %get3A_597 : vector<1x16xf32> to vector<16xf32>
        %add3A_599 = arith.constant 240 : i32
        %add3A_600 = arith.addi %add3A_599, %add3A_592 : i32
        %get3A_601 = arith.index_cast %add3A_600 : i32 to index
        %get3A_602 = arith.constant 0 : index
        %get3A_603 = tpu.vector_load %arg10[%get3A_601, %get3A_602] {strides = array<i32>} : memref<640x128xf32, #tpu.memory_space<vmem>>, vector<1x16xf32>,
        %get3A_604 = vector.shape_cast %get3A_603 : vector<1x16xf32> to vector<16xf32>
        %mul3A_605 = arith.mulf %get3A_598, %get3A_604 : vector<16xf32>
        %add3A_606 = arith.addf %add3A_490, %mul3A_605 : vector<16xf32>
        %add3A_607 = arith.constant 160 : i32
        %add3A_608 = arith.addi %add3A_607, %add3A_592 : i32
        %get3A_609 = arith.index_cast %add3A_608 : i32 to index
        %get3A_610 = arith.constant 16 : index
        %get3A_611 = tpu.vector_load %arg10[%get3A_609, %get3A_610] {strides = array<i32>} : memref<640x128xf32, #tpu.memory_space<vmem>>, vector<1x16xf32>,
        %get3A_612 = vector.shape_cast %get3A_611 : vector<1x16xf32> to vector<16xf32>
        %add3A_613 = arith.constant 240 : i32
        %add3A_614 = arith.addi %add3A_613, %add3A_592 : i32
        %get3A_615 = arith.index_cast %add3A_614 : i32 to index
        %get3A_616 = arith.constant 16 : index
        %get3A_617 = tpu.vector_load %arg10[%get3A_615, %get3A_616] {strides = array<i32>} : memref<640x128xf32, #tpu.memory_space<vmem>>, vector<1x16xf32>,
        %get3A_618 = vector.shape_cast %get3A_617 : vector<1x16xf32> to vector<16xf32>
        %mul3A_619 = arith.mulf %get3A_612, %get3A_618 : vector<16xf32>
        %add3A_620 = arith.addf %add3A_504, %mul3A_619 : vector<16xf32>
        %add3A_621 = arith.constant 160 : i32
        %add3A_622 = arith.addi %add3A_621, %add3A_592 : i32
        %get3A_623 = arith.index_cast %add3A_622 : i32 to index
        %get3A_624 = arith.constant 32 : index
        %get3A_625 = tpu.vector_load %arg10[%get3A_623, %get3A_624] {strides = array<i32>} : memref<640x128xf32, #tpu.memory_space<vmem>>, vector<1x16xf32>,
        %get3A_626 = vector.shape_cast %get3A_625 : vector<1x16xf32> to vector<16xf32>
        %add3A_627 = arith.constant 240 : i32
        %add3A_628 = arith.addi %add3A_627, %add3A_592 : i32
        %get3A_629 = arith.index_cast %add3A_628 : i32 to index
        %get3A_630 = arith.constant 32 : index
        %get3A_631 = tpu.vector_load %arg10[%get3A_629, %get3A_630] {strides = array<i32>} : memref<640x128xf32, #tpu.memory_space<vmem>>, vector<1x16xf32>,
        %get3A_632 = vector.shape_cast %get3A_631 : vector<1x16xf32> to vector<16xf32>
        %mul3A_633 = arith.mulf %get3A_626, %get3A_632 : vector<16xf32>
        %add3A_634 = arith.addf %add3A_518, %mul3A_633 : vector<16xf32>
        %add3A_635 = arith.constant 160 : i32
        %add3A_636 = arith.addi %add3A_635, %add3A_592 : i32
        %get3A_637 = arith.index_cast %add3A_636 : i32 to index
        %get3A_638 = arith.constant 48 : index
        %get3A_639 = tpu.vector_load %arg10[%get3A_637, %get3A_638] {strides = array<i32>} : memref<640x128xf32, #tpu.memory_space<vmem>>, vector<1x16xf32>,
        %get3A_640 = vector.shape_cast %get3A_639 : vector<1x16xf32> to vector<16xf32>
        %add3A_641 = arith.constant 240 : i32
        %add3A_642 = arith.addi %add3A_641, %add3A_592 : i32
        %get3A_643 = arith.index_cast %add3A_642 : i32 to index
        %get3A_644 = arith.constant 48 : index
        %get3A_645 = tpu.vector_load %arg10[%get3A_643, %get3A_644] {strides = array<i32>} : memref<640x128xf32, #tpu.memory_space<vmem>>, vector<1x16xf32>,
        %get3A_646 = vector.shape_cast %get3A_645 : vector<1x16xf32> to vector<16xf32>
        %mul3A_647 = arith.mulf %get3A_640, %get3A_646 : vector<16xf32>
        %add3A_648 = arith.addf %add3A_532, %mul3A_647 : vector<16xf32>
        %add3A_649 = arith.constant 160 : i32
        %add3A_650 = arith.addi %add3A_649, %add3A_592 : i32
        %get3A_651 = arith.index_cast %add3A_650 : i32 to index
        %get3A_652 = arith.constant 64 : index
        %get3A_653 = tpu.vector_load %arg10[%get3A_651, %get3A_652] {strides = array<i32>} : memref<640x128xf32, #tpu.memory_space<vmem>>, vector<1x16xf32>,
        %get3A_654 = vector.shape_cast %get3A_653 : vector<1x16xf32> to vector<16xf32>
        %add3A_655 = arith.constant 240 : i32
        %add3A_656 = arith.addi %add3A_655, %add3A_592 : i32
        %get3A_657 = arith.index_cast %add3A_656 : i32 to index
        %get3A_658 = arith.constant 64 : index
        %get3A_659 = tpu.vector_load %arg10[%get3A_657, %get3A_658] {strides = array<i32>} : memref<640x128xf32, #tpu.memory_space<vmem>>, vector<1x16xf32>,
        %get3A_660 = vector.shape_cast %get3A_659 : vector<1x16xf32> to vector<16xf32>
        %mul3A_661 = arith.mulf %get3A_654, %get3A_660 : vector<16xf32>
        %add3A_662 = arith.addf %add3A_546, %mul3A_661 : vector<16xf32>
        %add3A_663 = arith.constant 160 : i32
        %add3A_664 = arith.addi %add3A_663, %add3A_592 : i32
        %get3A_665 = arith.index_cast %add3A_664 : i32 to index
        %get3A_666 = arith.constant 80 : index
        %get3A_667 = tpu.vector_load %arg10[%get3A_665, %get3A_666] {strides = array<i32>} : memref<640x128xf32, #tpu.memory_space<vmem>>, vector<1x16xf32>,
        %get3A_668 = vector.shape_cast %get3A_667 : vector<1x16xf32> to vector<16xf32>
        %add3A_669 = arith.constant 240 : i32
        %add3A_670 = arith.addi %add3A_669, %add3A_592 : i32
        %get3A_671 = arith.index_cast %add3A_670 : i32 to index
        %get3A_672 = arith.constant 80 : index
        %get3A_673 = tpu.vector_load %arg10[%get3A_671, %get3A_672] {strides = array<i32>} : memref<640x128xf32, #tpu.memory_space<vmem>>, vector<1x16xf32>,
        %get3A_674 = vector.shape_cast %get3A_673 : vector<1x16xf32> to vector<16xf32>
        %mul3A_675 = arith.mulf %get3A_668, %get3A_674 : vector<16xf32>
        %add3A_676 = arith.addf %add3A_560, %mul3A_675 : vector<16xf32>
        %add3A_677 = arith.constant 160 : i32
        %add3A_678 = arith.addi %add3A_677, %add3A_592 : i32
        %get3A_679 = arith.index_cast %add3A_678 : i32 to index
        %get3A_680 = arith.constant 96 : index
        %get3A_681 = tpu.vector_load %arg10[%get3A_679, %get3A_680] {strides = array<i32>} : memref<640x128xf32, #tpu.memory_space<vmem>>, vector<1x16xf32>,
        %get3A_682 = vector.shape_cast %get3A_681 : vector<1x16xf32> to vector<16xf32>
        %add3A_683 = arith.constant 240 : i32
        %add3A_684 = arith.addi %add3A_683, %add3A_592 : i32
        %get3A_685 = arith.index_cast %add3A_684 : i32 to index
        %get3A_686 = arith.constant 96 : index
        %get3A_687 = tpu.vector_load %arg10[%get3A_685, %get3A_686] {strides = array<i32>} : memref<640x128xf32, #tpu.memory_space<vmem>>, vector<1x16xf32>,
        %get3A_688 = vector.shape_cast %get3A_687 : vector<1x16xf32> to vector<16xf32>
        %mul3A_689 = arith.mulf %get3A_682, %get3A_688 : vector<16xf32>
        %add3A_690 = arith.addf %add3A_574, %mul3A_689 : vector<16xf32>
        %add3A_691 = arith.constant 160 : i32
        %add3A_692 = arith.addi %add3A_691, %add3A_592 : i32
        %get3A_693 = arith.index_cast %add3A_692 : i32 to index
        %get3A_694 = arith.constant 112 : index
        %get3A_695 = tpu.vector_load %arg10[%get3A_693, %get3A_694] {strides = array<i32>} : memref<640x128xf32, #tpu.memory_space<vmem>>, vector<1x16xf32>,
        %get3A_696 = vector.shape_cast %get3A_695 : vector<1x16xf32> to vector<16xf32>
        %add3A_697 = arith.constant 240 : i32
        %add3A_698 = arith.addi %add3A_697, %add3A_592 : i32
        %get3A_699 = arith.index_cast %add3A_698 : i32 to index
        %get3A_700 = arith.constant 112 : index
        %get3A_701 = tpu.vector_load %arg10[%get3A_699, %get3A_700] {strides = array<i32>} : memref<640x128xf32, #tpu.memory_space<vmem>>, vector<1x16xf32>,
        %get3A_702 = vector.shape_cast %get3A_701 : vector<1x16xf32> to vector<16xf32>
        %mul3A_703 = arith.mulf %get3A_696, %get3A_702 : vector<16xf32>
        %add3A_704 = arith.addf %add3A_588, %mul3A_703 : vector<16xf32>
        %mul3A_705 = arith.constant 4 : i32
        %mul3A_706 = arith.muli %scan3A_465, %mul3A_705 : i32
        %add3A_707 = arith.constant 2 : i32
        %add3A_708 = arith.addi %mul3A_706, %add3A_707 : i32
        %add3A_709 = arith.constant 160 : i32
        %add3A_710 = arith.addi %add3A_709, %add3A_708 : i32
        %get3A_711 = arith.index_cast %add3A_710 : i32 to index
        %get3A_712 = arith.constant 0 : index
        %get3A_713 = tpu.vector_load %arg10[%get3A_711, %get3A_712] {strides = array<i32>} : memref<640x128xf32, #tpu.memory_space<vmem>>, vector<1x16xf32>,
        %get3A_714 = vector.shape_cast %get3A_713 : vector<1x16xf32> to vector<16xf32>
        %add3A_715 = arith.constant 240 : i32
        %add3A_716 = arith.addi %add3A_715, %add3A_708 : i32
        %get3A_717 = arith.index_cast %add3A_716 : i32 to index
        %get3A_718 = arith.constant 0 : index
        %get3A_719 = tpu.vector_load %arg10[%get3A_717, %get3A_718] {strides = array<i32>} : memref<640x128xf32, #tpu.memory_space<vmem>>, vector<1x16xf32>,
        %get3A_720 = vector.shape_cast %get3A_719 : vector<1x16xf32> to vector<16xf32>
        %mul3A_721 = arith.mulf %get3A_714, %get3A_720 : vector<16xf32>
        %add3A_722 = arith.addf %add3A_606, %mul3A_721 : vector<16xf32>
        %add3A_723 = arith.constant 160 : i32
        %add3A_724 = arith.addi %add3A_723, %add3A_708 : i32
        %get3A_725 = arith.index_cast %add3A_724 : i32 to index
        %get3A_726 = arith.constant 16 : index
        %get3A_727 = tpu.vector_load %arg10[%get3A_725, %get3A_726] {strides = array<i32>} : memref<640x128xf32, #tpu.memory_space<vmem>>, vector<1x16xf32>,
        %get3A_728 = vector.shape_cast %get3A_727 : vector<1x16xf32> to vector<16xf32>
        %add3A_729 = arith.constant 240 : i32
        %add3A_730 = arith.addi %add3A_729, %add3A_708 : i32
        %get3A_731 = arith.index_cast %add3A_730 : i32 to index
        %get3A_732 = arith.constant 16 : index
        %get3A_733 = tpu.vector_load %arg10[%get3A_731, %get3A_732] {strides = array<i32>} : memref<640x128xf32, #tpu.memory_space<vmem>>, vector<1x16xf32>,
        %get3A_734 = vector.shape_cast %get3A_733 : vector<1x16xf32> to vector<16xf32>
        %mul3A_735 = arith.mulf %get3A_728, %get3A_734 : vector<16xf32>
        %add3A_736 = arith.addf %add3A_620, %mul3A_735 : vector<16xf32>
        %add3A_737 = arith.constant 160 : i32
        %add3A_738 = arith.addi %add3A_737, %add3A_708 : i32
        %get3A_739 = arith.index_cast %add3A_738 : i32 to index
        %get3A_740 = arith.constant 32 : index
        %get3A_741 = tpu.vector_load %arg10[%get3A_739, %get3A_740] {strides = array<i32>} : memref<640x128xf32, #tpu.memory_space<vmem>>, vector<1x16xf32>,
        %get3A_742 = vector.shape_cast %get3A_741 : vector<1x16xf32> to vector<16xf32>
        %add3A_743 = arith.constant 240 : i32
        %add3A_744 = arith.addi %add3A_743, %add3A_708 : i32
        %get3A_745 = arith.index_cast %add3A_744 : i32 to index
        %get3A_746 = arith.constant 32 : index
        %get3A_747 = tpu.vector_load %arg10[%get3A_745, %get3A_746] {strides = array<i32>} : memref<640x128xf32, #tpu.memory_space<vmem>>, vector<1x16xf32>,
        %get3A_748 = vector.shape_cast %get3A_747 : vector<1x16xf32> to vector<16xf32>
        %mul3A_749 = arith.mulf %get3A_742, %get3A_748 : vector<16xf32>
        %add3A_750 = arith.addf %add3A_634, %mul3A_749 : vector<16xf32>
        %add3A_751 = arith.constant 160 : i32
        %add3A_752 = arith.addi %add3A_751, %add3A_708 : i32
        %get3A_753 = arith.index_cast %add3A_752 : i32 to index
        %get3A_754 = arith.constant 48 : index
        %get3A_755 = tpu.vector_load %arg10[%get3A_753, %get3A_754] {strides = array<i32>} : memref<640x128xf32, #tpu.memory_space<vmem>>, vector<1x16xf32>,
        %get3A_756 = vector.shape_cast %get3A_755 : vector<1x16xf32> to vector<16xf32>
        %add3A_757 = arith.constant 240 : i32
        %add3A_758 = arith.addi %add3A_757, %add3A_708 : i32
        %get3A_759 = arith.index_cast %add3A_758 : i32 to index
        %get3A_760 = arith.constant 48 : index
        %get3A_761 = tpu.vector_load %arg10[%get3A_759, %get3A_760] {strides = array<i32>} : memref<640x128xf32, #tpu.memory_space<vmem>>, vector<1x16xf32>,
        %get3A_762 = vector.shape_cast %get3A_761 : vector<1x16xf32> to vector<16xf32>
        %mul3A_763 = arith.mulf %get3A_756, %get3A_762 : vector<16xf32>
        %add3A_764 = arith.addf %add3A_648, %mul3A_763 : vector<16xf32>
        %add3A_765 = arith.constant 160 : i32
        %add3A_766 = arith.addi %add3A_765, %add3A_708 : i32
        %get3A_767 = arith.index_cast %add3A_766 : i32 to index
        %get3A_768 = arith.constant 64 : index
        %get3A_769 = tpu.vector_load %arg10[%get3A_767, %get3A_768] {strides = array<i32>} : memref<640x128xf32, #tpu.memory_space<vmem>>, vector<1x16xf32>,
        %get3A_770 = vector.shape_cast %get3A_769 : vector<1x16xf32> to vector<16xf32>
        %add3A_771 = arith.constant 240 : i32
        %add3A_772 = arith.addi %add3A_771, %add3A_708 : i32
        %get3A_773 = arith.index_cast %add3A_772 : i32 to index
        %get3A_774 = arith.constant 64 : index
        %get3A_775 = tpu.vector_load %arg10[%get3A_773, %get3A_774] {strides = array<i32>} : memref<640x128xf32, #tpu.memory_space<vmem>>, vector<1x16xf32>,
        %get3A_776 = vector.shape_cast %get3A_775 : vector<1x16xf32> to vector<16xf32>
        %mul3A_777 = arith.mulf %get3A_770, %get3A_776 : vector<16xf32>
        %add3A_778 = arith.addf %add3A_662, %mul3A_777 : vector<16xf32>
        %add3A_779 = arith.constant 160 : i32
        %add3A_780 = arith.addi %add3A_779, %add3A_708 : i32
        %get3A_781 = arith.index_cast %add3A_780 : i32 to index
        %get3A_782 = arith.constant 80 : index
        %get3A_783 = tpu.vector_load %arg10[%get3A_781, %get3A_782] {strides = array<i32>} : memref<640x128xf32, #tpu.memory_space<vmem>>, vector<1x16xf32>,
        %get3A_784 = vector.shape_cast %get3A_783 : vector<1x16xf32> to vector<16xf32>
        %add3A_785 = arith.constant 240 : i32
        %add3A_786 = arith.addi %add3A_785, %add3A_708 : i32
        %get3A_787 = arith.index_cast %add3A_786 : i32 to index
        %get3A_788 = arith.constant 80 : index
        %get3A_789 = tpu.vector_load %arg10[%get3A_787, %get3A_788] {strides = array<i32>} : memref<640x128xf32, #tpu.memory_space<vmem>>, vector<1x16xf32>,
        %get3A_790 = vector.shape_cast %get3A_789 : vector<1x16xf32> to vector<16xf32>
        %mul3A_791 = arith.mulf %get3A_784, %get3A_790 : vector<16xf32>
        %add3A_792 = arith.addf %add3A_676, %mul3A_791 : vector<16xf32>
        %add3A_793 = arith.constant 160 : i32
        %add3A_794 = arith.addi %add3A_793, %add3A_708 : i32
        %get3A_795 = arith.index_cast %add3A_794 : i32 to index
        %get3A_796 = arith.constant 96 : index
        %get3A_797 = tpu.vector_load %arg10[%get3A_795, %get3A_796] {strides = array<i32>} : memref<640x128xf32, #tpu.memory_space<vmem>>, vector<1x16xf32>,
        %get3A_798 = vector.shape_cast %get3A_797 : vector<1x16xf32> to vector<16xf32>
        %add3A_799 = arith.constant 240 : i32
        %add3A_800 = arith.addi %add3A_799, %add3A_708 : i32
        %get3A_801 = arith.index_cast %add3A_800 : i32 to index
        %get3A_802 = arith.constant 96 : index
        %get3A_803 = tpu.vector_load %arg10[%get3A_801, %get3A_802] {strides = array<i32>} : memref<640x128xf32, #tpu.memory_space<vmem>>, vector<1x16xf32>,
        %get3A_804 = vector.shape_cast %get3A_803 : vector<1x16xf32> to vector<16xf32>
        %mul3A_805 = arith.mulf %get3A_798, %get3A_804 : vector<16xf32>
        %add3A_806 = arith.addf %add3A_690, %mul3A_805 : vector<16xf32>
        %add3A_807 = arith.constant 160 : i32
        %add3A_808 = arith.addi %add3A_807, %add3A_708 : i32
        %get3A_809 = arith.index_cast %add3A_808 : i32 to index
        %get3A_810 = arith.constant 112 : index
        %get3A_811 = tpu.vector_load %arg10[%get3A_809, %get3A_810] {strides = array<i32>} : memref<640x128xf32, #tpu.memory_space<vmem>>, vector<1x16xf32>,
        %get3A_812 = vector.shape_cast %get3A_811 : vector<1x16xf32> to vector<16xf32>
        %add3A_813 = arith.constant 240 : i32
        %add3A_814 = arith.addi %add3A_813, %add3A_708 : i32
        %get3A_815 = arith.index_cast %add3A_814 : i32 to index
        %get3A_816 = arith.constant 112 : index
        %get3A_817 = tpu.vector_load %arg10[%get3A_815, %get3A_816] {strides = array<i32>} : memref<640x128xf32, #tpu.memory_space<vmem>>, vector<1x16xf32>,
        %get3A_818 = vector.shape_cast %get3A_817 : vector<1x16xf32> to vector<16xf32>
        %mul3A_819 = arith.mulf %get3A_812, %get3A_818 : vector<16xf32>
        %add3A_820 = arith.addf %add3A_704, %mul3A_819 : vector<16xf32>
        %mul3A_821 = arith.constant 4 : i32
        %mul3A_822 = arith.muli %scan3A_465, %mul3A_821 : i32
        %add3A_823 = arith.constant 3 : i32
        %add3A_824 = arith.addi %mul3A_822, %add3A_823 : i32
        %add3A_825 = arith.constant 160 : i32
        %add3A_826 = arith.addi %add3A_825, %add3A_824 : i32
        %get3A_827 = arith.index_cast %add3A_826 : i32 to index
        %get3A_828 = arith.constant 0 : index
        %get3A_829 = tpu.vector_load %arg10[%get3A_827, %get3A_828] {strides = array<i32>} : memref<640x128xf32, #tpu.memory_space<vmem>>, vector<1x16xf32>,
        %get3A_830 = vector.shape_cast %get3A_829 : vector<1x16xf32> to vector<16xf32>
        %add3A_831 = arith.constant 240 : i32
        %add3A_832 = arith.addi %add3A_831, %add3A_824 : i32
        %get3A_833 = arith.index_cast %add3A_832 : i32 to index
        %get3A_834 = arith.constant 0 : index
        %get3A_835 = tpu.vector_load %arg10[%get3A_833, %get3A_834] {strides = array<i32>} : memref<640x128xf32, #tpu.memory_space<vmem>>, vector<1x16xf32>,
        %get3A_836 = vector.shape_cast %get3A_835 : vector<1x16xf32> to vector<16xf32>
        %mul3A_837 = arith.mulf %get3A_830, %get3A_836 : vector<16xf32>
        %add3A_838 = arith.addf %add3A_722, %mul3A_837 : vector<16xf32>
        %add3A_839 = arith.constant 160 : i32
        %add3A_840 = arith.addi %add3A_839, %add3A_824 : i32
        %get3A_841 = arith.index_cast %add3A_840 : i32 to index
        %get3A_842 = arith.constant 16 : index
        %get3A_843 = tpu.vector_load %arg10[%get3A_841, %get3A_842] {strides = array<i32>} : memref<640x128xf32, #tpu.memory_space<vmem>>, vector<1x16xf32>,
        %get3A_844 = vector.shape_cast %get3A_843 : vector<1x16xf32> to vector<16xf32>
        %add3A_845 = arith.constant 240 : i32
        %add3A_846 = arith.addi %add3A_845, %add3A_824 : i32
        %get3A_847 = arith.index_cast %add3A_846 : i32 to index
        %get3A_848 = arith.constant 16 : index
        %get3A_849 = tpu.vector_load %arg10[%get3A_847, %get3A_848] {strides = array<i32>} : memref<640x128xf32, #tpu.memory_space<vmem>>, vector<1x16xf32>,
        %get3A_850 = vector.shape_cast %get3A_849 : vector<1x16xf32> to vector<16xf32>
        %mul3A_851 = arith.mulf %get3A_844, %get3A_850 : vector<16xf32>
        %add3A_852 = arith.addf %add3A_736, %mul3A_851 : vector<16xf32>
        %add3A_853 = arith.constant 160 : i32
        %add3A_854 = arith.addi %add3A_853, %add3A_824 : i32
        %get3A_855 = arith.index_cast %add3A_854 : i32 to index
        %get3A_856 = arith.constant 32 : index
        %get3A_857 = tpu.vector_load %arg10[%get3A_855, %get3A_856] {strides = array<i32>} : memref<640x128xf32, #tpu.memory_space<vmem>>, vector<1x16xf32>,
        %get3A_858 = vector.shape_cast %get3A_857 : vector<1x16xf32> to vector<16xf32>
        %add3A_859 = arith.constant 240 : i32
        %add3A_860 = arith.addi %add3A_859, %add3A_824 : i32
        %get3A_861 = arith.index_cast %add3A_860 : i32 to index
        %get3A_862 = arith.constant 32 : index
        %get3A_863 = tpu.vector_load %arg10[%get3A_861, %get3A_862] {strides = array<i32>} : memref<640x128xf32, #tpu.memory_space<vmem>>, vector<1x16xf32>,
        %get3A_864 = vector.shape_cast %get3A_863 : vector<1x16xf32> to vector<16xf32>
        %mul3A_865 = arith.mulf %get3A_858, %get3A_864 : vector<16xf32>
        %add3A_866 = arith.addf %add3A_750, %mul3A_865 : vector<16xf32>
        %add3A_867 = arith.constant 160 : i32
        %add3A_868 = arith.addi %add3A_867, %add3A_824 : i32
        %get3A_869 = arith.index_cast %add3A_868 : i32 to index
        %get3A_870 = arith.constant 48 : index
        %get3A_871 = tpu.vector_load %arg10[%get3A_869, %get3A_870] {strides = array<i32>} : memref<640x128xf32, #tpu.memory_space<vmem>>, vector<1x16xf32>,
        %get3A_872 = vector.shape_cast %get3A_871 : vector<1x16xf32> to vector<16xf32>
        %add3A_873 = arith.constant 240 : i32
        %add3A_874 = arith.addi %add3A_873, %add3A_824 : i32
        %get3A_875 = arith.index_cast %add3A_874 : i32 to index
        %get3A_876 = arith.constant 48 : index
        %get3A_877 = tpu.vector_load %arg10[%get3A_875, %get3A_876] {strides = array<i32>} : memref<640x128xf32, #tpu.memory_space<vmem>>, vector<1x16xf32>,
        %get3A_878 = vector.shape_cast %get3A_877 : vector<1x16xf32> to vector<16xf32>
        %mul3A_879 = arith.mulf %get3A_872, %get3A_878 : vector<16xf32>
        %add3A_880 = arith.addf %add3A_764, %mul3A_879 : vector<16xf32>
        %add3A_881 = arith.constant 160 : i32
        %add3A_882 = arith.addi %add3A_881, %add3A_824 : i32
        %get3A_883 = arith.index_cast %add3A_882 : i32 to index
        %get3A_884 = arith.constant 64 : index
        %get3A_885 = tpu.vector_load %arg10[%get3A_883, %get3A_884] {strides = array<i32>} : memref<640x128xf32, #tpu.memory_space<vmem>>, vector<1x16xf32>,
        %get3A_886 = vector.shape_cast %get3A_885 : vector<1x16xf32> to vector<16xf32>
        %add3A_887 = arith.constant 240 : i32
        %add3A_888 = arith.addi %add3A_887, %add3A_824 : i32
        %get3A_889 = arith.index_cast %add3A_888 : i32 to index
        %get3A_890 = arith.constant 64 : index
        %get3A_891 = tpu.vector_load %arg10[%get3A_889, %get3A_890] {strides = array<i32>} : memref<640x128xf32, #tpu.memory_space<vmem>>, vector<1x16xf32>,
        %get3A_892 = vector.shape_cast %get3A_891 : vector<1x16xf32> to vector<16xf32>
        %mul3A_893 = arith.mulf %get3A_886, %get3A_892 : vector<16xf32>
        %add3A_894 = arith.addf %add3A_778, %mul3A_893 : vector<16xf32>
        %add3A_895 = arith.constant 160 : i32
        %add3A_896 = arith.addi %add3A_895, %add3A_824 : i32
        %get3A_897 = arith.index_cast %add3A_896 : i32 to index
        %get3A_898 = arith.constant 80 : index
        %get3A_899 = tpu.vector_load %arg10[%get3A_897, %get3A_898] {strides = array<i32>} : memref<640x128xf32, #tpu.memory_space<vmem>>, vector<1x16xf32>,
        %get3A_900 = vector.shape_cast %get3A_899 : vector<1x16xf32> to vector<16xf32>
        %add3A_901 = arith.constant 240 : i32
        %add3A_902 = arith.addi %add3A_901, %add3A_824 : i32
        %get3A_903 = arith.index_cast %add3A_902 : i32 to index
        %get3A_904 = arith.constant 80 : index
        %get3A_905 = tpu.vector_load %arg10[%get3A_903, %get3A_904] {strides = array<i32>} : memref<640x128xf32, #tpu.memory_space<vmem>>, vector<1x16xf32>,
        %get3A_906 = vector.shape_cast %get3A_905 : vector<1x16xf32> to vector<16xf32>
        %mul3A_907 = arith.mulf %get3A_900, %get3A_906 : vector<16xf32>
        %add3A_908 = arith.addf %add3A_792, %mul3A_907 : vector<16xf32>
        %add3A_909 = arith.constant 160 : i32
        %add3A_910 = arith.addi %add3A_909, %add3A_824 : i32
        %get3A_911 = arith.index_cast %add3A_910 : i32 to index
        %get3A_912 = arith.constant 96 : index
        %get3A_913 = tpu.vector_load %arg10[%get3A_911, %get3A_912] {strides = array<i32>} : memref<640x128xf32, #tpu.memory_space<vmem>>, vector<1x16xf32>,
        %get3A_914 = vector.shape_cast %get3A_913 : vector<1x16xf32> to vector<16xf32>
        %add3A_915 = arith.constant 240 : i32
        %add3A_916 = arith.addi %add3A_915, %add3A_824 : i32
        %get3A_917 = arith.index_cast %add3A_916 : i32 to index
        %get3A_918 = arith.constant 96 : index
        %get3A_919 = tpu.vector_load %arg10[%get3A_917, %get3A_918] {strides = array<i32>} : memref<640x128xf32, #tpu.memory_space<vmem>>, vector<1x16xf32>,
        %get3A_920 = vector.shape_cast %get3A_919 : vector<1x16xf32> to vector<16xf32>
        %mul3A_921 = arith.mulf %get3A_914, %get3A_920 : vector<16xf32>
        %add3A_922 = arith.addf %add3A_806, %mul3A_921 : vector<16xf32>
        %add3A_923 = arith.constant 160 : i32
        %add3A_924 = arith.addi %add3A_923, %add3A_824 : i32
        %get3A_925 = arith.index_cast %add3A_924 : i32 to index
        %get3A_926 = arith.constant 112 : index
        %get3A_927 = tpu.vector_load %arg10[%get3A_925, %get3A_926] {strides = array<i32>} : memref<640x128xf32, #tpu.memory_space<vmem>>, vector<1x16xf32>,
        %get3A_928 = vector.shape_cast %get3A_927 : vector<1x16xf32> to vector<16xf32>
        %add3A_929 = arith.constant 240 : i32
        %add3A_930 = arith.addi %add3A_929, %add3A_824 : i32
        %get3A_931 = arith.index_cast %add3A_930 : i32 to index
        %get3A_932 = arith.constant 112 : index
        %get3A_933 = tpu.vector_load %arg10[%get3A_931, %get3A_932] {strides = array<i32>} : memref<640x128xf32, #tpu.memory_space<vmem>>, vector<1x16xf32>,
        %get3A_934 = vector.shape_cast %get3A_933 : vector<1x16xf32> to vector<16xf32>
        %mul3A_935 = arith.mulf %get3A_928, %get3A_934 : vector<16xf32>
        %add3A_936 = arith.addf %add3A_820, %mul3A_935 : vector<16xf32>
        scf.yield %add3A_838, %add3A_852, %add3A_866, %add3A_880, %add3A_894, %add3A_908, %add3A_922, %add3A_936 : vector<16xf32>, vector<16xf32>, vector<16xf32>, vector<16xf32>, vector<16xf32>, vector<16xf32>, vector<16xf32>, vector<16xf32>
      }
      %scan3A_295 = arith.constant 20 : i32
      %jit3A_296 = arith.constant 10 : i32
      %eq3A_297 = arith.constant 0 : i32
      %eq3A_298 = arith.cmpi eq, %jit3A_296, %eq3A_297 : i32
      %jit3A_299 = arith.constant 1 : i32
      %select_n3A_300 = arith.select %eq3A_298, %jit3A_299, %jit3A_296 : i32
      %rem3A_301 = arith.remsi %add3A_258, %select_n3A_300 : i32
      %ne3A_302 = arith.constant 0 : i32
      %ne3A_303 = arith.cmpi ne, %rem3A_301, %ne3A_302 : i32
      %lt3A_304 = arith.constant 0 : i32
      %lt3A_305 = arith.cmpi slt, %rem3A_301, %lt3A_304 : i32
      %lt3A_306 = arith.constant 0 : i32
      %lt3A_307 = arith.cmpi slt, %select_n3A_300, %lt3A_306 : i32
      %ne3A_308 = arith.xori %lt3A_305, %lt3A_307 : i1
      %and3A_309 = arith.andi %ne3A_308, %ne3A_303 : i1
      %add3A_310 = arith.addi %rem3A_301, %select_n3A_300 : i32
      %select_n3A_311 = arith.select %and3A_309, %add3A_310, %rem3A_301 : i32
      %eq3A_312 = arith.constant 9 : i32
      %eq3A_313 = arith.cmpi eq, %select_n3A_311, %eq3A_312 : i32
      %convert_element_type3A_314 = arith.extui %eq3A_313 : i1 to i32
      %cond3A_315 = arith.constant 0 : i32
      %cond3A_316 = arith.cmpi ne, %convert_element_type3A_314, %cond3A_315 : i32
      scf.if %cond3A_316 {
        %jit3A_465 = arith.constant 10 : i32
        %div3A = arith.divsi %add3A_258, %jit3A_465 : i32
        %sign3A = arith.constant 0 : i32
        %sign3A_466 = arith.cmpi sgt, %add3A_258, %sign3A : i32
        %sign3A_467 = arith.extui %sign3A_466 : i1 to i32
        %sign3A_468 = arith.constant 0 : i32
        %sign3A_469 = arith.cmpi slt, %add3A_258, %sign3A_468 : i32
        %sign3A_470 = arith.extui %sign3A_469 : i1 to i32
        %sign3A_471 = arith.subi %sign3A_467, %sign3A_470 : i32
        %sign3A_472 = arith.constant 0 : i32
        %sign3A_473 = arith.cmpi sgt, %jit3A_465, %sign3A_472 : i32
        %sign3A_474 = arith.extui %sign3A_473 : i1 to i32
        %sign3A_475 = arith.constant 0 : i32
        %sign3A_476 = arith.cmpi slt, %jit3A_465, %sign3A_475 : i32
        %sign3A_477 = arith.extui %sign3A_476 : i1 to i32
        %sign3A_478 = arith.subi %sign3A_474, %sign3A_477 : i32
        %ne3A_479 = arith.cmpi ne, %sign3A_471, %sign3A_478 : i32
        %rem3A_480 = arith.remsi %add3A_258, %jit3A_465 : i32
        %ne3A_481 = arith.constant 0 : i32
        %ne3A_482 = arith.cmpi ne, %rem3A_480, %ne3A_481 : i32
        %and3A_483 = arith.andi %ne3A_479, %ne3A_482 : i1
        %sub3A = arith.constant 1 : i32
        %sub3A_484 = arith.subi %div3A, %sub3A : i32
        %select_n3A_485 = arith.select %and3A_483, %sub3A_484, %div3A : i32
        %swap3A = arith.index_cast %select_n3A_485 : i32 to index
        %swap3A_486 = arith.constant 0 : index
        %swap3A_487 = tpu.vector_load %arg11[%swap3A, %swap3A_486] {strides = array<i32>} : memref<22x128xf32, #tpu.memory_space<vmem>>, vector<1x16xf32>,
        %swap3A_488 = vector.shape_cast %swap3A_487 : vector<1x16xf32> to vector<16xf32>
        %swap3A_489 = vector.shape_cast %scan3A_294#0 : vector<16xf32> to vector<1x16xf32>
        tpu.vector_store %arg11[%swap3A, %swap3A_486], %swap3A_489 {strides = array<i32>} : memref<22x128xf32, #tpu.memory_space<vmem>>, vector<1x16xf32>,
        %swap3A_490 = arith.index_cast %select_n3A_485 : i32 to index
        %swap3A_491 = arith.constant 16 : index
        %swap3A_492 = tpu.vector_load %arg11[%swap3A_490, %swap3A_491] {strides = array<i32>} : memref<22x128xf32, #tpu.memory_space<vmem>>, vector<1x16xf32>,
        %swap3A_493 = vector.shape_cast %swap3A_492 : vector<1x16xf32> to vector<16xf32>
        %swap3A_494 = vector.shape_cast %scan3A_294#1 : vector<16xf32> to vector<1x16xf32>
        tpu.vector_store %arg11[%swap3A_490, %swap3A_491], %swap3A_494 {strides = array<i32>} : memref<22x128xf32, #tpu.memory_space<vmem>>, vector<1x16xf32>,
        %swap3A_495 = arith.index_cast %select_n3A_485 : i32 to index
        %swap3A_496 = arith.constant 32 : index
        %swap3A_497 = tpu.vector_load %arg11[%swap3A_495, %swap3A_496] {strides = array<i32>} : memref<22x128xf32, #tpu.memory_space<vmem>>, vector<1x16xf32>,
        %swap3A_498 = vector.shape_cast %swap3A_497 : vector<1x16xf32> to vector<16xf32>
        %swap3A_499 = vector.shape_cast %scan3A_294#2 : vector<16xf32> to vector<1x16xf32>
        tpu.vector_store %arg11[%swap3A_495, %swap3A_496], %swap3A_499 {strides = array<i32>} : memref<22x128xf32, #tpu.memory_space<vmem>>, vector<1x16xf32>,
        %swap3A_500 = arith.index_cast %select_n3A_485 : i32 to index
        %swap3A_501 = arith.constant 48 : index
        %swap3A_502 = tpu.vector_load %arg11[%swap3A_500, %swap3A_501] {strides = array<i32>} : memref<22x128xf32, #tpu.memory_space<vmem>>, vector<1x16xf32>,
        %swap3A_503 = vector.shape_cast %swap3A_502 : vector<1x16xf32> to vector<16xf32>
        %swap3A_504 = vector.shape_cast %scan3A_294#3 : vector<16xf32> to vector<1x16xf32>
        tpu.vector_store %arg11[%swap3A_500, %swap3A_501], %swap3A_504 {strides = array<i32>} : memref<22x128xf32, #tpu.memory_space<vmem>>, vector<1x16xf32>,
        %swap3A_505 = arith.index_cast %select_n3A_485 : i32 to index
        %swap3A_506 = arith.constant 64 : index
        %swap3A_507 = tpu.vector_load %arg11[%swap3A_505, %swap3A_506] {strides = array<i32>} : memref<22x128xf32, #tpu.memory_space<vmem>>, vector<1x16xf32>,
        %swap3A_508 = vector.shape_cast %swap3A_507 : vector<1x16xf32> to vector<16xf32>
        %swap3A_509 = vector.shape_cast %scan3A_294#4 : vector<16xf32> to vector<1x16xf32>
        tpu.vector_store %arg11[%swap3A_505, %swap3A_506], %swap3A_509 {strides = array<i32>} : memref<22x128xf32, #tpu.memory_space<vmem>>, vector<1x16xf32>,
        %swap3A_510 = arith.index_cast %select_n3A_485 : i32 to index
        %swap3A_511 = arith.constant 80 : index
        %swap3A_512 = tpu.vector_load %arg11[%swap3A_510, %swap3A_511] {strides = array<i32>} : memref<22x128xf32, #tpu.memory_space<vmem>>, vector<1x16xf32>,
        %swap3A_513 = vector.shape_cast %swap3A_512 : vector<1x16xf32> to vector<16xf32>
        %swap3A_514 = vector.shape_cast %scan3A_294#5 : vector<16xf32> to vector<1x16xf32>
        tpu.vector_store %arg11[%swap3A_510, %swap3A_511], %swap3A_514 {strides = array<i32>} : memref<22x128xf32, #tpu.memory_space<vmem>>, vector<1x16xf32>,
        %swap3A_515 = arith.index_cast %select_n3A_485 : i32 to index
        %swap3A_516 = arith.constant 96 : index
        %swap3A_517 = tpu.vector_load %arg11[%swap3A_515, %swap3A_516] {strides = array<i32>} : memref<22x128xf32, #tpu.memory_space<vmem>>, vector<1x16xf32>,
        %swap3A_518 = vector.shape_cast %swap3A_517 : vector<1x16xf32> to vector<16xf32>
        %swap3A_519 = vector.shape_cast %scan3A_294#6 : vector<16xf32> to vector<1x16xf32>
        tpu.vector_store %arg11[%swap3A_515, %swap3A_516], %swap3A_519 {strides = array<i32>} : memref<22x128xf32, #tpu.memory_space<vmem>>, vector<1x16xf32>,
        %swap3A_520 = arith.index_cast %select_n3A_485 : i32 to index
        %swap3A_521 = arith.constant 112 : index
        %swap3A_522 = tpu.vector_load %arg11[%swap3A_520, %swap3A_521] {strides = array<i32>} : memref<22x128xf32, #tpu.memory_space<vmem>>, vector<1x16xf32>,
        %swap3A_523 = vector.shape_cast %swap3A_522 : vector<1x16xf32> to vector<16xf32>
        %swap3A_524 = vector.shape_cast %scan3A_294#7 : vector<16xf32> to vector<1x16xf32>
        tpu.vector_store %arg11[%swap3A_520, %swap3A_521], %swap3A_524 {strides = array<i32>} : memref<22x128xf32, #tpu.memory_space<vmem>>, vector<1x16xf32>,
      } else {
      }
      %select_n3A_317 = arith.select %eq3A_313, %broadcast_in_dim3A_17, %scan3A_294#0 : vector<16xf32>
      %select_n3A_318 = arith.select %eq3A_313, %broadcast_in_dim3A_17, %scan3A_294#1 : vector<16xf32>
      %select_n3A_319 = arith.select %eq3A_313, %broadcast_in_dim3A_17, %scan3A_294#2 : vector<16xf32>
      %select_n3A_320 = arith.select %eq3A_313, %broadcast_in_dim3A_17, %scan3A_294#3 : vector<16xf32>
      %select_n3A_321 = arith.select %eq3A_313, %broadcast_in_dim3A_17, %scan3A_294#4 : vector<16xf32>
      %select_n3A_322 = arith.select %eq3A_313, %broadcast_in_dim3A_17, %scan3A_294#5 : vector<16xf32>
      %select_n3A_323 = arith.select %eq3A_313, %broadcast_in_dim3A_17, %scan3A_294#6 : vector<16xf32>
      %select_n3A_324 = arith.select %eq3A_313, %broadcast_in_dim3A_17, %scan3A_294#7 : vector<16xf32>
      %mul3A_325 = arith.constant 4 : i32
      %mul3A_326 = arith.muli %mul3A_325, %scan3A_186 : i32
      %add3A_327 = arith.constant 2 : i32
      %add3A_328 = arith.addi %mul3A_326, %add3A_327 : i32
      %add3A_329 = arith.constant 3 : i32
      %add3A_330 = arith.addi %add3A_328, %add3A_329 : i32
      %lt3A_331 = arith.constant 160 : i32
      %lt3A_332 = arith.cmpi slt, %add3A_330, %lt3A_331 : i32
      %convert_element_type3A_333 = arith.extui %lt3A_332 : i1 to i32
      %cond3A_334 = arith.constant 0 : i32
      %cond3A_335 = arith.cmpi ne, %convert_element_type3A_333, %cond3A_334 : i32
      scf.if %cond3A_335 {
        %add3A_465 = arith.constant 3 : i32
        %add3A_466 = arith.addi %add3A_328, %add3A_465 : i32
        %mul3A_467 = arith.constant 80 : i32
        %mul3A_468 = arith.muli %add3A_466, %mul3A_467 : i32
        %add3A_469 = arith.constant 0 : i32
        %add3A_470 = arith.addi %add3A_469, %mul3A_468 : i32
        %dma_start3A_471 = arith.constant 160 : i32
        %dma_start3A_472 = arith.constant 0 : i32
        %dma_start3A_473 = tpu.memref_slice %arg10[%dma_start3A_471, %dma_start3A_472] : memref<640x128xf32, #tpu.memory_space<vmem>> -> memref<80x128xf32, #tpu.memory_space<vmem>>
        %dma_start3A_474 = tpu.memref_slice %arg9[%add3A_470] : memref<28672xi32, #tpu.memory_space<vmem>> -> memref<80xi32, #tpu.memory_space<vmem>>
        %dma_start3A_475 = arith.constant 0 : i32
        %dma_start3A_476 = arith.constant 0 : i32
        %dma_start3A_477 = tpu.memref_slice %arg3[%dma_start3A_475, %dma_start3A_476] : memref<100000x128xf32, #tpu.memory_space<hbm>> -> memref<100000x128xf32, #tpu.memory_space<hbm>>
        tpu.enqueue_indirect_dma source(%dma_start3A_477 : memref<100000x128xf32, #tpu.memory_space<hbm>>) target(%dma_start3A_473 : memref<80x128xf32, #tpu.memory_space<vmem>>) offsets(%dma_start3A_474 : memref<80xi32, #tpu.memory_space<vmem>>) semaphore(%arg14 : memref<!tpu.dma_semaphore, #tpu.memory_space<semaphore_mem>>)
        %mul3A_478 = arith.constant 80 : i32
        %mul3A_479 = arith.muli %add3A_466, %mul3A_478 : i32
        %add3A_480 = arith.constant 12800 : i32
        %add3A_481 = arith.addi %add3A_480, %mul3A_479 : i32
        %dma_start3A_482 = arith.constant 240 : i32
        %dma_start3A_483 = arith.constant 0 : i32
        %dma_start3A_484 = tpu.memref_slice %arg10[%dma_start3A_482, %dma_start3A_483] : memref<640x128xf32, #tpu.memory_space<vmem>> -> memref<80x128xf32, #tpu.memory_space<vmem>>
        %dma_start3A_485 = tpu.memref_slice %arg9[%add3A_481] : memref<28672xi32, #tpu.memory_space<vmem>> -> memref<80xi32, #tpu.memory_space<vmem>>
        %dma_start3A_486 = arith.constant 0 : i32
        %dma_start3A_487 = arith.constant 0 : i32
        %dma_start3A_488 = tpu.memref_slice %arg4[%dma_start3A_486, %dma_start3A_487] : memref<100000x128xf32, #tpu.memory_space<hbm>> -> memref<100000x128xf32, #tpu.memory_space<hbm>>
        tpu.enqueue_indirect_dma source(%dma_start3A_488 : memref<100000x128xf32, #tpu.memory_space<hbm>>) target(%dma_start3A_484 : memref<80x128xf32, #tpu.memory_space<vmem>>) offsets(%dma_start3A_485 : memref<80xi32, #tpu.memory_space<vmem>>) semaphore(%arg15 : memref<!tpu.dma_semaphore, #tpu.memory_space<semaphore_mem>>)
      } else {
      }
      %dma_wait3A_336 = arith.constant 320 : i32
      %dma_wait3A_337 = arith.constant 0 : i32
      %dma_wait3A_338 = tpu.memref_slice %arg10[%dma_wait3A_336, %dma_wait3A_337] : memref<640x128xf32, #tpu.memory_space<vmem>> -> memref<80x128xf32, #tpu.memory_space<vmem>>
      %dma_wait3A_339 = arith.constant 0 : i32
      %dma_wait3A_340 = arith.constant 0 : i32
      %dma_wait3A_341 = tpu.memref_slice %arg3[%dma_wait3A_339, %dma_wait3A_340] : memref<100000x128xf32, #tpu.memory_space<hbm>> -> memref<80x128xf32, #tpu.memory_space<hbm>>
      %dma_wait3A_342 = arith.constant 320 : i32
      %dma_wait3A_343 = arith.constant 0 : i32
      %dma_wait3A_344 = tpu.memref_slice %arg10[%dma_wait3A_342, %dma_wait3A_343] : memref<640x128xf32, #tpu.memory_space<vmem>> -> memref<80x128xf32, #tpu.memory_space<vmem>>
      %dma_wait3A_345 = arith.constant 0 : i32
      %dma_wait3A_346 = arith.constant 0 : i32
      %dma_wait3A_347 = tpu.memref_slice %arg3[%dma_wait3A_345, %dma_wait3A_346] : memref<100000x128xf32, #tpu.memory_space<hbm>> -> memref<80x128xf32, #tpu.memory_space<hbm>>
      tpu.wait_dma2 semaphore(%arg16 : memref<!tpu.dma_semaphore, #tpu.memory_space<semaphore_mem>>) src(%dma_wait3A_347 : memref<80x128xf32, #tpu.memory_space<hbm>>) dst(%dma_wait3A_344 : memref<80x128xf32, #tpu.memory_space<vmem>>)
      %dma_wait3A_348 = arith.constant 400 : i32
      %dma_wait3A_349 = arith.constant 0 : i32
      %dma_wait3A_350 = tpu.memref_slice %arg10[%dma_wait3A_348, %dma_wait3A_349] : memref<640x128xf32, #tpu.memory_space<vmem>> -> memref<80x128xf32, #tpu.memory_space<vmem>>
      %dma_wait3A_351 = arith.constant 0 : i32
      %dma_wait3A_352 = arith.constant 0 : i32
      %dma_wait3A_353 = tpu.memref_slice %arg3[%dma_wait3A_351, %dma_wait3A_352] : memref<100000x128xf32, #tpu.memory_space<hbm>> -> memref<80x128xf32, #tpu.memory_space<hbm>>
      %dma_wait3A_354 = arith.constant 400 : i32
      %dma_wait3A_355 = arith.constant 0 : i32
      %dma_wait3A_356 = tpu.memref_slice %arg10[%dma_wait3A_354, %dma_wait3A_355] : memref<640x128xf32, #tpu.memory_space<vmem>> -> memref<80x128xf32, #tpu.memory_space<vmem>>
      %dma_wait3A_357 = arith.constant 0 : i32
      %dma_wait3A_358 = arith.constant 0 : i32
      %dma_wait3A_359 = tpu.memref_slice %arg3[%dma_wait3A_357, %dma_wait3A_358] : memref<100000x128xf32, #tpu.memory_space<hbm>> -> memref<80x128xf32, #tpu.memory_space<hbm>>
      tpu.wait_dma2 semaphore(%arg17 : memref<!tpu.dma_semaphore, #tpu.memory_space<semaphore_mem>>) src(%dma_wait3A_359 : memref<80x128xf32, #tpu.memory_space<hbm>>) dst(%dma_wait3A_356 : memref<80x128xf32, #tpu.memory_space<vmem>>)
      %scan3A_360 = arith.constant 0 : i32
      %scan3A_361 = arith.constant 20 : i32
      %scan3A_362 = arith.addi %scan3A_360, %scan3A_361 : i32
      %scan3A_363 = arith.constant 1 : i32
      %scan3A_364:8 = scf.for %scan3A_465 = %scan3A_360 to %scan3A_362 step %scan3A_363 iter_args(%scan3A_466 = %select_n3A_317, %scan3A_467 = %select_n3A_318, %scan3A_468 = %select_n3A_319, %scan3A_469 = %select_n3A_320, %scan3A_470 = %select_n3A_321, %scan3A_471 = %select_n3A_322, %scan3A_472 = %select_n3A_323, %scan3A_473 = %select_n3A_324) -> (vector<16xf32>, vector<16xf32>, vector<16xf32>, vector<16xf32>, vector<16xf32>, vector<16xf32>, vector<16xf32>, vector<16xf32>)  : i32 {
        %mul3A_474 = arith.constant 4 : i32
        %mul3A_475 = arith.muli %scan3A_465, %mul3A_474 : i32
        %add3A_476 = arith.constant 0 : i32
        %add3A_477 = arith.addi %mul3A_475, %add3A_476 : i32
        %add3A_478 = arith.constant 320 : i32
        %add3A_479 = arith.addi %add3A_478, %add3A_477 : i32
        %get3A = arith.index_cast %add3A_479 : i32 to index
        %get3A_480 = arith.constant 0 : index
        %get3A_481 = tpu.vector_load %arg10[%get3A, %get3A_480] {strides = array<i32>} : memref<640x128xf32, #tpu.memory_space<vmem>>, vector<1x16xf32>,
        %get3A_482 = vector.shape_cast %get3A_481 : vector<1x16xf32> to vector<16xf32>
        %add3A_483 = arith.constant 400 : i32
        %add3A_484 = arith.addi %add3A_483, %add3A_477 : i32
        %get3A_485 = arith.index_cast %add3A_484 : i32 to index
        %get3A_486 = arith.constant 0 : index
        %get3A_487 = tpu.vector_load %arg10[%get3A_485, %get3A_486] {strides = array<i32>} : memref<640x128xf32, #tpu.memory_space<vmem>>, vector<1x16xf32>,
        %get3A_488 = vector.shape_cast %get3A_487 : vector<1x16xf32> to vector<16xf32>
        %mul3A_489 = arith.mulf %get3A_482, %get3A_488 : vector<16xf32>
        %add3A_490 = arith.addf %scan3A_466, %mul3A_489 : vector<16xf32>
        %add3A_491 = arith.constant 320 : i32
        %add3A_492 = arith.addi %add3A_491, %add3A_477 : i32
        %get3A_493 = arith.index_cast %add3A_492 : i32 to index
        %get3A_494 = arith.constant 16 : index
        %get3A_495 = tpu.vector_load %arg10[%get3A_493, %get3A_494] {strides = array<i32>} : memref<640x128xf32, #tpu.memory_space<vmem>>, vector<1x16xf32>,
        %get3A_496 = vector.shape_cast %get3A_495 : vector<1x16xf32> to vector<16xf32>
        %add3A_497 = arith.constant 400 : i32
        %add3A_498 = arith.addi %add3A_497, %add3A_477 : i32
        %get3A_499 = arith.index_cast %add3A_498 : i32 to index
        %get3A_500 = arith.constant 16 : index
        %get3A_501 = tpu.vector_load %arg10[%get3A_499, %get3A_500] {strides = array<i32>} : memref<640x128xf32, #tpu.memory_space<vmem>>, vector<1x16xf32>,
        %get3A_502 = vector.shape_cast %get3A_501 : vector<1x16xf32> to vector<16xf32>
        %mul3A_503 = arith.mulf %get3A_496, %get3A_502 : vector<16xf32>
        %add3A_504 = arith.addf %scan3A_467, %mul3A_503 : vector<16xf32>
        %add3A_505 = arith.constant 320 : i32
        %add3A_506 = arith.addi %add3A_505, %add3A_477 : i32
        %get3A_507 = arith.index_cast %add3A_506 : i32 to index
        %get3A_508 = arith.constant 32 : index
        %get3A_509 = tpu.vector_load %arg10[%get3A_507, %get3A_508] {strides = array<i32>} : memref<640x128xf32, #tpu.memory_space<vmem>>, vector<1x16xf32>,
        %get3A_510 = vector.shape_cast %get3A_509 : vector<1x16xf32> to vector<16xf32>
        %add3A_511 = arith.constant 400 : i32
        %add3A_512 = arith.addi %add3A_511, %add3A_477 : i32
        %get3A_513 = arith.index_cast %add3A_512 : i32 to index
        %get3A_514 = arith.constant 32 : index
        %get3A_515 = tpu.vector_load %arg10[%get3A_513, %get3A_514] {strides = array<i32>} : memref<640x128xf32, #tpu.memory_space<vmem>>, vector<1x16xf32>,
        %get3A_516 = vector.shape_cast %get3A_515 : vector<1x16xf32> to vector<16xf32>
        %mul3A_517 = arith.mulf %get3A_510, %get3A_516 : vector<16xf32>
        %add3A_518 = arith.addf %scan3A_468, %mul3A_517 : vector<16xf32>
        %add3A_519 = arith.constant 320 : i32
        %add3A_520 = arith.addi %add3A_519, %add3A_477 : i32
        %get3A_521 = arith.index_cast %add3A_520 : i32 to index
        %get3A_522 = arith.constant 48 : index
        %get3A_523 = tpu.vector_load %arg10[%get3A_521, %get3A_522] {strides = array<i32>} : memref<640x128xf32, #tpu.memory_space<vmem>>, vector<1x16xf32>,
        %get3A_524 = vector.shape_cast %get3A_523 : vector<1x16xf32> to vector<16xf32>
        %add3A_525 = arith.constant 400 : i32
        %add3A_526 = arith.addi %add3A_525, %add3A_477 : i32
        %get3A_527 = arith.index_cast %add3A_526 : i32 to index
        %get3A_528 = arith.constant 48 : index
        %get3A_529 = tpu.vector_load %arg10[%get3A_527, %get3A_528] {strides = array<i32>} : memref<640x128xf32, #tpu.memory_space<vmem>>, vector<1x16xf32>,
        %get3A_530 = vector.shape_cast %get3A_529 : vector<1x16xf32> to vector<16xf32>
        %mul3A_531 = arith.mulf %get3A_524, %get3A_530 : vector<16xf32>
        %add3A_532 = arith.addf %scan3A_469, %mul3A_531 : vector<16xf32>
        %add3A_533 = arith.constant 320 : i32
        %add3A_534 = arith.addi %add3A_533, %add3A_477 : i32
        %get3A_535 = arith.index_cast %add3A_534 : i32 to index
        %get3A_536 = arith.constant 64 : index
        %get3A_537 = tpu.vector_load %arg10[%get3A_535, %get3A_536] {strides = array<i32>} : memref<640x128xf32, #tpu.memory_space<vmem>>, vector<1x16xf32>,
        %get3A_538 = vector.shape_cast %get3A_537 : vector<1x16xf32> to vector<16xf32>
        %add3A_539 = arith.constant 400 : i32
        %add3A_540 = arith.addi %add3A_539, %add3A_477 : i32
        %get3A_541 = arith.index_cast %add3A_540 : i32 to index
        %get3A_542 = arith.constant 64 : index
        %get3A_543 = tpu.vector_load %arg10[%get3A_541, %get3A_542] {strides = array<i32>} : memref<640x128xf32, #tpu.memory_space<vmem>>, vector<1x16xf32>,
        %get3A_544 = vector.shape_cast %get3A_543 : vector<1x16xf32> to vector<16xf32>
        %mul3A_545 = arith.mulf %get3A_538, %get3A_544 : vector<16xf32>
        %add3A_546 = arith.addf %scan3A_470, %mul3A_545 : vector<16xf32>
        %add3A_547 = arith.constant 320 : i32
        %add3A_548 = arith.addi %add3A_547, %add3A_477 : i32
        %get3A_549 = arith.index_cast %add3A_548 : i32 to index
        %get3A_550 = arith.constant 80 : index
        %get3A_551 = tpu.vector_load %arg10[%get3A_549, %get3A_550] {strides = array<i32>} : memref<640x128xf32, #tpu.memory_space<vmem>>, vector<1x16xf32>,
        %get3A_552 = vector.shape_cast %get3A_551 : vector<1x16xf32> to vector<16xf32>
        %add3A_553 = arith.constant 400 : i32
        %add3A_554 = arith.addi %add3A_553, %add3A_477 : i32
        %get3A_555 = arith.index_cast %add3A_554 : i32 to index
        %get3A_556 = arith.constant 80 : index
        %get3A_557 = tpu.vector_load %arg10[%get3A_555, %get3A_556] {strides = array<i32>} : memref<640x128xf32, #tpu.memory_space<vmem>>, vector<1x16xf32>,
        %get3A_558 = vector.shape_cast %get3A_557 : vector<1x16xf32> to vector<16xf32>
        %mul3A_559 = arith.mulf %get3A_552, %get3A_558 : vector<16xf32>
        %add3A_560 = arith.addf %scan3A_471, %mul3A_559 : vector<16xf32>
        %add3A_561 = arith.constant 320 : i32
        %add3A_562 = arith.addi %add3A_561, %add3A_477 : i32
        %get3A_563 = arith.index_cast %add3A_562 : i32 to index
        %get3A_564 = arith.constant 96 : index
        %get3A_565 = tpu.vector_load %arg10[%get3A_563, %get3A_564] {strides = array<i32>} : memref<640x128xf32, #tpu.memory_space<vmem>>, vector<1x16xf32>,
        %get3A_566 = vector.shape_cast %get3A_565 : vector<1x16xf32> to vector<16xf32>
        %add3A_567 = arith.constant 400 : i32
        %add3A_568 = arith.addi %add3A_567, %add3A_477 : i32
        %get3A_569 = arith.index_cast %add3A_568 : i32 to index
        %get3A_570 = arith.constant 96 : index
        %get3A_571 = tpu.vector_load %arg10[%get3A_569, %get3A_570] {strides = array<i32>} : memref<640x128xf32, #tpu.memory_space<vmem>>, vector<1x16xf32>,
        %get3A_572 = vector.shape_cast %get3A_571 : vector<1x16xf32> to vector<16xf32>
        %mul3A_573 = arith.mulf %get3A_566, %get3A_572 : vector<16xf32>
        %add3A_574 = arith.addf %scan3A_472, %mul3A_573 : vector<16xf32>
        %add3A_575 = arith.constant 320 : i32
        %add3A_576 = arith.addi %add3A_575, %add3A_477 : i32
        %get3A_577 = arith.index_cast %add3A_576 : i32 to index
        %get3A_578 = arith.constant 112 : index
        %get3A_579 = tpu.vector_load %arg10[%get3A_577, %get3A_578] {strides = array<i32>} : memref<640x128xf32, #tpu.memory_space<vmem>>, vector<1x16xf32>,
        %get3A_580 = vector.shape_cast %get3A_579 : vector<1x16xf32> to vector<16xf32>
        %add3A_581 = arith.constant 400 : i32
        %add3A_582 = arith.addi %add3A_581, %add3A_477 : i32
        %get3A_583 = arith.index_cast %add3A_582 : i32 to index
        %get3A_584 = arith.constant 112 : index
        %get3A_585 = tpu.vector_load %arg10[%get3A_583, %get3A_584] {strides = array<i32>} : memref<640x128xf32, #tpu.memory_space<vmem>>, vector<1x16xf32>,
        %get3A_586 = vector.shape_cast %get3A_585 : vector<1x16xf32> to vector<16xf32>
        %mul3A_587 = arith.mulf %get3A_580, %get3A_586 : vector<16xf32>
        %add3A_588 = arith.addf %scan3A_473, %mul3A_587 : vector<16xf32>
        %mul3A_589 = arith.constant 4 : i32
        %mul3A_590 = arith.muli %scan3A_465, %mul3A_589 : i32
        %add3A_591 = arith.constant 1 : i32
        %add3A_592 = arith.addi %mul3A_590, %add3A_591 : i32
        %add3A_593 = arith.constant 320 : i32
        %add3A_594 = arith.addi %add3A_593, %add3A_592 : i32
        %get3A_595 = arith.index_cast %add3A_594 : i32 to index
        %get3A_596 = arith.constant 0 : index
        %get3A_597 = tpu.vector_load %arg10[%get3A_595, %get3A_596] {strides = array<i32>} : memref<640x128xf32, #tpu.memory_space<vmem>>, vector<1x16xf32>,
        %get3A_598 = vector.shape_cast %get3A_597 : vector<1x16xf32> to vector<16xf32>
        %add3A_599 = arith.constant 400 : i32
        %add3A_600 = arith.addi %add3A_599, %add3A_592 : i32
        %get3A_601 = arith.index_cast %add3A_600 : i32 to index
        %get3A_602 = arith.constant 0 : index
        %get3A_603 = tpu.vector_load %arg10[%get3A_601, %get3A_602] {strides = array<i32>} : memref<640x128xf32, #tpu.memory_space<vmem>>, vector<1x16xf32>,
        %get3A_604 = vector.shape_cast %get3A_603 : vector<1x16xf32> to vector<16xf32>
        %mul3A_605 = arith.mulf %get3A_598, %get3A_604 : vector<16xf32>
        %add3A_606 = arith.addf %add3A_490, %mul3A_605 : vector<16xf32>
        %add3A_607 = arith.constant 320 : i32
        %add3A_608 = arith.addi %add3A_607, %add3A_592 : i32
        %get3A_609 = arith.index_cast %add3A_608 : i32 to index
        %get3A_610 = arith.constant 16 : index
        %get3A_611 = tpu.vector_load %arg10[%get3A_609, %get3A_610] {strides = array<i32>} : memref<640x128xf32, #tpu.memory_space<vmem>>, vector<1x16xf32>,
        %get3A_612 = vector.shape_cast %get3A_611 : vector<1x16xf32> to vector<16xf32>
        %add3A_613 = arith.constant 400 : i32
        %add3A_614 = arith.addi %add3A_613, %add3A_592 : i32
        %get3A_615 = arith.index_cast %add3A_614 : i32 to index
        %get3A_616 = arith.constant 16 : index
        %get3A_617 = tpu.vector_load %arg10[%get3A_615, %get3A_616] {strides = array<i32>} : memref<640x128xf32, #tpu.memory_space<vmem>>, vector<1x16xf32>,
        %get3A_618 = vector.shape_cast %get3A_617 : vector<1x16xf32> to vector<16xf32>
        %mul3A_619 = arith.mulf %get3A_612, %get3A_618 : vector<16xf32>
        %add3A_620 = arith.addf %add3A_504, %mul3A_619 : vector<16xf32>
        %add3A_621 = arith.constant 320 : i32
        %add3A_622 = arith.addi %add3A_621, %add3A_592 : i32
        %get3A_623 = arith.index_cast %add3A_622 : i32 to index
        %get3A_624 = arith.constant 32 : index
        %get3A_625 = tpu.vector_load %arg10[%get3A_623, %get3A_624] {strides = array<i32>} : memref<640x128xf32, #tpu.memory_space<vmem>>, vector<1x16xf32>,
        %get3A_626 = vector.shape_cast %get3A_625 : vector<1x16xf32> to vector<16xf32>
        %add3A_627 = arith.constant 400 : i32
        %add3A_628 = arith.addi %add3A_627, %add3A_592 : i32
        %get3A_629 = arith.index_cast %add3A_628 : i32 to index
        %get3A_630 = arith.constant 32 : index
        %get3A_631 = tpu.vector_load %arg10[%get3A_629, %get3A_630] {strides = array<i32>} : memref<640x128xf32, #tpu.memory_space<vmem>>, vector<1x16xf32>,
        %get3A_632 = vector.shape_cast %get3A_631 : vector<1x16xf32> to vector<16xf32>
        %mul3A_633 = arith.mulf %get3A_626, %get3A_632 : vector<16xf32>
        %add3A_634 = arith.addf %add3A_518, %mul3A_633 : vector<16xf32>
        %add3A_635 = arith.constant 320 : i32
        %add3A_636 = arith.addi %add3A_635, %add3A_592 : i32
        %get3A_637 = arith.index_cast %add3A_636 : i32 to index
        %get3A_638 = arith.constant 48 : index
        %get3A_639 = tpu.vector_load %arg10[%get3A_637, %get3A_638] {strides = array<i32>} : memref<640x128xf32, #tpu.memory_space<vmem>>, vector<1x16xf32>,
        %get3A_640 = vector.shape_cast %get3A_639 : vector<1x16xf32> to vector<16xf32>
        %add3A_641 = arith.constant 400 : i32
        %add3A_642 = arith.addi %add3A_641, %add3A_592 : i32
        %get3A_643 = arith.index_cast %add3A_642 : i32 to index
        %get3A_644 = arith.constant 48 : index
        %get3A_645 = tpu.vector_load %arg10[%get3A_643, %get3A_644] {strides = array<i32>} : memref<640x128xf32, #tpu.memory_space<vmem>>, vector<1x16xf32>,
        %get3A_646 = vector.shape_cast %get3A_645 : vector<1x16xf32> to vector<16xf32>
        %mul3A_647 = arith.mulf %get3A_640, %get3A_646 : vector<16xf32>
        %add3A_648 = arith.addf %add3A_532, %mul3A_647 : vector<16xf32>
        %add3A_649 = arith.constant 320 : i32
        %add3A_650 = arith.addi %add3A_649, %add3A_592 : i32
        %get3A_651 = arith.index_cast %add3A_650 : i32 to index
        %get3A_652 = arith.constant 64 : index
        %get3A_653 = tpu.vector_load %arg10[%get3A_651, %get3A_652] {strides = array<i32>} : memref<640x128xf32, #tpu.memory_space<vmem>>, vector<1x16xf32>,
        %get3A_654 = vector.shape_cast %get3A_653 : vector<1x16xf32> to vector<16xf32>
        %add3A_655 = arith.constant 400 : i32
        %add3A_656 = arith.addi %add3A_655, %add3A_592 : i32
        %get3A_657 = arith.index_cast %add3A_656 : i32 to index
        %get3A_658 = arith.constant 64 : index
        %get3A_659 = tpu.vector_load %arg10[%get3A_657, %get3A_658] {strides = array<i32>} : memref<640x128xf32, #tpu.memory_space<vmem>>, vector<1x16xf32>,
        %get3A_660 = vector.shape_cast %get3A_659 : vector<1x16xf32> to vector<16xf32>
        %mul3A_661 = arith.mulf %get3A_654, %get3A_660 : vector<16xf32>
        %add3A_662 = arith.addf %add3A_546, %mul3A_661 : vector<16xf32>
        %add3A_663 = arith.constant 320 : i32
        %add3A_664 = arith.addi %add3A_663, %add3A_592 : i32
        %get3A_665 = arith.index_cast %add3A_664 : i32 to index
        %get3A_666 = arith.constant 80 : index
        %get3A_667 = tpu.vector_load %arg10[%get3A_665, %get3A_666] {strides = array<i32>} : memref<640x128xf32, #tpu.memory_space<vmem>>, vector<1x16xf32>,
        %get3A_668 = vector.shape_cast %get3A_667 : vector<1x16xf32> to vector<16xf32>
        %add3A_669 = arith.constant 400 : i32
        %add3A_670 = arith.addi %add3A_669, %add3A_592 : i32
        %get3A_671 = arith.index_cast %add3A_670 : i32 to index
        %get3A_672 = arith.constant 80 : index
        %get3A_673 = tpu.vector_load %arg10[%get3A_671, %get3A_672] {strides = array<i32>} : memref<640x128xf32, #tpu.memory_space<vmem>>, vector<1x16xf32>,
        %get3A_674 = vector.shape_cast %get3A_673 : vector<1x16xf32> to vector<16xf32>
        %mul3A_675 = arith.mulf %get3A_668, %get3A_674 : vector<16xf32>
        %add3A_676 = arith.addf %add3A_560, %mul3A_675 : vector<16xf32>
        %add3A_677 = arith.constant 320 : i32
        %add3A_678 = arith.addi %add3A_677, %add3A_592 : i32
        %get3A_679 = arith.index_cast %add3A_678 : i32 to index
        %get3A_680 = arith.constant 96 : index
        %get3A_681 = tpu.vector_load %arg10[%get3A_679, %get3A_680] {strides = array<i32>} : memref<640x128xf32, #tpu.memory_space<vmem>>, vector<1x16xf32>,
        %get3A_682 = vector.shape_cast %get3A_681 : vector<1x16xf32> to vector<16xf32>
        %add3A_683 = arith.constant 400 : i32
        %add3A_684 = arith.addi %add3A_683, %add3A_592 : i32
        %get3A_685 = arith.index_cast %add3A_684 : i32 to index
        %get3A_686 = arith.constant 96 : index
        %get3A_687 = tpu.vector_load %arg10[%get3A_685, %get3A_686] {strides = array<i32>} : memref<640x128xf32, #tpu.memory_space<vmem>>, vector<1x16xf32>,
        %get3A_688 = vector.shape_cast %get3A_687 : vector<1x16xf32> to vector<16xf32>
        %mul3A_689 = arith.mulf %get3A_682, %get3A_688 : vector<16xf32>
        %add3A_690 = arith.addf %add3A_574, %mul3A_689 : vector<16xf32>
        %add3A_691 = arith.constant 320 : i32
        %add3A_692 = arith.addi %add3A_691, %add3A_592 : i32
        %get3A_693 = arith.index_cast %add3A_692 : i32 to index
        %get3A_694 = arith.constant 112 : index
        %get3A_695 = tpu.vector_load %arg10[%get3A_693, %get3A_694] {strides = array<i32>} : memref<640x128xf32, #tpu.memory_space<vmem>>, vector<1x16xf32>,
        %get3A_696 = vector.shape_cast %get3A_695 : vector<1x16xf32> to vector<16xf32>
        %add3A_697 = arith.constant 400 : i32
        %add3A_698 = arith.addi %add3A_697, %add3A_592 : i32
        %get3A_699 = arith.index_cast %add3A_698 : i32 to index
        %get3A_700 = arith.constant 112 : index
        %get3A_701 = tpu.vector_load %arg10[%get3A_699, %get3A_700] {strides = array<i32>} : memref<640x128xf32, #tpu.memory_space<vmem>>, vector<1x16xf32>,
        %get3A_702 = vector.shape_cast %get3A_701 : vector<1x16xf32> to vector<16xf32>
        %mul3A_703 = arith.mulf %get3A_696, %get3A_702 : vector<16xf32>
        %add3A_704 = arith.addf %add3A_588, %mul3A_703 : vector<16xf32>
        %mul3A_705 = arith.constant 4 : i32
        %mul3A_706 = arith.muli %scan3A_465, %mul3A_705 : i32
        %add3A_707 = arith.constant 2 : i32
        %add3A_708 = arith.addi %mul3A_706, %add3A_707 : i32
        %add3A_709 = arith.constant 320 : i32
        %add3A_710 = arith.addi %add3A_709, %add3A_708 : i32
        %get3A_711 = arith.index_cast %add3A_710 : i32 to index
        %get3A_712 = arith.constant 0 : index
        %get3A_713 = tpu.vector_load %arg10[%get3A_711, %get3A_712] {strides = array<i32>} : memref<640x128xf32, #tpu.memory_space<vmem>>, vector<1x16xf32>,
        %get3A_714 = vector.shape_cast %get3A_713 : vector<1x16xf32> to vector<16xf32>
        %add3A_715 = arith.constant 400 : i32
        %add3A_716 = arith.addi %add3A_715, %add3A_708 : i32
        %get3A_717 = arith.index_cast %add3A_716 : i32 to index
        %get3A_718 = arith.constant 0 : index
        %get3A_719 = tpu.vector_load %arg10[%get3A_717, %get3A_718] {strides = array<i32>} : memref<640x128xf32, #tpu.memory_space<vmem>>, vector<1x16xf32>,
        %get3A_720 = vector.shape_cast %get3A_719 : vector<1x16xf32> to vector<16xf32>
        %mul3A_721 = arith.mulf %get3A_714, %get3A_720 : vector<16xf32>
        %add3A_722 = arith.addf %add3A_606, %mul3A_721 : vector<16xf32>
        %add3A_723 = arith.constant 320 : i32
        %add3A_724 = arith.addi %add3A_723, %add3A_708 : i32
        %get3A_725 = arith.index_cast %add3A_724 : i32 to index
        %get3A_726 = arith.constant 16 : index
        %get3A_727 = tpu.vector_load %arg10[%get3A_725, %get3A_726] {strides = array<i32>} : memref<640x128xf32, #tpu.memory_space<vmem>>, vector<1x16xf32>,
        %get3A_728 = vector.shape_cast %get3A_727 : vector<1x16xf32> to vector<16xf32>
        %add3A_729 = arith.constant 400 : i32
        %add3A_730 = arith.addi %add3A_729, %add3A_708 : i32
        %get3A_731 = arith.index_cast %add3A_730 : i32 to index
        %get3A_732 = arith.constant 16 : index
        %get3A_733 = tpu.vector_load %arg10[%get3A_731, %get3A_732] {strides = array<i32>} : memref<640x128xf32, #tpu.memory_space<vmem>>, vector<1x16xf32>,
        %get3A_734 = vector.shape_cast %get3A_733 : vector<1x16xf32> to vector<16xf32>
        %mul3A_735 = arith.mulf %get3A_728, %get3A_734 : vector<16xf32>
        %add3A_736 = arith.addf %add3A_620, %mul3A_735 : vector<16xf32>
        %add3A_737 = arith.constant 320 : i32
        %add3A_738 = arith.addi %add3A_737, %add3A_708 : i32
        %get3A_739 = arith.index_cast %add3A_738 : i32 to index
        %get3A_740 = arith.constant 32 : index
        %get3A_741 = tpu.vector_load %arg10[%get3A_739, %get3A_740] {strides = array<i32>} : memref<640x128xf32, #tpu.memory_space<vmem>>, vector<1x16xf32>,
        %get3A_742 = vector.shape_cast %get3A_741 : vector<1x16xf32> to vector<16xf32>
        %add3A_743 = arith.constant 400 : i32
        %add3A_744 = arith.addi %add3A_743, %add3A_708 : i32
        %get3A_745 = arith.index_cast %add3A_744 : i32 to index
        %get3A_746 = arith.constant 32 : index
        %get3A_747 = tpu.vector_load %arg10[%get3A_745, %get3A_746] {strides = array<i32>} : memref<640x128xf32, #tpu.memory_space<vmem>>, vector<1x16xf32>,
        %get3A_748 = vector.shape_cast %get3A_747 : vector<1x16xf32> to vector<16xf32>
        %mul3A_749 = arith.mulf %get3A_742, %get3A_748 : vector<16xf32>
        %add3A_750 = arith.addf %add3A_634, %mul3A_749 : vector<16xf32>
        %add3A_751 = arith.constant 320 : i32
        %add3A_752 = arith.addi %add3A_751, %add3A_708 : i32
        %get3A_753 = arith.index_cast %add3A_752 : i32 to index
        %get3A_754 = arith.constant 48 : index
        %get3A_755 = tpu.vector_load %arg10[%get3A_753, %get3A_754] {strides = array<i32>} : memref<640x128xf32, #tpu.memory_space<vmem>>, vector<1x16xf32>,
        %get3A_756 = vector.shape_cast %get3A_755 : vector<1x16xf32> to vector<16xf32>
        %add3A_757 = arith.constant 400 : i32
        %add3A_758 = arith.addi %add3A_757, %add3A_708 : i32
        %get3A_759 = arith.index_cast %add3A_758 : i32 to index
        %get3A_760 = arith.constant 48 : index
        %get3A_761 = tpu.vector_load %arg10[%get3A_759, %get3A_760] {strides = array<i32>} : memref<640x128xf32, #tpu.memory_space<vmem>>, vector<1x16xf32>,
        %get3A_762 = vector.shape_cast %get3A_761 : vector<1x16xf32> to vector<16xf32>
        %mul3A_763 = arith.mulf %get3A_756, %get3A_762 : vector<16xf32>
        %add3A_764 = arith.addf %add3A_648, %mul3A_763 : vector<16xf32>
        %add3A_765 = arith.constant 320 : i32
        %add3A_766 = arith.addi %add3A_765, %add3A_708 : i32
        %get3A_767 = arith.index_cast %add3A_766 : i32 to index
        %get3A_768 = arith.constant 64 : index
        %get3A_769 = tpu.vector_load %arg10[%get3A_767, %get3A_768] {strides = array<i32>} : memref<640x128xf32, #tpu.memory_space<vmem>>, vector<1x16xf32>,
        %get3A_770 = vector.shape_cast %get3A_769 : vector<1x16xf32> to vector<16xf32>
        %add3A_771 = arith.constant 400 : i32
        %add3A_772 = arith.addi %add3A_771, %add3A_708 : i32
        %get3A_773 = arith.index_cast %add3A_772 : i32 to index
        %get3A_774 = arith.constant 64 : index
        %get3A_775 = tpu.vector_load %arg10[%get3A_773, %get3A_774] {strides = array<i32>} : memref<640x128xf32, #tpu.memory_space<vmem>>, vector<1x16xf32>,
        %get3A_776 = vector.shape_cast %get3A_775 : vector<1x16xf32> to vector<16xf32>
        %mul3A_777 = arith.mulf %get3A_770, %get3A_776 : vector<16xf32>
        %add3A_778 = arith.addf %add3A_662, %mul3A_777 : vector<16xf32>
        %add3A_779 = arith.constant 320 : i32
        %add3A_780 = arith.addi %add3A_779, %add3A_708 : i32
        %get3A_781 = arith.index_cast %add3A_780 : i32 to index
        %get3A_782 = arith.constant 80 : index
        %get3A_783 = tpu.vector_load %arg10[%get3A_781, %get3A_782] {strides = array<i32>} : memref<640x128xf32, #tpu.memory_space<vmem>>, vector<1x16xf32>,
        %get3A_784 = vector.shape_cast %get3A_783 : vector<1x16xf32> to vector<16xf32>
        %add3A_785 = arith.constant 400 : i32
        %add3A_786 = arith.addi %add3A_785, %add3A_708 : i32
        %get3A_787 = arith.index_cast %add3A_786 : i32 to index
        %get3A_788 = arith.constant 80 : index
        %get3A_789 = tpu.vector_load %arg10[%get3A_787, %get3A_788] {strides = array<i32>} : memref<640x128xf32, #tpu.memory_space<vmem>>, vector<1x16xf32>,
        %get3A_790 = vector.shape_cast %get3A_789 : vector<1x16xf32> to vector<16xf32>
        %mul3A_791 = arith.mulf %get3A_784, %get3A_790 : vector<16xf32>
        %add3A_792 = arith.addf %add3A_676, %mul3A_791 : vector<16xf32>
        %add3A_793 = arith.constant 320 : i32
        %add3A_794 = arith.addi %add3A_793, %add3A_708 : i32
        %get3A_795 = arith.index_cast %add3A_794 : i32 to index
        %get3A_796 = arith.constant 96 : index
        %get3A_797 = tpu.vector_load %arg10[%get3A_795, %get3A_796] {strides = array<i32>} : memref<640x128xf32, #tpu.memory_space<vmem>>, vector<1x16xf32>,
        %get3A_798 = vector.shape_cast %get3A_797 : vector<1x16xf32> to vector<16xf32>
        %add3A_799 = arith.constant 400 : i32
        %add3A_800 = arith.addi %add3A_799, %add3A_708 : i32
        %get3A_801 = arith.index_cast %add3A_800 : i32 to index
        %get3A_802 = arith.constant 96 : index
        %get3A_803 = tpu.vector_load %arg10[%get3A_801, %get3A_802] {strides = array<i32>} : memref<640x128xf32, #tpu.memory_space<vmem>>, vector<1x16xf32>,
        %get3A_804 = vector.shape_cast %get3A_803 : vector<1x16xf32> to vector<16xf32>
        %mul3A_805 = arith.mulf %get3A_798, %get3A_804 : vector<16xf32>
        %add3A_806 = arith.addf %add3A_690, %mul3A_805 : vector<16xf32>
        %add3A_807 = arith.constant 320 : i32
        %add3A_808 = arith.addi %add3A_807, %add3A_708 : i32
        %get3A_809 = arith.index_cast %add3A_808 : i32 to index
        %get3A_810 = arith.constant 112 : index
        %get3A_811 = tpu.vector_load %arg10[%get3A_809, %get3A_810] {strides = array<i32>} : memref<640x128xf32, #tpu.memory_space<vmem>>, vector<1x16xf32>,
        %get3A_812 = vector.shape_cast %get3A_811 : vector<1x16xf32> to vector<16xf32>
        %add3A_813 = arith.constant 400 : i32
        %add3A_814 = arith.addi %add3A_813, %add3A_708 : i32
        %get3A_815 = arith.index_cast %add3A_814 : i32 to index
        %get3A_816 = arith.constant 112 : index
        %get3A_817 = tpu.vector_load %arg10[%get3A_815, %get3A_816] {strides = array<i32>} : memref<640x128xf32, #tpu.memory_space<vmem>>, vector<1x16xf32>,
        %get3A_818 = vector.shape_cast %get3A_817 : vector<1x16xf32> to vector<16xf32>
        %mul3A_819 = arith.mulf %get3A_812, %get3A_818 : vector<16xf32>
        %add3A_820 = arith.addf %add3A_704, %mul3A_819 : vector<16xf32>
        %mul3A_821 = arith.constant 4 : i32
        %mul3A_822 = arith.muli %scan3A_465, %mul3A_821 : i32
        %add3A_823 = arith.constant 3 : i32
        %add3A_824 = arith.addi %mul3A_822, %add3A_823 : i32
        %add3A_825 = arith.constant 320 : i32
        %add3A_826 = arith.addi %add3A_825, %add3A_824 : i32
        %get3A_827 = arith.index_cast %add3A_826 : i32 to index
        %get3A_828 = arith.constant 0 : index
        %get3A_829 = tpu.vector_load %arg10[%get3A_827, %get3A_828] {strides = array<i32>} : memref<640x128xf32, #tpu.memory_space<vmem>>, vector<1x16xf32>,
        %get3A_830 = vector.shape_cast %get3A_829 : vector<1x16xf32> to vector<16xf32>
        %add3A_831 = arith.constant 400 : i32
        %add3A_832 = arith.addi %add3A_831, %add3A_824 : i32
        %get3A_833 = arith.index_cast %add3A_832 : i32 to index
        %get3A_834 = arith.constant 0 : index
        %get3A_835 = tpu.vector_load %arg10[%get3A_833, %get3A_834] {strides = array<i32>} : memref<640x128xf32, #tpu.memory_space<vmem>>, vector<1x16xf32>,
        %get3A_836 = vector.shape_cast %get3A_835 : vector<1x16xf32> to vector<16xf32>
        %mul3A_837 = arith.mulf %get3A_830, %get3A_836 : vector<16xf32>
        %add3A_838 = arith.addf %add3A_722, %mul3A_837 : vector<16xf32>
        %add3A_839 = arith.constant 320 : i32
        %add3A_840 = arith.addi %add3A_839, %add3A_824 : i32
        %get3A_841 = arith.index_cast %add3A_840 : i32 to index
        %get3A_842 = arith.constant 16 : index
        %get3A_843 = tpu.vector_load %arg10[%get3A_841, %get3A_842] {strides = array<i32>} : memref<640x128xf32, #tpu.memory_space<vmem>>, vector<1x16xf32>,
        %get3A_844 = vector.shape_cast %get3A_843 : vector<1x16xf32> to vector<16xf32>
        %add3A_845 = arith.constant 400 : i32
        %add3A_846 = arith.addi %add3A_845, %add3A_824 : i32
        %get3A_847 = arith.index_cast %add3A_846 : i32 to index
        %get3A_848 = arith.constant 16 : index
        %get3A_849 = tpu.vector_load %arg10[%get3A_847, %get3A_848] {strides = array<i32>} : memref<640x128xf32, #tpu.memory_space<vmem>>, vector<1x16xf32>,
        %get3A_850 = vector.shape_cast %get3A_849 : vector<1x16xf32> to vector<16xf32>
        %mul3A_851 = arith.mulf %get3A_844, %get3A_850 : vector<16xf32>
        %add3A_852 = arith.addf %add3A_736, %mul3A_851 : vector<16xf32>
        %add3A_853 = arith.constant 320 : i32
        %add3A_854 = arith.addi %add3A_853, %add3A_824 : i32
        %get3A_855 = arith.index_cast %add3A_854 : i32 to index
        %get3A_856 = arith.constant 32 : index
        %get3A_857 = tpu.vector_load %arg10[%get3A_855, %get3A_856] {strides = array<i32>} : memref<640x128xf32, #tpu.memory_space<vmem>>, vector<1x16xf32>,
        %get3A_858 = vector.shape_cast %get3A_857 : vector<1x16xf32> to vector<16xf32>
        %add3A_859 = arith.constant 400 : i32
        %add3A_860 = arith.addi %add3A_859, %add3A_824 : i32
        %get3A_861 = arith.index_cast %add3A_860 : i32 to index
        %get3A_862 = arith.constant 32 : index
        %get3A_863 = tpu.vector_load %arg10[%get3A_861, %get3A_862] {strides = array<i32>} : memref<640x128xf32, #tpu.memory_space<vmem>>, vector<1x16xf32>,
        %get3A_864 = vector.shape_cast %get3A_863 : vector<1x16xf32> to vector<16xf32>
        %mul3A_865 = arith.mulf %get3A_858, %get3A_864 : vector<16xf32>
        %add3A_866 = arith.addf %add3A_750, %mul3A_865 : vector<16xf32>
        %add3A_867 = arith.constant 320 : i32
        %add3A_868 = arith.addi %add3A_867, %add3A_824 : i32
        %get3A_869 = arith.index_cast %add3A_868 : i32 to index
        %get3A_870 = arith.constant 48 : index
        %get3A_871 = tpu.vector_load %arg10[%get3A_869, %get3A_870] {strides = array<i32>} : memref<640x128xf32, #tpu.memory_space<vmem>>, vector<1x16xf32>,
        %get3A_872 = vector.shape_cast %get3A_871 : vector<1x16xf32> to vector<16xf32>
        %add3A_873 = arith.constant 400 : i32
        %add3A_874 = arith.addi %add3A_873, %add3A_824 : i32
        %get3A_875 = arith.index_cast %add3A_874 : i32 to index
        %get3A_876 = arith.constant 48 : index
        %get3A_877 = tpu.vector_load %arg10[%get3A_875, %get3A_876] {strides = array<i32>} : memref<640x128xf32, #tpu.memory_space<vmem>>, vector<1x16xf32>,
        %get3A_878 = vector.shape_cast %get3A_877 : vector<1x16xf32> to vector<16xf32>
        %mul3A_879 = arith.mulf %get3A_872, %get3A_878 : vector<16xf32>
        %add3A_880 = arith.addf %add3A_764, %mul3A_879 : vector<16xf32>
        %add3A_881 = arith.constant 320 : i32
        %add3A_882 = arith.addi %add3A_881, %add3A_824 : i32
        %get3A_883 = arith.index_cast %add3A_882 : i32 to index
        %get3A_884 = arith.constant 64 : index
        %get3A_885 = tpu.vector_load %arg10[%get3A_883, %get3A_884] {strides = array<i32>} : memref<640x128xf32, #tpu.memory_space<vmem>>, vector<1x16xf32>,
        %get3A_886 = vector.shape_cast %get3A_885 : vector<1x16xf32> to vector<16xf32>
        %add3A_887 = arith.constant 400 : i32
        %add3A_888 = arith.addi %add3A_887, %add3A_824 : i32
        %get3A_889 = arith.index_cast %add3A_888 : i32 to index
        %get3A_890 = arith.constant 64 : index
        %get3A_891 = tpu.vector_load %arg10[%get3A_889, %get3A_890] {strides = array<i32>} : memref<640x128xf32, #tpu.memory_space<vmem>>, vector<1x16xf32>,
        %get3A_892 = vector.shape_cast %get3A_891 : vector<1x16xf32> to vector<16xf32>
        %mul3A_893 = arith.mulf %get3A_886, %get3A_892 : vector<16xf32>
        %add3A_894 = arith.addf %add3A_778, %mul3A_893 : vector<16xf32>
        %add3A_895 = arith.constant 320 : i32
        %add3A_896 = arith.addi %add3A_895, %add3A_824 : i32
        %get3A_897 = arith.index_cast %add3A_896 : i32 to index
        %get3A_898 = arith.constant 80 : index
        %get3A_899 = tpu.vector_load %arg10[%get3A_897, %get3A_898] {strides = array<i32>} : memref<640x128xf32, #tpu.memory_space<vmem>>, vector<1x16xf32>,
        %get3A_900 = vector.shape_cast %get3A_899 : vector<1x16xf32> to vector<16xf32>
        %add3A_901 = arith.constant 400 : i32
        %add3A_902 = arith.addi %add3A_901, %add3A_824 : i32
        %get3A_903 = arith.index_cast %add3A_902 : i32 to index
        %get3A_904 = arith.constant 80 : index
        %get3A_905 = tpu.vector_load %arg10[%get3A_903, %get3A_904] {strides = array<i32>} : memref<640x128xf32, #tpu.memory_space<vmem>>, vector<1x16xf32>,
        %get3A_906 = vector.shape_cast %get3A_905 : vector<1x16xf32> to vector<16xf32>
        %mul3A_907 = arith.mulf %get3A_900, %get3A_906 : vector<16xf32>
        %add3A_908 = arith.addf %add3A_792, %mul3A_907 : vector<16xf32>
        %add3A_909 = arith.constant 320 : i32
        %add3A_910 = arith.addi %add3A_909, %add3A_824 : i32
        %get3A_911 = arith.index_cast %add3A_910 : i32 to index
        %get3A_912 = arith.constant 96 : index
        %get3A_913 = tpu.vector_load %arg10[%get3A_911, %get3A_912] {strides = array<i32>} : memref<640x128xf32, #tpu.memory_space<vmem>>, vector<1x16xf32>,
        %get3A_914 = vector.shape_cast %get3A_913 : vector<1x16xf32> to vector<16xf32>
        %add3A_915 = arith.constant 400 : i32
        %add3A_916 = arith.addi %add3A_915, %add3A_824 : i32
        %get3A_917 = arith.index_cast %add3A_916 : i32 to index
        %get3A_918 = arith.constant 96 : index
        %get3A_919 = tpu.vector_load %arg10[%get3A_917, %get3A_918] {strides = array<i32>} : memref<640x128xf32, #tpu.memory_space<vmem>>, vector<1x16xf32>,
        %get3A_920 = vector.shape_cast %get3A_919 : vector<1x16xf32> to vector<16xf32>
        %mul3A_921 = arith.mulf %get3A_914, %get3A_920 : vector<16xf32>
        %add3A_922 = arith.addf %add3A_806, %mul3A_921 : vector<16xf32>
        %add3A_923 = arith.constant 320 : i32
        %add3A_924 = arith.addi %add3A_923, %add3A_824 : i32
        %get3A_925 = arith.index_cast %add3A_924 : i32 to index
        %get3A_926 = arith.constant 112 : index
        %get3A_927 = tpu.vector_load %arg10[%get3A_925, %get3A_926] {strides = array<i32>} : memref<640x128xf32, #tpu.memory_space<vmem>>, vector<1x16xf32>,
        %get3A_928 = vector.shape_cast %get3A_927 : vector<1x16xf32> to vector<16xf32>
        %add3A_929 = arith.constant 400 : i32
        %add3A_930 = arith.addi %add3A_929, %add3A_824 : i32
        %get3A_931 = arith.index_cast %add3A_930 : i32 to index
        %get3A_932 = arith.constant 112 : index
        %get3A_933 = tpu.vector_load %arg10[%get3A_931, %get3A_932] {strides = array<i32>} : memref<640x128xf32, #tpu.memory_space<vmem>>, vector<1x16xf32>,
        %get3A_934 = vector.shape_cast %get3A_933 : vector<1x16xf32> to vector<16xf32>
        %mul3A_935 = arith.mulf %get3A_928, %get3A_934 : vector<16xf32>
        %add3A_936 = arith.addf %add3A_820, %mul3A_935 : vector<16xf32>
        scf.yield %add3A_838, %add3A_852, %add3A_866, %add3A_880, %add3A_894, %add3A_908, %add3A_922, %add3A_936 : vector<16xf32>, vector<16xf32>, vector<16xf32>, vector<16xf32>, vector<16xf32>, vector<16xf32>, vector<16xf32>, vector<16xf32>
      }
      %scan3A_365 = arith.constant 20 : i32
      %jit3A_366 = arith.constant 10 : i32
      %eq3A_367 = arith.constant 0 : i32
      %eq3A_368 = arith.cmpi eq, %jit3A_366, %eq3A_367 : i32
      %jit3A_369 = arith.constant 1 : i32
      %select_n3A_370 = arith.select %eq3A_368, %jit3A_369, %jit3A_366 : i32
      %rem3A_371 = arith.remsi %add3A_328, %select_n3A_370 : i32
      %ne3A_372 = arith.constant 0 : i32
      %ne3A_373 = arith.cmpi ne, %rem3A_371, %ne3A_372 : i32
      %lt3A_374 = arith.constant 0 : i32
      %lt3A_375 = arith.cmpi slt, %rem3A_371, %lt3A_374 : i32
      %lt3A_376 = arith.constant 0 : i32
      %lt3A_377 = arith.cmpi slt, %select_n3A_370, %lt3A_376 : i32
      %ne3A_378 = arith.xori %lt3A_375, %lt3A_377 : i1
      %and3A_379 = arith.andi %ne3A_378, %ne3A_373 : i1
      %add3A_380 = arith.addi %rem3A_371, %select_n3A_370 : i32
      %select_n3A_381 = arith.select %and3A_379, %add3A_380, %rem3A_371 : i32
      %eq3A_382 = arith.constant 9 : i32
      %eq3A_383 = arith.cmpi eq, %select_n3A_381, %eq3A_382 : i32
      %convert_element_type3A_384 = arith.extui %eq3A_383 : i1 to i32
      %cond3A_385 = arith.constant 0 : i32
      %cond3A_386 = arith.cmpi ne, %convert_element_type3A_384, %cond3A_385 : i32
      scf.if %cond3A_386 {
        %jit3A_465 = arith.constant 10 : i32
        %div3A = arith.divsi %add3A_328, %jit3A_465 : i32
        %sign3A = arith.constant 0 : i32
        %sign3A_466 = arith.cmpi sgt, %add3A_328, %sign3A : i32
        %sign3A_467 = arith.extui %sign3A_466 : i1 to i32
        %sign3A_468 = arith.constant 0 : i32
        %sign3A_469 = arith.cmpi slt, %add3A_328, %sign3A_468 : i32
        %sign3A_470 = arith.extui %sign3A_469 : i1 to i32
        %sign3A_471 = arith.subi %sign3A_467, %sign3A_470 : i32
        %sign3A_472 = arith.constant 0 : i32
        %sign3A_473 = arith.cmpi sgt, %jit3A_465, %sign3A_472 : i32
        %sign3A_474 = arith.extui %sign3A_473 : i1 to i32
        %sign3A_475 = arith.constant 0 : i32
        %sign3A_476 = arith.cmpi slt, %jit3A_465, %sign3A_475 : i32
        %sign3A_477 = arith.extui %sign3A_476 : i1 to i32
        %sign3A_478 = arith.subi %sign3A_474, %sign3A_477 : i32
        %ne3A_479 = arith.cmpi ne, %sign3A_471, %sign3A_478 : i32
        %rem3A_480 = arith.remsi %add3A_328, %jit3A_465 : i32
        %ne3A_481 = arith.constant 0 : i32
        %ne3A_482 = arith.cmpi ne, %rem3A_480, %ne3A_481 : i32
        %and3A_483 = arith.andi %ne3A_479, %ne3A_482 : i1
        %sub3A = arith.constant 1 : i32
        %sub3A_484 = arith.subi %div3A, %sub3A : i32
        %select_n3A_485 = arith.select %and3A_483, %sub3A_484, %div3A : i32
        %swap3A = arith.index_cast %select_n3A_485 : i32 to index
        %swap3A_486 = arith.constant 0 : index
        %swap3A_487 = tpu.vector_load %arg11[%swap3A, %swap3A_486] {strides = array<i32>} : memref<22x128xf32, #tpu.memory_space<vmem>>, vector<1x16xf32>,
        %swap3A_488 = vector.shape_cast %swap3A_487 : vector<1x16xf32> to vector<16xf32>
        %swap3A_489 = vector.shape_cast %scan3A_364#0 : vector<16xf32> to vector<1x16xf32>
        tpu.vector_store %arg11[%swap3A, %swap3A_486], %swap3A_489 {strides = array<i32>} : memref<22x128xf32, #tpu.memory_space<vmem>>, vector<1x16xf32>,
        %swap3A_490 = arith.index_cast %select_n3A_485 : i32 to index
        %swap3A_491 = arith.constant 16 : index
        %swap3A_492 = tpu.vector_load %arg11[%swap3A_490, %swap3A_491] {strides = array<i32>} : memref<22x128xf32, #tpu.memory_space<vmem>>, vector<1x16xf32>,
        %swap3A_493 = vector.shape_cast %swap3A_492 : vector<1x16xf32> to vector<16xf32>
        %swap3A_494 = vector.shape_cast %scan3A_364#1 : vector<16xf32> to vector<1x16xf32>
        tpu.vector_store %arg11[%swap3A_490, %swap3A_491], %swap3A_494 {strides = array<i32>} : memref<22x128xf32, #tpu.memory_space<vmem>>, vector<1x16xf32>,
        %swap3A_495 = arith.index_cast %select_n3A_485 : i32 to index
        %swap3A_496 = arith.constant 32 : index
        %swap3A_497 = tpu.vector_load %arg11[%swap3A_495, %swap3A_496] {strides = array<i32>} : memref<22x128xf32, #tpu.memory_space<vmem>>, vector<1x16xf32>,
        %swap3A_498 = vector.shape_cast %swap3A_497 : vector<1x16xf32> to vector<16xf32>
        %swap3A_499 = vector.shape_cast %scan3A_364#2 : vector<16xf32> to vector<1x16xf32>
        tpu.vector_store %arg11[%swap3A_495, %swap3A_496], %swap3A_499 {strides = array<i32>} : memref<22x128xf32, #tpu.memory_space<vmem>>, vector<1x16xf32>,
        %swap3A_500 = arith.index_cast %select_n3A_485 : i32 to index
        %swap3A_501 = arith.constant 48 : index
        %swap3A_502 = tpu.vector_load %arg11[%swap3A_500, %swap3A_501] {strides = array<i32>} : memref<22x128xf32, #tpu.memory_space<vmem>>, vector<1x16xf32>,
        %swap3A_503 = vector.shape_cast %swap3A_502 : vector<1x16xf32> to vector<16xf32>
        %swap3A_504 = vector.shape_cast %scan3A_364#3 : vector<16xf32> to vector<1x16xf32>
        tpu.vector_store %arg11[%swap3A_500, %swap3A_501], %swap3A_504 {strides = array<i32>} : memref<22x128xf32, #tpu.memory_space<vmem>>, vector<1x16xf32>,
        %swap3A_505 = arith.index_cast %select_n3A_485 : i32 to index
        %swap3A_506 = arith.constant 64 : index
        %swap3A_507 = tpu.vector_load %arg11[%swap3A_505, %swap3A_506] {strides = array<i32>} : memref<22x128xf32, #tpu.memory_space<vmem>>, vector<1x16xf32>,
        %swap3A_508 = vector.shape_cast %swap3A_507 : vector<1x16xf32> to vector<16xf32>
        %swap3A_509 = vector.shape_cast %scan3A_364#4 : vector<16xf32> to vector<1x16xf32>
        tpu.vector_store %arg11[%swap3A_505, %swap3A_506], %swap3A_509 {strides = array<i32>} : memref<22x128xf32, #tpu.memory_space<vmem>>, vector<1x16xf32>,
        %swap3A_510 = arith.index_cast %select_n3A_485 : i32 to index
        %swap3A_511 = arith.constant 80 : index
        %swap3A_512 = tpu.vector_load %arg11[%swap3A_510, %swap3A_511] {strides = array<i32>} : memref<22x128xf32, #tpu.memory_space<vmem>>, vector<1x16xf32>,
        %swap3A_513 = vector.shape_cast %swap3A_512 : vector<1x16xf32> to vector<16xf32>
        %swap3A_514 = vector.shape_cast %scan3A_364#5 : vector<16xf32> to vector<1x16xf32>
        tpu.vector_store %arg11[%swap3A_510, %swap3A_511], %swap3A_514 {strides = array<i32>} : memref<22x128xf32, #tpu.memory_space<vmem>>, vector<1x16xf32>,
        %swap3A_515 = arith.index_cast %select_n3A_485 : i32 to index
        %swap3A_516 = arith.constant 96 : index
        %swap3A_517 = tpu.vector_load %arg11[%swap3A_515, %swap3A_516] {strides = array<i32>} : memref<22x128xf32, #tpu.memory_space<vmem>>, vector<1x16xf32>,
        %swap3A_518 = vector.shape_cast %swap3A_517 : vector<1x16xf32> to vector<16xf32>
        %swap3A_519 = vector.shape_cast %scan3A_364#6 : vector<16xf32> to vector<1x16xf32>
        tpu.vector_store %arg11[%swap3A_515, %swap3A_516], %swap3A_519 {strides = array<i32>} : memref<22x128xf32, #tpu.memory_space<vmem>>, vector<1x16xf32>,
        %swap3A_520 = arith.index_cast %select_n3A_485 : i32 to index
        %swap3A_521 = arith.constant 112 : index
        %swap3A_522 = tpu.vector_load %arg11[%swap3A_520, %swap3A_521] {strides = array<i32>} : memref<22x128xf32, #tpu.memory_space<vmem>>, vector<1x16xf32>,
        %swap3A_523 = vector.shape_cast %swap3A_522 : vector<1x16xf32> to vector<16xf32>
        %swap3A_524 = vector.shape_cast %scan3A_364#7 : vector<16xf32> to vector<1x16xf32>
        tpu.vector_store %arg11[%swap3A_520, %swap3A_521], %swap3A_524 {strides = array<i32>} : memref<22x128xf32, #tpu.memory_space<vmem>>, vector<1x16xf32>,
      } else {
      }
      %select_n3A_387 = arith.select %eq3A_383, %broadcast_in_dim3A_17, %scan3A_364#0 : vector<16xf32>
      %select_n3A_388 = arith.select %eq3A_383, %broadcast_in_dim3A_17, %scan3A_364#1 : vector<16xf32>
      %select_n3A_389 = arith.select %eq3A_383, %broadcast_in_dim3A_17, %scan3A_364#2 : vector<16xf32>
      %select_n3A_390 = arith.select %eq3A_383, %broadcast_in_dim3A_17, %scan3A_364#3 : vector<16xf32>
      %select_n3A_391 = arith.select %eq3A_383, %broadcast_in_dim3A_17, %scan3A_364#4 : vector<16xf32>
      %select_n3A_392 = arith.select %eq3A_383, %broadcast_in_dim3A_17, %scan3A_364#5 : vector<16xf32>
      %select_n3A_393 = arith.select %eq3A_383, %broadcast_in_dim3A_17, %scan3A_364#6 : vector<16xf32>
      %select_n3A_394 = arith.select %eq3A_383, %broadcast_in_dim3A_17, %scan3A_364#7 : vector<16xf32>
      %mul3A_395 = arith.constant 4 : i32
      %mul3A_396 = arith.muli %mul3A_395, %scan3A_186 : i32
      %add3A_397 = arith.constant 3 : i32
      %add3A_398 = arith.addi %mul3A_396, %add3A_397 : i32
      %add3A_399 = arith.constant 3 : i32
      %add3A_400 = arith.addi %add3A_398, %add3A_399 : i32
      %lt3A_401 = arith.constant 160 : i32
      %lt3A_402 = arith.cmpi slt, %add3A_400, %lt3A_401 : i32
      %convert_element_type3A_403 = arith.extui %lt3A_402 : i1 to i32
      %cond3A_404 = arith.constant 0 : i32
      %cond3A_405 = arith.cmpi ne, %convert_element_type3A_403, %cond3A_404 : i32
      scf.if %cond3A_405 {
        %add3A_465 = arith.constant 3 : i32
        %add3A_466 = arith.addi %add3A_398, %add3A_465 : i32
        %mul3A_467 = arith.constant 80 : i32
        %mul3A_468 = arith.muli %add3A_466, %mul3A_467 : i32
        %add3A_469 = arith.constant 0 : i32
        %add3A_470 = arith.addi %add3A_469, %mul3A_468 : i32
        %dma_start3A_471 = arith.constant 320 : i32
        %dma_start3A_472 = arith.constant 0 : i32
        %dma_start3A_473 = tpu.memref_slice %arg10[%dma_start3A_471, %dma_start3A_472] : memref<640x128xf32, #tpu.memory_space<vmem>> -> memref<80x128xf32, #tpu.memory_space<vmem>>
        %dma_start3A_474 = tpu.memref_slice %arg9[%add3A_470] : memref<28672xi32, #tpu.memory_space<vmem>> -> memref<80xi32, #tpu.memory_space<vmem>>
        %dma_start3A_475 = arith.constant 0 : i32
        %dma_start3A_476 = arith.constant 0 : i32
        %dma_start3A_477 = tpu.memref_slice %arg3[%dma_start3A_475, %dma_start3A_476] : memref<100000x128xf32, #tpu.memory_space<hbm>> -> memref<100000x128xf32, #tpu.memory_space<hbm>>
        tpu.enqueue_indirect_dma source(%dma_start3A_477 : memref<100000x128xf32, #tpu.memory_space<hbm>>) target(%dma_start3A_473 : memref<80x128xf32, #tpu.memory_space<vmem>>) offsets(%dma_start3A_474 : memref<80xi32, #tpu.memory_space<vmem>>) semaphore(%arg16 : memref<!tpu.dma_semaphore, #tpu.memory_space<semaphore_mem>>)
        %mul3A_478 = arith.constant 80 : i32
        %mul3A_479 = arith.muli %add3A_466, %mul3A_478 : i32
        %add3A_480 = arith.constant 12800 : i32
        %add3A_481 = arith.addi %add3A_480, %mul3A_479 : i32
        %dma_start3A_482 = arith.constant 400 : i32
        %dma_start3A_483 = arith.constant 0 : i32
        %dma_start3A_484 = tpu.memref_slice %arg10[%dma_start3A_482, %dma_start3A_483] : memref<640x128xf32, #tpu.memory_space<vmem>> -> memref<80x128xf32, #tpu.memory_space<vmem>>
        %dma_start3A_485 = tpu.memref_slice %arg9[%add3A_481] : memref<28672xi32, #tpu.memory_space<vmem>> -> memref<80xi32, #tpu.memory_space<vmem>>
        %dma_start3A_486 = arith.constant 0 : i32
        %dma_start3A_487 = arith.constant 0 : i32
        %dma_start3A_488 = tpu.memref_slice %arg4[%dma_start3A_486, %dma_start3A_487] : memref<100000x128xf32, #tpu.memory_space<hbm>> -> memref<100000x128xf32, #tpu.memory_space<hbm>>
        tpu.enqueue_indirect_dma source(%dma_start3A_488 : memref<100000x128xf32, #tpu.memory_space<hbm>>) target(%dma_start3A_484 : memref<80x128xf32, #tpu.memory_space<vmem>>) offsets(%dma_start3A_485 : memref<80xi32, #tpu.memory_space<vmem>>) semaphore(%arg17 : memref<!tpu.dma_semaphore, #tpu.memory_space<semaphore_mem>>)
      } else {
      }
      %dma_wait3A_406 = arith.constant 480 : i32
      %dma_wait3A_407 = arith.constant 0 : i32
      %dma_wait3A_408 = tpu.memref_slice %arg10[%dma_wait3A_406, %dma_wait3A_407] : memref<640x128xf32, #tpu.memory_space<vmem>> -> memref<80x128xf32, #tpu.memory_space<vmem>>
      %dma_wait3A_409 = arith.constant 0 : i32
      %dma_wait3A_410 = arith.constant 0 : i32
      %dma_wait3A_411 = tpu.memref_slice %arg3[%dma_wait3A_409, %dma_wait3A_410] : memref<100000x128xf32, #tpu.memory_space<hbm>> -> memref<80x128xf32, #tpu.memory_space<hbm>>
      %dma_wait3A_412 = arith.constant 480 : i32
      %dma_wait3A_413 = arith.constant 0 : i32
      %dma_wait3A_414 = tpu.memref_slice %arg10[%dma_wait3A_412, %dma_wait3A_413] : memref<640x128xf32, #tpu.memory_space<vmem>> -> memref<80x128xf32, #tpu.memory_space<vmem>>
      %dma_wait3A_415 = arith.constant 0 : i32
      %dma_wait3A_416 = arith.constant 0 : i32
      %dma_wait3A_417 = tpu.memref_slice %arg3[%dma_wait3A_415, %dma_wait3A_416] : memref<100000x128xf32, #tpu.memory_space<hbm>> -> memref<80x128xf32, #tpu.memory_space<hbm>>
      tpu.wait_dma2 semaphore(%arg18 : memref<!tpu.dma_semaphore, #tpu.memory_space<semaphore_mem>>) src(%dma_wait3A_417 : memref<80x128xf32, #tpu.memory_space<hbm>>) dst(%dma_wait3A_414 : memref<80x128xf32, #tpu.memory_space<vmem>>)
      %dma_wait3A_418 = arith.constant 560 : i32
      %dma_wait3A_419 = arith.constant 0 : i32
      %dma_wait3A_420 = tpu.memref_slice %arg10[%dma_wait3A_418, %dma_wait3A_419] : memref<640x128xf32, #tpu.memory_space<vmem>> -> memref<80x128xf32, #tpu.memory_space<vmem>>
      %dma_wait3A_421 = arith.constant 0 : i32
      %dma_wait3A_422 = arith.constant 0 : i32
      %dma_wait3A_423 = tpu.memref_slice %arg3[%dma_wait3A_421, %dma_wait3A_422] : memref<100000x128xf32, #tpu.memory_space<hbm>> -> memref<80x128xf32, #tpu.memory_space<hbm>>
      %dma_wait3A_424 = arith.constant 560 : i32
      %dma_wait3A_425 = arith.constant 0 : i32
      %dma_wait3A_426 = tpu.memref_slice %arg10[%dma_wait3A_424, %dma_wait3A_425] : memref<640x128xf32, #tpu.memory_space<vmem>> -> memref<80x128xf32, #tpu.memory_space<vmem>>
      %dma_wait3A_427 = arith.constant 0 : i32
      %dma_wait3A_428 = arith.constant 0 : i32
      %dma_wait3A_429 = tpu.memref_slice %arg3[%dma_wait3A_427, %dma_wait3A_428] : memref<100000x128xf32, #tpu.memory_space<hbm>> -> memref<80x128xf32, #tpu.memory_space<hbm>>
      tpu.wait_dma2 semaphore(%arg19 : memref<!tpu.dma_semaphore, #tpu.memory_space<semaphore_mem>>) src(%dma_wait3A_429 : memref<80x128xf32, #tpu.memory_space<hbm>>) dst(%dma_wait3A_426 : memref<80x128xf32, #tpu.memory_space<vmem>>)
      %scan3A_430 = arith.constant 0 : i32
      %scan3A_431 = arith.constant 20 : i32
      %scan3A_432 = arith.addi %scan3A_430, %scan3A_431 : i32
      %scan3A_433 = arith.constant 1 : i32
      %scan3A_434:8 = scf.for %scan3A_465 = %scan3A_430 to %scan3A_432 step %scan3A_433 iter_args(%scan3A_466 = %select_n3A_387, %scan3A_467 = %select_n3A_388, %scan3A_468 = %select_n3A_389, %scan3A_469 = %select_n3A_390, %scan3A_470 = %select_n3A_391, %scan3A_471 = %select_n3A_392, %scan3A_472 = %select_n3A_393, %scan3A_473 = %select_n3A_394) -> (vector<16xf32>, vector<16xf32>, vector<16xf32>, vector<16xf32>, vector<16xf32>, vector<16xf32>, vector<16xf32>, vector<16xf32>)  : i32 {
        %mul3A_474 = arith.constant 4 : i32
        %mul3A_475 = arith.muli %scan3A_465, %mul3A_474 : i32
        %add3A_476 = arith.constant 0 : i32
        %add3A_477 = arith.addi %mul3A_475, %add3A_476 : i32
        %add3A_478 = arith.constant 480 : i32
        %add3A_479 = arith.addi %add3A_478, %add3A_477 : i32
        %get3A = arith.index_cast %add3A_479 : i32 to index
        %get3A_480 = arith.constant 0 : index
        %get3A_481 = tpu.vector_load %arg10[%get3A, %get3A_480] {strides = array<i32>} : memref<640x128xf32, #tpu.memory_space<vmem>>, vector<1x16xf32>,
        %get3A_482 = vector.shape_cast %get3A_481 : vector<1x16xf32> to vector<16xf32>
        %add3A_483 = arith.constant 560 : i32
        %add3A_484 = arith.addi %add3A_483, %add3A_477 : i32
        %get3A_485 = arith.index_cast %add3A_484 : i32 to index
        %get3A_486 = arith.constant 0 : index
        %get3A_487 = tpu.vector_load %arg10[%get3A_485, %get3A_486] {strides = array<i32>} : memref<640x128xf32, #tpu.memory_space<vmem>>, vector<1x16xf32>,
        %get3A_488 = vector.shape_cast %get3A_487 : vector<1x16xf32> to vector<16xf32>
        %mul3A_489 = arith.mulf %get3A_482, %get3A_488 : vector<16xf32>
        %add3A_490 = arith.addf %scan3A_466, %mul3A_489 : vector<16xf32>
        %add3A_491 = arith.constant 480 : i32
        %add3A_492 = arith.addi %add3A_491, %add3A_477 : i32
        %get3A_493 = arith.index_cast %add3A_492 : i32 to index
        %get3A_494 = arith.constant 16 : index
        %get3A_495 = tpu.vector_load %arg10[%get3A_493, %get3A_494] {strides = array<i32>} : memref<640x128xf32, #tpu.memory_space<vmem>>, vector<1x16xf32>,
        %get3A_496 = vector.shape_cast %get3A_495 : vector<1x16xf32> to vector<16xf32>
        %add3A_497 = arith.constant 560 : i32
        %add3A_498 = arith.addi %add3A_497, %add3A_477 : i32
        %get3A_499 = arith.index_cast %add3A_498 : i32 to index
        %get3A_500 = arith.constant 16 : index
        %get3A_501 = tpu.vector_load %arg10[%get3A_499, %get3A_500] {strides = array<i32>} : memref<640x128xf32, #tpu.memory_space<vmem>>, vector<1x16xf32>,
        %get3A_502 = vector.shape_cast %get3A_501 : vector<1x16xf32> to vector<16xf32>
        %mul3A_503 = arith.mulf %get3A_496, %get3A_502 : vector<16xf32>
        %add3A_504 = arith.addf %scan3A_467, %mul3A_503 : vector<16xf32>
        %add3A_505 = arith.constant 480 : i32
        %add3A_506 = arith.addi %add3A_505, %add3A_477 : i32
        %get3A_507 = arith.index_cast %add3A_506 : i32 to index
        %get3A_508 = arith.constant 32 : index
        %get3A_509 = tpu.vector_load %arg10[%get3A_507, %get3A_508] {strides = array<i32>} : memref<640x128xf32, #tpu.memory_space<vmem>>, vector<1x16xf32>,
        %get3A_510 = vector.shape_cast %get3A_509 : vector<1x16xf32> to vector<16xf32>
        %add3A_511 = arith.constant 560 : i32
        %add3A_512 = arith.addi %add3A_511, %add3A_477 : i32
        %get3A_513 = arith.index_cast %add3A_512 : i32 to index
        %get3A_514 = arith.constant 32 : index
        %get3A_515 = tpu.vector_load %arg10[%get3A_513, %get3A_514] {strides = array<i32>} : memref<640x128xf32, #tpu.memory_space<vmem>>, vector<1x16xf32>,
        %get3A_516 = vector.shape_cast %get3A_515 : vector<1x16xf32> to vector<16xf32>
        %mul3A_517 = arith.mulf %get3A_510, %get3A_516 : vector<16xf32>
        %add3A_518 = arith.addf %scan3A_468, %mul3A_517 : vector<16xf32>
        %add3A_519 = arith.constant 480 : i32
        %add3A_520 = arith.addi %add3A_519, %add3A_477 : i32
        %get3A_521 = arith.index_cast %add3A_520 : i32 to index
        %get3A_522 = arith.constant 48 : index
        %get3A_523 = tpu.vector_load %arg10[%get3A_521, %get3A_522] {strides = array<i32>} : memref<640x128xf32, #tpu.memory_space<vmem>>, vector<1x16xf32>,
        %get3A_524 = vector.shape_cast %get3A_523 : vector<1x16xf32> to vector<16xf32>
        %add3A_525 = arith.constant 560 : i32
        %add3A_526 = arith.addi %add3A_525, %add3A_477 : i32
        %get3A_527 = arith.index_cast %add3A_526 : i32 to index
        %get3A_528 = arith.constant 48 : index
        %get3A_529 = tpu.vector_load %arg10[%get3A_527, %get3A_528] {strides = array<i32>} : memref<640x128xf32, #tpu.memory_space<vmem>>, vector<1x16xf32>,
        %get3A_530 = vector.shape_cast %get3A_529 : vector<1x16xf32> to vector<16xf32>
        %mul3A_531 = arith.mulf %get3A_524, %get3A_530 : vector<16xf32>
        %add3A_532 = arith.addf %scan3A_469, %mul3A_531 : vector<16xf32>
        %add3A_533 = arith.constant 480 : i32
        %add3A_534 = arith.addi %add3A_533, %add3A_477 : i32
        %get3A_535 = arith.index_cast %add3A_534 : i32 to index
        %get3A_536 = arith.constant 64 : index
        %get3A_537 = tpu.vector_load %arg10[%get3A_535, %get3A_536] {strides = array<i32>} : memref<640x128xf32, #tpu.memory_space<vmem>>, vector<1x16xf32>,
        %get3A_538 = vector.shape_cast %get3A_537 : vector<1x16xf32> to vector<16xf32>
        %add3A_539 = arith.constant 560 : i32
        %add3A_540 = arith.addi %add3A_539, %add3A_477 : i32
        %get3A_541 = arith.index_cast %add3A_540 : i32 to index
        %get3A_542 = arith.constant 64 : index
        %get3A_543 = tpu.vector_load %arg10[%get3A_541, %get3A_542] {strides = array<i32>} : memref<640x128xf32, #tpu.memory_space<vmem>>, vector<1x16xf32>,
        %get3A_544 = vector.shape_cast %get3A_543 : vector<1x16xf32> to vector<16xf32>
        %mul3A_545 = arith.mulf %get3A_538, %get3A_544 : vector<16xf32>
        %add3A_546 = arith.addf %scan3A_470, %mul3A_545 : vector<16xf32>
        %add3A_547 = arith.constant 480 : i32
        %add3A_548 = arith.addi %add3A_547, %add3A_477 : i32
        %get3A_549 = arith.index_cast %add3A_548 : i32 to index
        %get3A_550 = arith.constant 80 : index
        %get3A_551 = tpu.vector_load %arg10[%get3A_549, %get3A_550] {strides = array<i32>} : memref<640x128xf32, #tpu.memory_space<vmem>>, vector<1x16xf32>,
        %get3A_552 = vector.shape_cast %get3A_551 : vector<1x16xf32> to vector<16xf32>
        %add3A_553 = arith.constant 560 : i32
        %add3A_554 = arith.addi %add3A_553, %add3A_477 : i32
        %get3A_555 = arith.index_cast %add3A_554 : i32 to index
        %get3A_556 = arith.constant 80 : index
        %get3A_557 = tpu.vector_load %arg10[%get3A_555, %get3A_556] {strides = array<i32>} : memref<640x128xf32, #tpu.memory_space<vmem>>, vector<1x16xf32>,
        %get3A_558 = vector.shape_cast %get3A_557 : vector<1x16xf32> to vector<16xf32>
        %mul3A_559 = arith.mulf %get3A_552, %get3A_558 : vector<16xf32>
        %add3A_560 = arith.addf %scan3A_471, %mul3A_559 : vector<16xf32>
        %add3A_561 = arith.constant 480 : i32
        %add3A_562 = arith.addi %add3A_561, %add3A_477 : i32
        %get3A_563 = arith.index_cast %add3A_562 : i32 to index
        %get3A_564 = arith.constant 96 : index
        %get3A_565 = tpu.vector_load %arg10[%get3A_563, %get3A_564] {strides = array<i32>} : memref<640x128xf32, #tpu.memory_space<vmem>>, vector<1x16xf32>,
        %get3A_566 = vector.shape_cast %get3A_565 : vector<1x16xf32> to vector<16xf32>
        %add3A_567 = arith.constant 560 : i32
        %add3A_568 = arith.addi %add3A_567, %add3A_477 : i32
        %get3A_569 = arith.index_cast %add3A_568 : i32 to index
        %get3A_570 = arith.constant 96 : index
        %get3A_571 = tpu.vector_load %arg10[%get3A_569, %get3A_570] {strides = array<i32>} : memref<640x128xf32, #tpu.memory_space<vmem>>, vector<1x16xf32>,
        %get3A_572 = vector.shape_cast %get3A_571 : vector<1x16xf32> to vector<16xf32>
        %mul3A_573 = arith.mulf %get3A_566, %get3A_572 : vector<16xf32>
        %add3A_574 = arith.addf %scan3A_472, %mul3A_573 : vector<16xf32>
        %add3A_575 = arith.constant 480 : i32
        %add3A_576 = arith.addi %add3A_575, %add3A_477 : i32
        %get3A_577 = arith.index_cast %add3A_576 : i32 to index
        %get3A_578 = arith.constant 112 : index
        %get3A_579 = tpu.vector_load %arg10[%get3A_577, %get3A_578] {strides = array<i32>} : memref<640x128xf32, #tpu.memory_space<vmem>>, vector<1x16xf32>,
        %get3A_580 = vector.shape_cast %get3A_579 : vector<1x16xf32> to vector<16xf32>
        %add3A_581 = arith.constant 560 : i32
        %add3A_582 = arith.addi %add3A_581, %add3A_477 : i32
        %get3A_583 = arith.index_cast %add3A_582 : i32 to index
        %get3A_584 = arith.constant 112 : index
        %get3A_585 = tpu.vector_load %arg10[%get3A_583, %get3A_584] {strides = array<i32>} : memref<640x128xf32, #tpu.memory_space<vmem>>, vector<1x16xf32>,
        %get3A_586 = vector.shape_cast %get3A_585 : vector<1x16xf32> to vector<16xf32>
        %mul3A_587 = arith.mulf %get3A_580, %get3A_586 : vector<16xf32>
        %add3A_588 = arith.addf %scan3A_473, %mul3A_587 : vector<16xf32>
        %mul3A_589 = arith.constant 4 : i32
        %mul3A_590 = arith.muli %scan3A_465, %mul3A_589 : i32
        %add3A_591 = arith.constant 1 : i32
        %add3A_592 = arith.addi %mul3A_590, %add3A_591 : i32
        %add3A_593 = arith.constant 480 : i32
        %add3A_594 = arith.addi %add3A_593, %add3A_592 : i32
        %get3A_595 = arith.index_cast %add3A_594 : i32 to index
        %get3A_596 = arith.constant 0 : index
        %get3A_597 = tpu.vector_load %arg10[%get3A_595, %get3A_596] {strides = array<i32>} : memref<640x128xf32, #tpu.memory_space<vmem>>, vector<1x16xf32>,
        %get3A_598 = vector.shape_cast %get3A_597 : vector<1x16xf32> to vector<16xf32>
        %add3A_599 = arith.constant 560 : i32
        %add3A_600 = arith.addi %add3A_599, %add3A_592 : i32
        %get3A_601 = arith.index_cast %add3A_600 : i32 to index
        %get3A_602 = arith.constant 0 : index
        %get3A_603 = tpu.vector_load %arg10[%get3A_601, %get3A_602] {strides = array<i32>} : memref<640x128xf32, #tpu.memory_space<vmem>>, vector<1x16xf32>,
        %get3A_604 = vector.shape_cast %get3A_603 : vector<1x16xf32> to vector<16xf32>
        %mul3A_605 = arith.mulf %get3A_598, %get3A_604 : vector<16xf32>
        %add3A_606 = arith.addf %add3A_490, %mul3A_605 : vector<16xf32>
        %add3A_607 = arith.constant 480 : i32
        %add3A_608 = arith.addi %add3A_607, %add3A_592 : i32
        %get3A_609 = arith.index_cast %add3A_608 : i32 to index
        %get3A_610 = arith.constant 16 : index
        %get3A_611 = tpu.vector_load %arg10[%get3A_609, %get3A_610] {strides = array<i32>} : memref<640x128xf32, #tpu.memory_space<vmem>>, vector<1x16xf32>,
        %get3A_612 = vector.shape_cast %get3A_611 : vector<1x16xf32> to vector<16xf32>
        %add3A_613 = arith.constant 560 : i32
        %add3A_614 = arith.addi %add3A_613, %add3A_592 : i32
        %get3A_615 = arith.index_cast %add3A_614 : i32 to index
        %get3A_616 = arith.constant 16 : index
        %get3A_617 = tpu.vector_load %arg10[%get3A_615, %get3A_616] {strides = array<i32>} : memref<640x128xf32, #tpu.memory_space<vmem>>, vector<1x16xf32>,
        %get3A_618 = vector.shape_cast %get3A_617 : vector<1x16xf32> to vector<16xf32>
        %mul3A_619 = arith.mulf %get3A_612, %get3A_618 : vector<16xf32>
        %add3A_620 = arith.addf %add3A_504, %mul3A_619 : vector<16xf32>
        %add3A_621 = arith.constant 480 : i32
        %add3A_622 = arith.addi %add3A_621, %add3A_592 : i32
        %get3A_623 = arith.index_cast %add3A_622 : i32 to index
        %get3A_624 = arith.constant 32 : index
        %get3A_625 = tpu.vector_load %arg10[%get3A_623, %get3A_624] {strides = array<i32>} : memref<640x128xf32, #tpu.memory_space<vmem>>, vector<1x16xf32>,
        %get3A_626 = vector.shape_cast %get3A_625 : vector<1x16xf32> to vector<16xf32>
        %add3A_627 = arith.constant 560 : i32
        %add3A_628 = arith.addi %add3A_627, %add3A_592 : i32
        %get3A_629 = arith.index_cast %add3A_628 : i32 to index
        %get3A_630 = arith.constant 32 : index
        %get3A_631 = tpu.vector_load %arg10[%get3A_629, %get3A_630] {strides = array<i32>} : memref<640x128xf32, #tpu.memory_space<vmem>>, vector<1x16xf32>,
        %get3A_632 = vector.shape_cast %get3A_631 : vector<1x16xf32> to vector<16xf32>
        %mul3A_633 = arith.mulf %get3A_626, %get3A_632 : vector<16xf32>
        %add3A_634 = arith.addf %add3A_518, %mul3A_633 : vector<16xf32>
        %add3A_635 = arith.constant 480 : i32
        %add3A_636 = arith.addi %add3A_635, %add3A_592 : i32
        %get3A_637 = arith.index_cast %add3A_636 : i32 to index
        %get3A_638 = arith.constant 48 : index
        %get3A_639 = tpu.vector_load %arg10[%get3A_637, %get3A_638] {strides = array<i32>} : memref<640x128xf32, #tpu.memory_space<vmem>>, vector<1x16xf32>,
        %get3A_640 = vector.shape_cast %get3A_639 : vector<1x16xf32> to vector<16xf32>
        %add3A_641 = arith.constant 560 : i32
        %add3A_642 = arith.addi %add3A_641, %add3A_592 : i32
        %get3A_643 = arith.index_cast %add3A_642 : i32 to index
        %get3A_644 = arith.constant 48 : index
        %get3A_645 = tpu.vector_load %arg10[%get3A_643, %get3A_644] {strides = array<i32>} : memref<640x128xf32, #tpu.memory_space<vmem>>, vector<1x16xf32>,
        %get3A_646 = vector.shape_cast %get3A_645 : vector<1x16xf32> to vector<16xf32>
        %mul3A_647 = arith.mulf %get3A_640, %get3A_646 : vector<16xf32>
        %add3A_648 = arith.addf %add3A_532, %mul3A_647 : vector<16xf32>
        %add3A_649 = arith.constant 480 : i32
        %add3A_650 = arith.addi %add3A_649, %add3A_592 : i32
        %get3A_651 = arith.index_cast %add3A_650 : i32 to index
        %get3A_652 = arith.constant 64 : index
        %get3A_653 = tpu.vector_load %arg10[%get3A_651, %get3A_652] {strides = array<i32>} : memref<640x128xf32, #tpu.memory_space<vmem>>, vector<1x16xf32>,
        %get3A_654 = vector.shape_cast %get3A_653 : vector<1x16xf32> to vector<16xf32>
        %add3A_655 = arith.constant 560 : i32
        %add3A_656 = arith.addi %add3A_655, %add3A_592 : i32
        %get3A_657 = arith.index_cast %add3A_656 : i32 to index
        %get3A_658 = arith.constant 64 : index
        %get3A_659 = tpu.vector_load %arg10[%get3A_657, %get3A_658] {strides = array<i32>} : memref<640x128xf32, #tpu.memory_space<vmem>>, vector<1x16xf32>,
        %get3A_660 = vector.shape_cast %get3A_659 : vector<1x16xf32> to vector<16xf32>
        %mul3A_661 = arith.mulf %get3A_654, %get3A_660 : vector<16xf32>
        %add3A_662 = arith.addf %add3A_546, %mul3A_661 : vector<16xf32>
        %add3A_663 = arith.constant 480 : i32
        %add3A_664 = arith.addi %add3A_663, %add3A_592 : i32
        %get3A_665 = arith.index_cast %add3A_664 : i32 to index
        %get3A_666 = arith.constant 80 : index
        %get3A_667 = tpu.vector_load %arg10[%get3A_665, %get3A_666] {strides = array<i32>} : memref<640x128xf32, #tpu.memory_space<vmem>>, vector<1x16xf32>,
        %get3A_668 = vector.shape_cast %get3A_667 : vector<1x16xf32> to vector<16xf32>
        %add3A_669 = arith.constant 560 : i32
        %add3A_670 = arith.addi %add3A_669, %add3A_592 : i32
        %get3A_671 = arith.index_cast %add3A_670 : i32 to index
        %get3A_672 = arith.constant 80 : index
        %get3A_673 = tpu.vector_load %arg10[%get3A_671, %get3A_672] {strides = array<i32>} : memref<640x128xf32, #tpu.memory_space<vmem>>, vector<1x16xf32>,
        %get3A_674 = vector.shape_cast %get3A_673 : vector<1x16xf32> to vector<16xf32>
        %mul3A_675 = arith.mulf %get3A_668, %get3A_674 : vector<16xf32>
        %add3A_676 = arith.addf %add3A_560, %mul3A_675 : vector<16xf32>
        %add3A_677 = arith.constant 480 : i32
        %add3A_678 = arith.addi %add3A_677, %add3A_592 : i32
        %get3A_679 = arith.index_cast %add3A_678 : i32 to index
        %get3A_680 = arith.constant 96 : index
        %get3A_681 = tpu.vector_load %arg10[%get3A_679, %get3A_680] {strides = array<i32>} : memref<640x128xf32, #tpu.memory_space<vmem>>, vector<1x16xf32>,
        %get3A_682 = vector.shape_cast %get3A_681 : vector<1x16xf32> to vector<16xf32>
        %add3A_683 = arith.constant 560 : i32
        %add3A_684 = arith.addi %add3A_683, %add3A_592 : i32
        %get3A_685 = arith.index_cast %add3A_684 : i32 to index
        %get3A_686 = arith.constant 96 : index
        %get3A_687 = tpu.vector_load %arg10[%get3A_685, %get3A_686] {strides = array<i32>} : memref<640x128xf32, #tpu.memory_space<vmem>>, vector<1x16xf32>,
        %get3A_688 = vector.shape_cast %get3A_687 : vector<1x16xf32> to vector<16xf32>
        %mul3A_689 = arith.mulf %get3A_682, %get3A_688 : vector<16xf32>
        %add3A_690 = arith.addf %add3A_574, %mul3A_689 : vector<16xf32>
        %add3A_691 = arith.constant 480 : i32
        %add3A_692 = arith.addi %add3A_691, %add3A_592 : i32
        %get3A_693 = arith.index_cast %add3A_692 : i32 to index
        %get3A_694 = arith.constant 112 : index
        %get3A_695 = tpu.vector_load %arg10[%get3A_693, %get3A_694] {strides = array<i32>} : memref<640x128xf32, #tpu.memory_space<vmem>>, vector<1x16xf32>,
        %get3A_696 = vector.shape_cast %get3A_695 : vector<1x16xf32> to vector<16xf32>
        %add3A_697 = arith.constant 560 : i32
        %add3A_698 = arith.addi %add3A_697, %add3A_592 : i32
        %get3A_699 = arith.index_cast %add3A_698 : i32 to index
        %get3A_700 = arith.constant 112 : index
        %get3A_701 = tpu.vector_load %arg10[%get3A_699, %get3A_700] {strides = array<i32>} : memref<640x128xf32, #tpu.memory_space<vmem>>, vector<1x16xf32>,
        %get3A_702 = vector.shape_cast %get3A_701 : vector<1x16xf32> to vector<16xf32>
        %mul3A_703 = arith.mulf %get3A_696, %get3A_702 : vector<16xf32>
        %add3A_704 = arith.addf %add3A_588, %mul3A_703 : vector<16xf32>
        %mul3A_705 = arith.constant 4 : i32
        %mul3A_706 = arith.muli %scan3A_465, %mul3A_705 : i32
        %add3A_707 = arith.constant 2 : i32
        %add3A_708 = arith.addi %mul3A_706, %add3A_707 : i32
        %add3A_709 = arith.constant 480 : i32
        %add3A_710 = arith.addi %add3A_709, %add3A_708 : i32
        %get3A_711 = arith.index_cast %add3A_710 : i32 to index
        %get3A_712 = arith.constant 0 : index
        %get3A_713 = tpu.vector_load %arg10[%get3A_711, %get3A_712] {strides = array<i32>} : memref<640x128xf32, #tpu.memory_space<vmem>>, vector<1x16xf32>,
        %get3A_714 = vector.shape_cast %get3A_713 : vector<1x16xf32> to vector<16xf32>
        %add3A_715 = arith.constant 560 : i32
        %add3A_716 = arith.addi %add3A_715, %add3A_708 : i32
        %get3A_717 = arith.index_cast %add3A_716 : i32 to index
        %get3A_718 = arith.constant 0 : index
        %get3A_719 = tpu.vector_load %arg10[%get3A_717, %get3A_718] {strides = array<i32>} : memref<640x128xf32, #tpu.memory_space<vmem>>, vector<1x16xf32>,
        %get3A_720 = vector.shape_cast %get3A_719 : vector<1x16xf32> to vector<16xf32>
        %mul3A_721 = arith.mulf %get3A_714, %get3A_720 : vector<16xf32>
        %add3A_722 = arith.addf %add3A_606, %mul3A_721 : vector<16xf32>
        %add3A_723 = arith.constant 480 : i32
        %add3A_724 = arith.addi %add3A_723, %add3A_708 : i32
        %get3A_725 = arith.index_cast %add3A_724 : i32 to index
        %get3A_726 = arith.constant 16 : index
        %get3A_727 = tpu.vector_load %arg10[%get3A_725, %get3A_726] {strides = array<i32>} : memref<640x128xf32, #tpu.memory_space<vmem>>, vector<1x16xf32>,
        %get3A_728 = vector.shape_cast %get3A_727 : vector<1x16xf32> to vector<16xf32>
        %add3A_729 = arith.constant 560 : i32
        %add3A_730 = arith.addi %add3A_729, %add3A_708 : i32
        %get3A_731 = arith.index_cast %add3A_730 : i32 to index
        %get3A_732 = arith.constant 16 : index
        %get3A_733 = tpu.vector_load %arg10[%get3A_731, %get3A_732] {strides = array<i32>} : memref<640x128xf32, #tpu.memory_space<vmem>>, vector<1x16xf32>,
        %get3A_734 = vector.shape_cast %get3A_733 : vector<1x16xf32> to vector<16xf32>
        %mul3A_735 = arith.mulf %get3A_728, %get3A_734 : vector<16xf32>
        %add3A_736 = arith.addf %add3A_620, %mul3A_735 : vector<16xf32>
        %add3A_737 = arith.constant 480 : i32
        %add3A_738 = arith.addi %add3A_737, %add3A_708 : i32
        %get3A_739 = arith.index_cast %add3A_738 : i32 to index
        %get3A_740 = arith.constant 32 : index
        %get3A_741 = tpu.vector_load %arg10[%get3A_739, %get3A_740] {strides = array<i32>} : memref<640x128xf32, #tpu.memory_space<vmem>>, vector<1x16xf32>,
        %get3A_742 = vector.shape_cast %get3A_741 : vector<1x16xf32> to vector<16xf32>
        %add3A_743 = arith.constant 560 : i32
        %add3A_744 = arith.addi %add3A_743, %add3A_708 : i32
        %get3A_745 = arith.index_cast %add3A_744 : i32 to index
        %get3A_746 = arith.constant 32 : index
        %get3A_747 = tpu.vector_load %arg10[%get3A_745, %get3A_746] {strides = array<i32>} : memref<640x128xf32, #tpu.memory_space<vmem>>, vector<1x16xf32>,
        %get3A_748 = vector.shape_cast %get3A_747 : vector<1x16xf32> to vector<16xf32>
        %mul3A_749 = arith.mulf %get3A_742, %get3A_748 : vector<16xf32>
        %add3A_750 = arith.addf %add3A_634, %mul3A_749 : vector<16xf32>
        %add3A_751 = arith.constant 480 : i32
        %add3A_752 = arith.addi %add3A_751, %add3A_708 : i32
        %get3A_753 = arith.index_cast %add3A_752 : i32 to index
        %get3A_754 = arith.constant 48 : index
        %get3A_755 = tpu.vector_load %arg10[%get3A_753, %get3A_754] {strides = array<i32>} : memref<640x128xf32, #tpu.memory_space<vmem>>, vector<1x16xf32>,
        %get3A_756 = vector.shape_cast %get3A_755 : vector<1x16xf32> to vector<16xf32>
        %add3A_757 = arith.constant 560 : i32
        %add3A_758 = arith.addi %add3A_757, %add3A_708 : i32
        %get3A_759 = arith.index_cast %add3A_758 : i32 to index
        %get3A_760 = arith.constant 48 : index
        %get3A_761 = tpu.vector_load %arg10[%get3A_759, %get3A_760] {strides = array<i32>} : memref<640x128xf32, #tpu.memory_space<vmem>>, vector<1x16xf32>,
        %get3A_762 = vector.shape_cast %get3A_761 : vector<1x16xf32> to vector<16xf32>
        %mul3A_763 = arith.mulf %get3A_756, %get3A_762 : vector<16xf32>
        %add3A_764 = arith.addf %add3A_648, %mul3A_763 : vector<16xf32>
        %add3A_765 = arith.constant 480 : i32
        %add3A_766 = arith.addi %add3A_765, %add3A_708 : i32
        %get3A_767 = arith.index_cast %add3A_766 : i32 to index
        %get3A_768 = arith.constant 64 : index
        %get3A_769 = tpu.vector_load %arg10[%get3A_767, %get3A_768] {strides = array<i32>} : memref<640x128xf32, #tpu.memory_space<vmem>>, vector<1x16xf32>,
        %get3A_770 = vector.shape_cast %get3A_769 : vector<1x16xf32> to vector<16xf32>
        %add3A_771 = arith.constant 560 : i32
        %add3A_772 = arith.addi %add3A_771, %add3A_708 : i32
        %get3A_773 = arith.index_cast %add3A_772 : i32 to index
        %get3A_774 = arith.constant 64 : index
        %get3A_775 = tpu.vector_load %arg10[%get3A_773, %get3A_774] {strides = array<i32>} : memref<640x128xf32, #tpu.memory_space<vmem>>, vector<1x16xf32>,
        %get3A_776 = vector.shape_cast %get3A_775 : vector<1x16xf32> to vector<16xf32>
        %mul3A_777 = arith.mulf %get3A_770, %get3A_776 : vector<16xf32>
        %add3A_778 = arith.addf %add3A_662, %mul3A_777 : vector<16xf32>
        %add3A_779 = arith.constant 480 : i32
        %add3A_780 = arith.addi %add3A_779, %add3A_708 : i32
        %get3A_781 = arith.index_cast %add3A_780 : i32 to index
        %get3A_782 = arith.constant 80 : index
        %get3A_783 = tpu.vector_load %arg10[%get3A_781, %get3A_782] {strides = array<i32>} : memref<640x128xf32, #tpu.memory_space<vmem>>, vector<1x16xf32>,
        %get3A_784 = vector.shape_cast %get3A_783 : vector<1x16xf32> to vector<16xf32>
        %add3A_785 = arith.constant 560 : i32
        %add3A_786 = arith.addi %add3A_785, %add3A_708 : i32
        %get3A_787 = arith.index_cast %add3A_786 : i32 to index
        %get3A_788 = arith.constant 80 : index
        %get3A_789 = tpu.vector_load %arg10[%get3A_787, %get3A_788] {strides = array<i32>} : memref<640x128xf32, #tpu.memory_space<vmem>>, vector<1x16xf32>,
        %get3A_790 = vector.shape_cast %get3A_789 : vector<1x16xf32> to vector<16xf32>
        %mul3A_791 = arith.mulf %get3A_784, %get3A_790 : vector<16xf32>
        %add3A_792 = arith.addf %add3A_676, %mul3A_791 : vector<16xf32>
        %add3A_793 = arith.constant 480 : i32
        %add3A_794 = arith.addi %add3A_793, %add3A_708 : i32
        %get3A_795 = arith.index_cast %add3A_794 : i32 to index
        %get3A_796 = arith.constant 96 : index
        %get3A_797 = tpu.vector_load %arg10[%get3A_795, %get3A_796] {strides = array<i32>} : memref<640x128xf32, #tpu.memory_space<vmem>>, vector<1x16xf32>,
        %get3A_798 = vector.shape_cast %get3A_797 : vector<1x16xf32> to vector<16xf32>
        %add3A_799 = arith.constant 560 : i32
        %add3A_800 = arith.addi %add3A_799, %add3A_708 : i32
        %get3A_801 = arith.index_cast %add3A_800 : i32 to index
        %get3A_802 = arith.constant 96 : index
        %get3A_803 = tpu.vector_load %arg10[%get3A_801, %get3A_802] {strides = array<i32>} : memref<640x128xf32, #tpu.memory_space<vmem>>, vector<1x16xf32>,
        %get3A_804 = vector.shape_cast %get3A_803 : vector<1x16xf32> to vector<16xf32>
        %mul3A_805 = arith.mulf %get3A_798, %get3A_804 : vector<16xf32>
        %add3A_806 = arith.addf %add3A_690, %mul3A_805 : vector<16xf32>
        %add3A_807 = arith.constant 480 : i32
        %add3A_808 = arith.addi %add3A_807, %add3A_708 : i32
        %get3A_809 = arith.index_cast %add3A_808 : i32 to index
        %get3A_810 = arith.constant 112 : index
        %get3A_811 = tpu.vector_load %arg10[%get3A_809, %get3A_810] {strides = array<i32>} : memref<640x128xf32, #tpu.memory_space<vmem>>, vector<1x16xf32>,
        %get3A_812 = vector.shape_cast %get3A_811 : vector<1x16xf32> to vector<16xf32>
        %add3A_813 = arith.constant 560 : i32
        %add3A_814 = arith.addi %add3A_813, %add3A_708 : i32
        %get3A_815 = arith.index_cast %add3A_814 : i32 to index
        %get3A_816 = arith.constant 112 : index
        %get3A_817 = tpu.vector_load %arg10[%get3A_815, %get3A_816] {strides = array<i32>} : memref<640x128xf32, #tpu.memory_space<vmem>>, vector<1x16xf32>,
        %get3A_818 = vector.shape_cast %get3A_817 : vector<1x16xf32> to vector<16xf32>
        %mul3A_819 = arith.mulf %get3A_812, %get3A_818 : vector<16xf32>
        %add3A_820 = arith.addf %add3A_704, %mul3A_819 : vector<16xf32>
        %mul3A_821 = arith.constant 4 : i32
        %mul3A_822 = arith.muli %scan3A_465, %mul3A_821 : i32
        %add3A_823 = arith.constant 3 : i32
        %add3A_824 = arith.addi %mul3A_822, %add3A_823 : i32
        %add3A_825 = arith.constant 480 : i32
        %add3A_826 = arith.addi %add3A_825, %add3A_824 : i32
        %get3A_827 = arith.index_cast %add3A_826 : i32 to index
        %get3A_828 = arith.constant 0 : index
        %get3A_829 = tpu.vector_load %arg10[%get3A_827, %get3A_828] {strides = array<i32>} : memref<640x128xf32, #tpu.memory_space<vmem>>, vector<1x16xf32>,
        %get3A_830 = vector.shape_cast %get3A_829 : vector<1x16xf32> to vector<16xf32>
        %add3A_831 = arith.constant 560 : i32
        %add3A_832 = arith.addi %add3A_831, %add3A_824 : i32
        %get3A_833 = arith.index_cast %add3A_832 : i32 to index
        %get3A_834 = arith.constant 0 : index
        %get3A_835 = tpu.vector_load %arg10[%get3A_833, %get3A_834] {strides = array<i32>} : memref<640x128xf32, #tpu.memory_space<vmem>>, vector<1x16xf32>,
        %get3A_836 = vector.shape_cast %get3A_835 : vector<1x16xf32> to vector<16xf32>
        %mul3A_837 = arith.mulf %get3A_830, %get3A_836 : vector<16xf32>
        %add3A_838 = arith.addf %add3A_722, %mul3A_837 : vector<16xf32>
        %add3A_839 = arith.constant 480 : i32
        %add3A_840 = arith.addi %add3A_839, %add3A_824 : i32
        %get3A_841 = arith.index_cast %add3A_840 : i32 to index
        %get3A_842 = arith.constant 16 : index
        %get3A_843 = tpu.vector_load %arg10[%get3A_841, %get3A_842] {strides = array<i32>} : memref<640x128xf32, #tpu.memory_space<vmem>>, vector<1x16xf32>,
        %get3A_844 = vector.shape_cast %get3A_843 : vector<1x16xf32> to vector<16xf32>
        %add3A_845 = arith.constant 560 : i32
        %add3A_846 = arith.addi %add3A_845, %add3A_824 : i32
        %get3A_847 = arith.index_cast %add3A_846 : i32 to index
        %get3A_848 = arith.constant 16 : index
        %get3A_849 = tpu.vector_load %arg10[%get3A_847, %get3A_848] {strides = array<i32>} : memref<640x128xf32, #tpu.memory_space<vmem>>, vector<1x16xf32>,
        %get3A_850 = vector.shape_cast %get3A_849 : vector<1x16xf32> to vector<16xf32>
        %mul3A_851 = arith.mulf %get3A_844, %get3A_850 : vector<16xf32>
        %add3A_852 = arith.addf %add3A_736, %mul3A_851 : vector<16xf32>
        %add3A_853 = arith.constant 480 : i32
        %add3A_854 = arith.addi %add3A_853, %add3A_824 : i32
        %get3A_855 = arith.index_cast %add3A_854 : i32 to index
        %get3A_856 = arith.constant 32 : index
        %get3A_857 = tpu.vector_load %arg10[%get3A_855, %get3A_856] {strides = array<i32>} : memref<640x128xf32, #tpu.memory_space<vmem>>, vector<1x16xf32>,
        %get3A_858 = vector.shape_cast %get3A_857 : vector<1x16xf32> to vector<16xf32>
        %add3A_859 = arith.constant 560 : i32
        %add3A_860 = arith.addi %add3A_859, %add3A_824 : i32
        %get3A_861 = arith.index_cast %add3A_860 : i32 to index
        %get3A_862 = arith.constant 32 : index
        %get3A_863 = tpu.vector_load %arg10[%get3A_861, %get3A_862] {strides = array<i32>} : memref<640x128xf32, #tpu.memory_space<vmem>>, vector<1x16xf32>,
        %get3A_864 = vector.shape_cast %get3A_863 : vector<1x16xf32> to vector<16xf32>
        %mul3A_865 = arith.mulf %get3A_858, %get3A_864 : vector<16xf32>
        %add3A_866 = arith.addf %add3A_750, %mul3A_865 : vector<16xf32>
        %add3A_867 = arith.constant 480 : i32
        %add3A_868 = arith.addi %add3A_867, %add3A_824 : i32
        %get3A_869 = arith.index_cast %add3A_868 : i32 to index
        %get3A_870 = arith.constant 48 : index
        %get3A_871 = tpu.vector_load %arg10[%get3A_869, %get3A_870] {strides = array<i32>} : memref<640x128xf32, #tpu.memory_space<vmem>>, vector<1x16xf32>,
        %get3A_872 = vector.shape_cast %get3A_871 : vector<1x16xf32> to vector<16xf32>
        %add3A_873 = arith.constant 560 : i32
        %add3A_874 = arith.addi %add3A_873, %add3A_824 : i32
        %get3A_875 = arith.index_cast %add3A_874 : i32 to index
        %get3A_876 = arith.constant 48 : index
        %get3A_877 = tpu.vector_load %arg10[%get3A_875, %get3A_876] {strides = array<i32>} : memref<640x128xf32, #tpu.memory_space<vmem>>, vector<1x16xf32>,
        %get3A_878 = vector.shape_cast %get3A_877 : vector<1x16xf32> to vector<16xf32>
        %mul3A_879 = arith.mulf %get3A_872, %get3A_878 : vector<16xf32>
        %add3A_880 = arith.addf %add3A_764, %mul3A_879 : vector<16xf32>
        %add3A_881 = arith.constant 480 : i32
        %add3A_882 = arith.addi %add3A_881, %add3A_824 : i32
        %get3A_883 = arith.index_cast %add3A_882 : i32 to index
        %get3A_884 = arith.constant 64 : index
        %get3A_885 = tpu.vector_load %arg10[%get3A_883, %get3A_884] {strides = array<i32>} : memref<640x128xf32, #tpu.memory_space<vmem>>, vector<1x16xf32>,
        %get3A_886 = vector.shape_cast %get3A_885 : vector<1x16xf32> to vector<16xf32>
        %add3A_887 = arith.constant 560 : i32
        %add3A_888 = arith.addi %add3A_887, %add3A_824 : i32
        %get3A_889 = arith.index_cast %add3A_888 : i32 to index
        %get3A_890 = arith.constant 64 : index
        %get3A_891 = tpu.vector_load %arg10[%get3A_889, %get3A_890] {strides = array<i32>} : memref<640x128xf32, #tpu.memory_space<vmem>>, vector<1x16xf32>,
        %get3A_892 = vector.shape_cast %get3A_891 : vector<1x16xf32> to vector<16xf32>
        %mul3A_893 = arith.mulf %get3A_886, %get3A_892 : vector<16xf32>
        %add3A_894 = arith.addf %add3A_778, %mul3A_893 : vector<16xf32>
        %add3A_895 = arith.constant 480 : i32
        %add3A_896 = arith.addi %add3A_895, %add3A_824 : i32
        %get3A_897 = arith.index_cast %add3A_896 : i32 to index
        %get3A_898 = arith.constant 80 : index
        %get3A_899 = tpu.vector_load %arg10[%get3A_897, %get3A_898] {strides = array<i32>} : memref<640x128xf32, #tpu.memory_space<vmem>>, vector<1x16xf32>,
        %get3A_900 = vector.shape_cast %get3A_899 : vector<1x16xf32> to vector<16xf32>
        %add3A_901 = arith.constant 560 : i32
        %add3A_902 = arith.addi %add3A_901, %add3A_824 : i32
        %get3A_903 = arith.index_cast %add3A_902 : i32 to index
        %get3A_904 = arith.constant 80 : index
        %get3A_905 = tpu.vector_load %arg10[%get3A_903, %get3A_904] {strides = array<i32>} : memref<640x128xf32, #tpu.memory_space<vmem>>, vector<1x16xf32>,
        %get3A_906 = vector.shape_cast %get3A_905 : vector<1x16xf32> to vector<16xf32>
        %mul3A_907 = arith.mulf %get3A_900, %get3A_906 : vector<16xf32>
        %add3A_908 = arith.addf %add3A_792, %mul3A_907 : vector<16xf32>
        %add3A_909 = arith.constant 480 : i32
        %add3A_910 = arith.addi %add3A_909, %add3A_824 : i32
        %get3A_911 = arith.index_cast %add3A_910 : i32 to index
        %get3A_912 = arith.constant 96 : index
        %get3A_913 = tpu.vector_load %arg10[%get3A_911, %get3A_912] {strides = array<i32>} : memref<640x128xf32, #tpu.memory_space<vmem>>, vector<1x16xf32>,
        %get3A_914 = vector.shape_cast %get3A_913 : vector<1x16xf32> to vector<16xf32>
        %add3A_915 = arith.constant 560 : i32
        %add3A_916 = arith.addi %add3A_915, %add3A_824 : i32
        %get3A_917 = arith.index_cast %add3A_916 : i32 to index
        %get3A_918 = arith.constant 96 : index
        %get3A_919 = tpu.vector_load %arg10[%get3A_917, %get3A_918] {strides = array<i32>} : memref<640x128xf32, #tpu.memory_space<vmem>>, vector<1x16xf32>,
        %get3A_920 = vector.shape_cast %get3A_919 : vector<1x16xf32> to vector<16xf32>
        %mul3A_921 = arith.mulf %get3A_914, %get3A_920 : vector<16xf32>
        %add3A_922 = arith.addf %add3A_806, %mul3A_921 : vector<16xf32>
        %add3A_923 = arith.constant 480 : i32
        %add3A_924 = arith.addi %add3A_923, %add3A_824 : i32
        %get3A_925 = arith.index_cast %add3A_924 : i32 to index
        %get3A_926 = arith.constant 112 : index
        %get3A_927 = tpu.vector_load %arg10[%get3A_925, %get3A_926] {strides = array<i32>} : memref<640x128xf32, #tpu.memory_space<vmem>>, vector<1x16xf32>,
        %get3A_928 = vector.shape_cast %get3A_927 : vector<1x16xf32> to vector<16xf32>
        %add3A_929 = arith.constant 560 : i32
        %add3A_930 = arith.addi %add3A_929, %add3A_824 : i32
        %get3A_931 = arith.index_cast %add3A_930 : i32 to index
        %get3A_932 = arith.constant 112 : index
        %get3A_933 = tpu.vector_load %arg10[%get3A_931, %get3A_932] {strides = array<i32>} : memref<640x128xf32, #tpu.memory_space<vmem>>, vector<1x16xf32>,
        %get3A_934 = vector.shape_cast %get3A_933 : vector<1x16xf32> to vector<16xf32>
        %mul3A_935 = arith.mulf %get3A_928, %get3A_934 : vector<16xf32>
        %add3A_936 = arith.addf %add3A_820, %mul3A_935 : vector<16xf32>
        scf.yield %add3A_838, %add3A_852, %add3A_866, %add3A_880, %add3A_894, %add3A_908, %add3A_922, %add3A_936 : vector<16xf32>, vector<16xf32>, vector<16xf32>, vector<16xf32>, vector<16xf32>, vector<16xf32>, vector<16xf32>, vector<16xf32>
      }
      %scan3A_435 = arith.constant 20 : i32
      %jit3A_436 = arith.constant 10 : i32
      %eq3A_437 = arith.constant 0 : i32
      %eq3A_438 = arith.cmpi eq, %jit3A_436, %eq3A_437 : i32
      %jit3A_439 = arith.constant 1 : i32
      %select_n3A_440 = arith.select %eq3A_438, %jit3A_439, %jit3A_436 : i32
      %rem3A_441 = arith.remsi %add3A_398, %select_n3A_440 : i32
      %ne3A_442 = arith.constant 0 : i32
      %ne3A_443 = arith.cmpi ne, %rem3A_441, %ne3A_442 : i32
      %lt3A_444 = arith.constant 0 : i32
      %lt3A_445 = arith.cmpi slt, %rem3A_441, %lt3A_444 : i32
      %lt3A_446 = arith.constant 0 : i32
      %lt3A_447 = arith.cmpi slt, %select_n3A_440, %lt3A_446 : i32
      %ne3A_448 = arith.xori %lt3A_445, %lt3A_447 : i1
      %and3A_449 = arith.andi %ne3A_448, %ne3A_443 : i1
      %add3A_450 = arith.addi %rem3A_441, %select_n3A_440 : i32
      %select_n3A_451 = arith.select %and3A_449, %add3A_450, %rem3A_441 : i32
      %eq3A_452 = arith.constant 9 : i32
      %eq3A_453 = arith.cmpi eq, %select_n3A_451, %eq3A_452 : i32
      %convert_element_type3A_454 = arith.extui %eq3A_453 : i1 to i32
      %cond3A_455 = arith.constant 0 : i32
      %cond3A_456 = arith.cmpi ne, %convert_element_type3A_454, %cond3A_455 : i32
      scf.if %cond3A_456 {
        %jit3A_465 = arith.constant 10 : i32
        %div3A = arith.divsi %add3A_398, %jit3A_465 : i32
        %sign3A = arith.constant 0 : i32
        %sign3A_466 = arith.cmpi sgt, %add3A_398, %sign3A : i32
        %sign3A_467 = arith.extui %sign3A_466 : i1 to i32
        %sign3A_468 = arith.constant 0 : i32
        %sign3A_469 = arith.cmpi slt, %add3A_398, %sign3A_468 : i32
        %sign3A_470 = arith.extui %sign3A_469 : i1 to i32
        %sign3A_471 = arith.subi %sign3A_467, %sign3A_470 : i32
        %sign3A_472 = arith.constant 0 : i32
        %sign3A_473 = arith.cmpi sgt, %jit3A_465, %sign3A_472 : i32
        %sign3A_474 = arith.extui %sign3A_473 : i1 to i32
        %sign3A_475 = arith.constant 0 : i32
        %sign3A_476 = arith.cmpi slt, %jit3A_465, %sign3A_475 : i32
        %sign3A_477 = arith.extui %sign3A_476 : i1 to i32
        %sign3A_478 = arith.subi %sign3A_474, %sign3A_477 : i32
        %ne3A_479 = arith.cmpi ne, %sign3A_471, %sign3A_478 : i32
        %rem3A_480 = arith.remsi %add3A_398, %jit3A_465 : i32
        %ne3A_481 = arith.constant 0 : i32
        %ne3A_482 = arith.cmpi ne, %rem3A_480, %ne3A_481 : i32
        %and3A_483 = arith.andi %ne3A_479, %ne3A_482 : i1
        %sub3A = arith.constant 1 : i32
        %sub3A_484 = arith.subi %div3A, %sub3A : i32
        %select_n3A_485 = arith.select %and3A_483, %sub3A_484, %div3A : i32
        %swap3A = arith.index_cast %select_n3A_485 : i32 to index
        %swap3A_486 = arith.constant 0 : index
        %swap3A_487 = tpu.vector_load %arg11[%swap3A, %swap3A_486] {strides = array<i32>} : memref<22x128xf32, #tpu.memory_space<vmem>>, vector<1x16xf32>,
        %swap3A_488 = vector.shape_cast %swap3A_487 : vector<1x16xf32> to vector<16xf32>
        %swap3A_489 = vector.shape_cast %scan3A_434#0 : vector<16xf32> to vector<1x16xf32>
        tpu.vector_store %arg11[%swap3A, %swap3A_486], %swap3A_489 {strides = array<i32>} : memref<22x128xf32, #tpu.memory_space<vmem>>, vector<1x16xf32>,
        %swap3A_490 = arith.index_cast %select_n3A_485 : i32 to index
        %swap3A_491 = arith.constant 16 : index
        %swap3A_492 = tpu.vector_load %arg11[%swap3A_490, %swap3A_491] {strides = array<i32>} : memref<22x128xf32, #tpu.memory_space<vmem>>, vector<1x16xf32>,
        %swap3A_493 = vector.shape_cast %swap3A_492 : vector<1x16xf32> to vector<16xf32>
        %swap3A_494 = vector.shape_cast %scan3A_434#1 : vector<16xf32> to vector<1x16xf32>
        tpu.vector_store %arg11[%swap3A_490, %swap3A_491], %swap3A_494 {strides = array<i32>} : memref<22x128xf32, #tpu.memory_space<vmem>>, vector<1x16xf32>,
        %swap3A_495 = arith.index_cast %select_n3A_485 : i32 to index
        %swap3A_496 = arith.constant 32 : index
        %swap3A_497 = tpu.vector_load %arg11[%swap3A_495, %swap3A_496] {strides = array<i32>} : memref<22x128xf32, #tpu.memory_space<vmem>>, vector<1x16xf32>,
        %swap3A_498 = vector.shape_cast %swap3A_497 : vector<1x16xf32> to vector<16xf32>
        %swap3A_499 = vector.shape_cast %scan3A_434#2 : vector<16xf32> to vector<1x16xf32>
        tpu.vector_store %arg11[%swap3A_495, %swap3A_496], %swap3A_499 {strides = array<i32>} : memref<22x128xf32, #tpu.memory_space<vmem>>, vector<1x16xf32>,
        %swap3A_500 = arith.index_cast %select_n3A_485 : i32 to index
        %swap3A_501 = arith.constant 48 : index
        %swap3A_502 = tpu.vector_load %arg11[%swap3A_500, %swap3A_501] {strides = array<i32>} : memref<22x128xf32, #tpu.memory_space<vmem>>, vector<1x16xf32>,
        %swap3A_503 = vector.shape_cast %swap3A_502 : vector<1x16xf32> to vector<16xf32>
        %swap3A_504 = vector.shape_cast %scan3A_434#3 : vector<16xf32> to vector<1x16xf32>
        tpu.vector_store %arg11[%swap3A_500, %swap3A_501], %swap3A_504 {strides = array<i32>} : memref<22x128xf32, #tpu.memory_space<vmem>>, vector<1x16xf32>,
        %swap3A_505 = arith.index_cast %select_n3A_485 : i32 to index
        %swap3A_506 = arith.constant 64 : index
        %swap3A_507 = tpu.vector_load %arg11[%swap3A_505, %swap3A_506] {strides = array<i32>} : memref<22x128xf32, #tpu.memory_space<vmem>>, vector<1x16xf32>,
        %swap3A_508 = vector.shape_cast %swap3A_507 : vector<1x16xf32> to vector<16xf32>
        %swap3A_509 = vector.shape_cast %scan3A_434#4 : vector<16xf32> to vector<1x16xf32>
        tpu.vector_store %arg11[%swap3A_505, %swap3A_506], %swap3A_509 {strides = array<i32>} : memref<22x128xf32, #tpu.memory_space<vmem>>, vector<1x16xf32>,
        %swap3A_510 = arith.index_cast %select_n3A_485 : i32 to index
        %swap3A_511 = arith.constant 80 : index
        %swap3A_512 = tpu.vector_load %arg11[%swap3A_510, %swap3A_511] {strides = array<i32>} : memref<22x128xf32, #tpu.memory_space<vmem>>, vector<1x16xf32>,
        %swap3A_513 = vector.shape_cast %swap3A_512 : vector<1x16xf32> to vector<16xf32>
        %swap3A_514 = vector.shape_cast %scan3A_434#5 : vector<16xf32> to vector<1x16xf32>
        tpu.vector_store %arg11[%swap3A_510, %swap3A_511], %swap3A_514 {strides = array<i32>} : memref<22x128xf32, #tpu.memory_space<vmem>>, vector<1x16xf32>,
        %swap3A_515 = arith.index_cast %select_n3A_485 : i32 to index
        %swap3A_516 = arith.constant 96 : index
        %swap3A_517 = tpu.vector_load %arg11[%swap3A_515, %swap3A_516] {strides = array<i32>} : memref<22x128xf32, #tpu.memory_space<vmem>>, vector<1x16xf32>,
        %swap3A_518 = vector.shape_cast %swap3A_517 : vector<1x16xf32> to vector<16xf32>
        %swap3A_519 = vector.shape_cast %scan3A_434#6 : vector<16xf32> to vector<1x16xf32>
        tpu.vector_store %arg11[%swap3A_515, %swap3A_516], %swap3A_519 {strides = array<i32>} : memref<22x128xf32, #tpu.memory_space<vmem>>, vector<1x16xf32>,
        %swap3A_520 = arith.index_cast %select_n3A_485 : i32 to index
        %swap3A_521 = arith.constant 112 : index
        %swap3A_522 = tpu.vector_load %arg11[%swap3A_520, %swap3A_521] {strides = array<i32>} : memref<22x128xf32, #tpu.memory_space<vmem>>, vector<1x16xf32>,
        %swap3A_523 = vector.shape_cast %swap3A_522 : vector<1x16xf32> to vector<16xf32>
        %swap3A_524 = vector.shape_cast %scan3A_434#7 : vector<16xf32> to vector<1x16xf32>
        tpu.vector_store %arg11[%swap3A_520, %swap3A_521], %swap3A_524 {strides = array<i32>} : memref<22x128xf32, #tpu.memory_space<vmem>>, vector<1x16xf32>,
      } else {
      }
      %select_n3A_457 = arith.select %eq3A_453, %broadcast_in_dim3A_17, %scan3A_434#0 : vector<16xf32>
      %select_n3A_458 = arith.select %eq3A_453, %broadcast_in_dim3A_17, %scan3A_434#1 : vector<16xf32>
      %select_n3A_459 = arith.select %eq3A_453, %broadcast_in_dim3A_17, %scan3A_434#2 : vector<16xf32>
      %select_n3A_460 = arith.select %eq3A_453, %broadcast_in_dim3A_17, %scan3A_434#3 : vector<16xf32>
      %select_n3A_461 = arith.select %eq3A_453, %broadcast_in_dim3A_17, %scan3A_434#4 : vector<16xf32>
      %select_n3A_462 = arith.select %eq3A_453, %broadcast_in_dim3A_17, %scan3A_434#5 : vector<16xf32>
      %select_n3A_463 = arith.select %eq3A_453, %broadcast_in_dim3A_17, %scan3A_434#6 : vector<16xf32>
      %select_n3A_464 = arith.select %eq3A_453, %broadcast_in_dim3A_17, %scan3A_434#7 : vector<16xf32>
      scf.yield %select_n3A_457, %select_n3A_458, %select_n3A_459, %select_n3A_460, %select_n3A_461, %select_n3A_462, %select_n3A_463, %select_n3A_464 : vector<16xf32>, vector<16xf32>, vector<16xf32>, vector<16xf32>, vector<16xf32>, vector<16xf32>, vector<16xf32>, vector<16xf32>
    }
    %scan3A_69 = arith.constant 40 : i32
    %mul3A_70 = arith.constant 16 : i32
    %mul3A_71 = arith.muli %add3A, %mul3A_70 : i32
    "tpu.region"() ({
      %run_scoped3A = tpu.sem_alloc : memref<!tpu.dma_semaphore, #tpu.memory_space<semaphore_mem>>
      %dma_start3A_186 = arith.constant 0 : i32
      %dma_start3A_187 = arith.constant 0 : i32
      %dma_start3A_188 = tpu.memref_slice %arg11[%dma_start3A_186, %dma_start3A_187] : memref<22x128xf32, #tpu.memory_space<vmem>> -> memref<16x128xf32, #tpu.memory_space<vmem>>
      %dma_start3A_189 = arith.constant 0 : i32
      %dma_start3A_190 = tpu.memref_slice %arg8[%mul3A_71, %dma_start3A_189] : memref<704x128xf32, #tpu.memory_space<hbm>> -> memref<16x128xf32, #tpu.memory_space<hbm>>
      %dma_start3A_191 = arith.constant 0 : i32
      %dma_start3A_192 = tpu.memref_slice %arg8[%mul3A_71, %dma_start3A_191] : memref<704x128xf32, #tpu.memory_space<hbm>> -> memref<16x128xf32, #tpu.memory_space<hbm>>
      %dma_start3A_193 = arith.constant 0 : i32
      %dma_start3A_194 = arith.constant 0 : i32
      %dma_start3A_195 = tpu.memref_slice %arg11[%dma_start3A_193, %dma_start3A_194] : memref<22x128xf32, #tpu.memory_space<vmem>> -> memref<16x128xf32, #tpu.memory_space<vmem>>
      tpu.enqueue_dma source(%dma_start3A_195 : memref<16x128xf32, #tpu.memory_space<vmem>>) target(%dma_start3A_192 : memref<16x128xf32, #tpu.memory_space<hbm>>) target_semaphore(%run_scoped3A : memref<!tpu.dma_semaphore, #tpu.memory_space<semaphore_mem>>)
      %dma_wait3A = arith.constant 0 : i32
      %dma_wait3A_196 = arith.constant 0 : i32
      %dma_wait3A_197 = tpu.memref_slice %arg11[%dma_wait3A, %dma_wait3A_196] : memref<22x128xf32, #tpu.memory_space<vmem>> -> memref<16x128xf32, #tpu.memory_space<vmem>>
      %dma_wait3A_198 = arith.constant 0 : i32
      %dma_wait3A_199 = tpu.memref_slice %arg8[%mul3A_71, %dma_wait3A_198] : memref<704x128xf32, #tpu.memory_space<hbm>> -> memref<16x128xf32, #tpu.memory_space<hbm>>
      %dma_wait3A_200 = arith.constant 0 : i32
      %dma_wait3A_201 = tpu.memref_slice %arg8[%mul3A_71, %dma_wait3A_200] : memref<704x128xf32, #tpu.memory_space<hbm>> -> memref<16x128xf32, #tpu.memory_space<hbm>>
      %dma_wait3A_202 = arith.constant 0 : i32
      %dma_wait3A_203 = arith.constant 0 : i32
      %dma_wait3A_204 = tpu.memref_slice %arg11[%dma_wait3A_202, %dma_wait3A_203] : memref<22x128xf32, #tpu.memory_space<vmem>> -> memref<16x128xf32, #tpu.memory_space<vmem>>
      tpu.wait_dma2 semaphore(%run_scoped3A : memref<!tpu.dma_semaphore, #tpu.memory_space<semaphore_mem>>) src(%dma_wait3A_204 : memref<16x128xf32, #tpu.memory_space<vmem>>) dst(%dma_wait3A_201 : memref<16x128xf32, #tpu.memory_space<hbm>>)
      tpu.yield
    }) : () -> ()
    %dma_start3A_72 = arith.constant 0 : i32
    %dma_start3A_73 = arith.constant 0 : i32
    %dma_start3A_74 = tpu.memref_slice %arg10[%dma_start3A_72, %dma_start3A_73] : memref<640x128xf32, #tpu.memory_space<vmem>> -> memref<64x128xf32, #tpu.memory_space<vmem>>
    %dma_start3A_75 = arith.constant 25600 : i32
    %dma_start3A_76 = tpu.memref_slice %arg9[%dma_start3A_75] : memref<28672xi32, #tpu.memory_space<vmem>> -> memref<64xi32, #tpu.memory_space<vmem>>
    %dma_start3A_77 = arith.constant 0 : i32
    %dma_start3A_78 = arith.constant 0 : i32
    %dma_start3A_79 = tpu.memref_slice %arg5[%dma_start3A_77, %dma_start3A_78] : memref<100000x128xf32, #tpu.memory_space<hbm>> -> memref<100000x128xf32, #tpu.memory_space<hbm>>
    tpu.enqueue_indirect_dma source(%dma_start3A_79 : memref<100000x128xf32, #tpu.memory_space<hbm>>) target(%dma_start3A_74 : memref<64x128xf32, #tpu.memory_space<vmem>>) offsets(%dma_start3A_76 : memref<64xi32, #tpu.memory_space<vmem>>) semaphore(%arg12 : memref<!tpu.dma_semaphore, #tpu.memory_space<semaphore_mem>>)
    %dma_start3A_80 = arith.constant 80 : i32
    %dma_start3A_81 = arith.constant 0 : i32
    %dma_start3A_82 = tpu.memref_slice %arg10[%dma_start3A_80, %dma_start3A_81] : memref<640x128xf32, #tpu.memory_space<vmem>> -> memref<64x128xf32, #tpu.memory_space<vmem>>
    %dma_start3A_83 = arith.constant 25664 : i32
    %dma_start3A_84 = tpu.memref_slice %arg9[%dma_start3A_83] : memref<28672xi32, #tpu.memory_space<vmem>> -> memref<64xi32, #tpu.memory_space<vmem>>
    %dma_start3A_85 = arith.constant 0 : i32
    %dma_start3A_86 = arith.constant 0 : i32
    %dma_start3A_87 = tpu.memref_slice %arg5[%dma_start3A_85, %dma_start3A_86] : memref<100000x128xf32, #tpu.memory_space<hbm>> -> memref<100000x128xf32, #tpu.memory_space<hbm>>
    tpu.enqueue_indirect_dma source(%dma_start3A_87 : memref<100000x128xf32, #tpu.memory_space<hbm>>) target(%dma_start3A_82 : memref<64x128xf32, #tpu.memory_space<vmem>>) offsets(%dma_start3A_84 : memref<64xi32, #tpu.memory_space<vmem>>) semaphore(%arg13 : memref<!tpu.dma_semaphore, #tpu.memory_space<semaphore_mem>>)
    %dma_start3A_88 = arith.constant 160 : i32
    %dma_start3A_89 = arith.constant 0 : i32
    %dma_start3A_90 = tpu.memref_slice %arg10[%dma_start3A_88, %dma_start3A_89] : memref<640x128xf32, #tpu.memory_space<vmem>> -> memref<64x128xf32, #tpu.memory_space<vmem>>
    %dma_start3A_91 = arith.constant 26624 : i32
    %dma_start3A_92 = tpu.memref_slice %arg9[%dma_start3A_91] : memref<28672xi32, #tpu.memory_space<vmem>> -> memref<64xi32, #tpu.memory_space<vmem>>
    %dma_start3A_93 = arith.constant 0 : i32
    %dma_start3A_94 = arith.constant 0 : i32
    %dma_start3A_95 = tpu.memref_slice %arg6[%dma_start3A_93, %dma_start3A_94] : memref<100000x128xf32, #tpu.memory_space<hbm>> -> memref<100000x128xf32, #tpu.memory_space<hbm>>
    tpu.enqueue_indirect_dma source(%dma_start3A_95 : memref<100000x128xf32, #tpu.memory_space<hbm>>) target(%dma_start3A_90 : memref<64x128xf32, #tpu.memory_space<vmem>>) offsets(%dma_start3A_92 : memref<64xi32, #tpu.memory_space<vmem>>) semaphore(%arg14 : memref<!tpu.dma_semaphore, #tpu.memory_space<semaphore_mem>>)
    %dma_start3A_96 = arith.constant 240 : i32
    %dma_start3A_97 = arith.constant 0 : i32
    %dma_start3A_98 = tpu.memref_slice %arg10[%dma_start3A_96, %dma_start3A_97] : memref<640x128xf32, #tpu.memory_space<vmem>> -> memref<64x128xf32, #tpu.memory_space<vmem>>
    %dma_start3A_99 = arith.constant 26688 : i32
    %dma_start3A_100 = tpu.memref_slice %arg9[%dma_start3A_99] : memref<28672xi32, #tpu.memory_space<vmem>> -> memref<64xi32, #tpu.memory_space<vmem>>
    %dma_start3A_101 = arith.constant 0 : i32
    %dma_start3A_102 = arith.constant 0 : i32
    %dma_start3A_103 = tpu.memref_slice %arg6[%dma_start3A_101, %dma_start3A_102] : memref<100000x128xf32, #tpu.memory_space<hbm>> -> memref<100000x128xf32, #tpu.memory_space<hbm>>
    tpu.enqueue_indirect_dma source(%dma_start3A_103 : memref<100000x128xf32, #tpu.memory_space<hbm>>) target(%dma_start3A_98 : memref<64x128xf32, #tpu.memory_space<vmem>>) offsets(%dma_start3A_100 : memref<64xi32, #tpu.memory_space<vmem>>) semaphore(%arg15 : memref<!tpu.dma_semaphore, #tpu.memory_space<semaphore_mem>>)
    %dma_start3A_104 = arith.constant 320 : i32
    %dma_start3A_105 = arith.constant 0 : i32
    %dma_start3A_106 = tpu.memref_slice %arg10[%dma_start3A_104, %dma_start3A_105] : memref<640x128xf32, #tpu.memory_space<vmem>> -> memref<64x128xf32, #tpu.memory_space<vmem>>
    %dma_start3A_107 = arith.constant 27648 : i32
    %dma_start3A_108 = tpu.memref_slice %arg9[%dma_start3A_107] : memref<28672xi32, #tpu.memory_space<vmem>> -> memref<64xi32, #tpu.memory_space<vmem>>
    %dma_start3A_109 = arith.constant 0 : i32
    %dma_start3A_110 = arith.constant 0 : i32
    %dma_start3A_111 = tpu.memref_slice %arg7[%dma_start3A_109, %dma_start3A_110] : memref<100000x128xf32, #tpu.memory_space<hbm>> -> memref<100000x128xf32, #tpu.memory_space<hbm>>
    tpu.enqueue_indirect_dma source(%dma_start3A_111 : memref<100000x128xf32, #tpu.memory_space<hbm>>) target(%dma_start3A_106 : memref<64x128xf32, #tpu.memory_space<vmem>>) offsets(%dma_start3A_108 : memref<64xi32, #tpu.memory_space<vmem>>) semaphore(%arg16 : memref<!tpu.dma_semaphore, #tpu.memory_space<semaphore_mem>>)
    %dma_start3A_112 = arith.constant 400 : i32
    %dma_start3A_113 = arith.constant 0 : i32
    %dma_start3A_114 = tpu.memref_slice %arg10[%dma_start3A_112, %dma_start3A_113] : memref<640x128xf32, #tpu.memory_space<vmem>> -> memref<64x128xf32, #tpu.memory_space<vmem>>
    %dma_start3A_115 = arith.constant 27712 : i32
    %dma_start3A_116 = tpu.memref_slice %arg9[%dma_start3A_115] : memref<28672xi32, #tpu.memory_space<vmem>> -> memref<64xi32, #tpu.memory_space<vmem>>
    %dma_start3A_117 = arith.constant 0 : i32
    %dma_start3A_118 = arith.constant 0 : i32
    %dma_start3A_119 = tpu.memref_slice %arg7[%dma_start3A_117, %dma_start3A_118] : memref<100000x128xf32, #tpu.memory_space<hbm>> -> memref<100000x128xf32, #tpu.memory_space<hbm>>
    tpu.enqueue_indirect_dma source(%dma_start3A_119 : memref<100000x128xf32, #tpu.memory_space<hbm>>) target(%dma_start3A_114 : memref<64x128xf32, #tpu.memory_space<vmem>>) offsets(%dma_start3A_116 : memref<64xi32, #tpu.memory_space<vmem>>) semaphore(%arg17 : memref<!tpu.dma_semaphore, #tpu.memory_space<semaphore_mem>>)
    %broadcast_in_dim3A_120 = arith.constant 0.000000e+00 : f32
    %broadcast_in_dim3A_121 = vector.broadcast %broadcast_in_dim3A_120 : f32 to vector<16xf32>
    %broadcast_in_dim3A_122 = arith.constant 0.000000e+00 : f32
    %broadcast_in_dim3A_123 = vector.broadcast %broadcast_in_dim3A_122 : f32 to vector<16xf32>
    %broadcast_in_dim3A_124 = arith.constant 0.000000e+00 : f32
    %broadcast_in_dim3A_125 = vector.broadcast %broadcast_in_dim3A_124 : f32 to vector<16xf32>
    %broadcast_in_dim3A_126 = arith.constant 0.000000e+00 : f32
    %broadcast_in_dim3A_127 = vector.broadcast %broadcast_in_dim3A_126 : f32 to vector<16xf32>
    %broadcast_in_dim3A_128 = arith.constant 0.000000e+00 : f32
    %broadcast_in_dim3A_129 = vector.broadcast %broadcast_in_dim3A_128 : f32 to vector<16xf32>
    %broadcast_in_dim3A_130 = arith.constant 0.000000e+00 : f32
    %broadcast_in_dim3A_131 = vector.broadcast %broadcast_in_dim3A_130 : f32 to vector<16xf32>
    %broadcast_in_dim3A_132 = arith.constant 0.000000e+00 : f32
    %broadcast_in_dim3A_133 = vector.broadcast %broadcast_in_dim3A_132 : f32 to vector<16xf32>
    %broadcast_in_dim3A_134 = arith.constant 0.000000e+00 : f32
    %broadcast_in_dim3A_135 = vector.broadcast %broadcast_in_dim3A_134 : f32 to vector<16xf32>
    %broadcast_in_dim3A_136 = arith.constant 0.000000e+00 : f32
    %broadcast_in_dim3A_137 = vector.broadcast %broadcast_in_dim3A_136 : f32 to vector<16xf32>
    %broadcast_in_dim3A_138 = arith.constant 0.000000e+00 : f32
    %broadcast_in_dim3A_139 = vector.broadcast %broadcast_in_dim3A_138 : f32 to vector<16xf32>
    %broadcast_in_dim3A_140 = arith.constant 0.000000e+00 : f32
    %broadcast_in_dim3A_141 = vector.broadcast %broadcast_in_dim3A_140 : f32 to vector<16xf32>
    %broadcast_in_dim3A_142 = arith.constant 0.000000e+00 : f32
    %broadcast_in_dim3A_143 = vector.broadcast %broadcast_in_dim3A_142 : f32 to vector<16xf32>
    %broadcast_in_dim3A_144 = arith.constant 0.000000e+00 : f32
    %broadcast_in_dim3A_145 = vector.broadcast %broadcast_in_dim3A_144 : f32 to vector<16xf32>
    %broadcast_in_dim3A_146 = arith.constant 0.000000e+00 : f32
    %broadcast_in_dim3A_147 = vector.broadcast %broadcast_in_dim3A_146 : f32 to vector<16xf32>
    %broadcast_in_dim3A_148 = arith.constant 0.000000e+00 : f32
    %broadcast_in_dim3A_149 = vector.broadcast %broadcast_in_dim3A_148 : f32 to vector<16xf32>
    %broadcast_in_dim3A_150 = arith.constant 0.000000e+00 : f32
    %broadcast_in_dim3A_151 = vector.broadcast %broadcast_in_dim3A_150 : f32 to vector<16xf32>
    %broadcast_in_dim3A_152 = arith.constant 0.000000e+00 : f32
    %broadcast_in_dim3A_153 = vector.broadcast %broadcast_in_dim3A_152 : f32 to vector<16xf32>
    %broadcast_in_dim3A_154 = arith.constant 0.000000e+00 : f32
    %broadcast_in_dim3A_155 = vector.broadcast %broadcast_in_dim3A_154 : f32 to vector<16xf32>
    %broadcast_in_dim3A_156 = arith.constant 0.000000e+00 : f32
    %broadcast_in_dim3A_157 = vector.broadcast %broadcast_in_dim3A_156 : f32 to vector<16xf32>
    %broadcast_in_dim3A_158 = arith.constant 0.000000e+00 : f32
    %broadcast_in_dim3A_159 = vector.broadcast %broadcast_in_dim3A_158 : f32 to vector<16xf32>
    %broadcast_in_dim3A_160 = arith.constant 0.000000e+00 : f32
    %broadcast_in_dim3A_161 = vector.broadcast %broadcast_in_dim3A_160 : f32 to vector<16xf32>
    %broadcast_in_dim3A_162 = arith.constant 0.000000e+00 : f32
    %broadcast_in_dim3A_163 = vector.broadcast %broadcast_in_dim3A_162 : f32 to vector<16xf32>
    %broadcast_in_dim3A_164 = arith.constant 0.000000e+00 : f32
    %broadcast_in_dim3A_165 = vector.broadcast %broadcast_in_dim3A_164 : f32 to vector<16xf32>
    %broadcast_in_dim3A_166 = arith.constant 0.000000e+00 : f32
    %broadcast_in_dim3A_167 = vector.broadcast %broadcast_in_dim3A_166 : f32 to vector<16xf32>
    %scan3A_168 = arith.constant 0 : i32
    %scan3A_169 = arith.constant 8 : i32
    %scan3A_170 = arith.addi %scan3A_168, %scan3A_169 : i32
    %scan3A_171 = arith.constant 1 : i32
    %scan3A_172:24 = scf.for %scan3A_186 = %scan3A_168 to %scan3A_170 step %scan3A_171 iter_args(%scan3A_187 = %broadcast_in_dim3A_121, %scan3A_188 = %broadcast_in_dim3A_123, %scan3A_189 = %broadcast_in_dim3A_125, %scan3A_190 = %broadcast_in_dim3A_127, %scan3A_191 = %broadcast_in_dim3A_129, %scan3A_192 = %broadcast_in_dim3A_131, %scan3A_193 = %broadcast_in_dim3A_133, %scan3A_194 = %broadcast_in_dim3A_135, %scan3A_195 = %broadcast_in_dim3A_137, %scan3A_196 = %broadcast_in_dim3A_139, %scan3A_197 = %broadcast_in_dim3A_141, %scan3A_198 = %broadcast_in_dim3A_143, %scan3A_199 = %broadcast_in_dim3A_145, %scan3A_200 = %broadcast_in_dim3A_147, %scan3A_201 = %broadcast_in_dim3A_149, %scan3A_202 = %broadcast_in_dim3A_151, %scan3A_203 = %broadcast_in_dim3A_153, %scan3A_204 = %broadcast_in_dim3A_155, %scan3A_205 = %broadcast_in_dim3A_157, %scan3A_206 = %broadcast_in_dim3A_159, %scan3A_207 = %broadcast_in_dim3A_161, %scan3A_208 = %broadcast_in_dim3A_163, %scan3A_209 = %broadcast_in_dim3A_165, %scan3A_210 = %broadcast_in_dim3A_167) -> (vector<16xf32>, vector<16xf32>, vector<16xf32>, vector<16xf32>, vector<16xf32>, vector<16xf32>, vector<16xf32>, vector<16xf32>, vector<16xf32>, vector<16xf32>, vector<16xf32>, vector<16xf32>, vector<16xf32>, vector<16xf32>, vector<16xf32>, vector<16xf32>, vector<16xf32>, vector<16xf32>, vector<16xf32>, vector<16xf32>, vector<16xf32>, vector<16xf32>, vector<16xf32>, vector<16xf32>)  : i32 {
      %mul3A_211 = arith.constant 2 : i32
      %mul3A_212 = arith.muli %mul3A_211, %scan3A_186 : i32
      %add3A_213 = arith.constant 0 : i32
      %add3A_214 = arith.addi %mul3A_212, %add3A_213 : i32
      %dma_wait3A = arith.constant 0 : i32
      %dma_wait3A_215 = arith.constant 0 : i32
      %dma_wait3A_216 = tpu.memref_slice %arg10[%dma_wait3A, %dma_wait3A_215] : memref<640x128xf32, #tpu.memory_space<vmem>> -> memref<64x128xf32, #tpu.memory_space<vmem>>
      %dma_wait3A_217 = arith.constant 0 : i32
      %dma_wait3A_218 = arith.constant 0 : i32
      %dma_wait3A_219 = tpu.memref_slice %arg3[%dma_wait3A_217, %dma_wait3A_218] : memref<100000x128xf32, #tpu.memory_space<hbm>> -> memref<64x128xf32, #tpu.memory_space<hbm>>
      %dma_wait3A_220 = arith.constant 0 : i32
      %dma_wait3A_221 = arith.constant 0 : i32
      %dma_wait3A_222 = tpu.memref_slice %arg10[%dma_wait3A_220, %dma_wait3A_221] : memref<640x128xf32, #tpu.memory_space<vmem>> -> memref<64x128xf32, #tpu.memory_space<vmem>>
      %dma_wait3A_223 = arith.constant 0 : i32
      %dma_wait3A_224 = arith.constant 0 : i32
      %dma_wait3A_225 = tpu.memref_slice %arg3[%dma_wait3A_223, %dma_wait3A_224] : memref<100000x128xf32, #tpu.memory_space<hbm>> -> memref<64x128xf32, #tpu.memory_space<hbm>>
      tpu.wait_dma2 semaphore(%arg12 : memref<!tpu.dma_semaphore, #tpu.memory_space<semaphore_mem>>) src(%dma_wait3A_225 : memref<64x128xf32, #tpu.memory_space<hbm>>) dst(%dma_wait3A_222 : memref<64x128xf32, #tpu.memory_space<vmem>>)
      %scan3A_226 = arith.constant 0 : i32
      %scan3A_227 = arith.constant 16 : i32
      %scan3A_228 = arith.addi %scan3A_226, %scan3A_227 : i32
      %scan3A_229 = arith.constant 1 : i32
      %scan3A_230:8 = scf.for %scan3A_462 = %scan3A_226 to %scan3A_228 step %scan3A_229 iter_args(%scan3A_463 = %scan3A_187, %scan3A_464 = %scan3A_188, %scan3A_465 = %scan3A_189, %scan3A_466 = %scan3A_190, %scan3A_467 = %scan3A_191, %scan3A_468 = %scan3A_192, %scan3A_469 = %scan3A_193, %scan3A_470 = %scan3A_194) -> (vector<16xf32>, vector<16xf32>, vector<16xf32>, vector<16xf32>, vector<16xf32>, vector<16xf32>, vector<16xf32>, vector<16xf32>)  : i32 {
        %mul3A_471 = arith.constant 4 : i32
        %mul3A_472 = arith.muli %scan3A_462, %mul3A_471 : i32
        %add3A_473 = arith.constant 0 : i32
        %add3A_474 = arith.addi %mul3A_472, %add3A_473 : i32
        %add3A_475 = arith.constant 0 : i32
        %add3A_476 = arith.addi %add3A_475, %add3A_474 : i32
        %get3A = arith.index_cast %add3A_476 : i32 to index
        %get3A_477 = arith.constant 0 : index
        %get3A_478 = tpu.vector_load %arg10[%get3A, %get3A_477] {strides = array<i32>} : memref<640x128xf32, #tpu.memory_space<vmem>>, vector<1x16xf32>,
        %get3A_479 = vector.shape_cast %get3A_478 : vector<1x16xf32> to vector<16xf32>
        %add3A_480 = arith.addf %scan3A_463, %get3A_479 : vector<16xf32>
        %add3A_481 = arith.constant 0 : i32
        %add3A_482 = arith.addi %add3A_481, %add3A_474 : i32
        %get3A_483 = arith.index_cast %add3A_482 : i32 to index
        %get3A_484 = arith.constant 16 : index
        %get3A_485 = tpu.vector_load %arg10[%get3A_483, %get3A_484] {strides = array<i32>} : memref<640x128xf32, #tpu.memory_space<vmem>>, vector<1x16xf32>,
        %get3A_486 = vector.shape_cast %get3A_485 : vector<1x16xf32> to vector<16xf32>
        %add3A_487 = arith.addf %scan3A_464, %get3A_486 : vector<16xf32>
        %add3A_488 = arith.constant 0 : i32
        %add3A_489 = arith.addi %add3A_488, %add3A_474 : i32
        %get3A_490 = arith.index_cast %add3A_489 : i32 to index
        %get3A_491 = arith.constant 32 : index
        %get3A_492 = tpu.vector_load %arg10[%get3A_490, %get3A_491] {strides = array<i32>} : memref<640x128xf32, #tpu.memory_space<vmem>>, vector<1x16xf32>,
        %get3A_493 = vector.shape_cast %get3A_492 : vector<1x16xf32> to vector<16xf32>
        %add3A_494 = arith.addf %scan3A_465, %get3A_493 : vector<16xf32>
        %add3A_495 = arith.constant 0 : i32
        %add3A_496 = arith.addi %add3A_495, %add3A_474 : i32
        %get3A_497 = arith.index_cast %add3A_496 : i32 to index
        %get3A_498 = arith.constant 48 : index
        %get3A_499 = tpu.vector_load %arg10[%get3A_497, %get3A_498] {strides = array<i32>} : memref<640x128xf32, #tpu.memory_space<vmem>>, vector<1x16xf32>,
        %get3A_500 = vector.shape_cast %get3A_499 : vector<1x16xf32> to vector<16xf32>
        %add3A_501 = arith.addf %scan3A_466, %get3A_500 : vector<16xf32>
        %add3A_502 = arith.constant 0 : i32
        %add3A_503 = arith.addi %add3A_502, %add3A_474 : i32
        %get3A_504 = arith.index_cast %add3A_503 : i32 to index
        %get3A_505 = arith.constant 64 : index
        %get3A_506 = tpu.vector_load %arg10[%get3A_504, %get3A_505] {strides = array<i32>} : memref<640x128xf32, #tpu.memory_space<vmem>>, vector<1x16xf32>,
        %get3A_507 = vector.shape_cast %get3A_506 : vector<1x16xf32> to vector<16xf32>
        %add3A_508 = arith.addf %scan3A_467, %get3A_507 : vector<16xf32>
        %add3A_509 = arith.constant 0 : i32
        %add3A_510 = arith.addi %add3A_509, %add3A_474 : i32
        %get3A_511 = arith.index_cast %add3A_510 : i32 to index
        %get3A_512 = arith.constant 80 : index
        %get3A_513 = tpu.vector_load %arg10[%get3A_511, %get3A_512] {strides = array<i32>} : memref<640x128xf32, #tpu.memory_space<vmem>>, vector<1x16xf32>,
        %get3A_514 = vector.shape_cast %get3A_513 : vector<1x16xf32> to vector<16xf32>
        %add3A_515 = arith.addf %scan3A_468, %get3A_514 : vector<16xf32>
        %add3A_516 = arith.constant 0 : i32
        %add3A_517 = arith.addi %add3A_516, %add3A_474 : i32
        %get3A_518 = arith.index_cast %add3A_517 : i32 to index
        %get3A_519 = arith.constant 96 : index
        %get3A_520 = tpu.vector_load %arg10[%get3A_518, %get3A_519] {strides = array<i32>} : memref<640x128xf32, #tpu.memory_space<vmem>>, vector<1x16xf32>,
        %get3A_521 = vector.shape_cast %get3A_520 : vector<1x16xf32> to vector<16xf32>
        %add3A_522 = arith.addf %scan3A_469, %get3A_521 : vector<16xf32>
        %add3A_523 = arith.constant 0 : i32
        %add3A_524 = arith.addi %add3A_523, %add3A_474 : i32
        %get3A_525 = arith.index_cast %add3A_524 : i32 to index
        %get3A_526 = arith.constant 112 : index
        %get3A_527 = tpu.vector_load %arg10[%get3A_525, %get3A_526] {strides = array<i32>} : memref<640x128xf32, #tpu.memory_space<vmem>>, vector<1x16xf32>,
        %get3A_528 = vector.shape_cast %get3A_527 : vector<1x16xf32> to vector<16xf32>
        %add3A_529 = arith.addf %scan3A_470, %get3A_528 : vector<16xf32>
        %mul3A_530 = arith.constant 4 : i32
        %mul3A_531 = arith.muli %scan3A_462, %mul3A_530 : i32
        %add3A_532 = arith.constant 1 : i32
        %add3A_533 = arith.addi %mul3A_531, %add3A_532 : i32
        %add3A_534 = arith.constant 0 : i32
        %add3A_535 = arith.addi %add3A_534, %add3A_533 : i32
        %get3A_536 = arith.index_cast %add3A_535 : i32 to index
        %get3A_537 = arith.constant 0 : index
        %get3A_538 = tpu.vector_load %arg10[%get3A_536, %get3A_537] {strides = array<i32>} : memref<640x128xf32, #tpu.memory_space<vmem>>, vector<1x16xf32>,
        %get3A_539 = vector.shape_cast %get3A_538 : vector<1x16xf32> to vector<16xf32>
        %add3A_540 = arith.addf %add3A_480, %get3A_539 : vector<16xf32>
        %add3A_541 = arith.constant 0 : i32
        %add3A_542 = arith.addi %add3A_541, %add3A_533 : i32
        %get3A_543 = arith.index_cast %add3A_542 : i32 to index
        %get3A_544 = arith.constant 16 : index
        %get3A_545 = tpu.vector_load %arg10[%get3A_543, %get3A_544] {strides = array<i32>} : memref<640x128xf32, #tpu.memory_space<vmem>>, vector<1x16xf32>,
        %get3A_546 = vector.shape_cast %get3A_545 : vector<1x16xf32> to vector<16xf32>
        %add3A_547 = arith.addf %add3A_487, %get3A_546 : vector<16xf32>
        %add3A_548 = arith.constant 0 : i32
        %add3A_549 = arith.addi %add3A_548, %add3A_533 : i32
        %get3A_550 = arith.index_cast %add3A_549 : i32 to index
        %get3A_551 = arith.constant 32 : index
        %get3A_552 = tpu.vector_load %arg10[%get3A_550, %get3A_551] {strides = array<i32>} : memref<640x128xf32, #tpu.memory_space<vmem>>, vector<1x16xf32>,
        %get3A_553 = vector.shape_cast %get3A_552 : vector<1x16xf32> to vector<16xf32>
        %add3A_554 = arith.addf %add3A_494, %get3A_553 : vector<16xf32>
        %add3A_555 = arith.constant 0 : i32
        %add3A_556 = arith.addi %add3A_555, %add3A_533 : i32
        %get3A_557 = arith.index_cast %add3A_556 : i32 to index
        %get3A_558 = arith.constant 48 : index
        %get3A_559 = tpu.vector_load %arg10[%get3A_557, %get3A_558] {strides = array<i32>} : memref<640x128xf32, #tpu.memory_space<vmem>>, vector<1x16xf32>,
        %get3A_560 = vector.shape_cast %get3A_559 : vector<1x16xf32> to vector<16xf32>
        %add3A_561 = arith.addf %add3A_501, %get3A_560 : vector<16xf32>
        %add3A_562 = arith.constant 0 : i32
        %add3A_563 = arith.addi %add3A_562, %add3A_533 : i32
        %get3A_564 = arith.index_cast %add3A_563 : i32 to index
        %get3A_565 = arith.constant 64 : index
        %get3A_566 = tpu.vector_load %arg10[%get3A_564, %get3A_565] {strides = array<i32>} : memref<640x128xf32, #tpu.memory_space<vmem>>, vector<1x16xf32>,
        %get3A_567 = vector.shape_cast %get3A_566 : vector<1x16xf32> to vector<16xf32>
        %add3A_568 = arith.addf %add3A_508, %get3A_567 : vector<16xf32>
        %add3A_569 = arith.constant 0 : i32
        %add3A_570 = arith.addi %add3A_569, %add3A_533 : i32
        %get3A_571 = arith.index_cast %add3A_570 : i32 to index
        %get3A_572 = arith.constant 80 : index
        %get3A_573 = tpu.vector_load %arg10[%get3A_571, %get3A_572] {strides = array<i32>} : memref<640x128xf32, #tpu.memory_space<vmem>>, vector<1x16xf32>,
        %get3A_574 = vector.shape_cast %get3A_573 : vector<1x16xf32> to vector<16xf32>
        %add3A_575 = arith.addf %add3A_515, %get3A_574 : vector<16xf32>
        %add3A_576 = arith.constant 0 : i32
        %add3A_577 = arith.addi %add3A_576, %add3A_533 : i32
        %get3A_578 = arith.index_cast %add3A_577 : i32 to index
        %get3A_579 = arith.constant 96 : index
        %get3A_580 = tpu.vector_load %arg10[%get3A_578, %get3A_579] {strides = array<i32>} : memref<640x128xf32, #tpu.memory_space<vmem>>, vector<1x16xf32>,
        %get3A_581 = vector.shape_cast %get3A_580 : vector<1x16xf32> to vector<16xf32>
        %add3A_582 = arith.addf %add3A_522, %get3A_581 : vector<16xf32>
        %add3A_583 = arith.constant 0 : i32
        %add3A_584 = arith.addi %add3A_583, %add3A_533 : i32
        %get3A_585 = arith.index_cast %add3A_584 : i32 to index
        %get3A_586 = arith.constant 112 : index
        %get3A_587 = tpu.vector_load %arg10[%get3A_585, %get3A_586] {strides = array<i32>} : memref<640x128xf32, #tpu.memory_space<vmem>>, vector<1x16xf32>,
        %get3A_588 = vector.shape_cast %get3A_587 : vector<1x16xf32> to vector<16xf32>
        %add3A_589 = arith.addf %add3A_529, %get3A_588 : vector<16xf32>
        %mul3A_590 = arith.constant 4 : i32
        %mul3A_591 = arith.muli %scan3A_462, %mul3A_590 : i32
        %add3A_592 = arith.constant 2 : i32
        %add3A_593 = arith.addi %mul3A_591, %add3A_592 : i32
        %add3A_594 = arith.constant 0 : i32
        %add3A_595 = arith.addi %add3A_594, %add3A_593 : i32
        %get3A_596 = arith.index_cast %add3A_595 : i32 to index
        %get3A_597 = arith.constant 0 : index
        %get3A_598 = tpu.vector_load %arg10[%get3A_596, %get3A_597] {strides = array<i32>} : memref<640x128xf32, #tpu.memory_space<vmem>>, vector<1x16xf32>,
        %get3A_599 = vector.shape_cast %get3A_598 : vector<1x16xf32> to vector<16xf32>
        %add3A_600 = arith.addf %add3A_540, %get3A_599 : vector<16xf32>
        %add3A_601 = arith.constant 0 : i32
        %add3A_602 = arith.addi %add3A_601, %add3A_593 : i32
        %get3A_603 = arith.index_cast %add3A_602 : i32 to index
        %get3A_604 = arith.constant 16 : index
        %get3A_605 = tpu.vector_load %arg10[%get3A_603, %get3A_604] {strides = array<i32>} : memref<640x128xf32, #tpu.memory_space<vmem>>, vector<1x16xf32>,
        %get3A_606 = vector.shape_cast %get3A_605 : vector<1x16xf32> to vector<16xf32>
        %add3A_607 = arith.addf %add3A_547, %get3A_606 : vector<16xf32>
        %add3A_608 = arith.constant 0 : i32
        %add3A_609 = arith.addi %add3A_608, %add3A_593 : i32
        %get3A_610 = arith.index_cast %add3A_609 : i32 to index
        %get3A_611 = arith.constant 32 : index
        %get3A_612 = tpu.vector_load %arg10[%get3A_610, %get3A_611] {strides = array<i32>} : memref<640x128xf32, #tpu.memory_space<vmem>>, vector<1x16xf32>,
        %get3A_613 = vector.shape_cast %get3A_612 : vector<1x16xf32> to vector<16xf32>
        %add3A_614 = arith.addf %add3A_554, %get3A_613 : vector<16xf32>
        %add3A_615 = arith.constant 0 : i32
        %add3A_616 = arith.addi %add3A_615, %add3A_593 : i32
        %get3A_617 = arith.index_cast %add3A_616 : i32 to index
        %get3A_618 = arith.constant 48 : index
        %get3A_619 = tpu.vector_load %arg10[%get3A_617, %get3A_618] {strides = array<i32>} : memref<640x128xf32, #tpu.memory_space<vmem>>, vector<1x16xf32>,
        %get3A_620 = vector.shape_cast %get3A_619 : vector<1x16xf32> to vector<16xf32>
        %add3A_621 = arith.addf %add3A_561, %get3A_620 : vector<16xf32>
        %add3A_622 = arith.constant 0 : i32
        %add3A_623 = arith.addi %add3A_622, %add3A_593 : i32
        %get3A_624 = arith.index_cast %add3A_623 : i32 to index
        %get3A_625 = arith.constant 64 : index
        %get3A_626 = tpu.vector_load %arg10[%get3A_624, %get3A_625] {strides = array<i32>} : memref<640x128xf32, #tpu.memory_space<vmem>>, vector<1x16xf32>,
        %get3A_627 = vector.shape_cast %get3A_626 : vector<1x16xf32> to vector<16xf32>
        %add3A_628 = arith.addf %add3A_568, %get3A_627 : vector<16xf32>
        %add3A_629 = arith.constant 0 : i32
        %add3A_630 = arith.addi %add3A_629, %add3A_593 : i32
        %get3A_631 = arith.index_cast %add3A_630 : i32 to index
        %get3A_632 = arith.constant 80 : index
        %get3A_633 = tpu.vector_load %arg10[%get3A_631, %get3A_632] {strides = array<i32>} : memref<640x128xf32, #tpu.memory_space<vmem>>, vector<1x16xf32>,
        %get3A_634 = vector.shape_cast %get3A_633 : vector<1x16xf32> to vector<16xf32>
        %add3A_635 = arith.addf %add3A_575, %get3A_634 : vector<16xf32>
        %add3A_636 = arith.constant 0 : i32
        %add3A_637 = arith.addi %add3A_636, %add3A_593 : i32
        %get3A_638 = arith.index_cast %add3A_637 : i32 to index
        %get3A_639 = arith.constant 96 : index
        %get3A_640 = tpu.vector_load %arg10[%get3A_638, %get3A_639] {strides = array<i32>} : memref<640x128xf32, #tpu.memory_space<vmem>>, vector<1x16xf32>,
        %get3A_641 = vector.shape_cast %get3A_640 : vector<1x16xf32> to vector<16xf32>
        %add3A_642 = arith.addf %add3A_582, %get3A_641 : vector<16xf32>
        %add3A_643 = arith.constant 0 : i32
        %add3A_644 = arith.addi %add3A_643, %add3A_593 : i32
        %get3A_645 = arith.index_cast %add3A_644 : i32 to index
        %get3A_646 = arith.constant 112 : index
        %get3A_647 = tpu.vector_load %arg10[%get3A_645, %get3A_646] {strides = array<i32>} : memref<640x128xf32, #tpu.memory_space<vmem>>, vector<1x16xf32>,
        %get3A_648 = vector.shape_cast %get3A_647 : vector<1x16xf32> to vector<16xf32>
        %add3A_649 = arith.addf %add3A_589, %get3A_648 : vector<16xf32>
        %mul3A_650 = arith.constant 4 : i32
        %mul3A_651 = arith.muli %scan3A_462, %mul3A_650 : i32
        %add3A_652 = arith.constant 3 : i32
        %add3A_653 = arith.addi %mul3A_651, %add3A_652 : i32
        %add3A_654 = arith.constant 0 : i32
        %add3A_655 = arith.addi %add3A_654, %add3A_653 : i32
        %get3A_656 = arith.index_cast %add3A_655 : i32 to index
        %get3A_657 = arith.constant 0 : index
        %get3A_658 = tpu.vector_load %arg10[%get3A_656, %get3A_657] {strides = array<i32>} : memref<640x128xf32, #tpu.memory_space<vmem>>, vector<1x16xf32>,
        %get3A_659 = vector.shape_cast %get3A_658 : vector<1x16xf32> to vector<16xf32>
        %add3A_660 = arith.addf %add3A_600, %get3A_659 : vector<16xf32>
        %add3A_661 = arith.constant 0 : i32
        %add3A_662 = arith.addi %add3A_661, %add3A_653 : i32
        %get3A_663 = arith.index_cast %add3A_662 : i32 to index
        %get3A_664 = arith.constant 16 : index
        %get3A_665 = tpu.vector_load %arg10[%get3A_663, %get3A_664] {strides = array<i32>} : memref<640x128xf32, #tpu.memory_space<vmem>>, vector<1x16xf32>,
        %get3A_666 = vector.shape_cast %get3A_665 : vector<1x16xf32> to vector<16xf32>
        %add3A_667 = arith.addf %add3A_607, %get3A_666 : vector<16xf32>
        %add3A_668 = arith.constant 0 : i32
        %add3A_669 = arith.addi %add3A_668, %add3A_653 : i32
        %get3A_670 = arith.index_cast %add3A_669 : i32 to index
        %get3A_671 = arith.constant 32 : index
        %get3A_672 = tpu.vector_load %arg10[%get3A_670, %get3A_671] {strides = array<i32>} : memref<640x128xf32, #tpu.memory_space<vmem>>, vector<1x16xf32>,
        %get3A_673 = vector.shape_cast %get3A_672 : vector<1x16xf32> to vector<16xf32>
        %add3A_674 = arith.addf %add3A_614, %get3A_673 : vector<16xf32>
        %add3A_675 = arith.constant 0 : i32
        %add3A_676 = arith.addi %add3A_675, %add3A_653 : i32
        %get3A_677 = arith.index_cast %add3A_676 : i32 to index
        %get3A_678 = arith.constant 48 : index
        %get3A_679 = tpu.vector_load %arg10[%get3A_677, %get3A_678] {strides = array<i32>} : memref<640x128xf32, #tpu.memory_space<vmem>>, vector<1x16xf32>,
        %get3A_680 = vector.shape_cast %get3A_679 : vector<1x16xf32> to vector<16xf32>
        %add3A_681 = arith.addf %add3A_621, %get3A_680 : vector<16xf32>
        %add3A_682 = arith.constant 0 : i32
        %add3A_683 = arith.addi %add3A_682, %add3A_653 : i32
        %get3A_684 = arith.index_cast %add3A_683 : i32 to index
        %get3A_685 = arith.constant 64 : index
        %get3A_686 = tpu.vector_load %arg10[%get3A_684, %get3A_685] {strides = array<i32>} : memref<640x128xf32, #tpu.memory_space<vmem>>, vector<1x16xf32>,
        %get3A_687 = vector.shape_cast %get3A_686 : vector<1x16xf32> to vector<16xf32>
        %add3A_688 = arith.addf %add3A_628, %get3A_687 : vector<16xf32>
        %add3A_689 = arith.constant 0 : i32
        %add3A_690 = arith.addi %add3A_689, %add3A_653 : i32
        %get3A_691 = arith.index_cast %add3A_690 : i32 to index
        %get3A_692 = arith.constant 80 : index
        %get3A_693 = tpu.vector_load %arg10[%get3A_691, %get3A_692] {strides = array<i32>} : memref<640x128xf32, #tpu.memory_space<vmem>>, vector<1x16xf32>,
        %get3A_694 = vector.shape_cast %get3A_693 : vector<1x16xf32> to vector<16xf32>
        %add3A_695 = arith.addf %add3A_635, %get3A_694 : vector<16xf32>
        %add3A_696 = arith.constant 0 : i32
        %add3A_697 = arith.addi %add3A_696, %add3A_653 : i32
        %get3A_698 = arith.index_cast %add3A_697 : i32 to index
        %get3A_699 = arith.constant 96 : index
        %get3A_700 = tpu.vector_load %arg10[%get3A_698, %get3A_699] {strides = array<i32>} : memref<640x128xf32, #tpu.memory_space<vmem>>, vector<1x16xf32>,
        %get3A_701 = vector.shape_cast %get3A_700 : vector<1x16xf32> to vector<16xf32>
        %add3A_702 = arith.addf %add3A_642, %get3A_701 : vector<16xf32>
        %add3A_703 = arith.constant 0 : i32
        %add3A_704 = arith.addi %add3A_703, %add3A_653 : i32
        %get3A_705 = arith.index_cast %add3A_704 : i32 to index
        %get3A_706 = arith.constant 112 : index
        %get3A_707 = tpu.vector_load %arg10[%get3A_705, %get3A_706] {strides = array<i32>} : memref<640x128xf32, #tpu.memory_space<vmem>>, vector<1x16xf32>,
        %get3A_708 = vector.shape_cast %get3A_707 : vector<1x16xf32> to vector<16xf32>
        %add3A_709 = arith.addf %add3A_649, %get3A_708 : vector<16xf32>
        scf.yield %add3A_660, %add3A_667, %add3A_674, %add3A_681, %add3A_688, %add3A_695, %add3A_702, %add3A_709 : vector<16xf32>, vector<16xf32>, vector<16xf32>, vector<16xf32>, vector<16xf32>, vector<16xf32>, vector<16xf32>, vector<16xf32>
      }
      %scan3A_231 = arith.constant 16 : i32
      %add3A_232 = arith.constant 2 : i32
      %add3A_233 = arith.addi %add3A_214, %add3A_232 : i32
      %lt3A = arith.constant 16 : i32
      %lt3A_234 = arith.cmpi slt, %add3A_233, %lt3A : i32
      %convert_element_type3A = arith.extui %lt3A_234 : i1 to i32
      %cond3A = arith.constant 0 : i32
      %cond3A_235 = arith.cmpi ne, %convert_element_type3A, %cond3A : i32
      scf.if %cond3A_235 {
        %add3A_462 = arith.constant 2 : i32
        %add3A_463 = arith.addi %add3A_214, %add3A_462 : i32
        %mul3A_464 = arith.constant 64 : i32
        %mul3A_465 = arith.muli %add3A_463, %mul3A_464 : i32
        %add3A_466 = arith.constant 25600 : i32
        %add3A_467 = arith.addi %add3A_466, %mul3A_465 : i32
        %dma_start3A_468 = arith.constant 0 : i32
        %dma_start3A_469 = arith.constant 0 : i32
        %dma_start3A_470 = tpu.memref_slice %arg10[%dma_start3A_468, %dma_start3A_469] : memref<640x128xf32, #tpu.memory_space<vmem>> -> memref<64x128xf32, #tpu.memory_space<vmem>>
        %dma_start3A_471 = tpu.memref_slice %arg9[%add3A_467] : memref<28672xi32, #tpu.memory_space<vmem>> -> memref<64xi32, #tpu.memory_space<vmem>>
        %dma_start3A_472 = arith.constant 0 : i32
        %dma_start3A_473 = arith.constant 0 : i32
        %dma_start3A_474 = tpu.memref_slice %arg5[%dma_start3A_472, %dma_start3A_473] : memref<100000x128xf32, #tpu.memory_space<hbm>> -> memref<100000x128xf32, #tpu.memory_space<hbm>>
        tpu.enqueue_indirect_dma source(%dma_start3A_474 : memref<100000x128xf32, #tpu.memory_space<hbm>>) target(%dma_start3A_470 : memref<64x128xf32, #tpu.memory_space<vmem>>) offsets(%dma_start3A_471 : memref<64xi32, #tpu.memory_space<vmem>>) semaphore(%arg12 : memref<!tpu.dma_semaphore, #tpu.memory_space<semaphore_mem>>)
      } else {
      }
      %mul3A_236 = arith.constant 2 : i32
      %mul3A_237 = arith.muli %mul3A_236, %scan3A_186 : i32
      %add3A_238 = arith.constant 1 : i32
      %add3A_239 = arith.addi %mul3A_237, %add3A_238 : i32
      %dma_wait3A_240 = arith.constant 80 : i32
      %dma_wait3A_241 = arith.constant 0 : i32
      %dma_wait3A_242 = tpu.memref_slice %arg10[%dma_wait3A_240, %dma_wait3A_241] : memref<640x128xf32, #tpu.memory_space<vmem>> -> memref<64x128xf32, #tpu.memory_space<vmem>>
      %dma_wait3A_243 = arith.constant 0 : i32
      %dma_wait3A_244 = arith.constant 0 : i32
      %dma_wait3A_245 = tpu.memref_slice %arg3[%dma_wait3A_243, %dma_wait3A_244] : memref<100000x128xf32, #tpu.memory_space<hbm>> -> memref<64x128xf32, #tpu.memory_space<hbm>>
      %dma_wait3A_246 = arith.constant 80 : i32
      %dma_wait3A_247 = arith.constant 0 : i32
      %dma_wait3A_248 = tpu.memref_slice %arg10[%dma_wait3A_246, %dma_wait3A_247] : memref<640x128xf32, #tpu.memory_space<vmem>> -> memref<64x128xf32, #tpu.memory_space<vmem>>
      %dma_wait3A_249 = arith.constant 0 : i32
      %dma_wait3A_250 = arith.constant 0 : i32
      %dma_wait3A_251 = tpu.memref_slice %arg3[%dma_wait3A_249, %dma_wait3A_250] : memref<100000x128xf32, #tpu.memory_space<hbm>> -> memref<64x128xf32, #tpu.memory_space<hbm>>
      tpu.wait_dma2 semaphore(%arg13 : memref<!tpu.dma_semaphore, #tpu.memory_space<semaphore_mem>>) src(%dma_wait3A_251 : memref<64x128xf32, #tpu.memory_space<hbm>>) dst(%dma_wait3A_248 : memref<64x128xf32, #tpu.memory_space<vmem>>)
      %scan3A_252 = arith.constant 0 : i32
      %scan3A_253 = arith.constant 16 : i32
      %scan3A_254 = arith.addi %scan3A_252, %scan3A_253 : i32
      %scan3A_255 = arith.constant 1 : i32
      %scan3A_256:8 = scf.for %scan3A_462 = %scan3A_252 to %scan3A_254 step %scan3A_255 iter_args(%scan3A_463 = %scan3A_230#0, %scan3A_464 = %scan3A_230#1, %scan3A_465 = %scan3A_230#2, %scan3A_466 = %scan3A_230#3, %scan3A_467 = %scan3A_230#4, %scan3A_468 = %scan3A_230#5, %scan3A_469 = %scan3A_230#6, %scan3A_470 = %scan3A_230#7) -> (vector<16xf32>, vector<16xf32>, vector<16xf32>, vector<16xf32>, vector<16xf32>, vector<16xf32>, vector<16xf32>, vector<16xf32>)  : i32 {
        %mul3A_471 = arith.constant 4 : i32
        %mul3A_472 = arith.muli %scan3A_462, %mul3A_471 : i32
        %add3A_473 = arith.constant 0 : i32
        %add3A_474 = arith.addi %mul3A_472, %add3A_473 : i32
        %add3A_475 = arith.constant 80 : i32
        %add3A_476 = arith.addi %add3A_475, %add3A_474 : i32
        %get3A = arith.index_cast %add3A_476 : i32 to index
        %get3A_477 = arith.constant 0 : index
        %get3A_478 = tpu.vector_load %arg10[%get3A, %get3A_477] {strides = array<i32>} : memref<640x128xf32, #tpu.memory_space<vmem>>, vector<1x16xf32>,
        %get3A_479 = vector.shape_cast %get3A_478 : vector<1x16xf32> to vector<16xf32>
        %add3A_480 = arith.addf %scan3A_463, %get3A_479 : vector<16xf32>
        %add3A_481 = arith.constant 80 : i32
        %add3A_482 = arith.addi %add3A_481, %add3A_474 : i32
        %get3A_483 = arith.index_cast %add3A_482 : i32 to index
        %get3A_484 = arith.constant 16 : index
        %get3A_485 = tpu.vector_load %arg10[%get3A_483, %get3A_484] {strides = array<i32>} : memref<640x128xf32, #tpu.memory_space<vmem>>, vector<1x16xf32>,
        %get3A_486 = vector.shape_cast %get3A_485 : vector<1x16xf32> to vector<16xf32>
        %add3A_487 = arith.addf %scan3A_464, %get3A_486 : vector<16xf32>
        %add3A_488 = arith.constant 80 : i32
        %add3A_489 = arith.addi %add3A_488, %add3A_474 : i32
        %get3A_490 = arith.index_cast %add3A_489 : i32 to index
        %get3A_491 = arith.constant 32 : index
        %get3A_492 = tpu.vector_load %arg10[%get3A_490, %get3A_491] {strides = array<i32>} : memref<640x128xf32, #tpu.memory_space<vmem>>, vector<1x16xf32>,
        %get3A_493 = vector.shape_cast %get3A_492 : vector<1x16xf32> to vector<16xf32>
        %add3A_494 = arith.addf %scan3A_465, %get3A_493 : vector<16xf32>
        %add3A_495 = arith.constant 80 : i32
        %add3A_496 = arith.addi %add3A_495, %add3A_474 : i32
        %get3A_497 = arith.index_cast %add3A_496 : i32 to index
        %get3A_498 = arith.constant 48 : index
        %get3A_499 = tpu.vector_load %arg10[%get3A_497, %get3A_498] {strides = array<i32>} : memref<640x128xf32, #tpu.memory_space<vmem>>, vector<1x16xf32>,
        %get3A_500 = vector.shape_cast %get3A_499 : vector<1x16xf32> to vector<16xf32>
        %add3A_501 = arith.addf %scan3A_466, %get3A_500 : vector<16xf32>
        %add3A_502 = arith.constant 80 : i32
        %add3A_503 = arith.addi %add3A_502, %add3A_474 : i32
        %get3A_504 = arith.index_cast %add3A_503 : i32 to index
        %get3A_505 = arith.constant 64 : index
        %get3A_506 = tpu.vector_load %arg10[%get3A_504, %get3A_505] {strides = array<i32>} : memref<640x128xf32, #tpu.memory_space<vmem>>, vector<1x16xf32>,
        %get3A_507 = vector.shape_cast %get3A_506 : vector<1x16xf32> to vector<16xf32>
        %add3A_508 = arith.addf %scan3A_467, %get3A_507 : vector<16xf32>
        %add3A_509 = arith.constant 80 : i32
        %add3A_510 = arith.addi %add3A_509, %add3A_474 : i32
        %get3A_511 = arith.index_cast %add3A_510 : i32 to index
        %get3A_512 = arith.constant 80 : index
        %get3A_513 = tpu.vector_load %arg10[%get3A_511, %get3A_512] {strides = array<i32>} : memref<640x128xf32, #tpu.memory_space<vmem>>, vector<1x16xf32>,
        %get3A_514 = vector.shape_cast %get3A_513 : vector<1x16xf32> to vector<16xf32>
        %add3A_515 = arith.addf %scan3A_468, %get3A_514 : vector<16xf32>
        %add3A_516 = arith.constant 80 : i32
        %add3A_517 = arith.addi %add3A_516, %add3A_474 : i32
        %get3A_518 = arith.index_cast %add3A_517 : i32 to index
        %get3A_519 = arith.constant 96 : index
        %get3A_520 = tpu.vector_load %arg10[%get3A_518, %get3A_519] {strides = array<i32>} : memref<640x128xf32, #tpu.memory_space<vmem>>, vector<1x16xf32>,
        %get3A_521 = vector.shape_cast %get3A_520 : vector<1x16xf32> to vector<16xf32>
        %add3A_522 = arith.addf %scan3A_469, %get3A_521 : vector<16xf32>
        %add3A_523 = arith.constant 80 : i32
        %add3A_524 = arith.addi %add3A_523, %add3A_474 : i32
        %get3A_525 = arith.index_cast %add3A_524 : i32 to index
        %get3A_526 = arith.constant 112 : index
        %get3A_527 = tpu.vector_load %arg10[%get3A_525, %get3A_526] {strides = array<i32>} : memref<640x128xf32, #tpu.memory_space<vmem>>, vector<1x16xf32>,
        %get3A_528 = vector.shape_cast %get3A_527 : vector<1x16xf32> to vector<16xf32>
        %add3A_529 = arith.addf %scan3A_470, %get3A_528 : vector<16xf32>
        %mul3A_530 = arith.constant 4 : i32
        %mul3A_531 = arith.muli %scan3A_462, %mul3A_530 : i32
        %add3A_532 = arith.constant 1 : i32
        %add3A_533 = arith.addi %mul3A_531, %add3A_532 : i32
        %add3A_534 = arith.constant 80 : i32
        %add3A_535 = arith.addi %add3A_534, %add3A_533 : i32
        %get3A_536 = arith.index_cast %add3A_535 : i32 to index
        %get3A_537 = arith.constant 0 : index
        %get3A_538 = tpu.vector_load %arg10[%get3A_536, %get3A_537] {strides = array<i32>} : memref<640x128xf32, #tpu.memory_space<vmem>>, vector<1x16xf32>,
        %get3A_539 = vector.shape_cast %get3A_538 : vector<1x16xf32> to vector<16xf32>
        %add3A_540 = arith.addf %add3A_480, %get3A_539 : vector<16xf32>
        %add3A_541 = arith.constant 80 : i32
        %add3A_542 = arith.addi %add3A_541, %add3A_533 : i32
        %get3A_543 = arith.index_cast %add3A_542 : i32 to index
        %get3A_544 = arith.constant 16 : index
        %get3A_545 = tpu.vector_load %arg10[%get3A_543, %get3A_544] {strides = array<i32>} : memref<640x128xf32, #tpu.memory_space<vmem>>, vector<1x16xf32>,
        %get3A_546 = vector.shape_cast %get3A_545 : vector<1x16xf32> to vector<16xf32>
        %add3A_547 = arith.addf %add3A_487, %get3A_546 : vector<16xf32>
        %add3A_548 = arith.constant 80 : i32
        %add3A_549 = arith.addi %add3A_548, %add3A_533 : i32
        %get3A_550 = arith.index_cast %add3A_549 : i32 to index
        %get3A_551 = arith.constant 32 : index
        %get3A_552 = tpu.vector_load %arg10[%get3A_550, %get3A_551] {strides = array<i32>} : memref<640x128xf32, #tpu.memory_space<vmem>>, vector<1x16xf32>,
        %get3A_553 = vector.shape_cast %get3A_552 : vector<1x16xf32> to vector<16xf32>
        %add3A_554 = arith.addf %add3A_494, %get3A_553 : vector<16xf32>
        %add3A_555 = arith.constant 80 : i32
        %add3A_556 = arith.addi %add3A_555, %add3A_533 : i32
        %get3A_557 = arith.index_cast %add3A_556 : i32 to index
        %get3A_558 = arith.constant 48 : index
        %get3A_559 = tpu.vector_load %arg10[%get3A_557, %get3A_558] {strides = array<i32>} : memref<640x128xf32, #tpu.memory_space<vmem>>, vector<1x16xf32>,
        %get3A_560 = vector.shape_cast %get3A_559 : vector<1x16xf32> to vector<16xf32>
        %add3A_561 = arith.addf %add3A_501, %get3A_560 : vector<16xf32>
        %add3A_562 = arith.constant 80 : i32
        %add3A_563 = arith.addi %add3A_562, %add3A_533 : i32
        %get3A_564 = arith.index_cast %add3A_563 : i32 to index
        %get3A_565 = arith.constant 64 : index
        %get3A_566 = tpu.vector_load %arg10[%get3A_564, %get3A_565] {strides = array<i32>} : memref<640x128xf32, #tpu.memory_space<vmem>>, vector<1x16xf32>,
        %get3A_567 = vector.shape_cast %get3A_566 : vector<1x16xf32> to vector<16xf32>
        %add3A_568 = arith.addf %add3A_508, %get3A_567 : vector<16xf32>
        %add3A_569 = arith.constant 80 : i32
        %add3A_570 = arith.addi %add3A_569, %add3A_533 : i32
        %get3A_571 = arith.index_cast %add3A_570 : i32 to index
        %get3A_572 = arith.constant 80 : index
        %get3A_573 = tpu.vector_load %arg10[%get3A_571, %get3A_572] {strides = array<i32>} : memref<640x128xf32, #tpu.memory_space<vmem>>, vector<1x16xf32>,
        %get3A_574 = vector.shape_cast %get3A_573 : vector<1x16xf32> to vector<16xf32>
        %add3A_575 = arith.addf %add3A_515, %get3A_574 : vector<16xf32>
        %add3A_576 = arith.constant 80 : i32
        %add3A_577 = arith.addi %add3A_576, %add3A_533 : i32
        %get3A_578 = arith.index_cast %add3A_577 : i32 to index
        %get3A_579 = arith.constant 96 : index
        %get3A_580 = tpu.vector_load %arg10[%get3A_578, %get3A_579] {strides = array<i32>} : memref<640x128xf32, #tpu.memory_space<vmem>>, vector<1x16xf32>,
        %get3A_581 = vector.shape_cast %get3A_580 : vector<1x16xf32> to vector<16xf32>
        %add3A_582 = arith.addf %add3A_522, %get3A_581 : vector<16xf32>
        %add3A_583 = arith.constant 80 : i32
        %add3A_584 = arith.addi %add3A_583, %add3A_533 : i32
        %get3A_585 = arith.index_cast %add3A_584 : i32 to index
        %get3A_586 = arith.constant 112 : index
        %get3A_587 = tpu.vector_load %arg10[%get3A_585, %get3A_586] {strides = array<i32>} : memref<640x128xf32, #tpu.memory_space<vmem>>, vector<1x16xf32>,
        %get3A_588 = vector.shape_cast %get3A_587 : vector<1x16xf32> to vector<16xf32>
        %add3A_589 = arith.addf %add3A_529, %get3A_588 : vector<16xf32>
        %mul3A_590 = arith.constant 4 : i32
        %mul3A_591 = arith.muli %scan3A_462, %mul3A_590 : i32
        %add3A_592 = arith.constant 2 : i32
        %add3A_593 = arith.addi %mul3A_591, %add3A_592 : i32
        %add3A_594 = arith.constant 80 : i32
        %add3A_595 = arith.addi %add3A_594, %add3A_593 : i32
        %get3A_596 = arith.index_cast %add3A_595 : i32 to index
        %get3A_597 = arith.constant 0 : index
        %get3A_598 = tpu.vector_load %arg10[%get3A_596, %get3A_597] {strides = array<i32>} : memref<640x128xf32, #tpu.memory_space<vmem>>, vector<1x16xf32>,
        %get3A_599 = vector.shape_cast %get3A_598 : vector<1x16xf32> to vector<16xf32>
        %add3A_600 = arith.addf %add3A_540, %get3A_599 : vector<16xf32>
        %add3A_601 = arith.constant 80 : i32
        %add3A_602 = arith.addi %add3A_601, %add3A_593 : i32
        %get3A_603 = arith.index_cast %add3A_602 : i32 to index
        %get3A_604 = arith.constant 16 : index
        %get3A_605 = tpu.vector_load %arg10[%get3A_603, %get3A_604] {strides = array<i32>} : memref<640x128xf32, #tpu.memory_space<vmem>>, vector<1x16xf32>,
        %get3A_606 = vector.shape_cast %get3A_605 : vector<1x16xf32> to vector<16xf32>
        %add3A_607 = arith.addf %add3A_547, %get3A_606 : vector<16xf32>
        %add3A_608 = arith.constant 80 : i32
        %add3A_609 = arith.addi %add3A_608, %add3A_593 : i32
        %get3A_610 = arith.index_cast %add3A_609 : i32 to index
        %get3A_611 = arith.constant 32 : index
        %get3A_612 = tpu.vector_load %arg10[%get3A_610, %get3A_611] {strides = array<i32>} : memref<640x128xf32, #tpu.memory_space<vmem>>, vector<1x16xf32>,
        %get3A_613 = vector.shape_cast %get3A_612 : vector<1x16xf32> to vector<16xf32>
        %add3A_614 = arith.addf %add3A_554, %get3A_613 : vector<16xf32>
        %add3A_615 = arith.constant 80 : i32
        %add3A_616 = arith.addi %add3A_615, %add3A_593 : i32
        %get3A_617 = arith.index_cast %add3A_616 : i32 to index
        %get3A_618 = arith.constant 48 : index
        %get3A_619 = tpu.vector_load %arg10[%get3A_617, %get3A_618] {strides = array<i32>} : memref<640x128xf32, #tpu.memory_space<vmem>>, vector<1x16xf32>,
        %get3A_620 = vector.shape_cast %get3A_619 : vector<1x16xf32> to vector<16xf32>
        %add3A_621 = arith.addf %add3A_561, %get3A_620 : vector<16xf32>
        %add3A_622 = arith.constant 80 : i32
        %add3A_623 = arith.addi %add3A_622, %add3A_593 : i32
        %get3A_624 = arith.index_cast %add3A_623 : i32 to index
        %get3A_625 = arith.constant 64 : index
        %get3A_626 = tpu.vector_load %arg10[%get3A_624, %get3A_625] {strides = array<i32>} : memref<640x128xf32, #tpu.memory_space<vmem>>, vector<1x16xf32>,
        %get3A_627 = vector.shape_cast %get3A_626 : vector<1x16xf32> to vector<16xf32>
        %add3A_628 = arith.addf %add3A_568, %get3A_627 : vector<16xf32>
        %add3A_629 = arith.constant 80 : i32
        %add3A_630 = arith.addi %add3A_629, %add3A_593 : i32
        %get3A_631 = arith.index_cast %add3A_630 : i32 to index
        %get3A_632 = arith.constant 80 : index
        %get3A_633 = tpu.vector_load %arg10[%get3A_631, %get3A_632] {strides = array<i32>} : memref<640x128xf32, #tpu.memory_space<vmem>>, vector<1x16xf32>,
        %get3A_634 = vector.shape_cast %get3A_633 : vector<1x16xf32> to vector<16xf32>
        %add3A_635 = arith.addf %add3A_575, %get3A_634 : vector<16xf32>
        %add3A_636 = arith.constant 80 : i32
        %add3A_637 = arith.addi %add3A_636, %add3A_593 : i32
        %get3A_638 = arith.index_cast %add3A_637 : i32 to index
        %get3A_639 = arith.constant 96 : index
        %get3A_640 = tpu.vector_load %arg10[%get3A_638, %get3A_639] {strides = array<i32>} : memref<640x128xf32, #tpu.memory_space<vmem>>, vector<1x16xf32>,
        %get3A_641 = vector.shape_cast %get3A_640 : vector<1x16xf32> to vector<16xf32>
        %add3A_642 = arith.addf %add3A_582, %get3A_641 : vector<16xf32>
        %add3A_643 = arith.constant 80 : i32
        %add3A_644 = arith.addi %add3A_643, %add3A_593 : i32
        %get3A_645 = arith.index_cast %add3A_644 : i32 to index
        %get3A_646 = arith.constant 112 : index
        %get3A_647 = tpu.vector_load %arg10[%get3A_645, %get3A_646] {strides = array<i32>} : memref<640x128xf32, #tpu.memory_space<vmem>>, vector<1x16xf32>,
        %get3A_648 = vector.shape_cast %get3A_647 : vector<1x16xf32> to vector<16xf32>
        %add3A_649 = arith.addf %add3A_589, %get3A_648 : vector<16xf32>
        %mul3A_650 = arith.constant 4 : i32
        %mul3A_651 = arith.muli %scan3A_462, %mul3A_650 : i32
        %add3A_652 = arith.constant 3 : i32
        %add3A_653 = arith.addi %mul3A_651, %add3A_652 : i32
        %add3A_654 = arith.constant 80 : i32
        %add3A_655 = arith.addi %add3A_654, %add3A_653 : i32
        %get3A_656 = arith.index_cast %add3A_655 : i32 to index
        %get3A_657 = arith.constant 0 : index
        %get3A_658 = tpu.vector_load %arg10[%get3A_656, %get3A_657] {strides = array<i32>} : memref<640x128xf32, #tpu.memory_space<vmem>>, vector<1x16xf32>,
        %get3A_659 = vector.shape_cast %get3A_658 : vector<1x16xf32> to vector<16xf32>
        %add3A_660 = arith.addf %add3A_600, %get3A_659 : vector<16xf32>
        %add3A_661 = arith.constant 80 : i32
        %add3A_662 = arith.addi %add3A_661, %add3A_653 : i32
        %get3A_663 = arith.index_cast %add3A_662 : i32 to index
        %get3A_664 = arith.constant 16 : index
        %get3A_665 = tpu.vector_load %arg10[%get3A_663, %get3A_664] {strides = array<i32>} : memref<640x128xf32, #tpu.memory_space<vmem>>, vector<1x16xf32>,
        %get3A_666 = vector.shape_cast %get3A_665 : vector<1x16xf32> to vector<16xf32>
        %add3A_667 = arith.addf %add3A_607, %get3A_666 : vector<16xf32>
        %add3A_668 = arith.constant 80 : i32
        %add3A_669 = arith.addi %add3A_668, %add3A_653 : i32
        %get3A_670 = arith.index_cast %add3A_669 : i32 to index
        %get3A_671 = arith.constant 32 : index
        %get3A_672 = tpu.vector_load %arg10[%get3A_670, %get3A_671] {strides = array<i32>} : memref<640x128xf32, #tpu.memory_space<vmem>>, vector<1x16xf32>,
        %get3A_673 = vector.shape_cast %get3A_672 : vector<1x16xf32> to vector<16xf32>
        %add3A_674 = arith.addf %add3A_614, %get3A_673 : vector<16xf32>
        %add3A_675 = arith.constant 80 : i32
        %add3A_676 = arith.addi %add3A_675, %add3A_653 : i32
        %get3A_677 = arith.index_cast %add3A_676 : i32 to index
        %get3A_678 = arith.constant 48 : index
        %get3A_679 = tpu.vector_load %arg10[%get3A_677, %get3A_678] {strides = array<i32>} : memref<640x128xf32, #tpu.memory_space<vmem>>, vector<1x16xf32>,
        %get3A_680 = vector.shape_cast %get3A_679 : vector<1x16xf32> to vector<16xf32>
        %add3A_681 = arith.addf %add3A_621, %get3A_680 : vector<16xf32>
        %add3A_682 = arith.constant 80 : i32
        %add3A_683 = arith.addi %add3A_682, %add3A_653 : i32
        %get3A_684 = arith.index_cast %add3A_683 : i32 to index
        %get3A_685 = arith.constant 64 : index
        %get3A_686 = tpu.vector_load %arg10[%get3A_684, %get3A_685] {strides = array<i32>} : memref<640x128xf32, #tpu.memory_space<vmem>>, vector<1x16xf32>,
        %get3A_687 = vector.shape_cast %get3A_686 : vector<1x16xf32> to vector<16xf32>
        %add3A_688 = arith.addf %add3A_628, %get3A_687 : vector<16xf32>
        %add3A_689 = arith.constant 80 : i32
        %add3A_690 = arith.addi %add3A_689, %add3A_653 : i32
        %get3A_691 = arith.index_cast %add3A_690 : i32 to index
        %get3A_692 = arith.constant 80 : index
        %get3A_693 = tpu.vector_load %arg10[%get3A_691, %get3A_692] {strides = array<i32>} : memref<640x128xf32, #tpu.memory_space<vmem>>, vector<1x16xf32>,
        %get3A_694 = vector.shape_cast %get3A_693 : vector<1x16xf32> to vector<16xf32>
        %add3A_695 = arith.addf %add3A_635, %get3A_694 : vector<16xf32>
        %add3A_696 = arith.constant 80 : i32
        %add3A_697 = arith.addi %add3A_696, %add3A_653 : i32
        %get3A_698 = arith.index_cast %add3A_697 : i32 to index
        %get3A_699 = arith.constant 96 : index
        %get3A_700 = tpu.vector_load %arg10[%get3A_698, %get3A_699] {strides = array<i32>} : memref<640x128xf32, #tpu.memory_space<vmem>>, vector<1x16xf32>,
        %get3A_701 = vector.shape_cast %get3A_700 : vector<1x16xf32> to vector<16xf32>
        %add3A_702 = arith.addf %add3A_642, %get3A_701 : vector<16xf32>
        %add3A_703 = arith.constant 80 : i32
        %add3A_704 = arith.addi %add3A_703, %add3A_653 : i32
        %get3A_705 = arith.index_cast %add3A_704 : i32 to index
        %get3A_706 = arith.constant 112 : index
        %get3A_707 = tpu.vector_load %arg10[%get3A_705, %get3A_706] {strides = array<i32>} : memref<640x128xf32, #tpu.memory_space<vmem>>, vector<1x16xf32>,
        %get3A_708 = vector.shape_cast %get3A_707 : vector<1x16xf32> to vector<16xf32>
        %add3A_709 = arith.addf %add3A_649, %get3A_708 : vector<16xf32>
        scf.yield %add3A_660, %add3A_667, %add3A_674, %add3A_681, %add3A_688, %add3A_695, %add3A_702, %add3A_709 : vector<16xf32>, vector<16xf32>, vector<16xf32>, vector<16xf32>, vector<16xf32>, vector<16xf32>, vector<16xf32>, vector<16xf32>
      }
      %scan3A_257 = arith.constant 16 : i32
      %add3A_258 = arith.constant 2 : i32
      %add3A_259 = arith.addi %add3A_239, %add3A_258 : i32
      %lt3A_260 = arith.constant 16 : i32
      %lt3A_261 = arith.cmpi slt, %add3A_259, %lt3A_260 : i32
      %convert_element_type3A_262 = arith.extui %lt3A_261 : i1 to i32
      %cond3A_263 = arith.constant 0 : i32
      %cond3A_264 = arith.cmpi ne, %convert_element_type3A_262, %cond3A_263 : i32
      scf.if %cond3A_264 {
        %add3A_462 = arith.constant 2 : i32
        %add3A_463 = arith.addi %add3A_239, %add3A_462 : i32
        %mul3A_464 = arith.constant 64 : i32
        %mul3A_465 = arith.muli %add3A_463, %mul3A_464 : i32
        %add3A_466 = arith.constant 25600 : i32
        %add3A_467 = arith.addi %add3A_466, %mul3A_465 : i32
        %dma_start3A_468 = arith.constant 80 : i32
        %dma_start3A_469 = arith.constant 0 : i32
        %dma_start3A_470 = tpu.memref_slice %arg10[%dma_start3A_468, %dma_start3A_469] : memref<640x128xf32, #tpu.memory_space<vmem>> -> memref<64x128xf32, #tpu.memory_space<vmem>>
        %dma_start3A_471 = tpu.memref_slice %arg9[%add3A_467] : memref<28672xi32, #tpu.memory_space<vmem>> -> memref<64xi32, #tpu.memory_space<vmem>>
        %dma_start3A_472 = arith.constant 0 : i32
        %dma_start3A_473 = arith.constant 0 : i32
        %dma_start3A_474 = tpu.memref_slice %arg5[%dma_start3A_472, %dma_start3A_473] : memref<100000x128xf32, #tpu.memory_space<hbm>> -> memref<100000x128xf32, #tpu.memory_space<hbm>>
        tpu.enqueue_indirect_dma source(%dma_start3A_474 : memref<100000x128xf32, #tpu.memory_space<hbm>>) target(%dma_start3A_470 : memref<64x128xf32, #tpu.memory_space<vmem>>) offsets(%dma_start3A_471 : memref<64xi32, #tpu.memory_space<vmem>>) semaphore(%arg13 : memref<!tpu.dma_semaphore, #tpu.memory_space<semaphore_mem>>)
      } else {
      }
      %jit3A = arith.constant 4 : i32
      %eq3A = arith.constant 0 : i32
      %eq3A_265 = arith.cmpi eq, %jit3A, %eq3A : i32
      %jit3A_266 = arith.constant 1 : i32
      %select_n3A = arith.select %eq3A_265, %jit3A_266, %jit3A : i32
      %rem3A = arith.remsi %scan3A_186, %select_n3A : i32
      %ne3A = arith.constant 0 : i32
      %ne3A_267 = arith.cmpi ne, %rem3A, %ne3A : i32
      %lt3A_268 = arith.constant 0 : i32
      %lt3A_269 = arith.cmpi slt, %rem3A, %lt3A_268 : i32
      %lt3A_270 = arith.constant 0 : i32
      %lt3A_271 = arith.cmpi slt, %select_n3A, %lt3A_270 : i32
      %ne3A_272 = arith.xori %lt3A_269, %lt3A_271 : i1
      %and3A = arith.andi %ne3A_272, %ne3A_267 : i1
      %add3A_273 = arith.addi %rem3A, %select_n3A : i32
      %select_n3A_274 = arith.select %and3A, %add3A_273, %rem3A : i32
      %eq3A_275 = arith.constant 3 : i32
      %eq3A_276 = arith.cmpi eq, %select_n3A_274, %eq3A_275 : i32
      %convert_element_type3A_277 = arith.extui %eq3A_276 : i1 to i32
      %cond3A_278 = arith.constant 0 : i32
      %cond3A_279 = arith.cmpi ne, %convert_element_type3A_277, %cond3A_278 : i32
      scf.if %cond3A_279 {
        %jit3A_462 = arith.constant 4 : i32
        %div3A = arith.divsi %scan3A_186, %jit3A_462 : i32
        %sign3A = arith.constant 0 : i32
        %sign3A_463 = arith.cmpi sgt, %scan3A_186, %sign3A : i32
        %sign3A_464 = arith.extui %sign3A_463 : i1 to i32
        %sign3A_465 = arith.constant 0 : i32
        %sign3A_466 = arith.cmpi slt, %scan3A_186, %sign3A_465 : i32
        %sign3A_467 = arith.extui %sign3A_466 : i1 to i32
        %sign3A_468 = arith.subi %sign3A_464, %sign3A_467 : i32
        %sign3A_469 = arith.constant 0 : i32
        %sign3A_470 = arith.cmpi sgt, %jit3A_462, %sign3A_469 : i32
        %sign3A_471 = arith.extui %sign3A_470 : i1 to i32
        %sign3A_472 = arith.constant 0 : i32
        %sign3A_473 = arith.cmpi slt, %jit3A_462, %sign3A_472 : i32
        %sign3A_474 = arith.extui %sign3A_473 : i1 to i32
        %sign3A_475 = arith.subi %sign3A_471, %sign3A_474 : i32
        %ne3A_476 = arith.cmpi ne, %sign3A_468, %sign3A_475 : i32
        %rem3A_477 = arith.remsi %scan3A_186, %jit3A_462 : i32
        %ne3A_478 = arith.constant 0 : i32
        %ne3A_479 = arith.cmpi ne, %rem3A_477, %ne3A_478 : i32
        %and3A_480 = arith.andi %ne3A_476, %ne3A_479 : i1
        %sub3A = arith.constant 1 : i32
        %sub3A_481 = arith.subi %div3A, %sub3A : i32
        %select_n3A_482 = arith.select %and3A_480, %sub3A_481, %div3A : i32
        %add3A_483 = arith.constant 16 : i32
        %add3A_484 = arith.addi %add3A_483, %select_n3A_482 : i32
        %swap3A = arith.index_cast %add3A_484 : i32 to index
        %swap3A_485 = arith.constant 0 : index
        %swap3A_486 = tpu.vector_load %arg11[%swap3A, %swap3A_485] {strides = array<i32>} : memref<22x128xf32, #tpu.memory_space<vmem>>, vector<1x16xf32>,
        %swap3A_487 = vector.shape_cast %swap3A_486 : vector<1x16xf32> to vector<16xf32>
        %swap3A_488 = vector.shape_cast %scan3A_256#0 : vector<16xf32> to vector<1x16xf32>
        tpu.vector_store %arg11[%swap3A, %swap3A_485], %swap3A_488 {strides = array<i32>} : memref<22x128xf32, #tpu.memory_space<vmem>>, vector<1x16xf32>,
        %add3A_489 = arith.constant 16 : i32
        %add3A_490 = arith.addi %add3A_489, %select_n3A_482 : i32
        %swap3A_491 = arith.index_cast %add3A_490 : i32 to index
        %swap3A_492 = arith.constant 16 : index
        %swap3A_493 = tpu.vector_load %arg11[%swap3A_491, %swap3A_492] {strides = array<i32>} : memref<22x128xf32, #tpu.memory_space<vmem>>, vector<1x16xf32>,
        %swap3A_494 = vector.shape_cast %swap3A_493 : vector<1x16xf32> to vector<16xf32>
        %swap3A_495 = vector.shape_cast %scan3A_256#1 : vector<16xf32> to vector<1x16xf32>
        tpu.vector_store %arg11[%swap3A_491, %swap3A_492], %swap3A_495 {strides = array<i32>} : memref<22x128xf32, #tpu.memory_space<vmem>>, vector<1x16xf32>,
        %add3A_496 = arith.constant 16 : i32
        %add3A_497 = arith.addi %add3A_496, %select_n3A_482 : i32
        %swap3A_498 = arith.index_cast %add3A_497 : i32 to index
        %swap3A_499 = arith.constant 32 : index
        %swap3A_500 = tpu.vector_load %arg11[%swap3A_498, %swap3A_499] {strides = array<i32>} : memref<22x128xf32, #tpu.memory_space<vmem>>, vector<1x16xf32>,
        %swap3A_501 = vector.shape_cast %swap3A_500 : vector<1x16xf32> to vector<16xf32>
        %swap3A_502 = vector.shape_cast %scan3A_256#2 : vector<16xf32> to vector<1x16xf32>
        tpu.vector_store %arg11[%swap3A_498, %swap3A_499], %swap3A_502 {strides = array<i32>} : memref<22x128xf32, #tpu.memory_space<vmem>>, vector<1x16xf32>,
        %add3A_503 = arith.constant 16 : i32
        %add3A_504 = arith.addi %add3A_503, %select_n3A_482 : i32
        %swap3A_505 = arith.index_cast %add3A_504 : i32 to index
        %swap3A_506 = arith.constant 48 : index
        %swap3A_507 = tpu.vector_load %arg11[%swap3A_505, %swap3A_506] {strides = array<i32>} : memref<22x128xf32, #tpu.memory_space<vmem>>, vector<1x16xf32>,
        %swap3A_508 = vector.shape_cast %swap3A_507 : vector<1x16xf32> to vector<16xf32>
        %swap3A_509 = vector.shape_cast %scan3A_256#3 : vector<16xf32> to vector<1x16xf32>
        tpu.vector_store %arg11[%swap3A_505, %swap3A_506], %swap3A_509 {strides = array<i32>} : memref<22x128xf32, #tpu.memory_space<vmem>>, vector<1x16xf32>,
        %add3A_510 = arith.constant 16 : i32
        %add3A_511 = arith.addi %add3A_510, %select_n3A_482 : i32
        %swap3A_512 = arith.index_cast %add3A_511 : i32 to index
        %swap3A_513 = arith.constant 64 : index
        %swap3A_514 = tpu.vector_load %arg11[%swap3A_512, %swap3A_513] {strides = array<i32>} : memref<22x128xf32, #tpu.memory_space<vmem>>, vector<1x16xf32>,
        %swap3A_515 = vector.shape_cast %swap3A_514 : vector<1x16xf32> to vector<16xf32>
        %swap3A_516 = vector.shape_cast %scan3A_256#4 : vector<16xf32> to vector<1x16xf32>
        tpu.vector_store %arg11[%swap3A_512, %swap3A_513], %swap3A_516 {strides = array<i32>} : memref<22x128xf32, #tpu.memory_space<vmem>>, vector<1x16xf32>,
        %add3A_517 = arith.constant 16 : i32
        %add3A_518 = arith.addi %add3A_517, %select_n3A_482 : i32
        %swap3A_519 = arith.index_cast %add3A_518 : i32 to index
        %swap3A_520 = arith.constant 80 : index
        %swap3A_521 = tpu.vector_load %arg11[%swap3A_519, %swap3A_520] {strides = array<i32>} : memref<22x128xf32, #tpu.memory_space<vmem>>, vector<1x16xf32>,
        %swap3A_522 = vector.shape_cast %swap3A_521 : vector<1x16xf32> to vector<16xf32>
        %swap3A_523 = vector.shape_cast %scan3A_256#5 : vector<16xf32> to vector<1x16xf32>
        tpu.vector_store %arg11[%swap3A_519, %swap3A_520], %swap3A_523 {strides = array<i32>} : memref<22x128xf32, #tpu.memory_space<vmem>>, vector<1x16xf32>,
        %add3A_524 = arith.constant 16 : i32
        %add3A_525 = arith.addi %add3A_524, %select_n3A_482 : i32
        %swap3A_526 = arith.index_cast %add3A_525 : i32 to index
        %swap3A_527 = arith.constant 96 : index
        %swap3A_528 = tpu.vector_load %arg11[%swap3A_526, %swap3A_527] {strides = array<i32>} : memref<22x128xf32, #tpu.memory_space<vmem>>, vector<1x16xf32>,
        %swap3A_529 = vector.shape_cast %swap3A_528 : vector<1x16xf32> to vector<16xf32>
        %swap3A_530 = vector.shape_cast %scan3A_256#6 : vector<16xf32> to vector<1x16xf32>
        tpu.vector_store %arg11[%swap3A_526, %swap3A_527], %swap3A_530 {strides = array<i32>} : memref<22x128xf32, #tpu.memory_space<vmem>>, vector<1x16xf32>,
        %add3A_531 = arith.constant 16 : i32
        %add3A_532 = arith.addi %add3A_531, %select_n3A_482 : i32
        %swap3A_533 = arith.index_cast %add3A_532 : i32 to index
        %swap3A_534 = arith.constant 112 : index
        %swap3A_535 = tpu.vector_load %arg11[%swap3A_533, %swap3A_534] {strides = array<i32>} : memref<22x128xf32, #tpu.memory_space<vmem>>, vector<1x16xf32>,
        %swap3A_536 = vector.shape_cast %swap3A_535 : vector<1x16xf32> to vector<16xf32>
        %swap3A_537 = vector.shape_cast %scan3A_256#7 : vector<16xf32> to vector<1x16xf32>
        tpu.vector_store %arg11[%swap3A_533, %swap3A_534], %swap3A_537 {strides = array<i32>} : memref<22x128xf32, #tpu.memory_space<vmem>>, vector<1x16xf32>,
      } else {
      }
      %select_n3A_280 = arith.select %eq3A_276, %broadcast_in_dim3A_17, %scan3A_256#0 : vector<16xf32>
      %select_n3A_281 = arith.select %eq3A_276, %broadcast_in_dim3A_17, %scan3A_256#1 : vector<16xf32>
      %select_n3A_282 = arith.select %eq3A_276, %broadcast_in_dim3A_17, %scan3A_256#2 : vector<16xf32>
      %select_n3A_283 = arith.select %eq3A_276, %broadcast_in_dim3A_17, %scan3A_256#3 : vector<16xf32>
      %select_n3A_284 = arith.select %eq3A_276, %broadcast_in_dim3A_17, %scan3A_256#4 : vector<16xf32>
      %select_n3A_285 = arith.select %eq3A_276, %broadcast_in_dim3A_17, %scan3A_256#5 : vector<16xf32>
      %select_n3A_286 = arith.select %eq3A_276, %broadcast_in_dim3A_17, %scan3A_256#6 : vector<16xf32>
      %select_n3A_287 = arith.select %eq3A_276, %broadcast_in_dim3A_17, %scan3A_256#7 : vector<16xf32>
      %mul3A_288 = arith.constant 2 : i32
      %mul3A_289 = arith.muli %mul3A_288, %scan3A_186 : i32
      %add3A_290 = arith.constant 0 : i32
      %add3A_291 = arith.addi %mul3A_289, %add3A_290 : i32
      %dma_wait3A_292 = arith.constant 160 : i32
      %dma_wait3A_293 = arith.constant 0 : i32
      %dma_wait3A_294 = tpu.memref_slice %arg10[%dma_wait3A_292, %dma_wait3A_293] : memref<640x128xf32, #tpu.memory_space<vmem>> -> memref<64x128xf32, #tpu.memory_space<vmem>>
      %dma_wait3A_295 = arith.constant 0 : i32
      %dma_wait3A_296 = arith.constant 0 : i32
      %dma_wait3A_297 = tpu.memref_slice %arg3[%dma_wait3A_295, %dma_wait3A_296] : memref<100000x128xf32, #tpu.memory_space<hbm>> -> memref<64x128xf32, #tpu.memory_space<hbm>>
      %dma_wait3A_298 = arith.constant 160 : i32
      %dma_wait3A_299 = arith.constant 0 : i32
      %dma_wait3A_300 = tpu.memref_slice %arg10[%dma_wait3A_298, %dma_wait3A_299] : memref<640x128xf32, #tpu.memory_space<vmem>> -> memref<64x128xf32, #tpu.memory_space<vmem>>
      %dma_wait3A_301 = arith.constant 0 : i32
      %dma_wait3A_302 = arith.constant 0 : i32
      %dma_wait3A_303 = tpu.memref_slice %arg3[%dma_wait3A_301, %dma_wait3A_302] : memref<100000x128xf32, #tpu.memory_space<hbm>> -> memref<64x128xf32, #tpu.memory_space<hbm>>
      tpu.wait_dma2 semaphore(%arg14 : memref<!tpu.dma_semaphore, #tpu.memory_space<semaphore_mem>>) src(%dma_wait3A_303 : memref<64x128xf32, #tpu.memory_space<hbm>>) dst(%dma_wait3A_300 : memref<64x128xf32, #tpu.memory_space<vmem>>)
      %scan3A_304 = arith.constant 0 : i32
      %scan3A_305 = arith.constant 16 : i32
      %scan3A_306 = arith.addi %scan3A_304, %scan3A_305 : i32
      %scan3A_307 = arith.constant 1 : i32
      %scan3A_308:8 = scf.for %scan3A_462 = %scan3A_304 to %scan3A_306 step %scan3A_307 iter_args(%scan3A_463 = %scan3A_195, %scan3A_464 = %scan3A_196, %scan3A_465 = %scan3A_197, %scan3A_466 = %scan3A_198, %scan3A_467 = %scan3A_199, %scan3A_468 = %scan3A_200, %scan3A_469 = %scan3A_201, %scan3A_470 = %scan3A_202) -> (vector<16xf32>, vector<16xf32>, vector<16xf32>, vector<16xf32>, vector<16xf32>, vector<16xf32>, vector<16xf32>, vector<16xf32>)  : i32 {
        %mul3A_471 = arith.constant 4 : i32
        %mul3A_472 = arith.muli %scan3A_462, %mul3A_471 : i32
        %add3A_473 = arith.constant 0 : i32
        %add3A_474 = arith.addi %mul3A_472, %add3A_473 : i32
        %add3A_475 = arith.constant 160 : i32
        %add3A_476 = arith.addi %add3A_475, %add3A_474 : i32
        %get3A = arith.index_cast %add3A_476 : i32 to index
        %get3A_477 = arith.constant 0 : index
        %get3A_478 = tpu.vector_load %arg10[%get3A, %get3A_477] {strides = array<i32>} : memref<640x128xf32, #tpu.memory_space<vmem>>, vector<1x16xf32>,
        %get3A_479 = vector.shape_cast %get3A_478 : vector<1x16xf32> to vector<16xf32>
        %add3A_480 = arith.addf %scan3A_463, %get3A_479 : vector<16xf32>
        %add3A_481 = arith.constant 160 : i32
        %add3A_482 = arith.addi %add3A_481, %add3A_474 : i32
        %get3A_483 = arith.index_cast %add3A_482 : i32 to index
        %get3A_484 = arith.constant 16 : index
        %get3A_485 = tpu.vector_load %arg10[%get3A_483, %get3A_484] {strides = array<i32>} : memref<640x128xf32, #tpu.memory_space<vmem>>, vector<1x16xf32>,
        %get3A_486 = vector.shape_cast %get3A_485 : vector<1x16xf32> to vector<16xf32>
        %add3A_487 = arith.addf %scan3A_464, %get3A_486 : vector<16xf32>
        %add3A_488 = arith.constant 160 : i32
        %add3A_489 = arith.addi %add3A_488, %add3A_474 : i32
        %get3A_490 = arith.index_cast %add3A_489 : i32 to index
        %get3A_491 = arith.constant 32 : index
        %get3A_492 = tpu.vector_load %arg10[%get3A_490, %get3A_491] {strides = array<i32>} : memref<640x128xf32, #tpu.memory_space<vmem>>, vector<1x16xf32>,
        %get3A_493 = vector.shape_cast %get3A_492 : vector<1x16xf32> to vector<16xf32>
        %add3A_494 = arith.addf %scan3A_465, %get3A_493 : vector<16xf32>
        %add3A_495 = arith.constant 160 : i32
        %add3A_496 = arith.addi %add3A_495, %add3A_474 : i32
        %get3A_497 = arith.index_cast %add3A_496 : i32 to index
        %get3A_498 = arith.constant 48 : index
        %get3A_499 = tpu.vector_load %arg10[%get3A_497, %get3A_498] {strides = array<i32>} : memref<640x128xf32, #tpu.memory_space<vmem>>, vector<1x16xf32>,
        %get3A_500 = vector.shape_cast %get3A_499 : vector<1x16xf32> to vector<16xf32>
        %add3A_501 = arith.addf %scan3A_466, %get3A_500 : vector<16xf32>
        %add3A_502 = arith.constant 160 : i32
        %add3A_503 = arith.addi %add3A_502, %add3A_474 : i32
        %get3A_504 = arith.index_cast %add3A_503 : i32 to index
        %get3A_505 = arith.constant 64 : index
        %get3A_506 = tpu.vector_load %arg10[%get3A_504, %get3A_505] {strides = array<i32>} : memref<640x128xf32, #tpu.memory_space<vmem>>, vector<1x16xf32>,
        %get3A_507 = vector.shape_cast %get3A_506 : vector<1x16xf32> to vector<16xf32>
        %add3A_508 = arith.addf %scan3A_467, %get3A_507 : vector<16xf32>
        %add3A_509 = arith.constant 160 : i32
        %add3A_510 = arith.addi %add3A_509, %add3A_474 : i32
        %get3A_511 = arith.index_cast %add3A_510 : i32 to index
        %get3A_512 = arith.constant 80 : index
        %get3A_513 = tpu.vector_load %arg10[%get3A_511, %get3A_512] {strides = array<i32>} : memref<640x128xf32, #tpu.memory_space<vmem>>, vector<1x16xf32>,
        %get3A_514 = vector.shape_cast %get3A_513 : vector<1x16xf32> to vector<16xf32>
        %add3A_515 = arith.addf %scan3A_468, %get3A_514 : vector<16xf32>
        %add3A_516 = arith.constant 160 : i32
        %add3A_517 = arith.addi %add3A_516, %add3A_474 : i32
        %get3A_518 = arith.index_cast %add3A_517 : i32 to index
        %get3A_519 = arith.constant 96 : index
        %get3A_520 = tpu.vector_load %arg10[%get3A_518, %get3A_519] {strides = array<i32>} : memref<640x128xf32, #tpu.memory_space<vmem>>, vector<1x16xf32>,
        %get3A_521 = vector.shape_cast %get3A_520 : vector<1x16xf32> to vector<16xf32>
        %add3A_522 = arith.addf %scan3A_469, %get3A_521 : vector<16xf32>
        %add3A_523 = arith.constant 160 : i32
        %add3A_524 = arith.addi %add3A_523, %add3A_474 : i32
        %get3A_525 = arith.index_cast %add3A_524 : i32 to index
        %get3A_526 = arith.constant 112 : index
        %get3A_527 = tpu.vector_load %arg10[%get3A_525, %get3A_526] {strides = array<i32>} : memref<640x128xf32, #tpu.memory_space<vmem>>, vector<1x16xf32>,
        %get3A_528 = vector.shape_cast %get3A_527 : vector<1x16xf32> to vector<16xf32>
        %add3A_529 = arith.addf %scan3A_470, %get3A_528 : vector<16xf32>
        %mul3A_530 = arith.constant 4 : i32
        %mul3A_531 = arith.muli %scan3A_462, %mul3A_530 : i32
        %add3A_532 = arith.constant 1 : i32
        %add3A_533 = arith.addi %mul3A_531, %add3A_532 : i32
        %add3A_534 = arith.constant 160 : i32
        %add3A_535 = arith.addi %add3A_534, %add3A_533 : i32
        %get3A_536 = arith.index_cast %add3A_535 : i32 to index
        %get3A_537 = arith.constant 0 : index
        %get3A_538 = tpu.vector_load %arg10[%get3A_536, %get3A_537] {strides = array<i32>} : memref<640x128xf32, #tpu.memory_space<vmem>>, vector<1x16xf32>,
        %get3A_539 = vector.shape_cast %get3A_538 : vector<1x16xf32> to vector<16xf32>
        %add3A_540 = arith.addf %add3A_480, %get3A_539 : vector<16xf32>
        %add3A_541 = arith.constant 160 : i32
        %add3A_542 = arith.addi %add3A_541, %add3A_533 : i32
        %get3A_543 = arith.index_cast %add3A_542 : i32 to index
        %get3A_544 = arith.constant 16 : index
        %get3A_545 = tpu.vector_load %arg10[%get3A_543, %get3A_544] {strides = array<i32>} : memref<640x128xf32, #tpu.memory_space<vmem>>, vector<1x16xf32>,
        %get3A_546 = vector.shape_cast %get3A_545 : vector<1x16xf32> to vector<16xf32>
        %add3A_547 = arith.addf %add3A_487, %get3A_546 : vector<16xf32>
        %add3A_548 = arith.constant 160 : i32
        %add3A_549 = arith.addi %add3A_548, %add3A_533 : i32
        %get3A_550 = arith.index_cast %add3A_549 : i32 to index
        %get3A_551 = arith.constant 32 : index
        %get3A_552 = tpu.vector_load %arg10[%get3A_550, %get3A_551] {strides = array<i32>} : memref<640x128xf32, #tpu.memory_space<vmem>>, vector<1x16xf32>,
        %get3A_553 = vector.shape_cast %get3A_552 : vector<1x16xf32> to vector<16xf32>
        %add3A_554 = arith.addf %add3A_494, %get3A_553 : vector<16xf32>
        %add3A_555 = arith.constant 160 : i32
        %add3A_556 = arith.addi %add3A_555, %add3A_533 : i32
        %get3A_557 = arith.index_cast %add3A_556 : i32 to index
        %get3A_558 = arith.constant 48 : index
        %get3A_559 = tpu.vector_load %arg10[%get3A_557, %get3A_558] {strides = array<i32>} : memref<640x128xf32, #tpu.memory_space<vmem>>, vector<1x16xf32>,
        %get3A_560 = vector.shape_cast %get3A_559 : vector<1x16xf32> to vector<16xf32>
        %add3A_561 = arith.addf %add3A_501, %get3A_560 : vector<16xf32>
        %add3A_562 = arith.constant 160 : i32
        %add3A_563 = arith.addi %add3A_562, %add3A_533 : i32
        %get3A_564 = arith.index_cast %add3A_563 : i32 to index
        %get3A_565 = arith.constant 64 : index
        %get3A_566 = tpu.vector_load %arg10[%get3A_564, %get3A_565] {strides = array<i32>} : memref<640x128xf32, #tpu.memory_space<vmem>>, vector<1x16xf32>,
        %get3A_567 = vector.shape_cast %get3A_566 : vector<1x16xf32> to vector<16xf32>
        %add3A_568 = arith.addf %add3A_508, %get3A_567 : vector<16xf32>
        %add3A_569 = arith.constant 160 : i32
        %add3A_570 = arith.addi %add3A_569, %add3A_533 : i32
        %get3A_571 = arith.index_cast %add3A_570 : i32 to index
        %get3A_572 = arith.constant 80 : index
        %get3A_573 = tpu.vector_load %arg10[%get3A_571, %get3A_572] {strides = array<i32>} : memref<640x128xf32, #tpu.memory_space<vmem>>, vector<1x16xf32>,
        %get3A_574 = vector.shape_cast %get3A_573 : vector<1x16xf32> to vector<16xf32>
        %add3A_575 = arith.addf %add3A_515, %get3A_574 : vector<16xf32>
        %add3A_576 = arith.constant 160 : i32
        %add3A_577 = arith.addi %add3A_576, %add3A_533 : i32
        %get3A_578 = arith.index_cast %add3A_577 : i32 to index
        %get3A_579 = arith.constant 96 : index
        %get3A_580 = tpu.vector_load %arg10[%get3A_578, %get3A_579] {strides = array<i32>} : memref<640x128xf32, #tpu.memory_space<vmem>>, vector<1x16xf32>,
        %get3A_581 = vector.shape_cast %get3A_580 : vector<1x16xf32> to vector<16xf32>
        %add3A_582 = arith.addf %add3A_522, %get3A_581 : vector<16xf32>
        %add3A_583 = arith.constant 160 : i32
        %add3A_584 = arith.addi %add3A_583, %add3A_533 : i32
        %get3A_585 = arith.index_cast %add3A_584 : i32 to index
        %get3A_586 = arith.constant 112 : index
        %get3A_587 = tpu.vector_load %arg10[%get3A_585, %get3A_586] {strides = array<i32>} : memref<640x128xf32, #tpu.memory_space<vmem>>, vector<1x16xf32>,
        %get3A_588 = vector.shape_cast %get3A_587 : vector<1x16xf32> to vector<16xf32>
        %add3A_589 = arith.addf %add3A_529, %get3A_588 : vector<16xf32>
        %mul3A_590 = arith.constant 4 : i32
        %mul3A_591 = arith.muli %scan3A_462, %mul3A_590 : i32
        %add3A_592 = arith.constant 2 : i32
        %add3A_593 = arith.addi %mul3A_591, %add3A_592 : i32
        %add3A_594 = arith.constant 160 : i32
        %add3A_595 = arith.addi %add3A_594, %add3A_593 : i32
        %get3A_596 = arith.index_cast %add3A_595 : i32 to index
        %get3A_597 = arith.constant 0 : index
        %get3A_598 = tpu.vector_load %arg10[%get3A_596, %get3A_597] {strides = array<i32>} : memref<640x128xf32, #tpu.memory_space<vmem>>, vector<1x16xf32>,
        %get3A_599 = vector.shape_cast %get3A_598 : vector<1x16xf32> to vector<16xf32>
        %add3A_600 = arith.addf %add3A_540, %get3A_599 : vector<16xf32>
        %add3A_601 = arith.constant 160 : i32
        %add3A_602 = arith.addi %add3A_601, %add3A_593 : i32
        %get3A_603 = arith.index_cast %add3A_602 : i32 to index
        %get3A_604 = arith.constant 16 : index
        %get3A_605 = tpu.vector_load %arg10[%get3A_603, %get3A_604] {strides = array<i32>} : memref<640x128xf32, #tpu.memory_space<vmem>>, vector<1x16xf32>,
        %get3A_606 = vector.shape_cast %get3A_605 : vector<1x16xf32> to vector<16xf32>
        %add3A_607 = arith.addf %add3A_547, %get3A_606 : vector<16xf32>
        %add3A_608 = arith.constant 160 : i32
        %add3A_609 = arith.addi %add3A_608, %add3A_593 : i32
        %get3A_610 = arith.index_cast %add3A_609 : i32 to index
        %get3A_611 = arith.constant 32 : index
        %get3A_612 = tpu.vector_load %arg10[%get3A_610, %get3A_611] {strides = array<i32>} : memref<640x128xf32, #tpu.memory_space<vmem>>, vector<1x16xf32>,
        %get3A_613 = vector.shape_cast %get3A_612 : vector<1x16xf32> to vector<16xf32>
        %add3A_614 = arith.addf %add3A_554, %get3A_613 : vector<16xf32>
        %add3A_615 = arith.constant 160 : i32
        %add3A_616 = arith.addi %add3A_615, %add3A_593 : i32
        %get3A_617 = arith.index_cast %add3A_616 : i32 to index
        %get3A_618 = arith.constant 48 : index
        %get3A_619 = tpu.vector_load %arg10[%get3A_617, %get3A_618] {strides = array<i32>} : memref<640x128xf32, #tpu.memory_space<vmem>>, vector<1x16xf32>,
        %get3A_620 = vector.shape_cast %get3A_619 : vector<1x16xf32> to vector<16xf32>
        %add3A_621 = arith.addf %add3A_561, %get3A_620 : vector<16xf32>
        %add3A_622 = arith.constant 160 : i32
        %add3A_623 = arith.addi %add3A_622, %add3A_593 : i32
        %get3A_624 = arith.index_cast %add3A_623 : i32 to index
        %get3A_625 = arith.constant 64 : index
        %get3A_626 = tpu.vector_load %arg10[%get3A_624, %get3A_625] {strides = array<i32>} : memref<640x128xf32, #tpu.memory_space<vmem>>, vector<1x16xf32>,
        %get3A_627 = vector.shape_cast %get3A_626 : vector<1x16xf32> to vector<16xf32>
        %add3A_628 = arith.addf %add3A_568, %get3A_627 : vector<16xf32>
        %add3A_629 = arith.constant 160 : i32
        %add3A_630 = arith.addi %add3A_629, %add3A_593 : i32
        %get3A_631 = arith.index_cast %add3A_630 : i32 to index
        %get3A_632 = arith.constant 80 : index
        %get3A_633 = tpu.vector_load %arg10[%get3A_631, %get3A_632] {strides = array<i32>} : memref<640x128xf32, #tpu.memory_space<vmem>>, vector<1x16xf32>,
        %get3A_634 = vector.shape_cast %get3A_633 : vector<1x16xf32> to vector<16xf32>
        %add3A_635 = arith.addf %add3A_575, %get3A_634 : vector<16xf32>
        %add3A_636 = arith.constant 160 : i32
        %add3A_637 = arith.addi %add3A_636, %add3A_593 : i32
        %get3A_638 = arith.index_cast %add3A_637 : i32 to index
        %get3A_639 = arith.constant 96 : index
        %get3A_640 = tpu.vector_load %arg10[%get3A_638, %get3A_639] {strides = array<i32>} : memref<640x128xf32, #tpu.memory_space<vmem>>, vector<1x16xf32>,
        %get3A_641 = vector.shape_cast %get3A_640 : vector<1x16xf32> to vector<16xf32>
        %add3A_642 = arith.addf %add3A_582, %get3A_641 : vector<16xf32>
        %add3A_643 = arith.constant 160 : i32
        %add3A_644 = arith.addi %add3A_643, %add3A_593 : i32
        %get3A_645 = arith.index_cast %add3A_644 : i32 to index
        %get3A_646 = arith.constant 112 : index
        %get3A_647 = tpu.vector_load %arg10[%get3A_645, %get3A_646] {strides = array<i32>} : memref<640x128xf32, #tpu.memory_space<vmem>>, vector<1x16xf32>,
        %get3A_648 = vector.shape_cast %get3A_647 : vector<1x16xf32> to vector<16xf32>
        %add3A_649 = arith.addf %add3A_589, %get3A_648 : vector<16xf32>
        %mul3A_650 = arith.constant 4 : i32
        %mul3A_651 = arith.muli %scan3A_462, %mul3A_650 : i32
        %add3A_652 = arith.constant 3 : i32
        %add3A_653 = arith.addi %mul3A_651, %add3A_652 : i32
        %add3A_654 = arith.constant 160 : i32
        %add3A_655 = arith.addi %add3A_654, %add3A_653 : i32
        %get3A_656 = arith.index_cast %add3A_655 : i32 to index
        %get3A_657 = arith.constant 0 : index
        %get3A_658 = tpu.vector_load %arg10[%get3A_656, %get3A_657] {strides = array<i32>} : memref<640x128xf32, #tpu.memory_space<vmem>>, vector<1x16xf32>,
        %get3A_659 = vector.shape_cast %get3A_658 : vector<1x16xf32> to vector<16xf32>
        %add3A_660 = arith.addf %add3A_600, %get3A_659 : vector<16xf32>
        %add3A_661 = arith.constant 160 : i32
        %add3A_662 = arith.addi %add3A_661, %add3A_653 : i32
        %get3A_663 = arith.index_cast %add3A_662 : i32 to index
        %get3A_664 = arith.constant 16 : index
        %get3A_665 = tpu.vector_load %arg10[%get3A_663, %get3A_664] {strides = array<i32>} : memref<640x128xf32, #tpu.memory_space<vmem>>, vector<1x16xf32>,
        %get3A_666 = vector.shape_cast %get3A_665 : vector<1x16xf32> to vector<16xf32>
        %add3A_667 = arith.addf %add3A_607, %get3A_666 : vector<16xf32>
        %add3A_668 = arith.constant 160 : i32
        %add3A_669 = arith.addi %add3A_668, %add3A_653 : i32
        %get3A_670 = arith.index_cast %add3A_669 : i32 to index
        %get3A_671 = arith.constant 32 : index
        %get3A_672 = tpu.vector_load %arg10[%get3A_670, %get3A_671] {strides = array<i32>} : memref<640x128xf32, #tpu.memory_space<vmem>>, vector<1x16xf32>,
        %get3A_673 = vector.shape_cast %get3A_672 : vector<1x16xf32> to vector<16xf32>
        %add3A_674 = arith.addf %add3A_614, %get3A_673 : vector<16xf32>
        %add3A_675 = arith.constant 160 : i32
        %add3A_676 = arith.addi %add3A_675, %add3A_653 : i32
        %get3A_677 = arith.index_cast %add3A_676 : i32 to index
        %get3A_678 = arith.constant 48 : index
        %get3A_679 = tpu.vector_load %arg10[%get3A_677, %get3A_678] {strides = array<i32>} : memref<640x128xf32, #tpu.memory_space<vmem>>, vector<1x16xf32>,
        %get3A_680 = vector.shape_cast %get3A_679 : vector<1x16xf32> to vector<16xf32>
        %add3A_681 = arith.addf %add3A_621, %get3A_680 : vector<16xf32>
        %add3A_682 = arith.constant 160 : i32
        %add3A_683 = arith.addi %add3A_682, %add3A_653 : i32
        %get3A_684 = arith.index_cast %add3A_683 : i32 to index
        %get3A_685 = arith.constant 64 : index
        %get3A_686 = tpu.vector_load %arg10[%get3A_684, %get3A_685] {strides = array<i32>} : memref<640x128xf32, #tpu.memory_space<vmem>>, vector<1x16xf32>,
        %get3A_687 = vector.shape_cast %get3A_686 : vector<1x16xf32> to vector<16xf32>
        %add3A_688 = arith.addf %add3A_628, %get3A_687 : vector<16xf32>
        %add3A_689 = arith.constant 160 : i32
        %add3A_690 = arith.addi %add3A_689, %add3A_653 : i32
        %get3A_691 = arith.index_cast %add3A_690 : i32 to index
        %get3A_692 = arith.constant 80 : index
        %get3A_693 = tpu.vector_load %arg10[%get3A_691, %get3A_692] {strides = array<i32>} : memref<640x128xf32, #tpu.memory_space<vmem>>, vector<1x16xf32>,
        %get3A_694 = vector.shape_cast %get3A_693 : vector<1x16xf32> to vector<16xf32>
        %add3A_695 = arith.addf %add3A_635, %get3A_694 : vector<16xf32>
        %add3A_696 = arith.constant 160 : i32
        %add3A_697 = arith.addi %add3A_696, %add3A_653 : i32
        %get3A_698 = arith.index_cast %add3A_697 : i32 to index
        %get3A_699 = arith.constant 96 : index
        %get3A_700 = tpu.vector_load %arg10[%get3A_698, %get3A_699] {strides = array<i32>} : memref<640x128xf32, #tpu.memory_space<vmem>>, vector<1x16xf32>,
        %get3A_701 = vector.shape_cast %get3A_700 : vector<1x16xf32> to vector<16xf32>
        %add3A_702 = arith.addf %add3A_642, %get3A_701 : vector<16xf32>
        %add3A_703 = arith.constant 160 : i32
        %add3A_704 = arith.addi %add3A_703, %add3A_653 : i32
        %get3A_705 = arith.index_cast %add3A_704 : i32 to index
        %get3A_706 = arith.constant 112 : index
        %get3A_707 = tpu.vector_load %arg10[%get3A_705, %get3A_706] {strides = array<i32>} : memref<640x128xf32, #tpu.memory_space<vmem>>, vector<1x16xf32>,
        %get3A_708 = vector.shape_cast %get3A_707 : vector<1x16xf32> to vector<16xf32>
        %add3A_709 = arith.addf %add3A_649, %get3A_708 : vector<16xf32>
        scf.yield %add3A_660, %add3A_667, %add3A_674, %add3A_681, %add3A_688, %add3A_695, %add3A_702, %add3A_709 : vector<16xf32>, vector<16xf32>, vector<16xf32>, vector<16xf32>, vector<16xf32>, vector<16xf32>, vector<16xf32>, vector<16xf32>
      }
      %scan3A_309 = arith.constant 16 : i32
      %add3A_310 = arith.constant 2 : i32
      %add3A_311 = arith.addi %add3A_291, %add3A_310 : i32
      %lt3A_312 = arith.constant 16 : i32
      %lt3A_313 = arith.cmpi slt, %add3A_311, %lt3A_312 : i32
      %convert_element_type3A_314 = arith.extui %lt3A_313 : i1 to i32
      %cond3A_315 = arith.constant 0 : i32
      %cond3A_316 = arith.cmpi ne, %convert_element_type3A_314, %cond3A_315 : i32
      scf.if %cond3A_316 {
        %add3A_462 = arith.constant 2 : i32
        %add3A_463 = arith.addi %add3A_291, %add3A_462 : i32
        %mul3A_464 = arith.constant 64 : i32
        %mul3A_465 = arith.muli %add3A_463, %mul3A_464 : i32
        %add3A_466 = arith.constant 26624 : i32
        %add3A_467 = arith.addi %add3A_466, %mul3A_465 : i32
        %dma_start3A_468 = arith.constant 160 : i32
        %dma_start3A_469 = arith.constant 0 : i32
        %dma_start3A_470 = tpu.memref_slice %arg10[%dma_start3A_468, %dma_start3A_469] : memref<640x128xf32, #tpu.memory_space<vmem>> -> memref<64x128xf32, #tpu.memory_space<vmem>>
        %dma_start3A_471 = tpu.memref_slice %arg9[%add3A_467] : memref<28672xi32, #tpu.memory_space<vmem>> -> memref<64xi32, #tpu.memory_space<vmem>>
        %dma_start3A_472 = arith.constant 0 : i32
        %dma_start3A_473 = arith.constant 0 : i32
        %dma_start3A_474 = tpu.memref_slice %arg6[%dma_start3A_472, %dma_start3A_473] : memref<100000x128xf32, #tpu.memory_space<hbm>> -> memref<100000x128xf32, #tpu.memory_space<hbm>>
        tpu.enqueue_indirect_dma source(%dma_start3A_474 : memref<100000x128xf32, #tpu.memory_space<hbm>>) target(%dma_start3A_470 : memref<64x128xf32, #tpu.memory_space<vmem>>) offsets(%dma_start3A_471 : memref<64xi32, #tpu.memory_space<vmem>>) semaphore(%arg14 : memref<!tpu.dma_semaphore, #tpu.memory_space<semaphore_mem>>)
      } else {
      }
      %mul3A_317 = arith.constant 2 : i32
      %mul3A_318 = arith.muli %mul3A_317, %scan3A_186 : i32
      %add3A_319 = arith.constant 1 : i32
      %add3A_320 = arith.addi %mul3A_318, %add3A_319 : i32
      %dma_wait3A_321 = arith.constant 240 : i32
      %dma_wait3A_322 = arith.constant 0 : i32
      %dma_wait3A_323 = tpu.memref_slice %arg10[%dma_wait3A_321, %dma_wait3A_322] : memref<640x128xf32, #tpu.memory_space<vmem>> -> memref<64x128xf32, #tpu.memory_space<vmem>>
      %dma_wait3A_324 = arith.constant 0 : i32
      %dma_wait3A_325 = arith.constant 0 : i32
      %dma_wait3A_326 = tpu.memref_slice %arg3[%dma_wait3A_324, %dma_wait3A_325] : memref<100000x128xf32, #tpu.memory_space<hbm>> -> memref<64x128xf32, #tpu.memory_space<hbm>>
      %dma_wait3A_327 = arith.constant 240 : i32
      %dma_wait3A_328 = arith.constant 0 : i32
      %dma_wait3A_329 = tpu.memref_slice %arg10[%dma_wait3A_327, %dma_wait3A_328] : memref<640x128xf32, #tpu.memory_space<vmem>> -> memref<64x128xf32, #tpu.memory_space<vmem>>
      %dma_wait3A_330 = arith.constant 0 : i32
      %dma_wait3A_331 = arith.constant 0 : i32
      %dma_wait3A_332 = tpu.memref_slice %arg3[%dma_wait3A_330, %dma_wait3A_331] : memref<100000x128xf32, #tpu.memory_space<hbm>> -> memref<64x128xf32, #tpu.memory_space<hbm>>
      tpu.wait_dma2 semaphore(%arg15 : memref<!tpu.dma_semaphore, #tpu.memory_space<semaphore_mem>>) src(%dma_wait3A_332 : memref<64x128xf32, #tpu.memory_space<hbm>>) dst(%dma_wait3A_329 : memref<64x128xf32, #tpu.memory_space<vmem>>)
      %scan3A_333 = arith.constant 0 : i32
      %scan3A_334 = arith.constant 16 : i32
      %scan3A_335 = arith.addi %scan3A_333, %scan3A_334 : i32
      %scan3A_336 = arith.constant 1 : i32
      %scan3A_337:8 = scf.for %scan3A_462 = %scan3A_333 to %scan3A_335 step %scan3A_336 iter_args(%scan3A_463 = %scan3A_308#0, %scan3A_464 = %scan3A_308#1, %scan3A_465 = %scan3A_308#2, %scan3A_466 = %scan3A_308#3, %scan3A_467 = %scan3A_308#4, %scan3A_468 = %scan3A_308#5, %scan3A_469 = %scan3A_308#6, %scan3A_470 = %scan3A_308#7) -> (vector<16xf32>, vector<16xf32>, vector<16xf32>, vector<16xf32>, vector<16xf32>, vector<16xf32>, vector<16xf32>, vector<16xf32>)  : i32 {
        %mul3A_471 = arith.constant 4 : i32
        %mul3A_472 = arith.muli %scan3A_462, %mul3A_471 : i32
        %add3A_473 = arith.constant 0 : i32
        %add3A_474 = arith.addi %mul3A_472, %add3A_473 : i32
        %add3A_475 = arith.constant 240 : i32
        %add3A_476 = arith.addi %add3A_475, %add3A_474 : i32
        %get3A = arith.index_cast %add3A_476 : i32 to index
        %get3A_477 = arith.constant 0 : index
        %get3A_478 = tpu.vector_load %arg10[%get3A, %get3A_477] {strides = array<i32>} : memref<640x128xf32, #tpu.memory_space<vmem>>, vector<1x16xf32>,
        %get3A_479 = vector.shape_cast %get3A_478 : vector<1x16xf32> to vector<16xf32>
        %add3A_480 = arith.addf %scan3A_463, %get3A_479 : vector<16xf32>
        %add3A_481 = arith.constant 240 : i32
        %add3A_482 = arith.addi %add3A_481, %add3A_474 : i32
        %get3A_483 = arith.index_cast %add3A_482 : i32 to index
        %get3A_484 = arith.constant 16 : index
        %get3A_485 = tpu.vector_load %arg10[%get3A_483, %get3A_484] {strides = array<i32>} : memref<640x128xf32, #tpu.memory_space<vmem>>, vector<1x16xf32>,
        %get3A_486 = vector.shape_cast %get3A_485 : vector<1x16xf32> to vector<16xf32>
        %add3A_487 = arith.addf %scan3A_464, %get3A_486 : vector<16xf32>
        %add3A_488 = arith.constant 240 : i32
        %add3A_489 = arith.addi %add3A_488, %add3A_474 : i32
        %get3A_490 = arith.index_cast %add3A_489 : i32 to index
        %get3A_491 = arith.constant 32 : index
        %get3A_492 = tpu.vector_load %arg10[%get3A_490, %get3A_491] {strides = array<i32>} : memref<640x128xf32, #tpu.memory_space<vmem>>, vector<1x16xf32>,
        %get3A_493 = vector.shape_cast %get3A_492 : vector<1x16xf32> to vector<16xf32>
        %add3A_494 = arith.addf %scan3A_465, %get3A_493 : vector<16xf32>
        %add3A_495 = arith.constant 240 : i32
        %add3A_496 = arith.addi %add3A_495, %add3A_474 : i32
        %get3A_497 = arith.index_cast %add3A_496 : i32 to index
        %get3A_498 = arith.constant 48 : index
        %get3A_499 = tpu.vector_load %arg10[%get3A_497, %get3A_498] {strides = array<i32>} : memref<640x128xf32, #tpu.memory_space<vmem>>, vector<1x16xf32>,
        %get3A_500 = vector.shape_cast %get3A_499 : vector<1x16xf32> to vector<16xf32>
        %add3A_501 = arith.addf %scan3A_466, %get3A_500 : vector<16xf32>
        %add3A_502 = arith.constant 240 : i32
        %add3A_503 = arith.addi %add3A_502, %add3A_474 : i32
        %get3A_504 = arith.index_cast %add3A_503 : i32 to index
        %get3A_505 = arith.constant 64 : index
        %get3A_506 = tpu.vector_load %arg10[%get3A_504, %get3A_505] {strides = array<i32>} : memref<640x128xf32, #tpu.memory_space<vmem>>, vector<1x16xf32>,
        %get3A_507 = vector.shape_cast %get3A_506 : vector<1x16xf32> to vector<16xf32>
        %add3A_508 = arith.addf %scan3A_467, %get3A_507 : vector<16xf32>
        %add3A_509 = arith.constant 240 : i32
        %add3A_510 = arith.addi %add3A_509, %add3A_474 : i32
        %get3A_511 = arith.index_cast %add3A_510 : i32 to index
        %get3A_512 = arith.constant 80 : index
        %get3A_513 = tpu.vector_load %arg10[%get3A_511, %get3A_512] {strides = array<i32>} : memref<640x128xf32, #tpu.memory_space<vmem>>, vector<1x16xf32>,
        %get3A_514 = vector.shape_cast %get3A_513 : vector<1x16xf32> to vector<16xf32>
        %add3A_515 = arith.addf %scan3A_468, %get3A_514 : vector<16xf32>
        %add3A_516 = arith.constant 240 : i32
        %add3A_517 = arith.addi %add3A_516, %add3A_474 : i32
        %get3A_518 = arith.index_cast %add3A_517 : i32 to index
        %get3A_519 = arith.constant 96 : index
        %get3A_520 = tpu.vector_load %arg10[%get3A_518, %get3A_519] {strides = array<i32>} : memref<640x128xf32, #tpu.memory_space<vmem>>, vector<1x16xf32>,
        %get3A_521 = vector.shape_cast %get3A_520 : vector<1x16xf32> to vector<16xf32>
        %add3A_522 = arith.addf %scan3A_469, %get3A_521 : vector<16xf32>
        %add3A_523 = arith.constant 240 : i32
        %add3A_524 = arith.addi %add3A_523, %add3A_474 : i32
        %get3A_525 = arith.index_cast %add3A_524 : i32 to index
        %get3A_526 = arith.constant 112 : index
        %get3A_527 = tpu.vector_load %arg10[%get3A_525, %get3A_526] {strides = array<i32>} : memref<640x128xf32, #tpu.memory_space<vmem>>, vector<1x16xf32>,
        %get3A_528 = vector.shape_cast %get3A_527 : vector<1x16xf32> to vector<16xf32>
        %add3A_529 = arith.addf %scan3A_470, %get3A_528 : vector<16xf32>
        %mul3A_530 = arith.constant 4 : i32
        %mul3A_531 = arith.muli %scan3A_462, %mul3A_530 : i32
        %add3A_532 = arith.constant 1 : i32
        %add3A_533 = arith.addi %mul3A_531, %add3A_532 : i32
        %add3A_534 = arith.constant 240 : i32
        %add3A_535 = arith.addi %add3A_534, %add3A_533 : i32
        %get3A_536 = arith.index_cast %add3A_535 : i32 to index
        %get3A_537 = arith.constant 0 : index
        %get3A_538 = tpu.vector_load %arg10[%get3A_536, %get3A_537] {strides = array<i32>} : memref<640x128xf32, #tpu.memory_space<vmem>>, vector<1x16xf32>,
        %get3A_539 = vector.shape_cast %get3A_538 : vector<1x16xf32> to vector<16xf32>
        %add3A_540 = arith.addf %add3A_480, %get3A_539 : vector<16xf32>
        %add3A_541 = arith.constant 240 : i32
        %add3A_542 = arith.addi %add3A_541, %add3A_533 : i32
        %get3A_543 = arith.index_cast %add3A_542 : i32 to index
        %get3A_544 = arith.constant 16 : index
        %get3A_545 = tpu.vector_load %arg10[%get3A_543, %get3A_544] {strides = array<i32>} : memref<640x128xf32, #tpu.memory_space<vmem>>, vector<1x16xf32>,
        %get3A_546 = vector.shape_cast %get3A_545 : vector<1x16xf32> to vector<16xf32>
        %add3A_547 = arith.addf %add3A_487, %get3A_546 : vector<16xf32>
        %add3A_548 = arith.constant 240 : i32
        %add3A_549 = arith.addi %add3A_548, %add3A_533 : i32
        %get3A_550 = arith.index_cast %add3A_549 : i32 to index
        %get3A_551 = arith.constant 32 : index
        %get3A_552 = tpu.vector_load %arg10[%get3A_550, %get3A_551] {strides = array<i32>} : memref<640x128xf32, #tpu.memory_space<vmem>>, vector<1x16xf32>,
        %get3A_553 = vector.shape_cast %get3A_552 : vector<1x16xf32> to vector<16xf32>
        %add3A_554 = arith.addf %add3A_494, %get3A_553 : vector<16xf32>
        %add3A_555 = arith.constant 240 : i32
        %add3A_556 = arith.addi %add3A_555, %add3A_533 : i32
        %get3A_557 = arith.index_cast %add3A_556 : i32 to index
        %get3A_558 = arith.constant 48 : index
        %get3A_559 = tpu.vector_load %arg10[%get3A_557, %get3A_558] {strides = array<i32>} : memref<640x128xf32, #tpu.memory_space<vmem>>, vector<1x16xf32>,
        %get3A_560 = vector.shape_cast %get3A_559 : vector<1x16xf32> to vector<16xf32>
        %add3A_561 = arith.addf %add3A_501, %get3A_560 : vector<16xf32>
        %add3A_562 = arith.constant 240 : i32
        %add3A_563 = arith.addi %add3A_562, %add3A_533 : i32
        %get3A_564 = arith.index_cast %add3A_563 : i32 to index
        %get3A_565 = arith.constant 64 : index
        %get3A_566 = tpu.vector_load %arg10[%get3A_564, %get3A_565] {strides = array<i32>} : memref<640x128xf32, #tpu.memory_space<vmem>>, vector<1x16xf32>,
        %get3A_567 = vector.shape_cast %get3A_566 : vector<1x16xf32> to vector<16xf32>
        %add3A_568 = arith.addf %add3A_508, %get3A_567 : vector<16xf32>
        %add3A_569 = arith.constant 240 : i32
        %add3A_570 = arith.addi %add3A_569, %add3A_533 : i32
        %get3A_571 = arith.index_cast %add3A_570 : i32 to index
        %get3A_572 = arith.constant 80 : index
        %get3A_573 = tpu.vector_load %arg10[%get3A_571, %get3A_572] {strides = array<i32>} : memref<640x128xf32, #tpu.memory_space<vmem>>, vector<1x16xf32>,
        %get3A_574 = vector.shape_cast %get3A_573 : vector<1x16xf32> to vector<16xf32>
        %add3A_575 = arith.addf %add3A_515, %get3A_574 : vector<16xf32>
        %add3A_576 = arith.constant 240 : i32
        %add3A_577 = arith.addi %add3A_576, %add3A_533 : i32
        %get3A_578 = arith.index_cast %add3A_577 : i32 to index
        %get3A_579 = arith.constant 96 : index
        %get3A_580 = tpu.vector_load %arg10[%get3A_578, %get3A_579] {strides = array<i32>} : memref<640x128xf32, #tpu.memory_space<vmem>>, vector<1x16xf32>,
        %get3A_581 = vector.shape_cast %get3A_580 : vector<1x16xf32> to vector<16xf32>
        %add3A_582 = arith.addf %add3A_522, %get3A_581 : vector<16xf32>
        %add3A_583 = arith.constant 240 : i32
        %add3A_584 = arith.addi %add3A_583, %add3A_533 : i32
        %get3A_585 = arith.index_cast %add3A_584 : i32 to index
        %get3A_586 = arith.constant 112 : index
        %get3A_587 = tpu.vector_load %arg10[%get3A_585, %get3A_586] {strides = array<i32>} : memref<640x128xf32, #tpu.memory_space<vmem>>, vector<1x16xf32>,
        %get3A_588 = vector.shape_cast %get3A_587 : vector<1x16xf32> to vector<16xf32>
        %add3A_589 = arith.addf %add3A_529, %get3A_588 : vector<16xf32>
        %mul3A_590 = arith.constant 4 : i32
        %mul3A_591 = arith.muli %scan3A_462, %mul3A_590 : i32
        %add3A_592 = arith.constant 2 : i32
        %add3A_593 = arith.addi %mul3A_591, %add3A_592 : i32
        %add3A_594 = arith.constant 240 : i32
        %add3A_595 = arith.addi %add3A_594, %add3A_593 : i32
        %get3A_596 = arith.index_cast %add3A_595 : i32 to index
        %get3A_597 = arith.constant 0 : index
        %get3A_598 = tpu.vector_load %arg10[%get3A_596, %get3A_597] {strides = array<i32>} : memref<640x128xf32, #tpu.memory_space<vmem>>, vector<1x16xf32>,
        %get3A_599 = vector.shape_cast %get3A_598 : vector<1x16xf32> to vector<16xf32>
        %add3A_600 = arith.addf %add3A_540, %get3A_599 : vector<16xf32>
        %add3A_601 = arith.constant 240 : i32
        %add3A_602 = arith.addi %add3A_601, %add3A_593 : i32
        %get3A_603 = arith.index_cast %add3A_602 : i32 to index
        %get3A_604 = arith.constant 16 : index
        %get3A_605 = tpu.vector_load %arg10[%get3A_603, %get3A_604] {strides = array<i32>} : memref<640x128xf32, #tpu.memory_space<vmem>>, vector<1x16xf32>,
        %get3A_606 = vector.shape_cast %get3A_605 : vector<1x16xf32> to vector<16xf32>
        %add3A_607 = arith.addf %add3A_547, %get3A_606 : vector<16xf32>
        %add3A_608 = arith.constant 240 : i32
        %add3A_609 = arith.addi %add3A_608, %add3A_593 : i32
        %get3A_610 = arith.index_cast %add3A_609 : i32 to index
        %get3A_611 = arith.constant 32 : index
        %get3A_612 = tpu.vector_load %arg10[%get3A_610, %get3A_611] {strides = array<i32>} : memref<640x128xf32, #tpu.memory_space<vmem>>, vector<1x16xf32>,
        %get3A_613 = vector.shape_cast %get3A_612 : vector<1x16xf32> to vector<16xf32>
        %add3A_614 = arith.addf %add3A_554, %get3A_613 : vector<16xf32>
        %add3A_615 = arith.constant 240 : i32
        %add3A_616 = arith.addi %add3A_615, %add3A_593 : i32
        %get3A_617 = arith.index_cast %add3A_616 : i32 to index
        %get3A_618 = arith.constant 48 : index
        %get3A_619 = tpu.vector_load %arg10[%get3A_617, %get3A_618] {strides = array<i32>} : memref<640x128xf32, #tpu.memory_space<vmem>>, vector<1x16xf32>,
        %get3A_620 = vector.shape_cast %get3A_619 : vector<1x16xf32> to vector<16xf32>
        %add3A_621 = arith.addf %add3A_561, %get3A_620 : vector<16xf32>
        %add3A_622 = arith.constant 240 : i32
        %add3A_623 = arith.addi %add3A_622, %add3A_593 : i32
        %get3A_624 = arith.index_cast %add3A_623 : i32 to index
        %get3A_625 = arith.constant 64 : index
        %get3A_626 = tpu.vector_load %arg10[%get3A_624, %get3A_625] {strides = array<i32>} : memref<640x128xf32, #tpu.memory_space<vmem>>, vector<1x16xf32>,
        %get3A_627 = vector.shape_cast %get3A_626 : vector<1x16xf32> to vector<16xf32>
        %add3A_628 = arith.addf %add3A_568, %get3A_627 : vector<16xf32>
        %add3A_629 = arith.constant 240 : i32
        %add3A_630 = arith.addi %add3A_629, %add3A_593 : i32
        %get3A_631 = arith.index_cast %add3A_630 : i32 to index
        %get3A_632 = arith.constant 80 : index
        %get3A_633 = tpu.vector_load %arg10[%get3A_631, %get3A_632] {strides = array<i32>} : memref<640x128xf32, #tpu.memory_space<vmem>>, vector<1x16xf32>,
        %get3A_634 = vector.shape_cast %get3A_633 : vector<1x16xf32> to vector<16xf32>
        %add3A_635 = arith.addf %add3A_575, %get3A_634 : vector<16xf32>
        %add3A_636 = arith.constant 240 : i32
        %add3A_637 = arith.addi %add3A_636, %add3A_593 : i32
        %get3A_638 = arith.index_cast %add3A_637 : i32 to index
        %get3A_639 = arith.constant 96 : index
        %get3A_640 = tpu.vector_load %arg10[%get3A_638, %get3A_639] {strides = array<i32>} : memref<640x128xf32, #tpu.memory_space<vmem>>, vector<1x16xf32>,
        %get3A_641 = vector.shape_cast %get3A_640 : vector<1x16xf32> to vector<16xf32>
        %add3A_642 = arith.addf %add3A_582, %get3A_641 : vector<16xf32>
        %add3A_643 = arith.constant 240 : i32
        %add3A_644 = arith.addi %add3A_643, %add3A_593 : i32
        %get3A_645 = arith.index_cast %add3A_644 : i32 to index
        %get3A_646 = arith.constant 112 : index
        %get3A_647 = tpu.vector_load %arg10[%get3A_645, %get3A_646] {strides = array<i32>} : memref<640x128xf32, #tpu.memory_space<vmem>>, vector<1x16xf32>,
        %get3A_648 = vector.shape_cast %get3A_647 : vector<1x16xf32> to vector<16xf32>
        %add3A_649 = arith.addf %add3A_589, %get3A_648 : vector<16xf32>
        %mul3A_650 = arith.constant 4 : i32
        %mul3A_651 = arith.muli %scan3A_462, %mul3A_650 : i32
        %add3A_652 = arith.constant 3 : i32
        %add3A_653 = arith.addi %mul3A_651, %add3A_652 : i32
        %add3A_654 = arith.constant 240 : i32
        %add3A_655 = arith.addi %add3A_654, %add3A_653 : i32
        %get3A_656 = arith.index_cast %add3A_655 : i32 to index
        %get3A_657 = arith.constant 0 : index
        %get3A_658 = tpu.vector_load %arg10[%get3A_656, %get3A_657] {strides = array<i32>} : memref<640x128xf32, #tpu.memory_space<vmem>>, vector<1x16xf32>,
        %get3A_659 = vector.shape_cast %get3A_658 : vector<1x16xf32> to vector<16xf32>
        %add3A_660 = arith.addf %add3A_600, %get3A_659 : vector<16xf32>
        %add3A_661 = arith.constant 240 : i32
        %add3A_662 = arith.addi %add3A_661, %add3A_653 : i32
        %get3A_663 = arith.index_cast %add3A_662 : i32 to index
        %get3A_664 = arith.constant 16 : index
        %get3A_665 = tpu.vector_load %arg10[%get3A_663, %get3A_664] {strides = array<i32>} : memref<640x128xf32, #tpu.memory_space<vmem>>, vector<1x16xf32>,
        %get3A_666 = vector.shape_cast %get3A_665 : vector<1x16xf32> to vector<16xf32>
        %add3A_667 = arith.addf %add3A_607, %get3A_666 : vector<16xf32>
        %add3A_668 = arith.constant 240 : i32
        %add3A_669 = arith.addi %add3A_668, %add3A_653 : i32
        %get3A_670 = arith.index_cast %add3A_669 : i32 to index
        %get3A_671 = arith.constant 32 : index
        %get3A_672 = tpu.vector_load %arg10[%get3A_670, %get3A_671] {strides = array<i32>} : memref<640x128xf32, #tpu.memory_space<vmem>>, vector<1x16xf32>,
        %get3A_673 = vector.shape_cast %get3A_672 : vector<1x16xf32> to vector<16xf32>
        %add3A_674 = arith.addf %add3A_614, %get3A_673 : vector<16xf32>
        %add3A_675 = arith.constant 240 : i32
        %add3A_676 = arith.addi %add3A_675, %add3A_653 : i32
        %get3A_677 = arith.index_cast %add3A_676 : i32 to index
        %get3A_678 = arith.constant 48 : index
        %get3A_679 = tpu.vector_load %arg10[%get3A_677, %get3A_678] {strides = array<i32>} : memref<640x128xf32, #tpu.memory_space<vmem>>, vector<1x16xf32>,
        %get3A_680 = vector.shape_cast %get3A_679 : vector<1x16xf32> to vector<16xf32>
        %add3A_681 = arith.addf %add3A_621, %get3A_680 : vector<16xf32>
        %add3A_682 = arith.constant 240 : i32
        %add3A_683 = arith.addi %add3A_682, %add3A_653 : i32
        %get3A_684 = arith.index_cast %add3A_683 : i32 to index
        %get3A_685 = arith.constant 64 : index
        %get3A_686 = tpu.vector_load %arg10[%get3A_684, %get3A_685] {strides = array<i32>} : memref<640x128xf32, #tpu.memory_space<vmem>>, vector<1x16xf32>,
        %get3A_687 = vector.shape_cast %get3A_686 : vector<1x16xf32> to vector<16xf32>
        %add3A_688 = arith.addf %add3A_628, %get3A_687 : vector<16xf32>
        %add3A_689 = arith.constant 240 : i32
        %add3A_690 = arith.addi %add3A_689, %add3A_653 : i32
        %get3A_691 = arith.index_cast %add3A_690 : i32 to index
        %get3A_692 = arith.constant 80 : index
        %get3A_693 = tpu.vector_load %arg10[%get3A_691, %get3A_692] {strides = array<i32>} : memref<640x128xf32, #tpu.memory_space<vmem>>, vector<1x16xf32>,
        %get3A_694 = vector.shape_cast %get3A_693 : vector<1x16xf32> to vector<16xf32>
        %add3A_695 = arith.addf %add3A_635, %get3A_694 : vector<16xf32>
        %add3A_696 = arith.constant 240 : i32
        %add3A_697 = arith.addi %add3A_696, %add3A_653 : i32
        %get3A_698 = arith.index_cast %add3A_697 : i32 to index
        %get3A_699 = arith.constant 96 : index
        %get3A_700 = tpu.vector_load %arg10[%get3A_698, %get3A_699] {strides = array<i32>} : memref<640x128xf32, #tpu.memory_space<vmem>>, vector<1x16xf32>,
        %get3A_701 = vector.shape_cast %get3A_700 : vector<1x16xf32> to vector<16xf32>
        %add3A_702 = arith.addf %add3A_642, %get3A_701 : vector<16xf32>
        %add3A_703 = arith.constant 240 : i32
        %add3A_704 = arith.addi %add3A_703, %add3A_653 : i32
        %get3A_705 = arith.index_cast %add3A_704 : i32 to index
        %get3A_706 = arith.constant 112 : index
        %get3A_707 = tpu.vector_load %arg10[%get3A_705, %get3A_706] {strides = array<i32>} : memref<640x128xf32, #tpu.memory_space<vmem>>, vector<1x16xf32>,
        %get3A_708 = vector.shape_cast %get3A_707 : vector<1x16xf32> to vector<16xf32>
        %add3A_709 = arith.addf %add3A_649, %get3A_708 : vector<16xf32>
        scf.yield %add3A_660, %add3A_667, %add3A_674, %add3A_681, %add3A_688, %add3A_695, %add3A_702, %add3A_709 : vector<16xf32>, vector<16xf32>, vector<16xf32>, vector<16xf32>, vector<16xf32>, vector<16xf32>, vector<16xf32>, vector<16xf32>
      }
      %scan3A_338 = arith.constant 16 : i32
      %add3A_339 = arith.constant 2 : i32
      %add3A_340 = arith.addi %add3A_320, %add3A_339 : i32
      %lt3A_341 = arith.constant 16 : i32
      %lt3A_342 = arith.cmpi slt, %add3A_340, %lt3A_341 : i32
      %convert_element_type3A_343 = arith.extui %lt3A_342 : i1 to i32
      %cond3A_344 = arith.constant 0 : i32
      %cond3A_345 = arith.cmpi ne, %convert_element_type3A_343, %cond3A_344 : i32
      scf.if %cond3A_345 {
        %add3A_462 = arith.constant 2 : i32
        %add3A_463 = arith.addi %add3A_320, %add3A_462 : i32
        %mul3A_464 = arith.constant 64 : i32
        %mul3A_465 = arith.muli %add3A_463, %mul3A_464 : i32
        %add3A_466 = arith.constant 26624 : i32
        %add3A_467 = arith.addi %add3A_466, %mul3A_465 : i32
        %dma_start3A_468 = arith.constant 240 : i32
        %dma_start3A_469 = arith.constant 0 : i32
        %dma_start3A_470 = tpu.memref_slice %arg10[%dma_start3A_468, %dma_start3A_469] : memref<640x128xf32, #tpu.memory_space<vmem>> -> memref<64x128xf32, #tpu.memory_space<vmem>>
        %dma_start3A_471 = tpu.memref_slice %arg9[%add3A_467] : memref<28672xi32, #tpu.memory_space<vmem>> -> memref<64xi32, #tpu.memory_space<vmem>>
        %dma_start3A_472 = arith.constant 0 : i32
        %dma_start3A_473 = arith.constant 0 : i32
        %dma_start3A_474 = tpu.memref_slice %arg6[%dma_start3A_472, %dma_start3A_473] : memref<100000x128xf32, #tpu.memory_space<hbm>> -> memref<100000x128xf32, #tpu.memory_space<hbm>>
        tpu.enqueue_indirect_dma source(%dma_start3A_474 : memref<100000x128xf32, #tpu.memory_space<hbm>>) target(%dma_start3A_470 : memref<64x128xf32, #tpu.memory_space<vmem>>) offsets(%dma_start3A_471 : memref<64xi32, #tpu.memory_space<vmem>>) semaphore(%arg15 : memref<!tpu.dma_semaphore, #tpu.memory_space<semaphore_mem>>)
      } else {
      }
      %jit3A_346 = arith.constant 4 : i32
      %eq3A_347 = arith.constant 0 : i32
      %eq3A_348 = arith.cmpi eq, %jit3A_346, %eq3A_347 : i32
      %jit3A_349 = arith.constant 1 : i32
      %select_n3A_350 = arith.select %eq3A_348, %jit3A_349, %jit3A_346 : i32
      %rem3A_351 = arith.remsi %scan3A_186, %select_n3A_350 : i32
      %ne3A_352 = arith.constant 0 : i32
      %ne3A_353 = arith.cmpi ne, %rem3A_351, %ne3A_352 : i32
      %lt3A_354 = arith.constant 0 : i32
      %lt3A_355 = arith.cmpi slt, %rem3A_351, %lt3A_354 : i32
      %lt3A_356 = arith.constant 0 : i32
      %lt3A_357 = arith.cmpi slt, %select_n3A_350, %lt3A_356 : i32
      %ne3A_358 = arith.xori %lt3A_355, %lt3A_357 : i1
      %and3A_359 = arith.andi %ne3A_358, %ne3A_353 : i1
      %add3A_360 = arith.addi %rem3A_351, %select_n3A_350 : i32
      %select_n3A_361 = arith.select %and3A_359, %add3A_360, %rem3A_351 : i32
      %eq3A_362 = arith.constant 3 : i32
      %eq3A_363 = arith.cmpi eq, %select_n3A_361, %eq3A_362 : i32
      %convert_element_type3A_364 = arith.extui %eq3A_363 : i1 to i32
      %cond3A_365 = arith.constant 0 : i32
      %cond3A_366 = arith.cmpi ne, %convert_element_type3A_364, %cond3A_365 : i32
      scf.if %cond3A_366 {
        %jit3A_462 = arith.constant 4 : i32
        %div3A = arith.divsi %scan3A_186, %jit3A_462 : i32
        %sign3A = arith.constant 0 : i32
        %sign3A_463 = arith.cmpi sgt, %scan3A_186, %sign3A : i32
        %sign3A_464 = arith.extui %sign3A_463 : i1 to i32
        %sign3A_465 = arith.constant 0 : i32
        %sign3A_466 = arith.cmpi slt, %scan3A_186, %sign3A_465 : i32
        %sign3A_467 = arith.extui %sign3A_466 : i1 to i32
        %sign3A_468 = arith.subi %sign3A_464, %sign3A_467 : i32
        %sign3A_469 = arith.constant 0 : i32
        %sign3A_470 = arith.cmpi sgt, %jit3A_462, %sign3A_469 : i32
        %sign3A_471 = arith.extui %sign3A_470 : i1 to i32
        %sign3A_472 = arith.constant 0 : i32
        %sign3A_473 = arith.cmpi slt, %jit3A_462, %sign3A_472 : i32
        %sign3A_474 = arith.extui %sign3A_473 : i1 to i32
        %sign3A_475 = arith.subi %sign3A_471, %sign3A_474 : i32
        %ne3A_476 = arith.cmpi ne, %sign3A_468, %sign3A_475 : i32
        %rem3A_477 = arith.remsi %scan3A_186, %jit3A_462 : i32
        %ne3A_478 = arith.constant 0 : i32
        %ne3A_479 = arith.cmpi ne, %rem3A_477, %ne3A_478 : i32
        %and3A_480 = arith.andi %ne3A_476, %ne3A_479 : i1
        %sub3A = arith.constant 1 : i32
        %sub3A_481 = arith.subi %div3A, %sub3A : i32
        %select_n3A_482 = arith.select %and3A_480, %sub3A_481, %div3A : i32
        %add3A_483 = arith.constant 18 : i32
        %add3A_484 = arith.addi %add3A_483, %select_n3A_482 : i32
        %swap3A = arith.index_cast %add3A_484 : i32 to index
        %swap3A_485 = arith.constant 0 : index
        %swap3A_486 = tpu.vector_load %arg11[%swap3A, %swap3A_485] {strides = array<i32>} : memref<22x128xf32, #tpu.memory_space<vmem>>, vector<1x16xf32>,
        %swap3A_487 = vector.shape_cast %swap3A_486 : vector<1x16xf32> to vector<16xf32>
        %swap3A_488 = vector.shape_cast %scan3A_337#0 : vector<16xf32> to vector<1x16xf32>
        tpu.vector_store %arg11[%swap3A, %swap3A_485], %swap3A_488 {strides = array<i32>} : memref<22x128xf32, #tpu.memory_space<vmem>>, vector<1x16xf32>,
        %add3A_489 = arith.constant 18 : i32
        %add3A_490 = arith.addi %add3A_489, %select_n3A_482 : i32
        %swap3A_491 = arith.index_cast %add3A_490 : i32 to index
        %swap3A_492 = arith.constant 16 : index
        %swap3A_493 = tpu.vector_load %arg11[%swap3A_491, %swap3A_492] {strides = array<i32>} : memref<22x128xf32, #tpu.memory_space<vmem>>, vector<1x16xf32>,
        %swap3A_494 = vector.shape_cast %swap3A_493 : vector<1x16xf32> to vector<16xf32>
        %swap3A_495 = vector.shape_cast %scan3A_337#1 : vector<16xf32> to vector<1x16xf32>
        tpu.vector_store %arg11[%swap3A_491, %swap3A_492], %swap3A_495 {strides = array<i32>} : memref<22x128xf32, #tpu.memory_space<vmem>>, vector<1x16xf32>,
        %add3A_496 = arith.constant 18 : i32
        %add3A_497 = arith.addi %add3A_496, %select_n3A_482 : i32
        %swap3A_498 = arith.index_cast %add3A_497 : i32 to index
        %swap3A_499 = arith.constant 32 : index
        %swap3A_500 = tpu.vector_load %arg11[%swap3A_498, %swap3A_499] {strides = array<i32>} : memref<22x128xf32, #tpu.memory_space<vmem>>, vector<1x16xf32>,
        %swap3A_501 = vector.shape_cast %swap3A_500 : vector<1x16xf32> to vector<16xf32>
        %swap3A_502 = vector.shape_cast %scan3A_337#2 : vector<16xf32> to vector<1x16xf32>
        tpu.vector_store %arg11[%swap3A_498, %swap3A_499], %swap3A_502 {strides = array<i32>} : memref<22x128xf32, #tpu.memory_space<vmem>>, vector<1x16xf32>,
        %add3A_503 = arith.constant 18 : i32
        %add3A_504 = arith.addi %add3A_503, %select_n3A_482 : i32
        %swap3A_505 = arith.index_cast %add3A_504 : i32 to index
        %swap3A_506 = arith.constant 48 : index
        %swap3A_507 = tpu.vector_load %arg11[%swap3A_505, %swap3A_506] {strides = array<i32>} : memref<22x128xf32, #tpu.memory_space<vmem>>, vector<1x16xf32>,
        %swap3A_508 = vector.shape_cast %swap3A_507 : vector<1x16xf32> to vector<16xf32>
        %swap3A_509 = vector.shape_cast %scan3A_337#3 : vector<16xf32> to vector<1x16xf32>
        tpu.vector_store %arg11[%swap3A_505, %swap3A_506], %swap3A_509 {strides = array<i32>} : memref<22x128xf32, #tpu.memory_space<vmem>>, vector<1x16xf32>,
        %add3A_510 = arith.constant 18 : i32
        %add3A_511 = arith.addi %add3A_510, %select_n3A_482 : i32
        %swap3A_512 = arith.index_cast %add3A_511 : i32 to index
        %swap3A_513 = arith.constant 64 : index
        %swap3A_514 = tpu.vector_load %arg11[%swap3A_512, %swap3A_513] {strides = array<i32>} : memref<22x128xf32, #tpu.memory_space<vmem>>, vector<1x16xf32>,
        %swap3A_515 = vector.shape_cast %swap3A_514 : vector<1x16xf32> to vector<16xf32>
        %swap3A_516 = vector.shape_cast %scan3A_337#4 : vector<16xf32> to vector<1x16xf32>
        tpu.vector_store %arg11[%swap3A_512, %swap3A_513], %swap3A_516 {strides = array<i32>} : memref<22x128xf32, #tpu.memory_space<vmem>>, vector<1x16xf32>,
        %add3A_517 = arith.constant 18 : i32
        %add3A_518 = arith.addi %add3A_517, %select_n3A_482 : i32
        %swap3A_519 = arith.index_cast %add3A_518 : i32 to index
        %swap3A_520 = arith.constant 80 : index
        %swap3A_521 = tpu.vector_load %arg11[%swap3A_519, %swap3A_520] {strides = array<i32>} : memref<22x128xf32, #tpu.memory_space<vmem>>, vector<1x16xf32>,
        %swap3A_522 = vector.shape_cast %swap3A_521 : vector<1x16xf32> to vector<16xf32>
        %swap3A_523 = vector.shape_cast %scan3A_337#5 : vector<16xf32> to vector<1x16xf32>
        tpu.vector_store %arg11[%swap3A_519, %swap3A_520], %swap3A_523 {strides = array<i32>} : memref<22x128xf32, #tpu.memory_space<vmem>>, vector<1x16xf32>,
        %add3A_524 = arith.constant 18 : i32
        %add3A_525 = arith.addi %add3A_524, %select_n3A_482 : i32
        %swap3A_526 = arith.index_cast %add3A_525 : i32 to index
        %swap3A_527 = arith.constant 96 : index
        %swap3A_528 = tpu.vector_load %arg11[%swap3A_526, %swap3A_527] {strides = array<i32>} : memref<22x128xf32, #tpu.memory_space<vmem>>, vector<1x16xf32>,
        %swap3A_529 = vector.shape_cast %swap3A_528 : vector<1x16xf32> to vector<16xf32>
        %swap3A_530 = vector.shape_cast %scan3A_337#6 : vector<16xf32> to vector<1x16xf32>
        tpu.vector_store %arg11[%swap3A_526, %swap3A_527], %swap3A_530 {strides = array<i32>} : memref<22x128xf32, #tpu.memory_space<vmem>>, vector<1x16xf32>,
        %add3A_531 = arith.constant 18 : i32
        %add3A_532 = arith.addi %add3A_531, %select_n3A_482 : i32
        %swap3A_533 = arith.index_cast %add3A_532 : i32 to index
        %swap3A_534 = arith.constant 112 : index
        %swap3A_535 = tpu.vector_load %arg11[%swap3A_533, %swap3A_534] {strides = array<i32>} : memref<22x128xf32, #tpu.memory_space<vmem>>, vector<1x16xf32>,
        %swap3A_536 = vector.shape_cast %swap3A_535 : vector<1x16xf32> to vector<16xf32>
        %swap3A_537 = vector.shape_cast %scan3A_337#7 : vector<16xf32> to vector<1x16xf32>
        tpu.vector_store %arg11[%swap3A_533, %swap3A_534], %swap3A_537 {strides = array<i32>} : memref<22x128xf32, #tpu.memory_space<vmem>>, vector<1x16xf32>,
      } else {
      }
      %select_n3A_367 = arith.select %eq3A_363, %broadcast_in_dim3A_17, %scan3A_337#0 : vector<16xf32>
      %select_n3A_368 = arith.select %eq3A_363, %broadcast_in_dim3A_17, %scan3A_337#1 : vector<16xf32>
      %select_n3A_369 = arith.select %eq3A_363, %broadcast_in_dim3A_17, %scan3A_337#2 : vector<16xf32>
      %select_n3A_370 = arith.select %eq3A_363, %broadcast_in_dim3A_17, %scan3A_337#3 : vector<16xf32>
      %select_n3A_371 = arith.select %eq3A_363, %broadcast_in_dim3A_17, %scan3A_337#4 : vector<16xf32>
      %select_n3A_372 = arith.select %eq3A_363, %broadcast_in_dim3A_17, %scan3A_337#5 : vector<16xf32>
      %select_n3A_373 = arith.select %eq3A_363, %broadcast_in_dim3A_17, %scan3A_337#6 : vector<16xf32>
      %select_n3A_374 = arith.select %eq3A_363, %broadcast_in_dim3A_17, %scan3A_337#7 : vector<16xf32>
      %mul3A_375 = arith.constant 2 : i32
      %mul3A_376 = arith.muli %mul3A_375, %scan3A_186 : i32
      %add3A_377 = arith.constant 0 : i32
      %add3A_378 = arith.addi %mul3A_376, %add3A_377 : i32
      %dma_wait3A_379 = arith.constant 320 : i32
      %dma_wait3A_380 = arith.constant 0 : i32
      %dma_wait3A_381 = tpu.memref_slice %arg10[%dma_wait3A_379, %dma_wait3A_380] : memref<640x128xf32, #tpu.memory_space<vmem>> -> memref<64x128xf32, #tpu.memory_space<vmem>>
      %dma_wait3A_382 = arith.constant 0 : i32
      %dma_wait3A_383 = arith.constant 0 : i32
      %dma_wait3A_384 = tpu.memref_slice %arg3[%dma_wait3A_382, %dma_wait3A_383] : memref<100000x128xf32, #tpu.memory_space<hbm>> -> memref<64x128xf32, #tpu.memory_space<hbm>>
      %dma_wait3A_385 = arith.constant 320 : i32
      %dma_wait3A_386 = arith.constant 0 : i32
      %dma_wait3A_387 = tpu.memref_slice %arg10[%dma_wait3A_385, %dma_wait3A_386] : memref<640x128xf32, #tpu.memory_space<vmem>> -> memref<64x128xf32, #tpu.memory_space<vmem>>
      %dma_wait3A_388 = arith.constant 0 : i32
      %dma_wait3A_389 = arith.constant 0 : i32
      %dma_wait3A_390 = tpu.memref_slice %arg3[%dma_wait3A_388, %dma_wait3A_389] : memref<100000x128xf32, #tpu.memory_space<hbm>> -> memref<64x128xf32, #tpu.memory_space<hbm>>
      tpu.wait_dma2 semaphore(%arg16 : memref<!tpu.dma_semaphore, #tpu.memory_space<semaphore_mem>>) src(%dma_wait3A_390 : memref<64x128xf32, #tpu.memory_space<hbm>>) dst(%dma_wait3A_387 : memref<64x128xf32, #tpu.memory_space<vmem>>)
      %scan3A_391 = arith.constant 0 : i32
      %scan3A_392 = arith.constant 16 : i32
      %scan3A_393 = arith.addi %scan3A_391, %scan3A_392 : i32
      %scan3A_394 = arith.constant 1 : i32
      %scan3A_395:8 = scf.for %scan3A_462 = %scan3A_391 to %scan3A_393 step %scan3A_394 iter_args(%scan3A_463 = %scan3A_203, %scan3A_464 = %scan3A_204, %scan3A_465 = %scan3A_205, %scan3A_466 = %scan3A_206, %scan3A_467 = %scan3A_207, %scan3A_468 = %scan3A_208, %scan3A_469 = %scan3A_209, %scan3A_470 = %scan3A_210) -> (vector<16xf32>, vector<16xf32>, vector<16xf32>, vector<16xf32>, vector<16xf32>, vector<16xf32>, vector<16xf32>, vector<16xf32>)  : i32 {
        %mul3A_471 = arith.constant 4 : i32
        %mul3A_472 = arith.muli %scan3A_462, %mul3A_471 : i32
        %add3A_473 = arith.constant 0 : i32
        %add3A_474 = arith.addi %mul3A_472, %add3A_473 : i32
        %add3A_475 = arith.constant 320 : i32
        %add3A_476 = arith.addi %add3A_475, %add3A_474 : i32
        %get3A = arith.index_cast %add3A_476 : i32 to index
        %get3A_477 = arith.constant 0 : index
        %get3A_478 = tpu.vector_load %arg10[%get3A, %get3A_477] {strides = array<i32>} : memref<640x128xf32, #tpu.memory_space<vmem>>, vector<1x16xf32>,
        %get3A_479 = vector.shape_cast %get3A_478 : vector<1x16xf32> to vector<16xf32>
        %add3A_480 = arith.addf %scan3A_463, %get3A_479 : vector<16xf32>
        %add3A_481 = arith.constant 320 : i32
        %add3A_482 = arith.addi %add3A_481, %add3A_474 : i32
        %get3A_483 = arith.index_cast %add3A_482 : i32 to index
        %get3A_484 = arith.constant 16 : index
        %get3A_485 = tpu.vector_load %arg10[%get3A_483, %get3A_484] {strides = array<i32>} : memref<640x128xf32, #tpu.memory_space<vmem>>, vector<1x16xf32>,
        %get3A_486 = vector.shape_cast %get3A_485 : vector<1x16xf32> to vector<16xf32>
        %add3A_487 = arith.addf %scan3A_464, %get3A_486 : vector<16xf32>
        %add3A_488 = arith.constant 320 : i32
        %add3A_489 = arith.addi %add3A_488, %add3A_474 : i32
        %get3A_490 = arith.index_cast %add3A_489 : i32 to index
        %get3A_491 = arith.constant 32 : index
        %get3A_492 = tpu.vector_load %arg10[%get3A_490, %get3A_491] {strides = array<i32>} : memref<640x128xf32, #tpu.memory_space<vmem>>, vector<1x16xf32>,
        %get3A_493 = vector.shape_cast %get3A_492 : vector<1x16xf32> to vector<16xf32>
        %add3A_494 = arith.addf %scan3A_465, %get3A_493 : vector<16xf32>
        %add3A_495 = arith.constant 320 : i32
        %add3A_496 = arith.addi %add3A_495, %add3A_474 : i32
        %get3A_497 = arith.index_cast %add3A_496 : i32 to index
        %get3A_498 = arith.constant 48 : index
        %get3A_499 = tpu.vector_load %arg10[%get3A_497, %get3A_498] {strides = array<i32>} : memref<640x128xf32, #tpu.memory_space<vmem>>, vector<1x16xf32>,
        %get3A_500 = vector.shape_cast %get3A_499 : vector<1x16xf32> to vector<16xf32>
        %add3A_501 = arith.addf %scan3A_466, %get3A_500 : vector<16xf32>
        %add3A_502 = arith.constant 320 : i32
        %add3A_503 = arith.addi %add3A_502, %add3A_474 : i32
        %get3A_504 = arith.index_cast %add3A_503 : i32 to index
        %get3A_505 = arith.constant 64 : index
        %get3A_506 = tpu.vector_load %arg10[%get3A_504, %get3A_505] {strides = array<i32>} : memref<640x128xf32, #tpu.memory_space<vmem>>, vector<1x16xf32>,
        %get3A_507 = vector.shape_cast %get3A_506 : vector<1x16xf32> to vector<16xf32>
        %add3A_508 = arith.addf %scan3A_467, %get3A_507 : vector<16xf32>
        %add3A_509 = arith.constant 320 : i32
        %add3A_510 = arith.addi %add3A_509, %add3A_474 : i32
        %get3A_511 = arith.index_cast %add3A_510 : i32 to index
        %get3A_512 = arith.constant 80 : index
        %get3A_513 = tpu.vector_load %arg10[%get3A_511, %get3A_512] {strides = array<i32>} : memref<640x128xf32, #tpu.memory_space<vmem>>, vector<1x16xf32>,
        %get3A_514 = vector.shape_cast %get3A_513 : vector<1x16xf32> to vector<16xf32>
        %add3A_515 = arith.addf %scan3A_468, %get3A_514 : vector<16xf32>
        %add3A_516 = arith.constant 320 : i32
        %add3A_517 = arith.addi %add3A_516, %add3A_474 : i32
        %get3A_518 = arith.index_cast %add3A_517 : i32 to index
        %get3A_519 = arith.constant 96 : index
        %get3A_520 = tpu.vector_load %arg10[%get3A_518, %get3A_519] {strides = array<i32>} : memref<640x128xf32, #tpu.memory_space<vmem>>, vector<1x16xf32>,
        %get3A_521 = vector.shape_cast %get3A_520 : vector<1x16xf32> to vector<16xf32>
        %add3A_522 = arith.addf %scan3A_469, %get3A_521 : vector<16xf32>
        %add3A_523 = arith.constant 320 : i32
        %add3A_524 = arith.addi %add3A_523, %add3A_474 : i32
        %get3A_525 = arith.index_cast %add3A_524 : i32 to index
        %get3A_526 = arith.constant 112 : index
        %get3A_527 = tpu.vector_load %arg10[%get3A_525, %get3A_526] {strides = array<i32>} : memref<640x128xf32, #tpu.memory_space<vmem>>, vector<1x16xf32>,
        %get3A_528 = vector.shape_cast %get3A_527 : vector<1x16xf32> to vector<16xf32>
        %add3A_529 = arith.addf %scan3A_470, %get3A_528 : vector<16xf32>
        %mul3A_530 = arith.constant 4 : i32
        %mul3A_531 = arith.muli %scan3A_462, %mul3A_530 : i32
        %add3A_532 = arith.constant 1 : i32
        %add3A_533 = arith.addi %mul3A_531, %add3A_532 : i32
        %add3A_534 = arith.constant 320 : i32
        %add3A_535 = arith.addi %add3A_534, %add3A_533 : i32
        %get3A_536 = arith.index_cast %add3A_535 : i32 to index
        %get3A_537 = arith.constant 0 : index
        %get3A_538 = tpu.vector_load %arg10[%get3A_536, %get3A_537] {strides = array<i32>} : memref<640x128xf32, #tpu.memory_space<vmem>>, vector<1x16xf32>,
        %get3A_539 = vector.shape_cast %get3A_538 : vector<1x16xf32> to vector<16xf32>
        %add3A_540 = arith.addf %add3A_480, %get3A_539 : vector<16xf32>
        %add3A_541 = arith.constant 320 : i32
        %add3A_542 = arith.addi %add3A_541, %add3A_533 : i32
        %get3A_543 = arith.index_cast %add3A_542 : i32 to index
        %get3A_544 = arith.constant 16 : index
        %get3A_545 = tpu.vector_load %arg10[%get3A_543, %get3A_544] {strides = array<i32>} : memref<640x128xf32, #tpu.memory_space<vmem>>, vector<1x16xf32>,
        %get3A_546 = vector.shape_cast %get3A_545 : vector<1x16xf32> to vector<16xf32>
        %add3A_547 = arith.addf %add3A_487, %get3A_546 : vector<16xf32>
        %add3A_548 = arith.constant 320 : i32
        %add3A_549 = arith.addi %add3A_548, %add3A_533 : i32
        %get3A_550 = arith.index_cast %add3A_549 : i32 to index
        %get3A_551 = arith.constant 32 : index
        %get3A_552 = tpu.vector_load %arg10[%get3A_550, %get3A_551] {strides = array<i32>} : memref<640x128xf32, #tpu.memory_space<vmem>>, vector<1x16xf32>,
        %get3A_553 = vector.shape_cast %get3A_552 : vector<1x16xf32> to vector<16xf32>
        %add3A_554 = arith.addf %add3A_494, %get3A_553 : vector<16xf32>
        %add3A_555 = arith.constant 320 : i32
        %add3A_556 = arith.addi %add3A_555, %add3A_533 : i32
        %get3A_557 = arith.index_cast %add3A_556 : i32 to index
        %get3A_558 = arith.constant 48 : index
        %get3A_559 = tpu.vector_load %arg10[%get3A_557, %get3A_558] {strides = array<i32>} : memref<640x128xf32, #tpu.memory_space<vmem>>, vector<1x16xf32>,
        %get3A_560 = vector.shape_cast %get3A_559 : vector<1x16xf32> to vector<16xf32>
        %add3A_561 = arith.addf %add3A_501, %get3A_560 : vector<16xf32>
        %add3A_562 = arith.constant 320 : i32
        %add3A_563 = arith.addi %add3A_562, %add3A_533 : i32
        %get3A_564 = arith.index_cast %add3A_563 : i32 to index
        %get3A_565 = arith.constant 64 : index
        %get3A_566 = tpu.vector_load %arg10[%get3A_564, %get3A_565] {strides = array<i32>} : memref<640x128xf32, #tpu.memory_space<vmem>>, vector<1x16xf32>,
        %get3A_567 = vector.shape_cast %get3A_566 : vector<1x16xf32> to vector<16xf32>
        %add3A_568 = arith.addf %add3A_508, %get3A_567 : vector<16xf32>
        %add3A_569 = arith.constant 320 : i32
        %add3A_570 = arith.addi %add3A_569, %add3A_533 : i32
        %get3A_571 = arith.index_cast %add3A_570 : i32 to index
        %get3A_572 = arith.constant 80 : index
        %get3A_573 = tpu.vector_load %arg10[%get3A_571, %get3A_572] {strides = array<i32>} : memref<640x128xf32, #tpu.memory_space<vmem>>, vector<1x16xf32>,
        %get3A_574 = vector.shape_cast %get3A_573 : vector<1x16xf32> to vector<16xf32>
        %add3A_575 = arith.addf %add3A_515, %get3A_574 : vector<16xf32>
        %add3A_576 = arith.constant 320 : i32
        %add3A_577 = arith.addi %add3A_576, %add3A_533 : i32
        %get3A_578 = arith.index_cast %add3A_577 : i32 to index
        %get3A_579 = arith.constant 96 : index
        %get3A_580 = tpu.vector_load %arg10[%get3A_578, %get3A_579] {strides = array<i32>} : memref<640x128xf32, #tpu.memory_space<vmem>>, vector<1x16xf32>,
        %get3A_581 = vector.shape_cast %get3A_580 : vector<1x16xf32> to vector<16xf32>
        %add3A_582 = arith.addf %add3A_522, %get3A_581 : vector<16xf32>
        %add3A_583 = arith.constant 320 : i32
        %add3A_584 = arith.addi %add3A_583, %add3A_533 : i32
        %get3A_585 = arith.index_cast %add3A_584 : i32 to index
        %get3A_586 = arith.constant 112 : index
        %get3A_587 = tpu.vector_load %arg10[%get3A_585, %get3A_586] {strides = array<i32>} : memref<640x128xf32, #tpu.memory_space<vmem>>, vector<1x16xf32>,
        %get3A_588 = vector.shape_cast %get3A_587 : vector<1x16xf32> to vector<16xf32>
        %add3A_589 = arith.addf %add3A_529, %get3A_588 : vector<16xf32>
        %mul3A_590 = arith.constant 4 : i32
        %mul3A_591 = arith.muli %scan3A_462, %mul3A_590 : i32
        %add3A_592 = arith.constant 2 : i32
        %add3A_593 = arith.addi %mul3A_591, %add3A_592 : i32
        %add3A_594 = arith.constant 320 : i32
        %add3A_595 = arith.addi %add3A_594, %add3A_593 : i32
        %get3A_596 = arith.index_cast %add3A_595 : i32 to index
        %get3A_597 = arith.constant 0 : index
        %get3A_598 = tpu.vector_load %arg10[%get3A_596, %get3A_597] {strides = array<i32>} : memref<640x128xf32, #tpu.memory_space<vmem>>, vector<1x16xf32>,
        %get3A_599 = vector.shape_cast %get3A_598 : vector<1x16xf32> to vector<16xf32>
        %add3A_600 = arith.addf %add3A_540, %get3A_599 : vector<16xf32>
        %add3A_601 = arith.constant 320 : i32
        %add3A_602 = arith.addi %add3A_601, %add3A_593 : i32
        %get3A_603 = arith.index_cast %add3A_602 : i32 to index
        %get3A_604 = arith.constant 16 : index
        %get3A_605 = tpu.vector_load %arg10[%get3A_603, %get3A_604] {strides = array<i32>} : memref<640x128xf32, #tpu.memory_space<vmem>>, vector<1x16xf32>,
        %get3A_606 = vector.shape_cast %get3A_605 : vector<1x16xf32> to vector<16xf32>
        %add3A_607 = arith.addf %add3A_547, %get3A_606 : vector<16xf32>
        %add3A_608 = arith.constant 320 : i32
        %add3A_609 = arith.addi %add3A_608, %add3A_593 : i32
        %get3A_610 = arith.index_cast %add3A_609 : i32 to index
        %get3A_611 = arith.constant 32 : index
        %get3A_612 = tpu.vector_load %arg10[%get3A_610, %get3A_611] {strides = array<i32>} : memref<640x128xf32, #tpu.memory_space<vmem>>, vector<1x16xf32>,
        %get3A_613 = vector.shape_cast %get3A_612 : vector<1x16xf32> to vector<16xf32>
        %add3A_614 = arith.addf %add3A_554, %get3A_613 : vector<16xf32>
        %add3A_615 = arith.constant 320 : i32
        %add3A_616 = arith.addi %add3A_615, %add3A_593 : i32
        %get3A_617 = arith.index_cast %add3A_616 : i32 to index
        %get3A_618 = arith.constant 48 : index
        %get3A_619 = tpu.vector_load %arg10[%get3A_617, %get3A_618] {strides = array<i32>} : memref<640x128xf32, #tpu.memory_space<vmem>>, vector<1x16xf32>,
        %get3A_620 = vector.shape_cast %get3A_619 : vector<1x16xf32> to vector<16xf32>
        %add3A_621 = arith.addf %add3A_561, %get3A_620 : vector<16xf32>
        %add3A_622 = arith.constant 320 : i32
        %add3A_623 = arith.addi %add3A_622, %add3A_593 : i32
        %get3A_624 = arith.index_cast %add3A_623 : i32 to index
        %get3A_625 = arith.constant 64 : index
        %get3A_626 = tpu.vector_load %arg10[%get3A_624, %get3A_625] {strides = array<i32>} : memref<640x128xf32, #tpu.memory_space<vmem>>, vector<1x16xf32>,
        %get3A_627 = vector.shape_cast %get3A_626 : vector<1x16xf32> to vector<16xf32>
        %add3A_628 = arith.addf %add3A_568, %get3A_627 : vector<16xf32>
        %add3A_629 = arith.constant 320 : i32
        %add3A_630 = arith.addi %add3A_629, %add3A_593 : i32
        %get3A_631 = arith.index_cast %add3A_630 : i32 to index
        %get3A_632 = arith.constant 80 : index
        %get3A_633 = tpu.vector_load %arg10[%get3A_631, %get3A_632] {strides = array<i32>} : memref<640x128xf32, #tpu.memory_space<vmem>>, vector<1x16xf32>,
        %get3A_634 = vector.shape_cast %get3A_633 : vector<1x16xf32> to vector<16xf32>
        %add3A_635 = arith.addf %add3A_575, %get3A_634 : vector<16xf32>
        %add3A_636 = arith.constant 320 : i32
        %add3A_637 = arith.addi %add3A_636, %add3A_593 : i32
        %get3A_638 = arith.index_cast %add3A_637 : i32 to index
        %get3A_639 = arith.constant 96 : index
        %get3A_640 = tpu.vector_load %arg10[%get3A_638, %get3A_639] {strides = array<i32>} : memref<640x128xf32, #tpu.memory_space<vmem>>, vector<1x16xf32>,
        %get3A_641 = vector.shape_cast %get3A_640 : vector<1x16xf32> to vector<16xf32>
        %add3A_642 = arith.addf %add3A_582, %get3A_641 : vector<16xf32>
        %add3A_643 = arith.constant 320 : i32
        %add3A_644 = arith.addi %add3A_643, %add3A_593 : i32
        %get3A_645 = arith.index_cast %add3A_644 : i32 to index
        %get3A_646 = arith.constant 112 : index
        %get3A_647 = tpu.vector_load %arg10[%get3A_645, %get3A_646] {strides = array<i32>} : memref<640x128xf32, #tpu.memory_space<vmem>>, vector<1x16xf32>,
        %get3A_648 = vector.shape_cast %get3A_647 : vector<1x16xf32> to vector<16xf32>
        %add3A_649 = arith.addf %add3A_589, %get3A_648 : vector<16xf32>
        %mul3A_650 = arith.constant 4 : i32
        %mul3A_651 = arith.muli %scan3A_462, %mul3A_650 : i32
        %add3A_652 = arith.constant 3 : i32
        %add3A_653 = arith.addi %mul3A_651, %add3A_652 : i32
        %add3A_654 = arith.constant 320 : i32
        %add3A_655 = arith.addi %add3A_654, %add3A_653 : i32
        %get3A_656 = arith.index_cast %add3A_655 : i32 to index
        %get3A_657 = arith.constant 0 : index
        %get3A_658 = tpu.vector_load %arg10[%get3A_656, %get3A_657] {strides = array<i32>} : memref<640x128xf32, #tpu.memory_space<vmem>>, vector<1x16xf32>,
        %get3A_659 = vector.shape_cast %get3A_658 : vector<1x16xf32> to vector<16xf32>
        %add3A_660 = arith.addf %add3A_600, %get3A_659 : vector<16xf32>
        %add3A_661 = arith.constant 320 : i32
        %add3A_662 = arith.addi %add3A_661, %add3A_653 : i32
        %get3A_663 = arith.index_cast %add3A_662 : i32 to index
        %get3A_664 = arith.constant 16 : index
        %get3A_665 = tpu.vector_load %arg10[%get3A_663, %get3A_664] {strides = array<i32>} : memref<640x128xf32, #tpu.memory_space<vmem>>, vector<1x16xf32>,
        %get3A_666 = vector.shape_cast %get3A_665 : vector<1x16xf32> to vector<16xf32>
        %add3A_667 = arith.addf %add3A_607, %get3A_666 : vector<16xf32>
        %add3A_668 = arith.constant 320 : i32
        %add3A_669 = arith.addi %add3A_668, %add3A_653 : i32
        %get3A_670 = arith.index_cast %add3A_669 : i32 to index
        %get3A_671 = arith.constant 32 : index
        %get3A_672 = tpu.vector_load %arg10[%get3A_670, %get3A_671] {strides = array<i32>} : memref<640x128xf32, #tpu.memory_space<vmem>>, vector<1x16xf32>,
        %get3A_673 = vector.shape_cast %get3A_672 : vector<1x16xf32> to vector<16xf32>
        %add3A_674 = arith.addf %add3A_614, %get3A_673 : vector<16xf32>
        %add3A_675 = arith.constant 320 : i32
        %add3A_676 = arith.addi %add3A_675, %add3A_653 : i32
        %get3A_677 = arith.index_cast %add3A_676 : i32 to index
        %get3A_678 = arith.constant 48 : index
        %get3A_679 = tpu.vector_load %arg10[%get3A_677, %get3A_678] {strides = array<i32>} : memref<640x128xf32, #tpu.memory_space<vmem>>, vector<1x16xf32>,
        %get3A_680 = vector.shape_cast %get3A_679 : vector<1x16xf32> to vector<16xf32>
        %add3A_681 = arith.addf %add3A_621, %get3A_680 : vector<16xf32>
        %add3A_682 = arith.constant 320 : i32
        %add3A_683 = arith.addi %add3A_682, %add3A_653 : i32
        %get3A_684 = arith.index_cast %add3A_683 : i32 to index
        %get3A_685 = arith.constant 64 : index
        %get3A_686 = tpu.vector_load %arg10[%get3A_684, %get3A_685] {strides = array<i32>} : memref<640x128xf32, #tpu.memory_space<vmem>>, vector<1x16xf32>,
        %get3A_687 = vector.shape_cast %get3A_686 : vector<1x16xf32> to vector<16xf32>
        %add3A_688 = arith.addf %add3A_628, %get3A_687 : vector<16xf32>
        %add3A_689 = arith.constant 320 : i32
        %add3A_690 = arith.addi %add3A_689, %add3A_653 : i32
        %get3A_691 = arith.index_cast %add3A_690 : i32 to index
        %get3A_692 = arith.constant 80 : index
        %get3A_693 = tpu.vector_load %arg10[%get3A_691, %get3A_692] {strides = array<i32>} : memref<640x128xf32, #tpu.memory_space<vmem>>, vector<1x16xf32>,
        %get3A_694 = vector.shape_cast %get3A_693 : vector<1x16xf32> to vector<16xf32>
        %add3A_695 = arith.addf %add3A_635, %get3A_694 : vector<16xf32>
        %add3A_696 = arith.constant 320 : i32
        %add3A_697 = arith.addi %add3A_696, %add3A_653 : i32
        %get3A_698 = arith.index_cast %add3A_697 : i32 to index
        %get3A_699 = arith.constant 96 : index
        %get3A_700 = tpu.vector_load %arg10[%get3A_698, %get3A_699] {strides = array<i32>} : memref<640x128xf32, #tpu.memory_space<vmem>>, vector<1x16xf32>,
        %get3A_701 = vector.shape_cast %get3A_700 : vector<1x16xf32> to vector<16xf32>
        %add3A_702 = arith.addf %add3A_642, %get3A_701 : vector<16xf32>
        %add3A_703 = arith.constant 320 : i32
        %add3A_704 = arith.addi %add3A_703, %add3A_653 : i32
        %get3A_705 = arith.index_cast %add3A_704 : i32 to index
        %get3A_706 = arith.constant 112 : index
        %get3A_707 = tpu.vector_load %arg10[%get3A_705, %get3A_706] {strides = array<i32>} : memref<640x128xf32, #tpu.memory_space<vmem>>, vector<1x16xf32>,
        %get3A_708 = vector.shape_cast %get3A_707 : vector<1x16xf32> to vector<16xf32>
        %add3A_709 = arith.addf %add3A_649, %get3A_708 : vector<16xf32>
        scf.yield %add3A_660, %add3A_667, %add3A_674, %add3A_681, %add3A_688, %add3A_695, %add3A_702, %add3A_709 : vector<16xf32>, vector<16xf32>, vector<16xf32>, vector<16xf32>, vector<16xf32>, vector<16xf32>, vector<16xf32>, vector<16xf32>
      }
      %scan3A_396 = arith.constant 16 : i32
      %add3A_397 = arith.constant 2 : i32
      %add3A_398 = arith.addi %add3A_378, %add3A_397 : i32
      %lt3A_399 = arith.constant 16 : i32
      %lt3A_400 = arith.cmpi slt, %add3A_398, %lt3A_399 : i32
      %convert_element_type3A_401 = arith.extui %lt3A_400 : i1 to i32
      %cond3A_402 = arith.constant 0 : i32
      %cond3A_403 = arith.cmpi ne, %convert_element_type3A_401, %cond3A_402 : i32
      scf.if %cond3A_403 {
        %add3A_462 = arith.constant 2 : i32
        %add3A_463 = arith.addi %add3A_378, %add3A_462 : i32
        %mul3A_464 = arith.constant 64 : i32
        %mul3A_465 = arith.muli %add3A_463, %mul3A_464 : i32
        %add3A_466 = arith.constant 27648 : i32
        %add3A_467 = arith.addi %add3A_466, %mul3A_465 : i32
        %dma_start3A_468 = arith.constant 320 : i32
        %dma_start3A_469 = arith.constant 0 : i32
        %dma_start3A_470 = tpu.memref_slice %arg10[%dma_start3A_468, %dma_start3A_469] : memref<640x128xf32, #tpu.memory_space<vmem>> -> memref<64x128xf32, #tpu.memory_space<vmem>>
        %dma_start3A_471 = tpu.memref_slice %arg9[%add3A_467] : memref<28672xi32, #tpu.memory_space<vmem>> -> memref<64xi32, #tpu.memory_space<vmem>>
        %dma_start3A_472 = arith.constant 0 : i32
        %dma_start3A_473 = arith.constant 0 : i32
        %dma_start3A_474 = tpu.memref_slice %arg7[%dma_start3A_472, %dma_start3A_473] : memref<100000x128xf32, #tpu.memory_space<hbm>> -> memref<100000x128xf32, #tpu.memory_space<hbm>>
        tpu.enqueue_indirect_dma source(%dma_start3A_474 : memref<100000x128xf32, #tpu.memory_space<hbm>>) target(%dma_start3A_470 : memref<64x128xf32, #tpu.memory_space<vmem>>) offsets(%dma_start3A_471 : memref<64xi32, #tpu.memory_space<vmem>>) semaphore(%arg16 : memref<!tpu.dma_semaphore, #tpu.memory_space<semaphore_mem>>)
      } else {
      }
      %mul3A_404 = arith.constant 2 : i32
      %mul3A_405 = arith.muli %mul3A_404, %scan3A_186 : i32
      %add3A_406 = arith.constant 1 : i32
      %add3A_407 = arith.addi %mul3A_405, %add3A_406 : i32
      %dma_wait3A_408 = arith.constant 400 : i32
      %dma_wait3A_409 = arith.constant 0 : i32
      %dma_wait3A_410 = tpu.memref_slice %arg10[%dma_wait3A_408, %dma_wait3A_409] : memref<640x128xf32, #tpu.memory_space<vmem>> -> memref<64x128xf32, #tpu.memory_space<vmem>>
      %dma_wait3A_411 = arith.constant 0 : i32
      %dma_wait3A_412 = arith.constant 0 : i32
      %dma_wait3A_413 = tpu.memref_slice %arg3[%dma_wait3A_411, %dma_wait3A_412] : memref<100000x128xf32, #tpu.memory_space<hbm>> -> memref<64x128xf32, #tpu.memory_space<hbm>>
      %dma_wait3A_414 = arith.constant 400 : i32
      %dma_wait3A_415 = arith.constant 0 : i32
      %dma_wait3A_416 = tpu.memref_slice %arg10[%dma_wait3A_414, %dma_wait3A_415] : memref<640x128xf32, #tpu.memory_space<vmem>> -> memref<64x128xf32, #tpu.memory_space<vmem>>
      %dma_wait3A_417 = arith.constant 0 : i32
      %dma_wait3A_418 = arith.constant 0 : i32
      %dma_wait3A_419 = tpu.memref_slice %arg3[%dma_wait3A_417, %dma_wait3A_418] : memref<100000x128xf32, #tpu.memory_space<hbm>> -> memref<64x128xf32, #tpu.memory_space<hbm>>
      tpu.wait_dma2 semaphore(%arg17 : memref<!tpu.dma_semaphore, #tpu.memory_space<semaphore_mem>>) src(%dma_wait3A_419 : memref<64x128xf32, #tpu.memory_space<hbm>>) dst(%dma_wait3A_416 : memref<64x128xf32, #tpu.memory_space<vmem>>)
      %scan3A_420 = arith.constant 0 : i32
      %scan3A_421 = arith.constant 16 : i32
      %scan3A_422 = arith.addi %scan3A_420, %scan3A_421 : i32
      %scan3A_423 = arith.constant 1 : i32
      %scan3A_424:8 = scf.for %scan3A_462 = %scan3A_420 to %scan3A_422 step %scan3A_423 iter_args(%scan3A_463 = %scan3A_395#0, %scan3A_464 = %scan3A_395#1, %scan3A_465 = %scan3A_395#2, %scan3A_466 = %scan3A_395#3, %scan3A_467 = %scan3A_395#4, %scan3A_468 = %scan3A_395#5, %scan3A_469 = %scan3A_395#6, %scan3A_470 = %scan3A_395#7) -> (vector<16xf32>, vector<16xf32>, vector<16xf32>, vector<16xf32>, vector<16xf32>, vector<16xf32>, vector<16xf32>, vector<16xf32>)  : i32 {
        %mul3A_471 = arith.constant 4 : i32
        %mul3A_472 = arith.muli %scan3A_462, %mul3A_471 : i32
        %add3A_473 = arith.constant 0 : i32
        %add3A_474 = arith.addi %mul3A_472, %add3A_473 : i32
        %add3A_475 = arith.constant 400 : i32
        %add3A_476 = arith.addi %add3A_475, %add3A_474 : i32
        %get3A = arith.index_cast %add3A_476 : i32 to index
        %get3A_477 = arith.constant 0 : index
        %get3A_478 = tpu.vector_load %arg10[%get3A, %get3A_477] {strides = array<i32>} : memref<640x128xf32, #tpu.memory_space<vmem>>, vector<1x16xf32>,
        %get3A_479 = vector.shape_cast %get3A_478 : vector<1x16xf32> to vector<16xf32>
        %add3A_480 = arith.addf %scan3A_463, %get3A_479 : vector<16xf32>
        %add3A_481 = arith.constant 400 : i32
        %add3A_482 = arith.addi %add3A_481, %add3A_474 : i32
        %get3A_483 = arith.index_cast %add3A_482 : i32 to index
        %get3A_484 = arith.constant 16 : index
        %get3A_485 = tpu.vector_load %arg10[%get3A_483, %get3A_484] {strides = array<i32>} : memref<640x128xf32, #tpu.memory_space<vmem>>, vector<1x16xf32>,
        %get3A_486 = vector.shape_cast %get3A_485 : vector<1x16xf32> to vector<16xf32>
        %add3A_487 = arith.addf %scan3A_464, %get3A_486 : vector<16xf32>
        %add3A_488 = arith.constant 400 : i32
        %add3A_489 = arith.addi %add3A_488, %add3A_474 : i32
        %get3A_490 = arith.index_cast %add3A_489 : i32 to index
        %get3A_491 = arith.constant 32 : index
        %get3A_492 = tpu.vector_load %arg10[%get3A_490, %get3A_491] {strides = array<i32>} : memref<640x128xf32, #tpu.memory_space<vmem>>, vector<1x16xf32>,
        %get3A_493 = vector.shape_cast %get3A_492 : vector<1x16xf32> to vector<16xf32>
        %add3A_494 = arith.addf %scan3A_465, %get3A_493 : vector<16xf32>
        %add3A_495 = arith.constant 400 : i32
        %add3A_496 = arith.addi %add3A_495, %add3A_474 : i32
        %get3A_497 = arith.index_cast %add3A_496 : i32 to index
        %get3A_498 = arith.constant 48 : index
        %get3A_499 = tpu.vector_load %arg10[%get3A_497, %get3A_498] {strides = array<i32>} : memref<640x128xf32, #tpu.memory_space<vmem>>, vector<1x16xf32>,
        %get3A_500 = vector.shape_cast %get3A_499 : vector<1x16xf32> to vector<16xf32>
        %add3A_501 = arith.addf %scan3A_466, %get3A_500 : vector<16xf32>
        %add3A_502 = arith.constant 400 : i32
        %add3A_503 = arith.addi %add3A_502, %add3A_474 : i32
        %get3A_504 = arith.index_cast %add3A_503 : i32 to index
        %get3A_505 = arith.constant 64 : index
        %get3A_506 = tpu.vector_load %arg10[%get3A_504, %get3A_505] {strides = array<i32>} : memref<640x128xf32, #tpu.memory_space<vmem>>, vector<1x16xf32>,
        %get3A_507 = vector.shape_cast %get3A_506 : vector<1x16xf32> to vector<16xf32>
        %add3A_508 = arith.addf %scan3A_467, %get3A_507 : vector<16xf32>
        %add3A_509 = arith.constant 400 : i32
        %add3A_510 = arith.addi %add3A_509, %add3A_474 : i32
        %get3A_511 = arith.index_cast %add3A_510 : i32 to index
        %get3A_512 = arith.constant 80 : index
        %get3A_513 = tpu.vector_load %arg10[%get3A_511, %get3A_512] {strides = array<i32>} : memref<640x128xf32, #tpu.memory_space<vmem>>, vector<1x16xf32>,
        %get3A_514 = vector.shape_cast %get3A_513 : vector<1x16xf32> to vector<16xf32>
        %add3A_515 = arith.addf %scan3A_468, %get3A_514 : vector<16xf32>
        %add3A_516 = arith.constant 400 : i32
        %add3A_517 = arith.addi %add3A_516, %add3A_474 : i32
        %get3A_518 = arith.index_cast %add3A_517 : i32 to index
        %get3A_519 = arith.constant 96 : index
        %get3A_520 = tpu.vector_load %arg10[%get3A_518, %get3A_519] {strides = array<i32>} : memref<640x128xf32, #tpu.memory_space<vmem>>, vector<1x16xf32>,
        %get3A_521 = vector.shape_cast %get3A_520 : vector<1x16xf32> to vector<16xf32>
        %add3A_522 = arith.addf %scan3A_469, %get3A_521 : vector<16xf32>
        %add3A_523 = arith.constant 400 : i32
        %add3A_524 = arith.addi %add3A_523, %add3A_474 : i32
        %get3A_525 = arith.index_cast %add3A_524 : i32 to index
        %get3A_526 = arith.constant 112 : index
        %get3A_527 = tpu.vector_load %arg10[%get3A_525, %get3A_526] {strides = array<i32>} : memref<640x128xf32, #tpu.memory_space<vmem>>, vector<1x16xf32>,
        %get3A_528 = vector.shape_cast %get3A_527 : vector<1x16xf32> to vector<16xf32>
        %add3A_529 = arith.addf %scan3A_470, %get3A_528 : vector<16xf32>
        %mul3A_530 = arith.constant 4 : i32
        %mul3A_531 = arith.muli %scan3A_462, %mul3A_530 : i32
        %add3A_532 = arith.constant 1 : i32
        %add3A_533 = arith.addi %mul3A_531, %add3A_532 : i32
        %add3A_534 = arith.constant 400 : i32
        %add3A_535 = arith.addi %add3A_534, %add3A_533 : i32
        %get3A_536 = arith.index_cast %add3A_535 : i32 to index
        %get3A_537 = arith.constant 0 : index
        %get3A_538 = tpu.vector_load %arg10[%get3A_536, %get3A_537] {strides = array<i32>} : memref<640x128xf32, #tpu.memory_space<vmem>>, vector<1x16xf32>,
        %get3A_539 = vector.shape_cast %get3A_538 : vector<1x16xf32> to vector<16xf32>
        %add3A_540 = arith.addf %add3A_480, %get3A_539 : vector<16xf32>
        %add3A_541 = arith.constant 400 : i32
        %add3A_542 = arith.addi %add3A_541, %add3A_533 : i32
        %get3A_543 = arith.index_cast %add3A_542 : i32 to index
        %get3A_544 = arith.constant 16 : index
        %get3A_545 = tpu.vector_load %arg10[%get3A_543, %get3A_544] {strides = array<i32>} : memref<640x128xf32, #tpu.memory_space<vmem>>, vector<1x16xf32>,
        %get3A_546 = vector.shape_cast %get3A_545 : vector<1x16xf32> to vector<16xf32>
        %add3A_547 = arith.addf %add3A_487, %get3A_546 : vector<16xf32>
        %add3A_548 = arith.constant 400 : i32
        %add3A_549 = arith.addi %add3A_548, %add3A_533 : i32
        %get3A_550 = arith.index_cast %add3A_549 : i32 to index
        %get3A_551 = arith.constant 32 : index
        %get3A_552 = tpu.vector_load %arg10[%get3A_550, %get3A_551] {strides = array<i32>} : memref<640x128xf32, #tpu.memory_space<vmem>>, vector<1x16xf32>,
        %get3A_553 = vector.shape_cast %get3A_552 : vector<1x16xf32> to vector<16xf32>
        %add3A_554 = arith.addf %add3A_494, %get3A_553 : vector<16xf32>
        %add3A_555 = arith.constant 400 : i32
        %add3A_556 = arith.addi %add3A_555, %add3A_533 : i32
        %get3A_557 = arith.index_cast %add3A_556 : i32 to index
        %get3A_558 = arith.constant 48 : index
        %get3A_559 = tpu.vector_load %arg10[%get3A_557, %get3A_558] {strides = array<i32>} : memref<640x128xf32, #tpu.memory_space<vmem>>, vector<1x16xf32>,
        %get3A_560 = vector.shape_cast %get3A_559 : vector<1x16xf32> to vector<16xf32>
        %add3A_561 = arith.addf %add3A_501, %get3A_560 : vector<16xf32>
        %add3A_562 = arith.constant 400 : i32
        %add3A_563 = arith.addi %add3A_562, %add3A_533 : i32
        %get3A_564 = arith.index_cast %add3A_563 : i32 to index
        %get3A_565 = arith.constant 64 : index
        %get3A_566 = tpu.vector_load %arg10[%get3A_564, %get3A_565] {strides = array<i32>} : memref<640x128xf32, #tpu.memory_space<vmem>>, vector<1x16xf32>,
        %get3A_567 = vector.shape_cast %get3A_566 : vector<1x16xf32> to vector<16xf32>
        %add3A_568 = arith.addf %add3A_508, %get3A_567 : vector<16xf32>
        %add3A_569 = arith.constant 400 : i32
        %add3A_570 = arith.addi %add3A_569, %add3A_533 : i32
        %get3A_571 = arith.index_cast %add3A_570 : i32 to index
        %get3A_572 = arith.constant 80 : index
        %get3A_573 = tpu.vector_load %arg10[%get3A_571, %get3A_572] {strides = array<i32>} : memref<640x128xf32, #tpu.memory_space<vmem>>, vector<1x16xf32>,
        %get3A_574 = vector.shape_cast %get3A_573 : vector<1x16xf32> to vector<16xf32>
        %add3A_575 = arith.addf %add3A_515, %get3A_574 : vector<16xf32>
        %add3A_576 = arith.constant 400 : i32
        %add3A_577 = arith.addi %add3A_576, %add3A_533 : i32
        %get3A_578 = arith.index_cast %add3A_577 : i32 to index
        %get3A_579 = arith.constant 96 : index
        %get3A_580 = tpu.vector_load %arg10[%get3A_578, %get3A_579] {strides = array<i32>} : memref<640x128xf32, #tpu.memory_space<vmem>>, vector<1x16xf32>,
        %get3A_581 = vector.shape_cast %get3A_580 : vector<1x16xf32> to vector<16xf32>
        %add3A_582 = arith.addf %add3A_522, %get3A_581 : vector<16xf32>
        %add3A_583 = arith.constant 400 : i32
        %add3A_584 = arith.addi %add3A_583, %add3A_533 : i32
        %get3A_585 = arith.index_cast %add3A_584 : i32 to index
        %get3A_586 = arith.constant 112 : index
        %get3A_587 = tpu.vector_load %arg10[%get3A_585, %get3A_586] {strides = array<i32>} : memref<640x128xf32, #tpu.memory_space<vmem>>, vector<1x16xf32>,
        %get3A_588 = vector.shape_cast %get3A_587 : vector<1x16xf32> to vector<16xf32>
        %add3A_589 = arith.addf %add3A_529, %get3A_588 : vector<16xf32>
        %mul3A_590 = arith.constant 4 : i32
        %mul3A_591 = arith.muli %scan3A_462, %mul3A_590 : i32
        %add3A_592 = arith.constant 2 : i32
        %add3A_593 = arith.addi %mul3A_591, %add3A_592 : i32
        %add3A_594 = arith.constant 400 : i32
        %add3A_595 = arith.addi %add3A_594, %add3A_593 : i32
        %get3A_596 = arith.index_cast %add3A_595 : i32 to index
        %get3A_597 = arith.constant 0 : index
        %get3A_598 = tpu.vector_load %arg10[%get3A_596, %get3A_597] {strides = array<i32>} : memref<640x128xf32, #tpu.memory_space<vmem>>, vector<1x16xf32>,
        %get3A_599 = vector.shape_cast %get3A_598 : vector<1x16xf32> to vector<16xf32>
        %add3A_600 = arith.addf %add3A_540, %get3A_599 : vector<16xf32>
        %add3A_601 = arith.constant 400 : i32
        %add3A_602 = arith.addi %add3A_601, %add3A_593 : i32
        %get3A_603 = arith.index_cast %add3A_602 : i32 to index
        %get3A_604 = arith.constant 16 : index
        %get3A_605 = tpu.vector_load %arg10[%get3A_603, %get3A_604] {strides = array<i32>} : memref<640x128xf32, #tpu.memory_space<vmem>>, vector<1x16xf32>,
        %get3A_606 = vector.shape_cast %get3A_605 : vector<1x16xf32> to vector<16xf32>
        %add3A_607 = arith.addf %add3A_547, %get3A_606 : vector<16xf32>
        %add3A_608 = arith.constant 400 : i32
        %add3A_609 = arith.addi %add3A_608, %add3A_593 : i32
        %get3A_610 = arith.index_cast %add3A_609 : i32 to index
        %get3A_611 = arith.constant 32 : index
        %get3A_612 = tpu.vector_load %arg10[%get3A_610, %get3A_611] {strides = array<i32>} : memref<640x128xf32, #tpu.memory_space<vmem>>, vector<1x16xf32>,
        %get3A_613 = vector.shape_cast %get3A_612 : vector<1x16xf32> to vector<16xf32>
        %add3A_614 = arith.addf %add3A_554, %get3A_613 : vector<16xf32>
        %add3A_615 = arith.constant 400 : i32
        %add3A_616 = arith.addi %add3A_615, %add3A_593 : i32
        %get3A_617 = arith.index_cast %add3A_616 : i32 to index
        %get3A_618 = arith.constant 48 : index
        %get3A_619 = tpu.vector_load %arg10[%get3A_617, %get3A_618] {strides = array<i32>} : memref<640x128xf32, #tpu.memory_space<vmem>>, vector<1x16xf32>,
        %get3A_620 = vector.shape_cast %get3A_619 : vector<1x16xf32> to vector<16xf32>
        %add3A_621 = arith.addf %add3A_561, %get3A_620 : vector<16xf32>
        %add3A_622 = arith.constant 400 : i32
        %add3A_623 = arith.addi %add3A_622, %add3A_593 : i32
        %get3A_624 = arith.index_cast %add3A_623 : i32 to index
        %get3A_625 = arith.constant 64 : index
        %get3A_626 = tpu.vector_load %arg10[%get3A_624, %get3A_625] {strides = array<i32>} : memref<640x128xf32, #tpu.memory_space<vmem>>, vector<1x16xf32>,
        %get3A_627 = vector.shape_cast %get3A_626 : vector<1x16xf32> to vector<16xf32>
        %add3A_628 = arith.addf %add3A_568, %get3A_627 : vector<16xf32>
        %add3A_629 = arith.constant 400 : i32
        %add3A_630 = arith.addi %add3A_629, %add3A_593 : i32
        %get3A_631 = arith.index_cast %add3A_630 : i32 to index
        %get3A_632 = arith.constant 80 : index
        %get3A_633 = tpu.vector_load %arg10[%get3A_631, %get3A_632] {strides = array<i32>} : memref<640x128xf32, #tpu.memory_space<vmem>>, vector<1x16xf32>,
        %get3A_634 = vector.shape_cast %get3A_633 : vector<1x16xf32> to vector<16xf32>
        %add3A_635 = arith.addf %add3A_575, %get3A_634 : vector<16xf32>
        %add3A_636 = arith.constant 400 : i32
        %add3A_637 = arith.addi %add3A_636, %add3A_593 : i32
        %get3A_638 = arith.index_cast %add3A_637 : i32 to index
        %get3A_639 = arith.constant 96 : index
        %get3A_640 = tpu.vector_load %arg10[%get3A_638, %get3A_639] {strides = array<i32>} : memref<640x128xf32, #tpu.memory_space<vmem>>, vector<1x16xf32>,
        %get3A_641 = vector.shape_cast %get3A_640 : vector<1x16xf32> to vector<16xf32>
        %add3A_642 = arith.addf %add3A_582, %get3A_641 : vector<16xf32>
        %add3A_643 = arith.constant 400 : i32
        %add3A_644 = arith.addi %add3A_643, %add3A_593 : i32
        %get3A_645 = arith.index_cast %add3A_644 : i32 to index
        %get3A_646 = arith.constant 112 : index
        %get3A_647 = tpu.vector_load %arg10[%get3A_645, %get3A_646] {strides = array<i32>} : memref<640x128xf32, #tpu.memory_space<vmem>>, vector<1x16xf32>,
        %get3A_648 = vector.shape_cast %get3A_647 : vector<1x16xf32> to vector<16xf32>
        %add3A_649 = arith.addf %add3A_589, %get3A_648 : vector<16xf32>
        %mul3A_650 = arith.constant 4 : i32
        %mul3A_651 = arith.muli %scan3A_462, %mul3A_650 : i32
        %add3A_652 = arith.constant 3 : i32
        %add3A_653 = arith.addi %mul3A_651, %add3A_652 : i32
        %add3A_654 = arith.constant 400 : i32
        %add3A_655 = arith.addi %add3A_654, %add3A_653 : i32
        %get3A_656 = arith.index_cast %add3A_655 : i32 to index
        %get3A_657 = arith.constant 0 : index
        %get3A_658 = tpu.vector_load %arg10[%get3A_656, %get3A_657] {strides = array<i32>} : memref<640x128xf32, #tpu.memory_space<vmem>>, vector<1x16xf32>,
        %get3A_659 = vector.shape_cast %get3A_658 : vector<1x16xf32> to vector<16xf32>
        %add3A_660 = arith.addf %add3A_600, %get3A_659 : vector<16xf32>
        %add3A_661 = arith.constant 400 : i32
        %add3A_662 = arith.addi %add3A_661, %add3A_653 : i32
        %get3A_663 = arith.index_cast %add3A_662 : i32 to index
        %get3A_664 = arith.constant 16 : index
        %get3A_665 = tpu.vector_load %arg10[%get3A_663, %get3A_664] {strides = array<i32>} : memref<640x128xf32, #tpu.memory_space<vmem>>, vector<1x16xf32>,
        %get3A_666 = vector.shape_cast %get3A_665 : vector<1x16xf32> to vector<16xf32>
        %add3A_667 = arith.addf %add3A_607, %get3A_666 : vector<16xf32>
        %add3A_668 = arith.constant 400 : i32
        %add3A_669 = arith.addi %add3A_668, %add3A_653 : i32
        %get3A_670 = arith.index_cast %add3A_669 : i32 to index
        %get3A_671 = arith.constant 32 : index
        %get3A_672 = tpu.vector_load %arg10[%get3A_670, %get3A_671] {strides = array<i32>} : memref<640x128xf32, #tpu.memory_space<vmem>>, vector<1x16xf32>,
        %get3A_673 = vector.shape_cast %get3A_672 : vector<1x16xf32> to vector<16xf32>
        %add3A_674 = arith.addf %add3A_614, %get3A_673 : vector<16xf32>
        %add3A_675 = arith.constant 400 : i32
        %add3A_676 = arith.addi %add3A_675, %add3A_653 : i32
        %get3A_677 = arith.index_cast %add3A_676 : i32 to index
        %get3A_678 = arith.constant 48 : index
        %get3A_679 = tpu.vector_load %arg10[%get3A_677, %get3A_678] {strides = array<i32>} : memref<640x128xf32, #tpu.memory_space<vmem>>, vector<1x16xf32>,
        %get3A_680 = vector.shape_cast %get3A_679 : vector<1x16xf32> to vector<16xf32>
        %add3A_681 = arith.addf %add3A_621, %get3A_680 : vector<16xf32>
        %add3A_682 = arith.constant 400 : i32
        %add3A_683 = arith.addi %add3A_682, %add3A_653 : i32
        %get3A_684 = arith.index_cast %add3A_683 : i32 to index
        %get3A_685 = arith.constant 64 : index
        %get3A_686 = tpu.vector_load %arg10[%get3A_684, %get3A_685] {strides = array<i32>} : memref<640x128xf32, #tpu.memory_space<vmem>>, vector<1x16xf32>,
        %get3A_687 = vector.shape_cast %get3A_686 : vector<1x16xf32> to vector<16xf32>
        %add3A_688 = arith.addf %add3A_628, %get3A_687 : vector<16xf32>
        %add3A_689 = arith.constant 400 : i32
        %add3A_690 = arith.addi %add3A_689, %add3A_653 : i32
        %get3A_691 = arith.index_cast %add3A_690 : i32 to index
        %get3A_692 = arith.constant 80 : index
        %get3A_693 = tpu.vector_load %arg10[%get3A_691, %get3A_692] {strides = array<i32>} : memref<640x128xf32, #tpu.memory_space<vmem>>, vector<1x16xf32>,
        %get3A_694 = vector.shape_cast %get3A_693 : vector<1x16xf32> to vector<16xf32>
        %add3A_695 = arith.addf %add3A_635, %get3A_694 : vector<16xf32>
        %add3A_696 = arith.constant 400 : i32
        %add3A_697 = arith.addi %add3A_696, %add3A_653 : i32
        %get3A_698 = arith.index_cast %add3A_697 : i32 to index
        %get3A_699 = arith.constant 96 : index
        %get3A_700 = tpu.vector_load %arg10[%get3A_698, %get3A_699] {strides = array<i32>} : memref<640x128xf32, #tpu.memory_space<vmem>>, vector<1x16xf32>,
        %get3A_701 = vector.shape_cast %get3A_700 : vector<1x16xf32> to vector<16xf32>
        %add3A_702 = arith.addf %add3A_642, %get3A_701 : vector<16xf32>
        %add3A_703 = arith.constant 400 : i32
        %add3A_704 = arith.addi %add3A_703, %add3A_653 : i32
        %get3A_705 = arith.index_cast %add3A_704 : i32 to index
        %get3A_706 = arith.constant 112 : index
        %get3A_707 = tpu.vector_load %arg10[%get3A_705, %get3A_706] {strides = array<i32>} : memref<640x128xf32, #tpu.memory_space<vmem>>, vector<1x16xf32>,
        %get3A_708 = vector.shape_cast %get3A_707 : vector<1x16xf32> to vector<16xf32>
        %add3A_709 = arith.addf %add3A_649, %get3A_708 : vector<16xf32>
        scf.yield %add3A_660, %add3A_667, %add3A_674, %add3A_681, %add3A_688, %add3A_695, %add3A_702, %add3A_709 : vector<16xf32>, vector<16xf32>, vector<16xf32>, vector<16xf32>, vector<16xf32>, vector<16xf32>, vector<16xf32>, vector<16xf32>
      }
      %scan3A_425 = arith.constant 16 : i32
      %add3A_426 = arith.constant 2 : i32
      %add3A_427 = arith.addi %add3A_407, %add3A_426 : i32
      %lt3A_428 = arith.constant 16 : i32
      %lt3A_429 = arith.cmpi slt, %add3A_427, %lt3A_428 : i32
      %convert_element_type3A_430 = arith.extui %lt3A_429 : i1 to i32
      %cond3A_431 = arith.constant 0 : i32
      %cond3A_432 = arith.cmpi ne, %convert_element_type3A_430, %cond3A_431 : i32
      scf.if %cond3A_432 {
        %add3A_462 = arith.constant 2 : i32
        %add3A_463 = arith.addi %add3A_407, %add3A_462 : i32
        %mul3A_464 = arith.constant 64 : i32
        %mul3A_465 = arith.muli %add3A_463, %mul3A_464 : i32
        %add3A_466 = arith.constant 27648 : i32
        %add3A_467 = arith.addi %add3A_466, %mul3A_465 : i32
        %dma_start3A_468 = arith.constant 400 : i32
        %dma_start3A_469 = arith.constant 0 : i32
        %dma_start3A_470 = tpu.memref_slice %arg10[%dma_start3A_468, %dma_start3A_469] : memref<640x128xf32, #tpu.memory_space<vmem>> -> memref<64x128xf32, #tpu.memory_space<vmem>>
        %dma_start3A_471 = tpu.memref_slice %arg9[%add3A_467] : memref<28672xi32, #tpu.memory_space<vmem>> -> memref<64xi32, #tpu.memory_space<vmem>>
        %dma_start3A_472 = arith.constant 0 : i32
        %dma_start3A_473 = arith.constant 0 : i32
        %dma_start3A_474 = tpu.memref_slice %arg7[%dma_start3A_472, %dma_start3A_473] : memref<100000x128xf32, #tpu.memory_space<hbm>> -> memref<100000x128xf32, #tpu.memory_space<hbm>>
        tpu.enqueue_indirect_dma source(%dma_start3A_474 : memref<100000x128xf32, #tpu.memory_space<hbm>>) target(%dma_start3A_470 : memref<64x128xf32, #tpu.memory_space<vmem>>) offsets(%dma_start3A_471 : memref<64xi32, #tpu.memory_space<vmem>>) semaphore(%arg17 : memref<!tpu.dma_semaphore, #tpu.memory_space<semaphore_mem>>)
      } else {
      }
      %jit3A_433 = arith.constant 4 : i32
      %eq3A_434 = arith.constant 0 : i32
      %eq3A_435 = arith.cmpi eq, %jit3A_433, %eq3A_434 : i32
      %jit3A_436 = arith.constant 1 : i32
      %select_n3A_437 = arith.select %eq3A_435, %jit3A_436, %jit3A_433 : i32
      %rem3A_438 = arith.remsi %scan3A_186, %select_n3A_437 : i32
      %ne3A_439 = arith.constant 0 : i32
      %ne3A_440 = arith.cmpi ne, %rem3A_438, %ne3A_439 : i32
      %lt3A_441 = arith.constant 0 : i32
      %lt3A_442 = arith.cmpi slt, %rem3A_438, %lt3A_441 : i32
      %lt3A_443 = arith.constant 0 : i32
      %lt3A_444 = arith.cmpi slt, %select_n3A_437, %lt3A_443 : i32
      %ne3A_445 = arith.xori %lt3A_442, %lt3A_444 : i1
      %and3A_446 = arith.andi %ne3A_445, %ne3A_440 : i1
      %add3A_447 = arith.addi %rem3A_438, %select_n3A_437 : i32
      %select_n3A_448 = arith.select %and3A_446, %add3A_447, %rem3A_438 : i32
      %eq3A_449 = arith.constant 3 : i32
      %eq3A_450 = arith.cmpi eq, %select_n3A_448, %eq3A_449 : i32
      %convert_element_type3A_451 = arith.extui %eq3A_450 : i1 to i32
      %cond3A_452 = arith.constant 0 : i32
      %cond3A_453 = arith.cmpi ne, %convert_element_type3A_451, %cond3A_452 : i32
      scf.if %cond3A_453 {
        %jit3A_462 = arith.constant 4 : i32
        %div3A = arith.divsi %scan3A_186, %jit3A_462 : i32
        %sign3A = arith.constant 0 : i32
        %sign3A_463 = arith.cmpi sgt, %scan3A_186, %sign3A : i32
        %sign3A_464 = arith.extui %sign3A_463 : i1 to i32
        %sign3A_465 = arith.constant 0 : i32
        %sign3A_466 = arith.cmpi slt, %scan3A_186, %sign3A_465 : i32
        %sign3A_467 = arith.extui %sign3A_466 : i1 to i32
        %sign3A_468 = arith.subi %sign3A_464, %sign3A_467 : i32
        %sign3A_469 = arith.constant 0 : i32
        %sign3A_470 = arith.cmpi sgt, %jit3A_462, %sign3A_469 : i32
        %sign3A_471 = arith.extui %sign3A_470 : i1 to i32
        %sign3A_472 = arith.constant 0 : i32
        %sign3A_473 = arith.cmpi slt, %jit3A_462, %sign3A_472 : i32
        %sign3A_474 = arith.extui %sign3A_473 : i1 to i32
        %sign3A_475 = arith.subi %sign3A_471, %sign3A_474 : i32
        %ne3A_476 = arith.cmpi ne, %sign3A_468, %sign3A_475 : i32
        %rem3A_477 = arith.remsi %scan3A_186, %jit3A_462 : i32
        %ne3A_478 = arith.constant 0 : i32
        %ne3A_479 = arith.cmpi ne, %rem3A_477, %ne3A_478 : i32
        %and3A_480 = arith.andi %ne3A_476, %ne3A_479 : i1
        %sub3A = arith.constant 1 : i32
        %sub3A_481 = arith.subi %div3A, %sub3A : i32
        %select_n3A_482 = arith.select %and3A_480, %sub3A_481, %div3A : i32
        %add3A_483 = arith.constant 20 : i32
        %add3A_484 = arith.addi %add3A_483, %select_n3A_482 : i32
        %swap3A = arith.index_cast %add3A_484 : i32 to index
        %swap3A_485 = arith.constant 0 : index
        %swap3A_486 = tpu.vector_load %arg11[%swap3A, %swap3A_485] {strides = array<i32>} : memref<22x128xf32, #tpu.memory_space<vmem>>, vector<1x16xf32>,
        %swap3A_487 = vector.shape_cast %swap3A_486 : vector<1x16xf32> to vector<16xf32>
        %swap3A_488 = vector.shape_cast %scan3A_424#0 : vector<16xf32> to vector<1x16xf32>
        tpu.vector_store %arg11[%swap3A, %swap3A_485], %swap3A_488 {strides = array<i32>} : memref<22x128xf32, #tpu.memory_space<vmem>>, vector<1x16xf32>,
        %add3A_489 = arith.constant 20 : i32
        %add3A_490 = arith.addi %add3A_489, %select_n3A_482 : i32
        %swap3A_491 = arith.index_cast %add3A_490 : i32 to index
        %swap3A_492 = arith.constant 16 : index
        %swap3A_493 = tpu.vector_load %arg11[%swap3A_491, %swap3A_492] {strides = array<i32>} : memref<22x128xf32, #tpu.memory_space<vmem>>, vector<1x16xf32>,
        %swap3A_494 = vector.shape_cast %swap3A_493 : vector<1x16xf32> to vector<16xf32>
        %swap3A_495 = vector.shape_cast %scan3A_424#1 : vector<16xf32> to vector<1x16xf32>
        tpu.vector_store %arg11[%swap3A_491, %swap3A_492], %swap3A_495 {strides = array<i32>} : memref<22x128xf32, #tpu.memory_space<vmem>>, vector<1x16xf32>,
        %add3A_496 = arith.constant 20 : i32
        %add3A_497 = arith.addi %add3A_496, %select_n3A_482 : i32
        %swap3A_498 = arith.index_cast %add3A_497 : i32 to index
        %swap3A_499 = arith.constant 32 : index
        %swap3A_500 = tpu.vector_load %arg11[%swap3A_498, %swap3A_499] {strides = array<i32>} : memref<22x128xf32, #tpu.memory_space<vmem>>, vector<1x16xf32>,
        %swap3A_501 = vector.shape_cast %swap3A_500 : vector<1x16xf32> to vector<16xf32>
        %swap3A_502 = vector.shape_cast %scan3A_424#2 : vector<16xf32> to vector<1x16xf32>
        tpu.vector_store %arg11[%swap3A_498, %swap3A_499], %swap3A_502 {strides = array<i32>} : memref<22x128xf32, #tpu.memory_space<vmem>>, vector<1x16xf32>,
        %add3A_503 = arith.constant 20 : i32
        %add3A_504 = arith.addi %add3A_503, %select_n3A_482 : i32
        %swap3A_505 = arith.index_cast %add3A_504 : i32 to index
        %swap3A_506 = arith.constant 48 : index
        %swap3A_507 = tpu.vector_load %arg11[%swap3A_505, %swap3A_506] {strides = array<i32>} : memref<22x128xf32, #tpu.memory_space<vmem>>, vector<1x16xf32>,
        %swap3A_508 = vector.shape_cast %swap3A_507 : vector<1x16xf32> to vector<16xf32>
        %swap3A_509 = vector.shape_cast %scan3A_424#3 : vector<16xf32> to vector<1x16xf32>
        tpu.vector_store %arg11[%swap3A_505, %swap3A_506], %swap3A_509 {strides = array<i32>} : memref<22x128xf32, #tpu.memory_space<vmem>>, vector<1x16xf32>,
        %add3A_510 = arith.constant 20 : i32
        %add3A_511 = arith.addi %add3A_510, %select_n3A_482 : i32
        %swap3A_512 = arith.index_cast %add3A_511 : i32 to index
        %swap3A_513 = arith.constant 64 : index
        %swap3A_514 = tpu.vector_load %arg11[%swap3A_512, %swap3A_513] {strides = array<i32>} : memref<22x128xf32, #tpu.memory_space<vmem>>, vector<1x16xf32>,
        %swap3A_515 = vector.shape_cast %swap3A_514 : vector<1x16xf32> to vector<16xf32>
        %swap3A_516 = vector.shape_cast %scan3A_424#4 : vector<16xf32> to vector<1x16xf32>
        tpu.vector_store %arg11[%swap3A_512, %swap3A_513], %swap3A_516 {strides = array<i32>} : memref<22x128xf32, #tpu.memory_space<vmem>>, vector<1x16xf32>,
        %add3A_517 = arith.constant 20 : i32
        %add3A_518 = arith.addi %add3A_517, %select_n3A_482 : i32
        %swap3A_519 = arith.index_cast %add3A_518 : i32 to index
        %swap3A_520 = arith.constant 80 : index
        %swap3A_521 = tpu.vector_load %arg11[%swap3A_519, %swap3A_520] {strides = array<i32>} : memref<22x128xf32, #tpu.memory_space<vmem>>, vector<1x16xf32>,
        %swap3A_522 = vector.shape_cast %swap3A_521 : vector<1x16xf32> to vector<16xf32>
        %swap3A_523 = vector.shape_cast %scan3A_424#5 : vector<16xf32> to vector<1x16xf32>
        tpu.vector_store %arg11[%swap3A_519, %swap3A_520], %swap3A_523 {strides = array<i32>} : memref<22x128xf32, #tpu.memory_space<vmem>>, vector<1x16xf32>,
        %add3A_524 = arith.constant 20 : i32
        %add3A_525 = arith.addi %add3A_524, %select_n3A_482 : i32
        %swap3A_526 = arith.index_cast %add3A_525 : i32 to index
        %swap3A_527 = arith.constant 96 : index
        %swap3A_528 = tpu.vector_load %arg11[%swap3A_526, %swap3A_527] {strides = array<i32>} : memref<22x128xf32, #tpu.memory_space<vmem>>, vector<1x16xf32>,
        %swap3A_529 = vector.shape_cast %swap3A_528 : vector<1x16xf32> to vector<16xf32>
        %swap3A_530 = vector.shape_cast %scan3A_424#6 : vector<16xf32> to vector<1x16xf32>
        tpu.vector_store %arg11[%swap3A_526, %swap3A_527], %swap3A_530 {strides = array<i32>} : memref<22x128xf32, #tpu.memory_space<vmem>>, vector<1x16xf32>,
        %add3A_531 = arith.constant 20 : i32
        %add3A_532 = arith.addi %add3A_531, %select_n3A_482 : i32
        %swap3A_533 = arith.index_cast %add3A_532 : i32 to index
        %swap3A_534 = arith.constant 112 : index
        %swap3A_535 = tpu.vector_load %arg11[%swap3A_533, %swap3A_534] {strides = array<i32>} : memref<22x128xf32, #tpu.memory_space<vmem>>, vector<1x16xf32>,
        %swap3A_536 = vector.shape_cast %swap3A_535 : vector<1x16xf32> to vector<16xf32>
        %swap3A_537 = vector.shape_cast %scan3A_424#7 : vector<16xf32> to vector<1x16xf32>
        tpu.vector_store %arg11[%swap3A_533, %swap3A_534], %swap3A_537 {strides = array<i32>} : memref<22x128xf32, #tpu.memory_space<vmem>>, vector<1x16xf32>,
      } else {
      }
      %select_n3A_454 = arith.select %eq3A_450, %broadcast_in_dim3A_17, %scan3A_424#0 : vector<16xf32>
      %select_n3A_455 = arith.select %eq3A_450, %broadcast_in_dim3A_17, %scan3A_424#1 : vector<16xf32>
      %select_n3A_456 = arith.select %eq3A_450, %broadcast_in_dim3A_17, %scan3A_424#2 : vector<16xf32>
      %select_n3A_457 = arith.select %eq3A_450, %broadcast_in_dim3A_17, %scan3A_424#3 : vector<16xf32>
      %select_n3A_458 = arith.select %eq3A_450, %broadcast_in_dim3A_17, %scan3A_424#4 : vector<16xf32>
      %select_n3A_459 = arith.select %eq3A_450, %broadcast_in_dim3A_17, %scan3A_424#5 : vector<16xf32>
      %select_n3A_460 = arith.select %eq3A_450, %broadcast_in_dim3A_17, %scan3A_424#6 : vector<16xf32>
      %select_n3A_461 = arith.select %eq3A_450, %broadcast_in_dim3A_17, %scan3A_424#7 : vector<16xf32>
      scf.yield %select_n3A_280, %select_n3A_281, %select_n3A_282, %select_n3A_283, %select_n3A_284, %select_n3A_285, %select_n3A_286, %select_n3A_287, %select_n3A_367, %select_n3A_368, %select_n3A_369, %select_n3A_370, %select_n3A_371, %select_n3A_372, %select_n3A_373, %select_n3A_374, %select_n3A_454, %select_n3A_455, %select_n3A_456, %select_n3A_457, %select_n3A_458, %select_n3A_459, %select_n3A_460, %select_n3A_461 : vector<16xf32>, vector<16xf32>, vector<16xf32>, vector<16xf32>, vector<16xf32>, vector<16xf32>, vector<16xf32>, vector<16xf32>, vector<16xf32>, vector<16xf32>, vector<16xf32>, vector<16xf32>, vector<16xf32>, vector<16xf32>, vector<16xf32>, vector<16xf32>, vector<16xf32>, vector<16xf32>, vector<16xf32>, vector<16xf32>, vector<16xf32>, vector<16xf32>, vector<16xf32>, vector<16xf32>
    }
    %scan3A_173 = arith.constant 8 : i32
    %mul3A_174 = arith.constant 2 : i32
    %mul3A_175 = arith.muli %add3A, %mul3A_174 : i32
    %add3A_176 = arith.constant 512 : i32
    %add3A_177 = arith.addi %add3A_176, %mul3A_175 : i32
    "tpu.region"() ({
      %run_scoped3A = tpu.sem_alloc : memref<!tpu.dma_semaphore, #tpu.memory_space<semaphore_mem>>
      %dma_start3A_186 = arith.constant 16 : i32
      %dma_start3A_187 = arith.constant 0 : i32
      %dma_start3A_188 = tpu.memref_slice %arg11[%dma_start3A_186, %dma_start3A_187] : memref<22x128xf32, #tpu.memory_space<vmem>> -> memref<2x128xf32, #tpu.memory_space<vmem>>
      %dma_start3A_189 = arith.constant 0 : i32
      %dma_start3A_190 = tpu.memref_slice %arg8[%add3A_177, %dma_start3A_189] : memref<704x128xf32, #tpu.memory_space<hbm>> -> memref<2x128xf32, #tpu.memory_space<hbm>>
      %dma_start3A_191 = arith.constant 0 : i32
      %dma_start3A_192 = tpu.memref_slice %arg8[%add3A_177, %dma_start3A_191] : memref<704x128xf32, #tpu.memory_space<hbm>> -> memref<2x128xf32, #tpu.memory_space<hbm>>
      %dma_start3A_193 = arith.constant 16 : i32
      %dma_start3A_194 = arith.constant 0 : i32
      %dma_start3A_195 = tpu.memref_slice %arg11[%dma_start3A_193, %dma_start3A_194] : memref<22x128xf32, #tpu.memory_space<vmem>> -> memref<2x128xf32, #tpu.memory_space<vmem>>
      tpu.enqueue_dma source(%dma_start3A_195 : memref<2x128xf32, #tpu.memory_space<vmem>>) target(%dma_start3A_192 : memref<2x128xf32, #tpu.memory_space<hbm>>) target_semaphore(%run_scoped3A : memref<!tpu.dma_semaphore, #tpu.memory_space<semaphore_mem>>)
      %dma_wait3A = arith.constant 16 : i32
      %dma_wait3A_196 = arith.constant 0 : i32
      %dma_wait3A_197 = tpu.memref_slice %arg11[%dma_wait3A, %dma_wait3A_196] : memref<22x128xf32, #tpu.memory_space<vmem>> -> memref<2x128xf32, #tpu.memory_space<vmem>>
      %dma_wait3A_198 = arith.constant 0 : i32
      %dma_wait3A_199 = tpu.memref_slice %arg8[%add3A_177, %dma_wait3A_198] : memref<704x128xf32, #tpu.memory_space<hbm>> -> memref<2x128xf32, #tpu.memory_space<hbm>>
      %dma_wait3A_200 = arith.constant 0 : i32
      %dma_wait3A_201 = tpu.memref_slice %arg8[%add3A_177, %dma_wait3A_200] : memref<704x128xf32, #tpu.memory_space<hbm>> -> memref<2x128xf32, #tpu.memory_space<hbm>>
      %dma_wait3A_202 = arith.constant 16 : i32
      %dma_wait3A_203 = arith.constant 0 : i32
      %dma_wait3A_204 = tpu.memref_slice %arg11[%dma_wait3A_202, %dma_wait3A_203] : memref<22x128xf32, #tpu.memory_space<vmem>> -> memref<2x128xf32, #tpu.memory_space<vmem>>
      tpu.wait_dma2 semaphore(%run_scoped3A : memref<!tpu.dma_semaphore, #tpu.memory_space<semaphore_mem>>) src(%dma_wait3A_204 : memref<2x128xf32, #tpu.memory_space<vmem>>) dst(%dma_wait3A_201 : memref<2x128xf32, #tpu.memory_space<hbm>>)
      tpu.yield
    }) : () -> ()
    %mul3A_178 = arith.constant 2 : i32
    %mul3A_179 = arith.muli %add3A, %mul3A_178 : i32
    %add3A_180 = arith.constant 576 : i32
    %add3A_181 = arith.addi %add3A_180, %mul3A_179 : i32
    "tpu.region"() ({
      %run_scoped3A = tpu.sem_alloc : memref<!tpu.dma_semaphore, #tpu.memory_space<semaphore_mem>>
      %dma_start3A_186 = arith.constant 18 : i32
      %dma_start3A_187 = arith.constant 0 : i32
      %dma_start3A_188 = tpu.memref_slice %arg11[%dma_start3A_186, %dma_start3A_187] : memref<22x128xf32, #tpu.memory_space<vmem>> -> memref<2x128xf32, #tpu.memory_space<vmem>>
      %dma_start3A_189 = arith.constant 0 : i32
      %dma_start3A_190 = tpu.memref_slice %arg8[%add3A_181, %dma_start3A_189] : memref<704x128xf32, #tpu.memory_space<hbm>> -> memref<2x128xf32, #tpu.memory_space<hbm>>
      %dma_start3A_191 = arith.constant 0 : i32
      %dma_start3A_192 = tpu.memref_slice %arg8[%add3A_181, %dma_start3A_191] : memref<704x128xf32, #tpu.memory_space<hbm>> -> memref<2x128xf32, #tpu.memory_space<hbm>>
      %dma_start3A_193 = arith.constant 18 : i32
      %dma_start3A_194 = arith.constant 0 : i32
      %dma_start3A_195 = tpu.memref_slice %arg11[%dma_start3A_193, %dma_start3A_194] : memref<22x128xf32, #tpu.memory_space<vmem>> -> memref<2x128xf32, #tpu.memory_space<vmem>>
      tpu.enqueue_dma source(%dma_start3A_195 : memref<2x128xf32, #tpu.memory_space<vmem>>) target(%dma_start3A_192 : memref<2x128xf32, #tpu.memory_space<hbm>>) target_semaphore(%run_scoped3A : memref<!tpu.dma_semaphore, #tpu.memory_space<semaphore_mem>>)
      %dma_wait3A = arith.constant 18 : i32
      %dma_wait3A_196 = arith.constant 0 : i32
      %dma_wait3A_197 = tpu.memref_slice %arg11[%dma_wait3A, %dma_wait3A_196] : memref<22x128xf32, #tpu.memory_space<vmem>> -> memref<2x128xf32, #tpu.memory_space<vmem>>
      %dma_wait3A_198 = arith.constant 0 : i32
      %dma_wait3A_199 = tpu.memref_slice %arg8[%add3A_181, %dma_wait3A_198] : memref<704x128xf32, #tpu.memory_space<hbm>> -> memref<2x128xf32, #tpu.memory_space<hbm>>
      %dma_wait3A_200 = arith.constant 0 : i32
      %dma_wait3A_201 = tpu.memref_slice %arg8[%add3A_181, %dma_wait3A_200] : memref<704x128xf32, #tpu.memory_space<hbm>> -> memref<2x128xf32, #tpu.memory_space<hbm>>
      %dma_wait3A_202 = arith.constant 18 : i32
      %dma_wait3A_203 = arith.constant 0 : i32
      %dma_wait3A_204 = tpu.memref_slice %arg11[%dma_wait3A_202, %dma_wait3A_203] : memref<22x128xf32, #tpu.memory_space<vmem>> -> memref<2x128xf32, #tpu.memory_space<vmem>>
      tpu.wait_dma2 semaphore(%run_scoped3A : memref<!tpu.dma_semaphore, #tpu.memory_space<semaphore_mem>>) src(%dma_wait3A_204 : memref<2x128xf32, #tpu.memory_space<vmem>>) dst(%dma_wait3A_201 : memref<2x128xf32, #tpu.memory_space<hbm>>)
      tpu.yield
    }) : () -> ()
    %mul3A_182 = arith.constant 2 : i32
    %mul3A_183 = arith.muli %add3A, %mul3A_182 : i32
    %add3A_184 = arith.constant 640 : i32
    %add3A_185 = arith.addi %add3A_184, %mul3A_183 : i32
    "tpu.region"() ({
      %run_scoped3A = tpu.sem_alloc : memref<!tpu.dma_semaphore, #tpu.memory_space<semaphore_mem>>
      %dma_start3A_186 = arith.constant 20 : i32
      %dma_start3A_187 = arith.constant 0 : i32
      %dma_start3A_188 = tpu.memref_slice %arg11[%dma_start3A_186, %dma_start3A_187] : memref<22x128xf32, #tpu.memory_space<vmem>> -> memref<2x128xf32, #tpu.memory_space<vmem>>
      %dma_start3A_189 = arith.constant 0 : i32
      %dma_start3A_190 = tpu.memref_slice %arg8[%add3A_185, %dma_start3A_189] : memref<704x128xf32, #tpu.memory_space<hbm>> -> memref<2x128xf32, #tpu.memory_space<hbm>>
      %dma_start3A_191 = arith.constant 0 : i32
      %dma_start3A_192 = tpu.memref_slice %arg8[%add3A_185, %dma_start3A_191] : memref<704x128xf32, #tpu.memory_space<hbm>> -> memref<2x128xf32, #tpu.memory_space<hbm>>
      %dma_start3A_193 = arith.constant 20 : i32
      %dma_start3A_194 = arith.constant 0 : i32
      %dma_start3A_195 = tpu.memref_slice %arg11[%dma_start3A_193, %dma_start3A_194] : memref<22x128xf32, #tpu.memory_space<vmem>> -> memref<2x128xf32, #tpu.memory_space<vmem>>
      tpu.enqueue_dma source(%dma_start3A_195 : memref<2x128xf32, #tpu.memory_space<vmem>>) target(%dma_start3A_192 : memref<2x128xf32, #tpu.memory_space<hbm>>) target_semaphore(%run_scoped3A : memref<!tpu.dma_semaphore, #tpu.memory_space<semaphore_mem>>)
      %dma_wait3A = arith.constant 20 : i32
      %dma_wait3A_196 = arith.constant 0 : i32
      %dma_wait3A_197 = tpu.memref_slice %arg11[%dma_wait3A, %dma_wait3A_196] : memref<22x128xf32, #tpu.memory_space<vmem>> -> memref<2x128xf32, #tpu.memory_space<vmem>>
      %dma_wait3A_198 = arith.constant 0 : i32
      %dma_wait3A_199 = tpu.memref_slice %arg8[%add3A_185, %dma_wait3A_198] : memref<704x128xf32, #tpu.memory_space<hbm>> -> memref<2x128xf32, #tpu.memory_space<hbm>>
      %dma_wait3A_200 = arith.constant 0 : i32
      %dma_wait3A_201 = tpu.memref_slice %arg8[%add3A_185, %dma_wait3A_200] : memref<704x128xf32, #tpu.memory_space<hbm>> -> memref<2x128xf32, #tpu.memory_space<hbm>>
      %dma_wait3A_202 = arith.constant 20 : i32
      %dma_wait3A_203 = arith.constant 0 : i32
      %dma_wait3A_204 = tpu.memref_slice %arg11[%dma_wait3A_202, %dma_wait3A_203] : memref<22x128xf32, #tpu.memory_space<vmem>> -> memref<2x128xf32, #tpu.memory_space<vmem>>
      tpu.wait_dma2 semaphore(%run_scoped3A : memref<!tpu.dma_semaphore, #tpu.memory_space<semaphore_mem>>) src(%dma_wait3A_204 : memref<2x128xf32, #tpu.memory_space<vmem>>) dst(%dma_wait3A_201 : memref<2x128xf32, #tpu.memory_space<hbm>>)
      tpu.yield
    }) : () -> ()
    return
  }
}

module attributes {stable_mosaic.version = 14 : i64} {
  func.func @_tc_body(%arg0: memref<704x128xf32, #tpu.memory_space<vmem>>, %arg1: memref<64x8xf32, #tpu.memory_space<vmem>>, %arg2: memref<64x8xf32, #tpu.memory_space<vmem>>, %arg3: memref<128x128xf32, #tpu.memory_space<vmem>>, %arg4: memref<1x128xf32, #tpu.memory_space<vmem>>, %arg5: memref<128x128xf32, #tpu.memory_space<vmem>>, %arg6: memref<1x128xf32, #tpu.memory_space<vmem>>, %arg7: memref<128x128xf32, #tpu.memory_space<vmem>>, %arg8: memref<1x128xf32, #tpu.memory_space<vmem>>, %arg9: memref<128x128xf32, #tpu.memory_space<vmem>>, %arg10: memref<1x128xf32, #tpu.memory_space<vmem>>, %arg11: memref<128x128xf32, #tpu.memory_space<vmem>>, %arg12: memref<1x128xf32, #tpu.memory_space<vmem>>, %arg13: memref<128x128xf32, #tpu.memory_space<vmem>>, %arg14: memref<1x128xf32, #tpu.memory_space<vmem>>, %arg15: memref<1x128xf32, #tpu.memory_space<vmem>>, %arg16: memref<1x128xf32, #tpu.memory_space<vmem>>, %arg17: memref<1x128xf32, #tpu.memory_space<vmem>>, %arg18: memref<1x128xf32, #tpu.memory_space<vmem>>, %arg19: memref<768x128xf32, #tpu.memory_space<vmem>>, %arg20: memref<1x128xf32, #tpu.memory_space<vmem>>, %arg21: memref<64x128xf32, #tpu.memory_space<vmem>>) attributes {dimension_semantics = [], scalar_prefetch = 0 : i64, scratch_operands = 0 : i64, tpu.core_type = #tpu.core_type<tc>} {
    %get3A = arith.constant 0 : index
    %get3A_0 = arith.constant 0 : index
    %get3A_1 = vector.load %arg0[%get3A, %get3A_0] : memref<704x128xf32, #tpu.memory_space<vmem>>, vector<704x128xf32>
    %slice3A = vector.extract_strided_slice %get3A_1 {offsets = [0, 0], sizes = [512, 128], strides = [1, 1]} : vector<704x128xf32> to vector<512x128xf32>
    %slice3A_2 = vector.extract_strided_slice %get3A_1 {offsets = [512, 0], sizes = [64, 128], strides = [1, 1]} : vector<704x128xf32> to vector<64x128xf32>
    %slice3A_3 = vector.extract_strided_slice %get3A_1 {offsets = [576, 0], sizes = [64, 128], strides = [1, 1]} : vector<704x128xf32> to vector<64x128xf32>
    %slice3A_4 = vector.extract_strided_slice %get3A_1 {offsets = [640, 0], sizes = [64, 128], strides = [1, 1]} : vector<704x128xf32> to vector<64x128xf32>
    %get3A_5 = arith.constant 0 : index
    %get3A_6 = arith.constant 0 : index
    %get3A_7 = vector.load %arg3[%get3A_5, %get3A_6] : memref<128x128xf32, #tpu.memory_space<vmem>>, vector<128x128xf32>
    %dot_general3A = arith.constant dense<0.000000e+00> : vector<512x128xf32>
    %dot_general3A_8 = tpu.matmul %slice3A, %get3A_7, %dot_general3A {dimension_numbers = #tpu.dot_dimension_numbers<[1], [0], [0], [1], [0, 0, 1, 1], [], []>, transpose_lhs_hint = false} : vector<512x128xf32>, vector<128x128xf32>, vector<512x128xf32> -> vector<512x128xf32>
    %get3A_9 = arith.constant 0 : index
    %get3A_10 = arith.constant 0 : index
    %get3A_11 = vector.load %arg4[%get3A_9, %get3A_10] : memref<1x128xf32, #tpu.memory_space<vmem>>, vector<1x128xf32>
    %add3A = vector.broadcast %get3A_11 : vector<1x128xf32> to vector<512x128xf32>
    %add3A_12 = arith.addf %dot_general3A_8, %add3A : vector<512x128xf32>
    %max3A = arith.constant 0.000000e+00 : f32
    %max3A_13 = vector.broadcast %max3A : f32 to vector<512x128xf32>
    %max3A_14 = arith.maximumf %add3A_12, %max3A_13 : vector<512x128xf32>
    %iota3A = tpu.iota {dimensions = array<i32: 0>} : vector<64x512xi32>
    %iota3A_15 = tpu.iota {dimensions = array<i32: 1>} : vector<64x512xi32>
    %jit3A = arith.constant 8 : i32
    %div3A = vector.broadcast %jit3A : i32 to vector<64x512xi32>
    %div3A_16 = arith.divsi %iota3A_15, %div3A : vector<64x512xi32>
    %sign3A = arith.constant 0 : i32
    %sign3A_17 = vector.broadcast %sign3A : i32 to vector<64x512xi32>
    %sign3A_18 = arith.cmpi sgt, %iota3A_15, %sign3A_17 : vector<64x512xi32>
    %sign3A_19 = arith.extui %sign3A_18 : vector<64x512xi1> to vector<64x512xi32>
    %sign3A_20 = arith.constant 0 : i32
    %sign3A_21 = vector.broadcast %sign3A_20 : i32 to vector<64x512xi32>
    %sign3A_22 = arith.cmpi slt, %iota3A_15, %sign3A_21 : vector<64x512xi32>
    %sign3A_23 = arith.extui %sign3A_22 : vector<64x512xi1> to vector<64x512xi32>
    %sign3A_24 = arith.subi %sign3A_19, %sign3A_23 : vector<64x512xi32>
    %sign3A_25 = arith.constant 0 : i32
    %sign3A_26 = arith.cmpi sgt, %jit3A, %sign3A_25 : i32
    %sign3A_27 = arith.extui %sign3A_26 : i1 to i32
    %sign3A_28 = arith.constant 0 : i32
    %sign3A_29 = arith.cmpi slt, %jit3A, %sign3A_28 : i32
    %sign3A_30 = arith.extui %sign3A_29 : i1 to i32
    %sign3A_31 = arith.subi %sign3A_27, %sign3A_30 : i32
    %ne3A = vector.broadcast %sign3A_31 : i32 to vector<64x512xi32>
    %ne3A_32 = arith.cmpi ne, %sign3A_24, %ne3A : vector<64x512xi32>
    %rem3A = vector.broadcast %jit3A : i32 to vector<64x512xi32>
    %rem3A_33 = arith.remsi %iota3A_15, %rem3A : vector<64x512xi32>
    %ne3A_34 = arith.constant 0 : i32
    %ne3A_35 = vector.broadcast %ne3A_34 : i32 to vector<64x512xi32>
    %ne3A_36 = arith.cmpi ne, %rem3A_33, %ne3A_35 : vector<64x512xi32>
    %and3A = arith.andi %ne3A_32, %ne3A_36 : vector<64x512xi1>
    %sub3A = arith.constant 1 : i32
    %sub3A_37 = vector.broadcast %sub3A : i32 to vector<64x512xi32>
    %sub3A_38 = arith.subi %div3A_16, %sub3A_37 : vector<64x512xi32>
    %select_n3A = arith.select %and3A, %sub3A_38, %div3A_16 : vector<64x512xi1>, vector<64x512xi32>
    %eq3A = arith.cmpi eq, %select_n3A, %iota3A : vector<64x512xi32>
    %convert_element_type3A = arith.extui %eq3A : vector<64x512xi1> to vector<64x512xi32>
    %convert_element_type3A_39 = arith.sitofp %convert_element_type3A : vector<64x512xi32> to vector<64x512xf32>
    %dot_general3A_40 = arith.constant dense<0.000000e+00> : vector<64x128xf32>
    %dot_general3A_41 = tpu.matmul %convert_element_type3A_39, %max3A_14, %dot_general3A_40 {dimension_numbers = #tpu.dot_dimension_numbers<[1], [0], [0], [1], [0, 0, 1, 1], [], []>, transpose_lhs_hint = false} : vector<64x512xf32>, vector<512x128xf32>, vector<64x128xf32> -> vector<64x128xf32>
    %get3A_42 = arith.constant 0 : index
    %get3A_43 = arith.constant 0 : index
    %get3A_44 = vector.load %arg5[%get3A_42, %get3A_43] : memref<128x128xf32, #tpu.memory_space<vmem>>, vector<128x128xf32>
    %dot_general3A_45 = arith.constant dense<0.000000e+00> : vector<64x128xf32>
    %dot_general3A_46 = tpu.matmul %slice3A_2, %get3A_44, %dot_general3A_45 {dimension_numbers = #tpu.dot_dimension_numbers<[1], [0], [0], [1], [0, 0, 1, 1], [], []>, transpose_lhs_hint = false} : vector<64x128xf32>, vector<128x128xf32>, vector<64x128xf32> -> vector<64x128xf32>
    %get3A_47 = arith.constant 0 : index
    %get3A_48 = arith.constant 0 : index
    %get3A_49 = vector.load %arg6[%get3A_47, %get3A_48] : memref<1x128xf32, #tpu.memory_space<vmem>>, vector<1x128xf32>
    %add3A_50 = vector.broadcast %get3A_49 : vector<1x128xf32> to vector<64x128xf32>
    %add3A_51 = arith.addf %dot_general3A_46, %add3A_50 : vector<64x128xf32>
    %max3A_52 = arith.constant 0.000000e+00 : f32
    %max3A_53 = vector.broadcast %max3A_52 : f32 to vector<64x128xf32>
    %max3A_54 = arith.maximumf %add3A_51, %max3A_53 : vector<64x128xf32>
    %get3A_55 = arith.constant 0 : index
    %get3A_56 = arith.constant 0 : index
    %get3A_57 = vector.load %arg7[%get3A_55, %get3A_56] : memref<128x128xf32, #tpu.memory_space<vmem>>, vector<128x128xf32>
    %dot_general3A_58 = arith.constant dense<0.000000e+00> : vector<64x128xf32>
    %dot_general3A_59 = tpu.matmul %slice3A_3, %get3A_57, %dot_general3A_58 {dimension_numbers = #tpu.dot_dimension_numbers<[1], [0], [0], [1], [0, 0, 1, 1], [], []>, transpose_lhs_hint = false} : vector<64x128xf32>, vector<128x128xf32>, vector<64x128xf32> -> vector<64x128xf32>
    %get3A_60 = arith.constant 0 : index
    %get3A_61 = arith.constant 0 : index
    %get3A_62 = vector.load %arg8[%get3A_60, %get3A_61] : memref<1x128xf32, #tpu.memory_space<vmem>>, vector<1x128xf32>
    %add3A_63 = vector.broadcast %get3A_62 : vector<1x128xf32> to vector<64x128xf32>
    %add3A_64 = arith.addf %dot_general3A_59, %add3A_63 : vector<64x128xf32>
    %max3A_65 = arith.constant 0.000000e+00 : f32
    %max3A_66 = vector.broadcast %max3A_65 : f32 to vector<64x128xf32>
    %max3A_67 = arith.maximumf %add3A_64, %max3A_66 : vector<64x128xf32>
    %get3A_68 = arith.constant 0 : index
    %get3A_69 = arith.constant 0 : index
    %get3A_70 = vector.load %arg9[%get3A_68, %get3A_69] : memref<128x128xf32, #tpu.memory_space<vmem>>, vector<128x128xf32>
    %dot_general3A_71 = arith.constant dense<0.000000e+00> : vector<64x128xf32>
    %dot_general3A_72 = tpu.matmul %slice3A_4, %get3A_70, %dot_general3A_71 {dimension_numbers = #tpu.dot_dimension_numbers<[1], [0], [0], [1], [0, 0, 1, 1], [], []>, transpose_lhs_hint = false} : vector<64x128xf32>, vector<128x128xf32>, vector<64x128xf32> -> vector<64x128xf32>
    %get3A_73 = arith.constant 0 : index
    %get3A_74 = arith.constant 0 : index
    %get3A_75 = vector.load %arg10[%get3A_73, %get3A_74] : memref<1x128xf32, #tpu.memory_space<vmem>>, vector<1x128xf32>
    %add3A_76 = vector.broadcast %get3A_75 : vector<1x128xf32> to vector<64x128xf32>
    %add3A_77 = arith.addf %dot_general3A_72, %add3A_76 : vector<64x128xf32>
    %max3A_78 = arith.constant 0.000000e+00 : f32
    %max3A_79 = vector.broadcast %max3A_78 : f32 to vector<64x128xf32>
    %max3A_80 = arith.maximumf %add3A_77, %max3A_79 : vector<64x128xf32>
    %get3A_81 = arith.constant 0 : index
    %get3A_82 = arith.constant 0 : index
    %get3A_83 = vector.load %arg1[%get3A_81, %get3A_82] : memref<64x8xf32, #tpu.memory_space<vmem>>, vector<64x8xf32>
    %ne3A_84 = arith.constant 0.000000e+00 : f32
    %ne3A_85 = vector.broadcast %ne3A_84 : f32 to vector<64x8xf32>
    %ne3A_86 = arith.cmpf one, %get3A_83, %ne3A_85 : vector<64x8xf32>
    %convert_element_type3A_87 = arith.extui %ne3A_86 : vector<64x8xi1> to vector<64x8xi32>
    %convert_element_type3A_88 = arith.sitofp %convert_element_type3A_87 : vector<64x8xi32> to vector<64x8xf32>
    %reduce_sum3A = arith.constant dense<0.000000e+00> : vector<64xf32>
    %reduce_sum3A_89 = vector.multi_reduction <add>, %get3A_83, %reduce_sum3A [1] : vector<64x8xf32> to vector<64xf32>
    %broadcast_in_dim3A = vector.shape_cast %reduce_sum3A_89 : vector<64xf32> to vector<64x1xf32>
    %reduce_sum3A_90 = arith.constant dense<0.000000e+00> : vector<64xf32>
    %reduce_sum3A_91 = vector.multi_reduction <add>, %convert_element_type3A_88, %reduce_sum3A_90 [1] : vector<64x8xf32> to vector<64xf32>
    %broadcast_in_dim3A_92 = vector.shape_cast %reduce_sum3A_91 : vector<64xf32> to vector<64x1xf32>
    %get3A_93 = arith.constant 0 : index
    %get3A_94 = arith.constant 0 : index
    %get3A_95 = vector.load %arg15[%get3A_93, %get3A_94] : memref<1x128xf32, #tpu.memory_space<vmem>>, vector<1x128xf32>
    %mul3A = vector.broadcast %broadcast_in_dim3A : vector<64x1xf32> to vector<64x128xf32>
    %mul3A_96 = vector.broadcast %get3A_95 : vector<1x128xf32> to vector<64x128xf32>
    %mul3A_97 = arith.mulf %mul3A, %mul3A_96 : vector<64x128xf32>
    %get3A_98 = arith.constant 0 : index
    %get3A_99 = arith.constant 0 : index
    %get3A_100 = vector.load %arg16[%get3A_98, %get3A_99] : memref<1x128xf32, #tpu.memory_space<vmem>>, vector<1x128xf32>
    %mul3A_101 = vector.broadcast %broadcast_in_dim3A_92 : vector<64x1xf32> to vector<64x128xf32>
    %mul3A_102 = vector.broadcast %get3A_100 : vector<1x128xf32> to vector<64x128xf32>
    %mul3A_103 = arith.mulf %mul3A_101, %mul3A_102 : vector<64x128xf32>
    %add3A_104 = arith.addf %mul3A_97, %mul3A_103 : vector<64x128xf32>
    %get3A_105 = arith.constant 0 : index
    %get3A_106 = arith.constant 0 : index
    %get3A_107 = vector.load %arg11[%get3A_105, %get3A_106] : memref<128x128xf32, #tpu.memory_space<vmem>>, vector<128x128xf32>
    %dot_general3A_108 = arith.constant dense<0.000000e+00> : vector<64x128xf32>
    %dot_general3A_109 = tpu.matmul %add3A_104, %get3A_107, %dot_general3A_108 {dimension_numbers = #tpu.dot_dimension_numbers<[1], [0], [0], [1], [0, 0, 1, 1], [], []>, transpose_lhs_hint = false} : vector<64x128xf32>, vector<128x128xf32>, vector<64x128xf32> -> vector<64x128xf32>
    %get3A_110 = arith.constant 0 : index
    %get3A_111 = arith.constant 0 : index
    %get3A_112 = vector.load %arg12[%get3A_110, %get3A_111] : memref<1x128xf32, #tpu.memory_space<vmem>>, vector<1x128xf32>
    %add3A_113 = vector.broadcast %get3A_112 : vector<1x128xf32> to vector<64x128xf32>
    %add3A_114 = arith.addf %dot_general3A_109, %add3A_113 : vector<64x128xf32>
    %max3A_115 = arith.constant 0.000000e+00 : f32
    %max3A_116 = vector.broadcast %max3A_115 : f32 to vector<64x128xf32>
    %max3A_117 = arith.maximumf %add3A_114, %max3A_116 : vector<64x128xf32>
    %get3A_118 = arith.constant 0 : index
    %get3A_119 = arith.constant 0 : index
    %get3A_120 = vector.load %arg2[%get3A_118, %get3A_119] : memref<64x8xf32, #tpu.memory_space<vmem>>, vector<64x8xf32>
    %ne3A_121 = arith.constant 0.000000e+00 : f32
    %ne3A_122 = vector.broadcast %ne3A_121 : f32 to vector<64x8xf32>
    %ne3A_123 = arith.cmpf one, %get3A_120, %ne3A_122 : vector<64x8xf32>
    %convert_element_type3A_124 = arith.extui %ne3A_123 : vector<64x8xi1> to vector<64x8xi32>
    %convert_element_type3A_125 = arith.sitofp %convert_element_type3A_124 : vector<64x8xi32> to vector<64x8xf32>
    %reduce_sum3A_126 = arith.constant dense<0.000000e+00> : vector<64xf32>
    %reduce_sum3A_127 = vector.multi_reduction <add>, %get3A_120, %reduce_sum3A_126 [1] : vector<64x8xf32> to vector<64xf32>
    %broadcast_in_dim3A_128 = vector.shape_cast %reduce_sum3A_127 : vector<64xf32> to vector<64x1xf32>
    %reduce_sum3A_129 = arith.constant dense<0.000000e+00> : vector<64xf32>
    %reduce_sum3A_130 = vector.multi_reduction <add>, %convert_element_type3A_125, %reduce_sum3A_129 [1] : vector<64x8xf32> to vector<64xf32>
    %broadcast_in_dim3A_131 = vector.shape_cast %reduce_sum3A_130 : vector<64xf32> to vector<64x1xf32>
    %get3A_132 = arith.constant 0 : index
    %get3A_133 = arith.constant 0 : index
    %get3A_134 = vector.load %arg17[%get3A_132, %get3A_133] : memref<1x128xf32, #tpu.memory_space<vmem>>, vector<1x128xf32>
    %mul3A_135 = vector.broadcast %broadcast_in_dim3A_128 : vector<64x1xf32> to vector<64x128xf32>
    %mul3A_136 = vector.broadcast %get3A_134 : vector<1x128xf32> to vector<64x128xf32>
    %mul3A_137 = arith.mulf %mul3A_135, %mul3A_136 : vector<64x128xf32>
    %get3A_138 = arith.constant 0 : index
    %get3A_139 = arith.constant 0 : index
    %get3A_140 = vector.load %arg18[%get3A_138, %get3A_139] : memref<1x128xf32, #tpu.memory_space<vmem>>, vector<1x128xf32>
    %mul3A_141 = vector.broadcast %broadcast_in_dim3A_131 : vector<64x1xf32> to vector<64x128xf32>
    %mul3A_142 = vector.broadcast %get3A_140 : vector<1x128xf32> to vector<64x128xf32>
    %mul3A_143 = arith.mulf %mul3A_141, %mul3A_142 : vector<64x128xf32>
    %add3A_144 = arith.addf %mul3A_137, %mul3A_143 : vector<64x128xf32>
    %get3A_145 = arith.constant 0 : index
    %get3A_146 = arith.constant 0 : index
    %get3A_147 = vector.load %arg13[%get3A_145, %get3A_146] : memref<128x128xf32, #tpu.memory_space<vmem>>, vector<128x128xf32>
    %dot_general3A_148 = arith.constant dense<0.000000e+00> : vector<64x128xf32>
    %dot_general3A_149 = tpu.matmul %add3A_144, %get3A_147, %dot_general3A_148 {dimension_numbers = #tpu.dot_dimension_numbers<[1], [0], [0], [1], [0, 0, 1, 1], [], []>, transpose_lhs_hint = false} : vector<64x128xf32>, vector<128x128xf32>, vector<64x128xf32> -> vector<64x128xf32>
    %get3A_150 = arith.constant 0 : index
    %get3A_151 = arith.constant 0 : index
    %get3A_152 = vector.load %arg14[%get3A_150, %get3A_151] : memref<1x128xf32, #tpu.memory_space<vmem>>, vector<1x128xf32>
    %add3A_153 = vector.broadcast %get3A_152 : vector<1x128xf32> to vector<64x128xf32>
    %add3A_154 = arith.addf %dot_general3A_149, %add3A_153 : vector<64x128xf32>
    %max3A_155 = arith.constant 0.000000e+00 : f32
    %max3A_156 = vector.broadcast %max3A_155 : f32 to vector<64x128xf32>
    %max3A_157 = arith.maximumf %add3A_154, %max3A_156 : vector<64x128xf32>
    %get3A_158 = arith.constant 0 : index
    %get3A_159 = arith.constant 0 : index
    %get3A_160 = vector.load %arg20[%get3A_158, %get3A_159] : memref<1x128xf32, #tpu.memory_space<vmem>>, vector<1x128xf32>
    %get3A_161 = arith.constant 0 : index
    %get3A_162 = arith.constant 0 : index
    %get3A_163 = vector.load %arg19[%get3A_161, %get3A_162] : memref<768x128xf32, #tpu.memory_space<vmem>>, vector<128x128xf32>
    %dot_general3A_164 = arith.constant dense<0.000000e+00> : vector<64x128xf32>
    %dot_general3A_165 = tpu.matmul %dot_general3A_41, %get3A_163, %dot_general3A_164 {dimension_numbers = #tpu.dot_dimension_numbers<[1], [0], [0], [1], [0, 0, 1, 1], [], []>, transpose_lhs_hint = false} : vector<64x128xf32>, vector<128x128xf32>, vector<64x128xf32> -> vector<64x128xf32>
    %add3A_166 = vector.broadcast %get3A_160 : vector<1x128xf32> to vector<64x128xf32>
    %add3A_167 = arith.addf %add3A_166, %dot_general3A_165 : vector<64x128xf32>
    %get3A_168 = arith.constant 128 : index
    %get3A_169 = arith.constant 0 : index
    %get3A_170 = vector.load %arg19[%get3A_168, %get3A_169] : memref<768x128xf32, #tpu.memory_space<vmem>>, vector<128x128xf32>
    %dot_general3A_171 = arith.constant dense<0.000000e+00> : vector<64x128xf32>
    %dot_general3A_172 = tpu.matmul %max3A_54, %get3A_170, %dot_general3A_171 {dimension_numbers = #tpu.dot_dimension_numbers<[1], [0], [0], [1], [0, 0, 1, 1], [], []>, transpose_lhs_hint = false} : vector<64x128xf32>, vector<128x128xf32>, vector<64x128xf32> -> vector<64x128xf32>
    %add3A_173 = arith.addf %add3A_167, %dot_general3A_172 : vector<64x128xf32>
    %get3A_174 = arith.constant 256 : index
    %get3A_175 = arith.constant 0 : index
    %get3A_176 = vector.load %arg19[%get3A_174, %get3A_175] : memref<768x128xf32, #tpu.memory_space<vmem>>, vector<128x128xf32>
    %dot_general3A_177 = arith.constant dense<0.000000e+00> : vector<64x128xf32>
    %dot_general3A_178 = tpu.matmul %max3A_67, %get3A_176, %dot_general3A_177 {dimension_numbers = #tpu.dot_dimension_numbers<[1], [0], [0], [1], [0, 0, 1, 1], [], []>, transpose_lhs_hint = false} : vector<64x128xf32>, vector<128x128xf32>, vector<64x128xf32> -> vector<64x128xf32>
    %add3A_179 = arith.addf %add3A_173, %dot_general3A_178 : vector<64x128xf32>
    %get3A_180 = arith.constant 384 : index
    %get3A_181 = arith.constant 0 : index
    %get3A_182 = vector.load %arg19[%get3A_180, %get3A_181] : memref<768x128xf32, #tpu.memory_space<vmem>>, vector<128x128xf32>
    %dot_general3A_183 = arith.constant dense<0.000000e+00> : vector<64x128xf32>
    %dot_general3A_184 = tpu.matmul %max3A_80, %get3A_182, %dot_general3A_183 {dimension_numbers = #tpu.dot_dimension_numbers<[1], [0], [0], [1], [0, 0, 1, 1], [], []>, transpose_lhs_hint = false} : vector<64x128xf32>, vector<128x128xf32>, vector<64x128xf32> -> vector<64x128xf32>
    %add3A_185 = arith.addf %add3A_179, %dot_general3A_184 : vector<64x128xf32>
    %get3A_186 = arith.constant 512 : index
    %get3A_187 = arith.constant 0 : index
    %get3A_188 = vector.load %arg19[%get3A_186, %get3A_187] : memref<768x128xf32, #tpu.memory_space<vmem>>, vector<128x128xf32>
    %dot_general3A_189 = arith.constant dense<0.000000e+00> : vector<64x128xf32>
    %dot_general3A_190 = tpu.matmul %max3A_117, %get3A_188, %dot_general3A_189 {dimension_numbers = #tpu.dot_dimension_numbers<[1], [0], [0], [1], [0, 0, 1, 1], [], []>, transpose_lhs_hint = false} : vector<64x128xf32>, vector<128x128xf32>, vector<64x128xf32> -> vector<64x128xf32>
    %add3A_191 = arith.addf %add3A_185, %dot_general3A_190 : vector<64x128xf32>
    %get3A_192 = arith.constant 640 : index
    %get3A_193 = arith.constant 0 : index
    %get3A_194 = vector.load %arg19[%get3A_192, %get3A_193] : memref<768x128xf32, #tpu.memory_space<vmem>>, vector<128x128xf32>
    %dot_general3A_195 = arith.constant dense<0.000000e+00> : vector<64x128xf32>
    %dot_general3A_196 = tpu.matmul %max3A_157, %get3A_194, %dot_general3A_195 {dimension_numbers = #tpu.dot_dimension_numbers<[1], [0], [0], [1], [0, 0, 1, 1], [], []>, transpose_lhs_hint = false} : vector<64x128xf32>, vector<128x128xf32>, vector<64x128xf32> -> vector<64x128xf32>
    %add3A_197 = arith.addf %add3A_191, %dot_general3A_196 : vector<64x128xf32>
    %swap3A = arith.constant 0 : index
    %swap3A_198 = arith.constant 0 : index
    %swap3A_199 = vector.load %arg21[%swap3A, %swap3A_198] : memref<64x128xf32, #tpu.memory_space<vmem>>, vector<64x128xf32>
    tpu.vector_store %arg21[%swap3A, %swap3A_198], %add3A_197 {strides = array<i32>} : memref<64x128xf32, #tpu.memory_space<vmem>>, vector<64x128xf32>,
    return
  }
}

</mosaic_0001>

<sc_bundles>
// kernel: kernel.4.cloned.1.call-start
scs
__scs_entry_jumppad:
0x0: {  	(pc) =	sbr.rel $0x88, $3  }
0x1: {  	(tag) =	ssettag $0x0;
	lr =	simm.s32 $0x1  }
0x2: {  	[smem:$0x3F83] =	sst lr;
	_ =	strace $0xD0000000  }
0x3: {  	_ = 	snop  }
0x4: {  	_ = 	snop  }
0x5: {  	_ = 	snop  }
0x6: {  	_ = 	snop  }
0x7: {  	_ = 	snop  }
__scs_overlays_trampoline_lowered:
0x8: {  	[smem:$0x3F92] =	sst s0  }
0x9: {  	[smem:$0x3F93] =	sst s1  }
0xa: {  	[smem:$0x3F94] =	sst s2  }
0xb: {  	[smem:$0x3F95] =	sst s3  }
0xc: {  	[smem:$0x3F96] =	sst s4  }
0xd: {  	[smem:$0x3F97] =	sst s5  }
0xe: {  	[smem:$0x3F98] =	sst s6  }
0xf: {  	[smem:$0x3F99] =	sst s7  }
0x10: {  	[smem:$0x3F9A] =	sst s8  }
0x11: {  	[smem:$0x3F9B] =	sst s9;
	s0 =	simm.s32 @!p0 $0x0  }
0x12: {  	s1 =	sld [smem:$0x3F81];
	s0 =	simm.s32 @p0 $0x1  }
0x13: {  	[smem:$0x3F9C] =	sst s0;
	s0 =	simm.s32 @!p1 $0x0  }
0x14: {  	s2 =	sld [smem:$0x3F80];
	s0 =	simm.s32 @p1 $0x1  }
0x15: {  	[smem:$0x3F9D] =	sst s0;
	s0 =	simm.s32 @!p2 $0x0  }
0x16: {  	s3 =	sld [smem:$0x3FDB];
	s0 =	simm.s32 @p2 $0x1  }
0x17: {  	s4 =	simm.s32 $0x1BF5;
	[smem:$0x3F9F] =	sst s0  }
0x18: {  	s0 =	sld [smem:$0x3F82];
	_ =	swait.ge [sflag:s4], $0x0  }
0x19: {  	s7 =	sld [smem:$0x3F83]  }
0x1a: {  	s8 =	sadd.s32 $0xFFFFE003, lr  }
0x1b: {  	s9 =	sadd.s32 $0xFFFFFEF7, lr;
	s5 =	simm.s32 $0xFFFFFFFF;
	p2 =	slt.u32 s8, $0xFFFFF086  }
0x1c: {  	p1 =	slt.u32 s9, $0xF7A;
	s5 =	simm.s32 @!p2 $0x0  }
0x1d: {  	s5 =	simm.s32 @p1 $0x1;
	p0 =	seq.s32 s7, s2  }
0x1e: {  	s7 =	smul.u32 @!p0 $0xF7A, s2;
	p2 =	seq.s32 @!p0 s5, $0x0  }
0x1f: {  	s9 =	smul.u32 $0xF7A, s1;
	s8 =	simm.s32 @!p0 $0x1BF5;
	p2 =	por !p2, p0  }
0x20: {  	[sflag:s8] =	ssyncset.s32 @!p0 $0xFFFFF086;
	s6 =	sadd.s32 @!p0 s3, s7;
	s7 =	simm.s32 @!p0 $0x108  }
0x21: {  	s3 =	sadd.s32 s3, s9;
	s6 =	sadd.s32 @!p0 $0x88, s6;
	s7 =	simm.s32 @p2 $0x1082  }
0x22: {  	[simem:s7], [sflag:s8] =	dma.local @!p0 [hbm:s6], $0xF7A  }
0x23: {  	s9 =	sor.u32 $0xD0000000, s2;
	s6 =	simm.s32 $0x108;
	_ =	swait.ge @!p0 [sflag:s8], $0x0  }
0x24: {  	s3 =	sadd.s32 $0x88, s3;
	s6 =	simm.s32 @!p1 $0x1082;
	[sflag:s4] =	ssyncset.s32 $0xFFFFF086  }
0x25: {  	[simem:s6], [sflag:s4] =	dma.local [hbm:s3], $0xF7A  }
0x26: {  	[smem:$0x3F83] =	sst s1;
	(tag) =	ssettag s2;
	_ =	strace s9  }
0x27: {  	s1 =	sld [smem:$0x3F93]  }
0x28: {  	s2 =	sld [smem:$0x3F94]  }
0x29: {  	s4 =	sld [smem:$0x3F96]  }
0x2a: {  	p0 =	seq.s32 s5, $0x0;
	s5 =	sld [smem:$0x3F97]  }
0x2b: {  	s6 =	sld [smem:$0x3F98]  }
0x2c: {  	s7 =	sld [smem:$0x3F99]  }
0x2d: {  	s3 =	simm.s32 $0x108;
	s8 =	sld [smem:$0x3F9A]  }
0x2e: {  	s3 =	simm.s32 @!p0 $0x1082;
	s9 =	sld [smem:$0x3F9B]  }
0x2f: {  	lr =	sadd.s32 s0, s3;
	s0 =	sld [smem:$0x3F92]  }
0x30: {  	s3 =	sld [smem:$0x3F95]  }
0x31: {  	[smem:$0x3F9E] =	sst s10  }
0x32: {  	s10 =	sld [smem:$0x3F9C];
	_ =	sdelay $0x3  }
0x33: {  	p0 =	seq.s32 s10, $0x1;
	s10 =	sld [smem:$0x3F9E];
	_ =	sdelay $0x3  }
0x34: {  	[smem:$0x3F9E] =	sst s10  }
0x35: {  	s10 =	sld [smem:$0x3F9D];
	_ =	sdelay $0x3  }
0x36: {  	p1 =	seq.s32 s10, $0x1;
	s10 =	sld [smem:$0x3F9E];
	_ =	sdelay $0x3  }
0x37: {  	[smem:$0x3F9E] =	sst s10  }
0x38: {  	s10 =	sld [smem:$0x3F9F]  }
0x39: {  	_ = 	snop;
	(pc) =	sbr.ind lr, $3  }
0x3a: {  	_ = 	snop  }
0x3b: {  	_ = 	snop  }
0x3c: {  	p2 =	seq.s32 s10, $0x1;
	s10 =	sld [smem:$0x3F9E]  }
0x3d: {  	_ =	shalt  }
0x3e: {  	_ =	shalt  }
0x3f: {  	_ =	shalt  }
0x40: {  	_ =	shalt  }
0x41: {  	_ =	shalt  }
0x42: {  	_ =	shalt  }
0x43: {  	_ =	shalt  }
0x44: {  	_ =	shalt  }
0x45: {  	_ =	shalt  }
0x46: {  	_ =	shalt  }
0x47: {  	_ =	shalt  }
0x48: {  	_ =	shalt  }
0x49: {  	_ =	shalt  }
0x4a: {  	_ =	shalt  }
0x4b: {  	_ =	shalt  }
0x4c: {  	_ =	shalt  }
0x4d: {  	_ =	shalt  }
0x4e: {  	_ =	shalt  }
0x4f: {  	_ =	shalt  }
0x50: {  	_ =	shalt  }
0x51: {  	_ =	shalt  }
0x52: {  	_ =	shalt  }
0x53: {  	_ =	shalt  }
0x54: {  	_ =	shalt  }
0x55: {  	_ =	shalt  }
0x56: {  	_ =	shalt  }
0x57: {  	_ =	shalt  }
0x58: {  	_ =	shalt  }
0x59: {  	_ =	shalt  }
0x5a: {  	_ =	shalt  }
0x5b: {  	_ =	shalt  }
0x5c: {  	_ =	shalt  }
0x5d: {  	_ =	shalt  }
0x5e: {  	_ =	shalt  }
0x5f: {  	_ =	shalt  }
0x60: {  	_ =	shalt  }
0x61: {  	_ =	shalt  }
0x62: {  	_ =	shalt  }
0x63: {  	_ =	shalt  }
0x64: {  	_ =	shalt  }
0x65: {  	_ =	shalt  }
0x66: {  	_ =	shalt  }
0x67: {  	_ =	shalt  }
0x68: {  	_ =	shalt  }
0x69: {  	_ =	shalt  }
0x6a: {  	_ =	shalt  }
0x6b: {  	_ =	shalt  }
0x6c: {  	_ =	shalt  }
0x6d: {  	_ =	shalt  }
0x6e: {  	_ =	shalt  }
0x6f: {  	_ =	shalt  }
0x70: {  	_ =	shalt  }
0x71: {  	_ =	shalt  }
0x72: {  	_ =	shalt  }
0x73: {  	_ =	shalt  }
0x74: {  	_ =	shalt  }
0x75: {  	_ =	shalt  }
0x76: {  	_ =	shalt  }
0x77: {  	_ =	shalt  }
0x78: {  	_ =	shalt  }
0x79: {  	_ =	shalt  }
0x7a: {  	_ =	shalt  }
0x7b: {  	_ =	shalt  }
0x7c: {  	_ =	shalt  }
0x7d: {  	_ =	shalt  }
0x7e: {  	_ =	shalt  }
0x7f: {  	_ =	shalt  }
0x80: {  	_ =	shalt  }
0x81: {  	_ =	shalt  }
0x82: {  	_ =	shalt  }
0x83: {  	_ =	shalt  }
0x84: {  	_ =	shalt  }
0x85: {  	_ =	shalt  }
0x86: {  	_ =	shalt  }
0x87: {  	_ =	shalt  }
.Lfunc_end0:
.L_simem_size_0:
called_computation_lowered:
.L_overlay_start_0:
0x88: {  	s2 =	sld [smem:$0x3FD9]  }
0x89: {  	s3 =	sld [smem:$0x3FFE];
	_ =	sdelay $0x1  }
0x8a: {  	s1 =	srdreg.scid  }
0x8b: {  	s0 =	sand.u32 $0x1, s1  }
0x8c: {  	s17 =	sshll.u32 s0, $0xA;
	s2 =	sadd.s32 s3, s2  }
0x8d: {  	s2 =	sadd.s32 s2, s17  }
0x8e: {  	[smem:$0x3FAA] =	sst s2  }
0x8f: {  	_ = 	snop  }
0x90: {  	s2 =	sld [smem:$0x3FC2]  }
0x91: {  	s18 =	sld [smem:$0x3FC1]  }
0x92: {  	s4 =	sld [smem:$0x3FC0]  }
0x93: {  	s5 =	sld [smem:$0x3FBF]  }
0x94: {  	s6 =	sld [smem:$0x3FBE];
	(tm) =	ssettm $0x1  }
0x95: {  	s7 =	sld [smem:$0x3FFB];
	_ =	sdelay $0x3  }
0x96: {  	_ =	strace s7  }
0x97: {  	s7 =	sld [smem:$0x3FFC];
	_ =	sdelay $0x3  }
0x98: {  	_ =	strace s7  }
0x99: {  	s7 =	sld [smem:$0x3FFD];
	_ =	sdelay $0x3  }
0x9a: {  	_ =	strace s7  }
0x9b: {  	_ =	strace $0x8FFFFFFF  }
0x9c: {  	s19 =	sld [smem:$0x3FDB];
	_ =	sdelay $0x1  }
0x9d: {  	s8 =	simm.s32 $_scs_section_size  }
0x9e: {  	s9 =	simm.s32 $_size__tile_overlayer_lowered;
	s10 =	simm.s32 $_tile_overlayer_lowered  }
0x9f: {  	s22 =	simm.s32 $0x1BFF;
	s21 =	sshll.u32 s10, $0x1;
	s7 =	sadd.s32 s8, s19  }
0xa0: {  	s11 =	simm.s32 $0x0;
	s20 =	sshll.u32 s9, $0x1;
	s9 =	sadd.s32 s21, s7  }
0xa1: {  	[timem:s11], [sflag:s22] =	dma.local [hbm:s9], s20  }
0xa2: {  	_ =	swait.ge [sflag:s22], s20  }
0xa3: {  	s8 =	ssub.s32 $0x0, s20;
	[sflag:s22] =	ssyncset.done $0x0  }
0xa4: {  	[sflag:s22] =	ssyncadd.s32 s8;
	_ =	sdelay $0x1  }
0xa5: {  	s23 =	simm.s32 $0x1B8B  }
0xa6: {  	_ =	swait.ge [sflag:s23], $0x1  }
0xa7: {  	[sflag:s23] =	ssyncset.done $0x0  }
0xa8: {  	s25 =	simm.s32 $0x1B8E;
	s24 =	sld [smem:$0x3FFE];
	[sflag:s23] =	ssyncadd.s32 $0xFFFFFFFF  }
0xa9: {  	s26 =	simm.s32 $execute0_lowered;
	[smem:$0x3FD2] =	sst s25  }
0xaa: {  	s9 =	sshll.u32 s26, $0x1;
	_ =	strace $0x80000046;
	[dreg:$0x1] =	wrdreg $0xFFFFFFFF  }
0xab: {  	s28 =	simm.s32 $_size_execute0_lowered;
	s7 =	sadd.s32 s7, s9;
	[dreg:$0x0] =	wrdreg $0x0  }
0xac: {  	s9 =	sshll.u32 s28, $0x1;
	[dreg:$0x2] =	wrdreg s7  }
0xad: {  	[dreg:$0x3] =	wrdreg s9  }
0xae: {  	[dreg:$0x4] =	wrdreg $0xC0  }
0xaf: {  	_ =	task [dreg:s11], $0x5FFFF  }
0xb0: {  	[dreg:$0x1] =	wrdreg $0xFFFFFFFF  }
0xb1: {  	[dreg:$0x0] =	wrdreg $0x60  }
0xb2: {  	[dreg:$0x2] =	wrdreg s24  }
0xb3: {  	[dreg:$0x3] =	wrdreg s2  }
0xb4: {  	[dreg:$0x4] =	wrdreg s18  }
0xb5: {  	[dreg:$0x5] =	wrdreg s4  }
0xb6: {  	[dreg:$0x6] =	wrdreg s5  }
0xb7: {  	[dreg:$0x7] =	wrdreg s6  }
0xb8: {  	[dreg:$0x8] =	wrdreg $0x9  }
0xb9: {  	_ =	task.clear_ibuf [dreg:s11], $0x9FFFF;
	_ =	strace $0x90000046  }
0xba: {  	s29 =	simm.s32 $0x9;
	_ =	strace $0x80000048  }
0xbb: {  	_ =	swait.ge [sflag:s29], $0x1  }
0xbc: {  	[sflag:s29] =	ssyncadd.s32 $0xFFFFFFFF  }
0xbd: {  	_ =	strace $0x90000048  }
0xbe: {  	_ =	sfence  }
0xbf: {  	s30 =	sld [smem:$0x0];
	_ =	sdelay $0x2  }
0xc0: {  	s31 =	sshll.u32 s1, $0xD;
	s1 =	sshrl.u32 s1, $0x2  }
0xc1: {  	s3 =	sand.u32 $0x4000, s31;
	s1 =	sadd.s32 s1, s30  }
0xc2: {  	s0 =	sor.u32 s3, s0;
	s1 =	sshll.u32 s1, $0x11  }
0xc3: {  	s0 =	sor.u32 s1, s0  }
0xc4: {  	s0 =	sadd.s32 $0x8F2B, s0  }
0xc5: {  	[sflag:s0] =	ssyncadd.remote.s32 $0x1  }
0xc6: {  	_ =	sfence.sel $0xFFFF  }
0xc7: {  	[dreg:$0x0] =	wrdreg $0xFFFFFFFF;
	(pc) =	sbr.abs _section_cstart, $3  }
0xc8: {  	[dreg:$0x1] =	wrdreg $0xFFFFFFFF  }
0xc9: {  	_ =	task.clear_ibuf [dreg:s11], $0x2FFFF;
	_ =	strace $0x9FFFFFFF  }
0xca: {  	(tm) =	ssettm $0x7FFFFFFF  }
0xcb: {  	_ =	shalt  }
tec
execute0_lowered:
.L_overlay_start_1:
0x0: {  	(tag) =	ssettag $0x1  }
0x1: {  	s0 =	rddreg [dreg:$0x0]  }
0x2: {  	s1 =	rddreg [dreg:$0x1];
	s3 =	srdreg.scid  }
0x3: {  	s6 =	stileid.u32;
	s2 =	rddreg [dreg:$0x2]  }
0x4: {  	s16 =	simm.s32 $0x9;
	s17 =	simm.s32 $0x50;
	s29 =	simm.s32 $0x16000  }
0x5: {  	s30 =	simm.s32 $0x18800;
	s31 =	simm.s32 $0x1;
	s14 =	simm.s32 $0x4  }
0x6: {  	s15 =	simm.s32 $0x5;
	s19 =	simm.s32 $0x6;
	s22 =	simm.s32 $0x7  }
0x7: {  	s24 =	simm.s32 $0x8;
	s26 =	simm.s32 $0x40;
	s18 =	simm.s32 $0x0  }
0x8: {  	s4 =	sand.u32 $0x1, s3;
	s5 =	sshll.u32 s6, $0x1;
	s3 =	rddreg [dreg:$0x3]  }
0x9: {  	s6 =	sshrl.u32 s6, $0x2;
	s8 =	sor.u32 s4, s5;
	s5 =	rddreg [dreg:$0x4]  }
0xa: {  	s9 =	smul.u32 $0x38000, s6;
	s4 =	ssub.s32 $0x2, s4;
	s7 =	sshll.u32 s8, $0x7  }
0xb: {  	s6 =	rddreg [dreg:$0x5];
	s28 =	sshrl.u32 s4, $0x1;
	s10 =	sand.u32 $0x380, s7  }
0xc: {  	s11 =	sshll.u32 s8, $0x5;
	s8 =	sshll.u32 s8, $0x8;
	s9 =	sor.u32 s9, s10  }
0xd: {  	s7 =	simm.s32 $0x0;
	s4 =	ssub.s32 s4, s28;
	s9 =	sshrl.u32 s9, $0x3  }
0xe: {  	[smem:$0x7FF] =	sst s7;
	s13 =	smax.u32 s4, $0x1;
	s9 =	sadd.s32 s9, s0  }
0xf: {  	_ =	strace $0x80000047;
	s0 =	sadd.s32 $0x1F800, s0;
	s9 =	sadd.s32 $0x3800, s9  }
0x10: {  	s12 =	sadd.s32 s11, s0;
	s0 =	sadd.s32 s0, s8;
	[dreg:$0x7] =	wrdreg s9  }
0x11: {  	s4 =	simm.s32 $0x2;
	[dreg:$0x8] =	wrdreg s0;
	s10 =	sadd.s32 $0x2000, s12  }
0x12: {  	s11 =	sadd.s32 $0x2400, s12;
	s12 =	sadd.s32 $0x2800, s12;
	s0 =	simm.s32 $0x3  }
.LBB2_1:
0x13: {  	s8 =	rddreg [dreg:$0x7];
	s9 =	simm.s32 $0x80;
	s20 =	simm.s32 $0x400  }
0x14: {  	[tilespmem:s7], [sflag:$0x9] =	stream.strided.gather [hbm4b:s8+s9], $0x7000, s20, s9, $0x38;
	[tilespmem:$0x1BC00] =	vst v63  }
0x15: {  	_ =	swait.ge [sflag:s16], $0x7000  }
0x16: {  	[sflag:s16] =	ssyncset.done $0x0  }
0x17: {  	s21 =	simm.s32 $0x7000;
	[sflag:s16] =	ssyncadd.s32 $0xFFFF9000  }
0x18: {  	[tilespmem:s21], [sflag:$0x1] =	stream.indirect.gather [hbm4b:s1+s17], $0x80, s7, s17, $0xb8;
	[tilespmem:$0x1BC00] =	vst v63  }
0x19: {  	s23 =	simm.s32 $0x3200;
	s25 =	simm.s32 $0x9800  }
0x1a: {  	[tilespmem:s25], [sflag:$0x2] =	stream.indirect.gather [hbm4b:s2+s17], $0x80, s23, s17, $0xb8;
	[tilespmem:$0x1BC00] =	vst v63  }
0x1b: {  	s28 =	simm.s32 $0xC000  }
0x1c: {  	[tilespmem:s28], [sflag:$0x3] =	stream.indirect.gather [hbm4b:s1+s17], $0x80, s17, s17, $0xb8;
	[tilespmem:$0x1BC00] =	vst v63  }
0x1d: {  	s9 =	simm.s32 $0x3250;
	s20 =	simm.s32 $0xE800  }
0x1e: {  	[tilespmem:s20], [sflag:$0x4] =	stream.indirect.gather [hbm4b:s2+s17], $0x80, s9, s17, $0xb8;
	[tilespmem:$0x1BC00] =	vst v63  }
0x1f: {  	s21 =	simm.s32 $0xA0;
	s23 =	simm.s32 $0x11000  }
0x20: {  	v0 =	vimm.f32 $0.0e+00;
	v1 =	vimm.f32 $0.0e+00;
	[tilespmem:s23], [sflag:$0x5] =	stream.indirect.gather [hbm4b:s1+s17], $0x80, s21, s17, $0xb8;
	[tilespmem:$0x1BC00] =	vst v63  }
0x21: {  	v2 =	vimm.f32 $0.0e+00;
	v3 =	vimm.f32 $0.0e+00;
	v6 =	vimm.f32 $0.0e+00;
	s25 =	simm.s32 $0x32A0;
	s28 =	simm.s32 $0x13800;
	s20 =	simm.s32 $0x0  }
0x22: {  	v7 =	vimm.f32 $0.0e+00;
	v10 =	vimm.f32 $0.0e+00;
	v11 =	vimm.f32 $0.0e+00;
	[tilespmem:s28], [sflag:$0x6] =	stream.indirect.gather [hbm4b:s2+s17], $0x80, s25, s17, $0xb8;
	[tilespmem:$0x1BC00] =	vst v63  }
.LBB2_2:
0x23: {  	s21 =	sshllo.u32 s20, $0x2  }
0x24: {  	s8 =	smul.u32 $0x140, s21;
	_ =	sdelay $0x1  }
0x25: {  	s8 =	sshra.s32 s8, $0x2  }
0x26: {  	[tilespmem:s29], [sflag:$0x7] =	stream.indirect.gather [hbm4b:s1+s17], $0x80, s8, s17, $0xb8;
	[tilespmem:$0x1BC00] =	vst v63  }
0x27: {  	s8 =	sadd.s32 $0x3200, s8  }
0x28: {  	[tilespmem:s30], [sflag:$0x8] =	stream.indirect.gather [hbm4b:s2+s17], $0x80, s8, s17, $0xb8;
	[tilespmem:$0x1BC00] =	vst v63  }
0x29: {  	_ =	swait.ge [sflag:s31], $0x2800  }
0x2a: {  	[sflag:s31] =	ssyncset.done $0x0  }
0x2b: {  	[sflag:s31] =	ssyncadd.s32 $0xFFFFD800  }
0x2c: {  	_ =	swait.ge [sflag:s4], $0x2800  }
0x2d: {  	[sflag:s4] =	ssyncset.done $0x0  }
0x2e: {  	s28 =	simm.s32 $0x100;
	[sflag:s4] =	ssyncadd.s32 $0xFFFFD800  }
0x2f: {  	v12 =	vld [tilespmem:s28+$0x7080]  }
0x30: {  	v13 =	vld [tilespmem:s28+$0x9880]  }
0x31: {  	v16 =	vld [tilespmem:s28+$0x7090]  }
0x32: {  	v17 =	vld [tilespmem:s28+$0x9890]  }
0x33: {  	v19 =	vld [tilespmem:s28+$0x70A0]  }
0x34: {  	v21 =	vld [tilespmem:s28+$0x98A0]  }
0x35: {  	v26 =	vld [tilespmem:s28+$0x70B0]  }
0x36: {  	v27 =	vld [tilespmem:s28+$0x98B0]  }
0x37: {  	v28 =	vld [tilespmem:s28+$0x70C0]  }
0x38: {  	v29 =	vld [tilespmem:s28+$0x98C0]  }
0x39: {  	v30 =	vld [tilespmem:s28+$0x70D0]  }
0x3a: {  	v31 =	vld [tilespmem:s28+$0x98D0]  }
0x3b: {  	v4 =	vld [tilespmem:s28+$0x70E0]  }
0x3c: {  	v5 =	vld [tilespmem:s28+$0x98E0]  }
0x3d: {  	v32 =	vld [tilespmem:s28+$0x7000]  }
0x3e: {  	v33 =	vld [tilespmem:s28+$0x9800]  }
0x3f: {  	v34 =	vld [tilespmem:s28+$0x7010]  }
0x40: {  	v35 =	vld [tilespmem:s28+$0x9810]  }
0x41: {  	v36 =	vld [tilespmem:s28+$0x7020]  }
0x42: {  	v37 =	vld [tilespmem:s28+$0x9820]  }
0x43: {  	v38 =	vld [tilespmem:s28+$0x7030]  }
0x44: {  	v39 =	vld [tilespmem:s28+$0x9830]  }
0x45: {  	v40 =	vld [tilespmem:s28+$0x7040]  }
0x46: {  	v41 =	vld [tilespmem:s28+$0x9840]  }
0x47: {  	v42 =	vld [tilespmem:s28+$0x7050]  }
0x48: {  	v43 =	vld [tilespmem:s28+$0x9850]  }
0x49: {  	v8 =	vld [tilespmem:s28+$0x7060]  }
0x4a: {  	v9 =	vld [tilespmem:s28+$0x9860]  }
0x4b: {  	v44 =	vld [tilespmem:s28+$0x6F80]  }
0x4c: {  	v45 =	vld [tilespmem:s28+$0x9780]  }
0x4d: {  	v46 =	vld [tilespmem:s28+$0x6F90]  }
0x4e: {  	v47 =	vld [tilespmem:s28+$0x9790]  }
0x4f: {  	v48 =	vld [tilespmem:s28+$0x6FA0]  }
0x50: {  	v49 =	vld [tilespmem:s28+$0x97A0]  }
0x51: {  	v50 =	vld [tilespmem:s28+$0x6FB0]  }
0x52: {  	v51 =	vld [tilespmem:s28+$0x97B0]  }
0x53: {  	v22 =	vld [tilespmem:s28+$0x6FC0]  }
0x54: {  	v25 =	vld [tilespmem:s28+$0x97C0]  }
0x55: {  	v18 =	vld [tilespmem:s28+$0x6FD0]  }
0x56: {  	v24 =	vld [tilespmem:s28+$0x97D0]  }
0x57: {  	v14 =	vld [tilespmem:s28+$0x6FE0]  }
0x58: {  	v15 =	vld [tilespmem:s28+$0x97E0]  }
0x59: {  	v52 =	vld [tilespmem:s28+$0x6F00]  }
0x5a: {  	v53 =	vld [tilespmem:s28+$0x9700]  }
0x5b: {  	v54 =	vld [tilespmem:s28+$0x6F10]  }
0x5c: {  	v55 =	vld [tilespmem:s28+$0x9710]  }
0x5d: {  	v56 =	vld [tilespmem:s28+$0x6F20];
	v23 =	vmul.f32 v13, v12;
	v20 =	vmul.f32 v17, v16  }
0x5e: {  	v57 =	vld [tilespmem:s28+$0x9720];
	v21 =	vmul.f32 v21, v19;
	v19 =	vmul.f32 v27, v26  }
0x5f: {  	v58 =	vld [tilespmem:s28+$0x6F30];
	v13 =	vmul.f32 v29, v28;
	v12 =	vmul.f32 v31, v30  }
0x60: {  	v59 =	vld [tilespmem:s28+$0x9730];
	v29 =	vmul.f32 v33, v32;
	v27 =	vmul.f32 v35, v34  }
0x61: {  	v30 =	vld [tilespmem:s28+$0x6F40];
	v28 =	vmul.f32 v37, v36;
	v26 =	vmul.f32 v39, v38  }
0x62: {  	v32 =	vld [tilespmem:s28+$0x9740];
	v17 =	vmul.f32 v41, v40;
	v16 =	vmul.f32 v43, v42  }
0x63: {  	v31 =	vld [tilespmem:s28+$0x6F50];
	v38 =	vmul.f32 v45, v44;
	v37 =	vmul.f32 v47, v46  }
0x64: {  	v60 =	vmul.f32 v53, v52;
	v61 =	vmul.f32 v55, v54;
	v34 =	vld [tilespmem:s28+$0x9750]  }
0x65: {  	v62 =	vmul.f32 v57, v56;
	v63 =	vmul.f32 v59, v58;
	v33 =	vld [tilespmem:s28+$0x6F60]  }
0x66: {  	v35 =	vld [tilespmem:s28+$0x9760];
	v39 =	vmul.f32 v49, v48;
	v41 =	vadd.f32 v60, v11;
	v40 =	vadd.f32 v61, v10  }
0x67: {  	s25 =	sshll.u32 s20, $0x2;
	s8 =	simm.s32 $0xC00;
	v36 =	vld [tilespmem:s28+$0x6F70];
	v44 =	vmul.f32 v51, v50;
	v43 =	vadd.f32 v62, v7;
	v42 =	vadd.f32 v63, v6  }
.LBB2_3:
0x68: {  	p0 =	sne.s32 s8, $0x9C00;
	v6 =	vld [tilespmem:s28+$0x9770];
	v7 =	vadd.f32 v38, v41;
	v10 =	vadd.f32 v37, v40;
	v22 =	vmul.f32 v25, v22  }
0x69: {  	v18 =	vmul.f32 v24, v18;
	v11 =	vadd.f32 v39, v43;
	v25 =	vadd.f32 v44, v42;
	v24 =	vld [tilespmem:s28+$0x6FF0]  }
0x6a: {  	v30 =	vmul.f32 v32, v30;
	v32 =	vld [tilespmem:s28+$0x97F0];
	v7 =	vadd.f32 v29, v7;
	v27 =	vadd.f32 v27, v10  }
0x6b: {  	v29 =	vmul.f32 v34, v31;
	v28 =	vadd.f32 v28, v11;
	v25 =	vadd.f32 v26, v25;
	v26 =	vld [tilespmem:s28+$0x7070]  }
0x6c: {  	v31 =	vmul.f32 v35, v33;
	v33 =	vld [tilespmem:s28+$0x9870];
	v10 =	vadd.f32 v23, v7;
	v11 =	vadd.f32 v20, v27  }
0x6d: {  	v20 =	vmul.f32 v6, v36;
	v6 =	vadd.f32 v21, v28;
	v7 =	vadd.f32 v19, v25;
	v19 =	vld [tilespmem:s28+$0x70F0]  }
0x6e: {  	v14 =	vmul.f32 v15, v14;
	v3 =	vadd.f32 v30, v3;
	v2 =	vadd.f32 v29, v2;
	v15 =	vld [tilespmem:s28+$0x98F0];
	s28 =	sshra.s32 s8, $0x2  }
0x6f: {  	v1 =	vadd.f32 v31, v1;
	v21 =	vld [tilespmem:s28+$0x7080];
	v0 =	vadd.f32 v20, v0;
	v20 =	vmul.f32 v32, v24  }
0x70: {  	v8 =	vmul.f32 v9, v8;
	v3 =	vadd.f32 v22, v3;
	v2 =	vadd.f32 v18, v2;
	v23 =	vld [tilespmem:s28+$0x9880]  }
0x71: {  	v1 =	vadd.f32 v14, v1;
	v27 =	vld [tilespmem:s28+$0x7090];
	v0 =	vadd.f32 v20, v0;
	v9 =	vmul.f32 v33, v26  }
0x72: {  	v4 =	vmul.f32 v5, v4;
	v3 =	vadd.f32 v17, v3;
	v2 =	vadd.f32 v16, v2;
	v20 =	vld [tilespmem:s28+$0x9890]  }
0x73: {  	v1 =	vadd.f32 v8, v1;
	v16 =	vld [tilespmem:s28+$0x70A0];
	v0 =	vadd.f32 v9, v0;
	v5 =	vmul.f32 v15, v19  }
0x74: {  	v3 =	vadd.f32 v13, v3;
	v2 =	vadd.f32 v12, v2;
	v17 =	vld [tilespmem:s28+$0x98A0]  }
0x75: {  	v1 =	vadd.f32 v4, v1;
	v12 =	vld [tilespmem:s28+$0x70B0];
	v0 =	vadd.f32 v5, v0  }
0x76: {  	v13 =	vld [tilespmem:s28+$0x98B0]  }
0x77: {  	v26 =	vld [tilespmem:s28+$0x70C0]  }
0x78: {  	v28 =	vld [tilespmem:s28+$0x98C0]  }
0x79: {  	v29 =	vld [tilespmem:s28+$0x70D0]  }
0x7a: {  	v30 =	vld [tilespmem:s28+$0x98D0]  }
0x7b: {  	v4 =	vld [tilespmem:s28+$0x70E0]  }
0x7c: {  	v5 =	vld [tilespmem:s28+$0x98E0]  }
0x7d: {  	v31 =	vld [tilespmem:s28+$0x7000]  }
0x7e: {  	v32 =	vld [tilespmem:s28+$0x9800]  }
0x7f: {  	v33 =	vld [tilespmem:s28+$0x7010]  }
0x80: {  	v34 =	vld [tilespmem:s28+$0x9810]  }
0x81: {  	v35 =	vld [tilespmem:s28+$0x7020]  }
0x82: {  	v36 =	vld [tilespmem:s28+$0x9820]  }
0x83: {  	v37 =	vld [tilespmem:s28+$0x7030]  }
0x84: {  	v38 =	vld [tilespmem:s28+$0x9830]  }
0x85: {  	v39 =	vld [tilespmem:s28+$0x7040]  }
0x86: {  	v40 =	vld [tilespmem:s28+$0x9840]  }
0x87: {  	v41 =	vld [tilespmem:s28+$0x7050]  }
0x88: {  	v42 =	vld [tilespmem:s28+$0x9850]  }
0x89: {  	v8 =	vld [tilespmem:s28+$0x7060]  }
0x8a: {  	v9 =	vld [tilespmem:s28+$0x9860]  }
0x8b: {  	v43 =	vld [tilespmem:s28+$0x6F80]  }
0x8c: {  	v44 =	vld [tilespmem:s28+$0x9780]  }
0x8d: {  	v45 =	vld [tilespmem:s28+$0x6F90]  }
0x8e: {  	v46 =	vld [tilespmem:s28+$0x9790]  }
0x8f: {  	v47 =	vld [tilespmem:s28+$0x6FA0]  }
0x90: {  	v48 =	vld [tilespmem:s28+$0x97A0]  }
0x91: {  	v49 =	vld [tilespmem:s28+$0x6FB0]  }
0x92: {  	v50 =	vld [tilespmem:s28+$0x97B0]  }
0x93: {  	v22 =	vld [tilespmem:s28+$0x6FC0]  }
0x94: {  	v25 =	vld [tilespmem:s28+$0x97C0]  }
0x95: {  	v18 =	vld [tilespmem:s28+$0x6FD0]  }
0x96: {  	v24 =	vld [tilespmem:s28+$0x97D0]  }
0x97: {  	v14 =	vld [tilespmem:s28+$0x6FE0]  }
0x98: {  	v15 =	vld [tilespmem:s28+$0x97E0]  }
0x99: {  	v51 =	vld [tilespmem:s28+$0x6F00]  }
0x9a: {  	v52 =	vld [tilespmem:s28+$0x9700]  }
0x9b: {  	v53 =	vld [tilespmem:s28+$0x6F10]  }
0x9c: {  	v54 =	vld [tilespmem:s28+$0x9710]  }
0x9d: {  	v23 =	vmul.f32 v23, v21;
	v20 =	vmul.f32 v20, v27;
	v55 =	vld [tilespmem:s28+$0x6F20]  }
0x9e: {  	v21 =	vmul.f32 v17, v16;
	v19 =	vmul.f32 v13, v12;
	v56 =	vld [tilespmem:s28+$0x9720]  }
0x9f: {  	v13 =	vmul.f32 v28, v26;
	v12 =	vmul.f32 v30, v29;
	v57 =	vld [tilespmem:s28+$0x6F30]  }
0xa0: {  	v29 =	vmul.f32 v32, v31;
	v27 =	vmul.f32 v34, v33;
	v58 =	vld [tilespmem:s28+$0x9730]  }
0xa1: {  	v28 =	vmul.f32 v36, v35;
	v26 =	vmul.f32 v38, v37;
	v30 =	vld [tilespmem:s28+$0x6F40]  }
0xa2: {  	v17 =	vmul.f32 v40, v39;
	v16 =	vmul.f32 v42, v41;
	v32 =	vld [tilespmem:s28+$0x9740]  }
.Ltmp0:
0xa3: {  	v38 =	vmul.f32 v44, v43;
	v37 =	vmul.f32 v46, v45;
	v31 =	vld [tilespmem:s28+$0x6F50];
	(pc) =	sbr.rel @p0 .LBB2_3-.Ltmp0, $4  }
0xa4: {  	v35 =	vmul.f32 v52, v51;
	v36 =	vmul.f32 v54, v53;
	v34 =	vld [tilespmem:s28+$0x9750]  }
0xa5: {  	v42 =	vmul.f32 v56, v55;
	v44 =	vmul.f32 v58, v57;
	v33 =	vld [tilespmem:s28+$0x6F60]  }
0xa6: {  	v39 =	vmul.f32 v48, v47;
	v41 =	vadd.f32 v35, v10;
	v40 =	vadd.f32 v36, v11;
	v35 =	vld [tilespmem:s28+$0x9760]  }
0xa7: {  	s8 =	sadd.s32 $0x800, s8;
	v43 =	vadd.f32 v42, v6;
	v42 =	vadd.f32 v44, v7;
	v36 =	vld [tilespmem:s28+$0x6F70];
	v44 =	vmul.f32 v50, v49  }
0xa8: {  	v6 =	vld [tilespmem:s28+$0x9770];
	_ =	sdelay $0x4  }
0xa9: {  	[tilespmem:$0x1FEB0] =	vst v6;
	v6 =	vld [tilespmem:s28+$0x6FF0];
	_ =	sdelay $0x4  }
0xaa: {  	[tilespmem:$0x1FEC0] =	vst v6;
	v6 =	vld [tilespmem:s28+$0x97F0];
	_ =	sdelay $0x4  }
0xab: {  	[tilespmem:$0x1FED0] =	vst v6;
	v6 =	vld [tilespmem:s28+$0x7070];
	_ =	sdelay $0x4  }
0xac: {  	[tilespmem:$0x1FEE0] =	vst v6;
	v6 =	vld [tilespmem:s28+$0x9870];
	_ =	sdelay $0x4  }
0xad: {  	[tilespmem:$0x1FEF0] =	vst v6;
	v6 =	vld [tilespmem:s28+$0x70F0];
	_ =	sdelay $0x1  }
0xae: {  	p0 =	seq.s32 s20, $0x27  }
0xaf: {  	s8 =	smul.u32 @!p0 $0x500, s20;
	_ =	sdelay $0x1  }
0xb0: {  	s23 =	sshra.s32 @!p0 s8, $0x2;
	[tilespmem:$0x1FF00] =	vst v6;
	v6 =	vld [tilespmem:s28+$0x98F0]  }
0xb1: {  	s9 =	simm.s32 @!p0 $0x50;
	s8 =	sadd.s32 @!p0 $0x140, s23;
	s28 =	simm.s32 @!p0 $0x7000  }
0xb2: {  	[tilespmem:s28], [sflag:$0x1] =	stream.indirect.gather @!p0 [hbm4b:s1+s9], $0x80, s8, s9, $0xb8;
	[tilespmem:$0x1BC00] =	vst v63  }
0xb3: {  	s8 =	sadd.s32 @!p0 $0x3340, s23;
	s28 =	simm.s32 @!p0 $0x9800  }
0xb4: {  	[tilespmem:s28], [sflag:$0x2] =	stream.indirect.gather @!p0 [hbm4b:s2+s9], $0x80, s8, s9, $0xb8;
	[tilespmem:$0x1BC00] =	vst v63  }
0xb5: {  	[tilespmem:$0x1FF10] =	vst v6  }
0xb6: {  	_ =	swait.ge [sflag:s0], $0x2800  }
0xb7: {  	[sflag:s0] =	ssyncset.done $0x0  }
0xb8: {  	[sflag:s0] =	ssyncadd.s32 $0xFFFFD800  }
0xb9: {  	_ =	swait.ge [sflag:s14], $0x2800  }
0xba: {  	v14 =	vmul.f32 v15, v14;
	v15 =	vld [tilespmem:$0x1FEC0]  }
0xbb: {  	v8 =	vmul.f32 v9, v8;
	v9 =	vld [tilespmem:$0x1FEE0]  }
0xbc: {  	v39 =	vadd.f32 v39, v43;
	v43 =	vmul.f32 v5, v4;
	[sflag:s14] =	ssyncset.done $0x0;
	v4 =	vld [tilespmem:$0x1FF00]  }
0xbd: {  	s28 =	simm.s32 $0x0;
	v5 =	vld [tilespmem:$0x1FF10];
	[sflag:s14] =	ssyncadd.s32 $0xFFFFD800  }
0xbe: {  	v6 =	vld [tilespmem:s28+$0xC180]  }
0xbf: {  	v55 =	vld [tilespmem:s28+$0xE990]  }
0xc0: {  	v59 =	vld [tilespmem:s28+$0xE9B0]  }
0xc1: {  	v62 =	vld [tilespmem:s28+$0xC1D0]  }
0xc2: {  	v63 =	vld [tilespmem:s28+$0xE9D0]  }
0xc3: {  	v7 =	vld [tilespmem:s28+$0xE9E0]  }
0xc4: {  	v57 =	vld [tilespmem:s28+$0xC100]  }
0xc5: {  	v52 =	vld [tilespmem:s28+$0xE900]  }
0xc6: {  	v51 =	vld [tilespmem:s28+$0xC110]  }
0xc7: {  	v48 =	vld [tilespmem:s28+$0xE910]  }
0xc8: {  	v10 =	vld [tilespmem:s28+$0xC120]  }
0xc9: {  	v54 =	vld [tilespmem:s28+$0xE920]  }
0xca: {  	v56 =	vld [tilespmem:s28+$0xC130]  }
0xcb: {  	v53 =	vld [tilespmem:s28+$0xE930]  }
0xcc: {  	v58 =	vld [tilespmem:s28+$0xE940]  }
0xcd: {  	v60 =	vld [tilespmem:s28+$0xC150]  }
0xce: {  	v49 =	vld [tilespmem:s28+$0xE950]  }
0xcf: {  	v11 =	vld [tilespmem:s28+$0xE960]  }
0xd0: {  	v50 =	vld [tilespmem:s28+$0xC080]  }
0xd1: {  	v61 =	vld [tilespmem:s28+$0xC0A0]  }
0xd2: {  	v46 =	vld [tilespmem:s28+$0xE880]  }
0xd3: {  	v47 =	vld [tilespmem:s28+$0xC090]  }
0xd4: {  	v45 =	vld [tilespmem:s28+$0xE890]  }
0xd5: {  	v42 =	vadd.f32 v44, v42;
	[tilespmem:$0x1FF20] =	vst v6;
	v6 =	vld [tilespmem:s28+$0xE980]  }
0xd6: {  	[tilespmem:$0x1FFC0] =	vst v61;
	v61 =	vld [tilespmem:s28+$0xE8A0]  }
0xd7: {  	v37 =	vadd.f32 v37, v40;
	v40 =	vmul.f32 v25, v22;
	v26 =	vadd.f32 v26, v42;
	v22 =	vld [tilespmem:s28+$0xC0C0]  }
0xd8: {  	v25 =	vld [tilespmem:s28+$0xE8C0]  }
0xd9: {  	v42 =	vadd.f32 v19, v26;
	v19 =	vld [tilespmem:s28+$0xE8E0]  }
0xda: {  	[tilespmem:$0x1FF30] =	vst v6;
	v6 =	vld [tilespmem:s28+$0xC190]  }
0xdb: {  	[tilespmem:$0x1FFD0] =	vst v61;
	v61 =	vld [tilespmem:s28+$0xC0B0]  }
0xdc: {  	[tilespmem:$0x1FFA0] =	vst v10;
	v10 =	vld [tilespmem:s28+$0xC140]  }
0xdd: {  	v44 =	vmul.f32 v5, v4;
	v4 =	vld [tilespmem:$0x1FF20]  }
0xde: {  	v5 =	vld [tilespmem:$0x1FF30]  }
0xdf: {  	[tilespmem:$0x1FF40] =	vst v6;
	v6 =	vld [tilespmem:s28+$0xC1A0]  }
0xe0: {  	[tilespmem:$0x1FFE0] =	vst v61;
	v61 =	vld [tilespmem:s28+$0xE8B0]  }
0xe1: {  	v27 =	vadd.f32 v27, v37;
	v28 =	vadd.f32 v28, v39;
	v37 =	vld [tilespmem:s28+$0xC000]  }
0xe2: {  	[tilespmem:$0x1FFB0] =	vst v10;
	v10 =	vld [tilespmem:s28+$0xC160]  }
0xe3: {  	v38 =	vadd.f32 v38, v41;
	v41 =	vadd.f32 v21, v28;
	v21 =	vmul.f32 v5, v4;
	v4 =	vld [tilespmem:$0x1FF40]  }
0xe4: {  	[tilespmem:$0x1FF50] =	vst v6;
	v6 =	vld [tilespmem:s28+$0xE9A0]  }
0xe5: {  	[tilespmem:$0x1FFF0] =	vst v61;
	v61 =	vmul.f32 v24, v18;
	v24 =	vld [tilespmem:s28+$0xC0D0]  }
0xe6: {  	v18 =	vadd.f32 v29, v38;
	v38 =	vadd.f32 v20, v27;
	v20 =	vld [tilespmem:$0x1FEB0]  }
0xe7: {  	v29 =	vmul.f32 v32, v30;
	v30 =	vmul.f32 v34, v31;
	v34 =	vld [tilespmem:s28+$0xE800]  }
0xe8: {  	v31 =	vmul.f32 v35, v33;
	v33 =	vld [tilespmem:s28+$0xE810]  }
0xe9: {  	v32 =	vld [tilespmem:s28+$0xE840]  }
0xea: {  	v26 =	vmul.f32 v55, v4;
	v55 =	vld [tilespmem:s28+$0xC020]  }
0xeb: {  	[tilespmem:$0x1FF60] =	vst v6;
	v6 =	vld [tilespmem:s28+$0xC1B0];
	v20 =	vmul.f32 v20, v36  }
0xec: {  	v4 =	vld [tilespmem:$0x1FF50]  }
0xed: {  	v0 =	vadd.f32 v20, v0;
	v20 =	vld [tilespmem:$0x1FED0]  }
0xee: {  	v39 =	vadd.f32 v23, v18;
	v23 =	vld [tilespmem:s28+$0xE8D0]  }
0xef: {  	v18 =	vld [tilespmem:s28+$0xC0E0]  }
0xf0: {  	[tilespmem:$0x1FF70] =	vst v6;
	v6 =	vld [tilespmem:s28+$0xC1C0]  }
0xf1: {  	v5 =	vld [tilespmem:$0x1FF60]  }
0xf2: {  	v15 =	vmul.f32 v20, v15;
	v20 =	vld [tilespmem:$0x1FEF0]  }
0xf3: {  	v2 =	vadd.f32 v30, v2;
	v30 =	vld [tilespmem:s28+$0xC040]  }
0xf4: {  	v3 =	vadd.f32 v29, v3;
	v1 =	vadd.f32 v31, v1;
	v31 =	vld [tilespmem:s28+$0xC050]  }
0xf5: {  	[tilespmem:$0x1FF80] =	vst v6;
	v6 =	vld [tilespmem:s28+$0xE9C0]  }
0xf6: {  	v3 =	vadd.f32 v40, v3;
	v40 =	vld [tilespmem:s28+$0xC010]  }
0xf7: {  	v1 =	vadd.f32 v14, v1;
	v9 =	vmul.f32 v20, v9;
	v20 =	vmul.f32 v5, v4;
	v4 =	vld [tilespmem:$0x1FF70]  }
0xf8: {  	v2 =	vadd.f32 v61, v2;
	v61 =	vld [tilespmem:s28+$0xC030];
	v0 =	vadd.f32 v15, v0  }
0xf9: {  	v3 =	vadd.f32 v17, v3;
	v1 =	vadd.f32 v8, v1;
	v8 =	vld [tilespmem:s28+$0xE830]  }
0xfa: {  	v9 =	vadd.f32 v9, v0;
	v0 =	vld [tilespmem:$0x1FFA0];
	[tilespmem:$0x1FF90] =	vst v6  }
0xfb: {  	v3 =	vadd.f32 v13, v3;
	v13 =	vmul.f32 v33, v40;
	v5 =	vld [tilespmem:$0x1FF90]  }
0xfc: {  	v17 =	vmul.f32 v59, v4;
	v4 =	vld [tilespmem:$0x1FF80]  }
0xfd: {  	v38 =	vadd.f32 v13, v38;
	v13 =	vld [tilespmem:$0x1FFC0]  }
0xfe: {  	v8 =	vmul.f32 v8, v61;
	v61 =	vld [tilespmem:$0x1FFD0]  }
0xff: {  	v2 =	vadd.f32 v16, v2;
	v16 =	vmul.f32 v54, v0;
	v0 =	vld [tilespmem:$0x1FFB0]  }
0x100: {  	v28 =	vmul.f32 v52, v57;
	v59 =	vld [tilespmem:s28+$0xE820]  }
0x101: {  	v5 =	vmul.f32 v5, v4;
	v4 =	vmul.f32 v63, v62;
	v62 =	vld [tilespmem:$0x1FFE0]  }
0x102: {  	v27 =	vmul.f32 v53, v56;
	v2 =	vadd.f32 v12, v2;
	v12 =	vmul.f32 v34, v37;
	v63 =	vld [tilespmem:$0x1FFF0]  }
0x103: {  	v35 =	vmul.f32 v46, v50;
	v29 =	vmul.f32 v48, v51;
	v34 =	vld [tilespmem:s28+$0xE850]  }
0x104: {  	v14 =	vmul.f32 v49, v60;
	v33 =	vld [tilespmem:s28+$0xC060];
	v37 =	vadd.f32 v12, v39;
	v15 =	vmul.f32 v58, v0  }
0x105: {  	v12 =	vld [tilespmem:s28+$0xE860];
	v0 =	vadd.f32 v43, v1;
	v1 =	vadd.f32 v44, v9;
	v9 =	vmul.f32 v59, v55  }
0x106: {  	v36 =	vmul.f32 v45, v47;
	v13 =	vmul.f32 v61, v13;
	v6 =	vld [tilespmem:s28+$0xC1E0]  }
0x107: {  	s8 =	sor.u32 $0x1, s25;
	s9 =	simm.s32 $0x800;
	v39 =	vadd.f32 v9, v41;
	v9 =	vadd.f32 v8, v42;
	v8 =	vld [tilespmem:s28+$0xC070];
	v40 =	vmul.f32 v63, v62  }
.LBB2_5:
0x108: {  	p1 =	sne.s32 s9, $0x9800;
	v41 =	vld [tilespmem:s28+$0xE870];
	v35 =	vadd.f32 v35, v37;
	v36 =	vadd.f32 v36, v38;
	v22 =	vmul.f32 v25, v22  }
0x109: {  	v23 =	vmul.f32 v23, v24;
	v13 =	vadd.f32 v13, v39;
	v9 =	vadd.f32 v40, v9;
	v24 =	vld [tilespmem:s28+$0xC0F0]  }
0x10a: {  	v25 =	vmul.f32 v32, v30;
	v30 =	vld [tilespmem:s28+$0xE8F0];
	v28 =	vadd.f32 v28, v35;
	v29 =	vadd.f32 v29, v36  }
0x10b: {  	v31 =	vmul.f32 v34, v31;
	v16 =	vadd.f32 v16, v13;
	v9 =	vadd.f32 v27, v9;
	v27 =	vld [tilespmem:s28+$0xC170]  }
0x10c: {  	v32 =	vmul.f32 v12, v33;
	v33 =	vld [tilespmem:s28+$0xE970];
	v12 =	vadd.f32 v21, v28;
	v13 =	vadd.f32 v26, v29  }
0x10d: {  	v21 =	vmul.f32 v41, v8;
	v8 =	vadd.f32 v20, v16;
	v9 =	vadd.f32 v17, v9;
	v16 =	vld [tilespmem:s28+$0xC1F0]  }
0x10e: {  	v3 =	vadd.f32 v25, v3;
	v2 =	vadd.f32 v31, v2;
	v17 =	vmul.f32 v19, v18;
	v18 =	vld [tilespmem:s28+$0xE9F0];
	s28 =	sshra.s32 s9, $0x2  }
0x10f: {  	v0 =	vadd.f32 v32, v0;
	v20 =	vld [tilespmem:s28+$0xC180];
	v1 =	vadd.f32 v21, v1;
	v19 =	vmul.f32 v30, v24  }
0x110: {  	v10 =	vmul.f32 v11, v10;
	v3 =	vadd.f32 v22, v3;
	v2 =	vadd.f32 v23, v2;
	v21 =	vld [tilespmem:s28+$0xE980]  }
0x111: {  	v0 =	vadd.f32 v17, v0;
	v26 =	vld [tilespmem:s28+$0xC190];
	v1 =	vadd.f32 v19, v1;
	v11 =	vmul.f32 v33, v27  }
0x112: {  	v6 =	vmul.f32 v7, v6;
	v3 =	vadd.f32 v15, v3;
	v2 =	vadd.f32 v14, v2;
	v17 =	vld [tilespmem:s28+$0xE990]  }
0x113: {  	v0 =	vadd.f32 v10, v0;
	v14 =	vld [tilespmem:s28+$0xC1A0];
	v1 =	vadd.f32 v11, v1;
	v7 =	vmul.f32 v18, v16  }
0x114: {  	v3 =	vadd.f32 v5, v3;
	v2 =	vadd.f32 v4, v2;
	v15 =	vld [tilespmem:s28+$0xE9A0]  }
0x115: {  	v0 =	vadd.f32 v6, v0;
	v4 =	vld [tilespmem:s28+$0xC1B0];
	v1 =	vadd.f32 v7, v1  }
0x116: {  	v5 =	vld [tilespmem:s28+$0xE9B0]  }
0x117: {  	v16 =	vld [tilespmem:s28+$0xC1C0]  }
0x118: {  	v27 =	vld [tilespmem:s28+$0xE9C0]  }
0x119: {  	v28 =	vld [tilespmem:s28+$0xC1D0]  }
0x11a: {  	v29 =	vld [tilespmem:s28+$0xE9D0]  }
0x11b: {  	v6 =	vld [tilespmem:s28+$0xC1E0]  }
0x11c: {  	v7 =	vld [tilespmem:s28+$0xE9E0]  }
0x11d: {  	v30 =	vld [tilespmem:s28+$0xC100]  }
0x11e: {  	v31 =	vld [tilespmem:s28+$0xE900]  }
0x11f: {  	v32 =	vld [tilespmem:s28+$0xC110]  }
0x120: {  	v33 =	vld [tilespmem:s28+$0xE910]  }
0x121: {  	v34 =	vld [tilespmem:s28+$0xC120]  }
0x122: {  	v35 =	vld [tilespmem:s28+$0xE920]  }
0x123: {  	v36 =	vld [tilespmem:s28+$0xC130]  }
0x124: {  	v37 =	vld [tilespmem:s28+$0xE930]  }
0x125: {  	v38 =	vld [tilespmem:s28+$0xC140]  }
0x126: {  	v39 =	vld [tilespmem:s28+$0xE940]  }
0x127: {  	v40 =	vld [tilespmem:s28+$0xC150]  }
0x128: {  	v41 =	vld [tilespmem:s28+$0xE950]  }
0x129: {  	v10 =	vld [tilespmem:s28+$0xC160]  }
0x12a: {  	v11 =	vld [tilespmem:s28+$0xE960]  }
0x12b: {  	v42 =	vld [tilespmem:s28+$0xC080]  }
0x12c: {  	v43 =	vld [tilespmem:s28+$0xE880]  }
0x12d: {  	v44 =	vld [tilespmem:s28+$0xC090]  }
0x12e: {  	v45 =	vld [tilespmem:s28+$0xE890]  }
0x12f: {  	v46 =	vld [tilespmem:s28+$0xC0A0]  }
0x130: {  	v47 =	vld [tilespmem:s28+$0xE8A0]  }
0x131: {  	v48 =	vld [tilespmem:s28+$0xC0B0]  }
0x132: {  	v49 =	vld [tilespmem:s28+$0xE8B0]  }
0x133: {  	v22 =	vld [tilespmem:s28+$0xC0C0]  }
0x134: {  	v25 =	vld [tilespmem:s28+$0xE8C0]  }
0x135: {  	v24 =	vld [tilespmem:s28+$0xC0D0]  }
0x136: {  	v23 =	vld [tilespmem:s28+$0xE8D0]  }
0x137: {  	v18 =	vld [tilespmem:s28+$0xC0E0]  }
0x138: {  	v19 =	vld [tilespmem:s28+$0xE8E0]  }
0x139: {  	v50 =	vld [tilespmem:s28+$0xC000]  }
0x13a: {  	v51 =	vld [tilespmem:s28+$0xE800]  }
0x13b: {  	v52 =	vld [tilespmem:s28+$0xC010]  }
0x13c: {  	v53 =	vld [tilespmem:s28+$0xE810]  }
0x13d: {  	v21 =	vmul.f32 v21, v20;
	v26 =	vmul.f32 v17, v26;
	v54 =	vld [tilespmem:s28+$0xC020]  }
0x13e: {  	v20 =	vmul.f32 v15, v14;
	v17 =	vmul.f32 v5, v4;
	v55 =	vld [tilespmem:s28+$0xE820]  }
0x13f: {  	v5 =	vmul.f32 v27, v16;
	v4 =	vmul.f32 v29, v28;
	v56 =	vld [tilespmem:s28+$0xC030]  }
0x140: {  	v28 =	vmul.f32 v31, v30;
	v29 =	vmul.f32 v33, v32;
	v57 =	vld [tilespmem:s28+$0xE830]  }
0x141: {  	v16 =	vmul.f32 v35, v34;
	v27 =	vmul.f32 v37, v36;
	v30 =	vld [tilespmem:s28+$0xC040]  }
0x142: {  	v15 =	vmul.f32 v39, v38;
	v14 =	vmul.f32 v41, v40;
	v32 =	vld [tilespmem:s28+$0xE840]  }
.Ltmp1:
0x143: {  	v35 =	vmul.f32 v43, v42;
	v36 =	vmul.f32 v45, v44;
	v31 =	vld [tilespmem:s28+$0xC050];
	(pc) =	sbr.rel @p1 .LBB2_5-.Ltmp1, $4  }
0x144: {  	v37 =	vmul.f32 v51, v50;
	v38 =	vmul.f32 v53, v52;
	v34 =	vld [tilespmem:s28+$0xE850]  }
0x145: {  	v39 =	vmul.f32 v55, v54;
	v40 =	vmul.f32 v57, v56;
	v33 =	vld [tilespmem:s28+$0xC060]  }
0x146: {  	v37 =	vadd.f32 v37, v12;
	v38 =	vadd.f32 v38, v13;
	v13 =	vmul.f32 v47, v46;
	v12 =	vld [tilespmem:s28+$0xE860]  }
0x147: {  	s9 =	sadd.s32 $0x800, s9;
	v39 =	vadd.f32 v39, v8;
	v9 =	vadd.f32 v40, v9;
	v8 =	vld [tilespmem:s28+$0xC070];
	v40 =	vmul.f32 v49, v48  }
0x148: {  	s8 =	smul.u32 $0xCCCCCCCD, s8  }
0x149: {  	v35 =	vadd.f32 v35, v37;
	v36 =	vadd.f32 v36, v38  }
0x14a: {  	v59 =	vld [tilespmem:s28+$0xE870];
	v22 =	vmul.f32 v25, v22;
	v13 =	vadd.f32 v13, v39;
	v9 =	vadd.f32 v40, v9;
	s8 =	sadd.s32 $0xCCCCCCCB, s8  }
0x14b: {  	v23 =	vmul.f32 v23, v24;
	v24 =	vld [tilespmem:s28+$0xC0F0];
	v25 =	vadd.f32 v28, v35;
	v28 =	vadd.f32 v29, v36;
	s9 =	sshll.u32 s8, $0x1F;
	s8 =	sshrl.u32 s8, $0x1  }
0x14c: {  	v29 =	vmul.f32 v32, v30;
	v30 =	vld [tilespmem:s28+$0xE8F0];
	v13 =	vadd.f32 v16, v13;
	v9 =	vadd.f32 v27, v9;
	s8 =	sor.u32 s9, s8  }
0x14d: {  	v16 =	vmul.f32 v34, v31;
	v27 =	vld [tilespmem:s28+$0xC170];
	v31 =	vadd.f32 v21, v25;
	v34 =	vadd.f32 v26, v28;
	p1 =	sgt.u32 s8, $0x19999998  }
0x14e: {  	v12 =	vmul.f32 v12, v33;
	v21 =	vld [tilespmem:s28+$0xE970];
	v3 =	vadd.f32 v29, v3;
	v32 =	vadd.f32 v20, v13;
	s8 =	smulhi.u32 @!p1 $0x66666667, s25  }
0x14f: {  	v8 =	vmul.f32 v59, v8;
	v17 =	vadd.f32 v17, v9;
	v9 =	vld [tilespmem:s28+$0xC1F0];
	v2 =	vadd.f32 v16, v2  }
0x150: {  	v13 =	vmul.f32 v19, v18;
	v16 =	vld [tilespmem:s28+$0xE9F0];
	v0 =	vadd.f32 v12, v0;
	v3 =	vadd.f32 v22, v3;
	s8 =	sshll.u32 @!p1 s8, $0x5  }
0x151: {  	v1 =	vadd.f32 v8, v1;
	v8 =	vmul.f32 v30, v24;
	v2 =	vadd.f32 v23, v2;
	s8 =	sand.u32 @!p1 $0x3FFFFF80, s8  }
0x152: {  	v10 =	vmul.f32 v11, v10;
	v0 =	vadd.f32 v13, v0;
	v3 =	vadd.f32 v15, v3;
	[tilespmem:s8+$0x1B000] =	vst @!p1 v31  }
0x153: {  	v1 =	vadd.f32 v8, v1;
	v8 =	vmul.f32 v21, v27;
	v2 =	vadd.f32 v14, v2;
	[tilespmem:s8+$0x1B010] =	vst @!p1 v34  }
0x154: {  	v6 =	vmul.f32 v7, v6;
	v0 =	vadd.f32 v10, v0;
	v3 =	vadd.f32 v5, v3;
	[tilespmem:s8+$0x1B020] =	vst @!p1 v32  }
0x155: {  	v5 =	vmul.f32 v16, v9;
	[tilespmem:s8+$0x1B030] =	vst @!p1 v17;
	v1 =	vadd.f32 v8, v1;
	v2 =	vadd.f32 v4, v2  }
0x156: {  	v8 =	vadd.f32 v6, v0;
	[tilespmem:s8+$0x1B040] =	vst @!p1 v3  }
0x157: {  	v4 =	vadd.f32 v5, v1;
	[tilespmem:s8+$0x1B050] =	vst @!p1 v2  }
0x158: {  	[tilespmem:s8+$0x1B060] =	vst @!p1 v8  }
0x159: {  	s9 =	simm.s32 @!p0 $0x50;
	s25 =	simm.s32 @!p0 $0xC000;
	[tilespmem:s8+$0x1B070] =	vst @!p1 v4;
	s8 =	sadd.s32 @!p0 $0x190, s23  }
0x15a: {  	[tilespmem:s25], [sflag:$0x3] =	stream.indirect.gather @!p0 [hbm4b:s1+s9], $0x80, s8, s9, $0xb8;
	[tilespmem:$0x1BC00] =	vst v63  }
0x15b: {  	s8 =	sadd.s32 @!p0 $0x3390, s23;
	s25 =	simm.s32 @!p0 $0xE800  }
0x15c: {  	[tilespmem:s25], [sflag:$0x4] =	stream.indirect.gather @!p0 [hbm4b:s2+s9], $0x80, s8, s9, $0xb8;
	[tilespmem:$0x1BC00] =	vst v63  }
0x15d: {  	_ =	swait.ge [sflag:s15], $0x2800  }
0x15e: {  	[sflag:s15] =	ssyncset.done $0x0  }
0x15f: {  	[sflag:s15] =	ssyncadd.s32 $0xFFFFD800  }
0x160: {  	_ =	swait.ge [sflag:s19], $0x2800  }
0x161: {  	[sflag:s19] =	ssyncset.done $0x0  }
0x162: {  	s25 =	simm.s32 $0x0;
	[sflag:s19] =	ssyncadd.s32 $0xFFFFD800  }
0x163: {  	v5 =	vld [tilespmem:s25+$0x11180]  }
0x164: {  	v9 =	vld [tilespmem:s25+$0x13980]  }
0x165: {  	v10 =	vld [tilespmem:s25+$0x11190]  }
0x166: {  	v11 =	vld [tilespmem:s25+$0x13990]  }
0x167: {  	v12 =	vld [tilespmem:s25+$0x111A0]  }
0x168: {  	v13 =	vld [tilespmem:s25+$0x139A0]  }
0x169: {  	v16 =	vld [tilespmem:s25+$0x111B0]  }
0x16a: {  	v20 =	vld [tilespmem:s25+$0x139B0]  }
0x16b: {  	v26 =	vld [tilespmem:s25+$0x111C0]  }
0x16c: {  	v27 =	vld [tilespmem:s25+$0x139C0]  }
0x16d: {  	v28 =	vld [tilespmem:s25+$0x111D0]  }
0x16e: {  	v29 =	vld [tilespmem:s25+$0x139D0]  }
0x16f: {  	v0 =	vld [tilespmem:s25+$0x111E0]  }
0x170: {  	v1 =	vld [tilespmem:s25+$0x139E0]  }
0x171: {  	v30 =	vld [tilespmem:s25+$0x11100]  }
0x172: {  	v33 =	vld [tilespmem:s25+$0x13900]  }
0x173: {  	v35 =	vld [tilespmem:s25+$0x11110]  }
0x174: {  	v36 =	vld [tilespmem:s25+$0x13910]  }
0x175: {  	v60 =	vld [tilespmem:s25+$0x11120]  }
0x176: {  	v61 =	vld [tilespmem:s25+$0x13920]  }
0x177: {  	v62 =	vld [tilespmem:s25+$0x11130]  }
0x178: {  	v63 =	vld [tilespmem:s25+$0x13930]  }
0x179: {  	v41 =	vld [tilespmem:s25+$0x11140]  }
0x17a: {  	v42 =	vld [tilespmem:s25+$0x13940]  }
0x17b: {  	v43 =	vld [tilespmem:s25+$0x11150]  }
0x17c: {  	v44 =	vld [tilespmem:s25+$0x13950]  }
0x17d: {  	v6 =	vld [tilespmem:s25+$0x11160]  }
0x17e: {  	v7 =	vld [tilespmem:s25+$0x13960]  }
0x17f: {  	v45 =	vld [tilespmem:s25+$0x11080]  }
0x180: {  	v46 =	vld [tilespmem:s25+$0x13880]  }
0x181: {  	v47 =	vld [tilespmem:s25+$0x11090]  }
0x182: {  	v48 =	vld [tilespmem:s25+$0x13890]  }
0x183: {  	v49 =	vld [tilespmem:s25+$0x110A0]  }
0x184: {  	v50 =	vld [tilespmem:s25+$0x138A0]  }
0x185: {  	v51 =	vld [tilespmem:s25+$0x110B0]  }
0x186: {  	v52 =	vld [tilespmem:s25+$0x138B0]  }
0x187: {  	v21 =	vld [tilespmem:s25+$0x110C0]  }
0x188: {  	v25 =	vld [tilespmem:s25+$0x138C0]  }
0x189: {  	v18 =	vld [tilespmem:s25+$0x110D0]  }
0x18a: {  	v24 =	vld [tilespmem:s25+$0x138D0]  }
0x18b: {  	v14 =	vld [tilespmem:s25+$0x110E0]  }
0x18c: {  	v15 =	vld [tilespmem:s25+$0x138E0]  }
0x18d: {  	v53 =	vld [tilespmem:s25+$0x11000]  }
0x18e: {  	v54 =	vld [tilespmem:s25+$0x13800]  }
0x18f: {  	v55 =	vld [tilespmem:s25+$0x11010]  }
0x190: {  	v56 =	vld [tilespmem:s25+$0x13810]  }
0x191: {  	v57 =	vld [tilespmem:s25+$0x11020];
	v22 =	vmul.f32 v9, v5;
	v19 =	vmul.f32 v11, v10  }
0x192: {  	v59 =	vpsel !p1, $0x0, v32;
	v10 =	vld [tilespmem:s25+$0x13820];
	v23 =	vmul.f32 v13, v12;
	v20 =	vmul.f32 v20, v16  }
0x193: {  	v5 =	vpsel !p1, $0x0, v8;
	v11 =	vld [tilespmem:s25+$0x11030];
	v13 =	vmul.f32 v27, v26;
	v12 =	vmul.f32 v29, v28  }
0x194: {  	v8 =	vpsel !p1, $0x0, v2;
	v2 =	vld [tilespmem:s25+$0x13830];
	v28 =	vmul.f32 v33, v30;
	v26 =	vmul.f32 v36, v35  }
0x195: {  	v32 =	vld [tilespmem:s25+$0x11050];
	v9 =	vpsel !p1, $0x0, v3;
	v29 =	vmul.f32 v61, v60;
	v27 =	vmul.f32 v63, v62  }
0x196: {  	v30 =	vld [tilespmem:s25+$0x11040];
	v3 =	vpsel !p1, $0x0, v17;
	v17 =	vmul.f32 v42, v41;
	v16 =	vmul.f32 v44, v43  }
0x197: {  	v4 =	vpsel !p1, $0x0, v4;
	v33 =	vld [tilespmem:s25+$0x13840];
	v38 =	vmul.f32 v46, v45;
	v37 =	vmul.f32 v48, v47  }
0x198: {  	v60 =	vpsel !p1, $0x0, v34;
	v61 =	vmul.f32 v54, v53;
	v62 =	vmul.f32 v56, v55;
	v34 =	vld [tilespmem:s25+$0x13850]  }
0x199: {  	v63 =	vpsel !p1, $0x0, v31;
	v31 =	vld [tilespmem:s25+$0x11060];
	v10 =	vmul.f32 v10, v57;
	v2 =	vmul.f32 v2, v11  }
0x19a: {  	v35 =	vld [tilespmem:s25+$0x13860];
	v39 =	vmul.f32 v50, v49;
	v41 =	vadd.f32 v61, v63;
	v40 =	vadd.f32 v62, v60  }
0x19b: {  	s8 =	simm.s32 $0x800;
	v36 =	vld [tilespmem:s25+$0x11070];
	v44 =	vmul.f32 v52, v51;
	v43 =	vadd.f32 v10, v59;
	v42 =	vadd.f32 v2, v3  }
.LBB2_7:
0x19c: {  	p1 =	sne.s32 s8, $0x9800;
	v2 =	vld [tilespmem:s25+$0x13870];
	v3 =	vadd.f32 v38, v41;
	v10 =	vadd.f32 v37, v40;
	v21 =	vmul.f32 v25, v21  }
0x19d: {  	v18 =	vmul.f32 v24, v18;
	v11 =	vadd.f32 v39, v43;
	v25 =	vadd.f32 v44, v42;
	v24 =	vld [tilespmem:s25+$0x110F0]  }
0x19e: {  	v30 =	vmul.f32 v33, v30;
	v33 =	vld [tilespmem:s25+$0x138F0];
	v3 =	vadd.f32 v28, v3;
	v26 =	vadd.f32 v26, v10  }
0x19f: {  	v28 =	vmul.f32 v34, v32;
	v29 =	vadd.f32 v29, v11;
	v25 =	vadd.f32 v27, v25;
	v27 =	vld [tilespmem:s25+$0x11170]  }
0x1a0: {  	v31 =	vmul.f32 v35, v31;
	v32 =	vld [tilespmem:s25+$0x13970];
	v10 =	vadd.f32 v22, v3;
	v11 =	vadd.f32 v19, v26  }
0x1a1: {  	v19 =	vmul.f32 v2, v36;
	v2 =	vadd.f32 v23, v29;
	v3 =	vadd.f32 v20, v25;
	v20 =	vld [tilespmem:s25+$0x111F0]  }
0x1a2: {  	v14 =	vmul.f32 v15, v14;
	v9 =	vadd.f32 v30, v9;
	v8 =	vadd.f32 v28, v8;
	v15 =	vld [tilespmem:s25+$0x139F0];
	s25 =	sshra.s32 s8, $0x2  }
0x1a3: {  	v5 =	vadd.f32 v31, v5;
	v22 =	vld [tilespmem:s25+$0x11180];
	v4 =	vadd.f32 v19, v4;
	v19 =	vmul.f32 v33, v24  }
0x1a4: {  	v6 =	vmul.f32 v7, v6;
	v9 =	vadd.f32 v21, v9;
	v8 =	vadd.f32 v18, v8;
	v23 =	vld [tilespmem:s25+$0x13980]  }
0x1a5: {  	v5 =	vadd.f32 v14, v5;
	v26 =	vld [tilespmem:s25+$0x11190];
	v4 =	vadd.f32 v19, v4;
	v7 =	vmul.f32 v32, v27  }
0x1a6: {  	v0 =	vmul.f32 v1, v0;
	v9 =	vadd.f32 v17, v9;
	v8 =	vadd.f32 v16, v8;
	v19 =	vld [tilespmem:s25+$0x13990]  }
0x1a7: {  	v1 =	vadd.f32 v6, v5;
	v16 =	vld [tilespmem:s25+$0x111A0];
	v4 =	vadd.f32 v7, v4;
	v6 =	vmul.f32 v15, v20  }
0x1a8: {  	v9 =	vadd.f32 v13, v9;
	v8 =	vadd.f32 v12, v8;
	v17 =	vld [tilespmem:s25+$0x139A0]  }
0x1a9: {  	v5 =	vadd.f32 v0, v1;
	v12 =	vld [tilespmem:s25+$0x111B0];
	v4 =	vadd.f32 v6, v4  }
0x1aa: {  	v13 =	vld [tilespmem:s25+$0x139B0]  }
0x1ab: {  	v27 =	vld [tilespmem:s25+$0x111C0]  }
0x1ac: {  	v28 =	vld [tilespmem:s25+$0x139C0]  }
0x1ad: {  	v29 =	vld [tilespmem:s25+$0x111D0]  }
0x1ae: {  	v30 =	vld [tilespmem:s25+$0x139D0]  }
0x1af: {  	v0 =	vld [tilespmem:s25+$0x111E0]  }
0x1b0: {  	v1 =	vld [tilespmem:s25+$0x139E0]  }
0x1b1: {  	v31 =	vld [tilespmem:s25+$0x11100]  }
0x1b2: {  	v32 =	vld [tilespmem:s25+$0x13900]  }
0x1b3: {  	v33 =	vld [tilespmem:s25+$0x11110]  }
0x1b4: {  	v34 =	vld [tilespmem:s25+$0x13910]  }
0x1b5: {  	v35 =	vld [tilespmem:s25+$0x11120]  }
0x1b6: {  	v36 =	vld [tilespmem:s25+$0x13920]  }
0x1b7: {  	v37 =	vld [tilespmem:s25+$0x11130]  }
0x1b8: {  	v38 =	vld [tilespmem:s25+$0x13930]  }
0x1b9: {  	v39 =	vld [tilespmem:s25+$0x11140]  }
0x1ba: {  	v40 =	vld [tilespmem:s25+$0x13940]  }
0x1bb: {  	v41 =	vld [tilespmem:s25+$0x11150]  }
0x1bc: {  	v42 =	vld [tilespmem:s25+$0x13950]  }
0x1bd: {  	v6 =	vld [tilespmem:s25+$0x11160]  }
0x1be: {  	v7 =	vld [tilespmem:s25+$0x13960]  }
0x1bf: {  	v43 =	vld [tilespmem:s25+$0x11080]  }
0x1c0: {  	v44 =	vld [tilespmem:s25+$0x13880]  }
0x1c1: {  	v45 =	vld [tilespmem:s25+$0x11090]  }
0x1c2: {  	v46 =	vld [tilespmem:s25+$0x13890]  }
0x1c3: {  	v47 =	vld [tilespmem:s25+$0x110A0]  }
0x1c4: {  	v48 =	vld [tilespmem:s25+$0x138A0]  }
0x1c5: {  	v49 =	vld [tilespmem:s25+$0x110B0]  }
0x1c6: {  	v50 =	vld [tilespmem:s25+$0x138B0]  }
0x1c7: {  	v21 =	vld [tilespmem:s25+$0x110C0]  }
0x1c8: {  	v25 =	vld [tilespmem:s25+$0x138C0]  }
0x1c9: {  	v18 =	vld [tilespmem:s25+$0x110D0]  }
0x1ca: {  	v24 =	vld [tilespmem:s25+$0x138D0]  }
0x1cb: {  	v14 =	vld [tilespmem:s25+$0x110E0]  }
0x1cc: {  	v15 =	vld [tilespmem:s25+$0x138E0]  }
0x1cd: {  	v51 =	vld [tilespmem:s25+$0x11000]  }
0x1ce: {  	v52 =	vld [tilespmem:s25+$0x13800]  }
0x1cf: {  	v53 =	vld [tilespmem:s25+$0x11010]  }
0x1d0: {  	v54 =	vld [tilespmem:s25+$0x13810]  }
0x1d1: {  	v22 =	vmul.f32 v23, v22;
	v19 =	vmul.f32 v19, v26;
	v55 =	vld [tilespmem:s25+$0x11020]  }
0x1d2: {  	v23 =	vmul.f32 v17, v16;
	v20 =	vmul.f32 v13, v12;
	v56 =	vld [tilespmem:s25+$0x13820]  }
0x1d3: {  	v13 =	vmul.f32 v28, v27;
	v12 =	vmul.f32 v30, v29;
	v57 =	vld [tilespmem:s25+$0x11030]  }
0x1d4: {  	v28 =	vmul.f32 v32, v31;
	v26 =	vmul.f32 v34, v33;
	v58 =	vld [tilespmem:s25+$0x13830]  }
0x1d5: {  	v29 =	vmul.f32 v36, v35;
	v27 =	vmul.f32 v38, v37;
	v30 =	vld [tilespmem:s25+$0x11040]  }
0x1d6: {  	v17 =	vmul.f32 v40, v39;
	v16 =	vmul.f32 v42, v41;
	v33 =	vld [tilespmem:s25+$0x13840]  }
.Ltmp2:
0x1d7: {  	v38 =	vmul.f32 v44, v43;
	v37 =	vmul.f32 v46, v45;
	v32 =	vld [tilespmem:s25+$0x11050];
	(pc) =	sbr.rel @p1 .LBB2_7-.Ltmp2, $4  }
0x1d8: {  	v35 =	vmul.f32 v52, v51;
	v36 =	vmul.f32 v54, v53;
	v34 =	vld [tilespmem:s25+$0x13850]  }
0x1d9: {  	v42 =	vmul.f32 v56, v55;
	v44 =	vmul.f32 v58, v57;
	v31 =	vld [tilespmem:s25+$0x11060]  }
0x1da: {  	v39 =	vmul.f32 v48, v47;
	v41 =	vadd.f32 v35, v10;
	v40 =	vadd.f32 v36, v11;
	v35 =	vld [tilespmem:s25+$0x13860]  }
0x1db: {  	s8 =	sadd.s32 $0x800, s8;
	v43 =	vadd.f32 v42, v2;
	v42 =	vadd.f32 v44, v3;
	v36 =	vld [tilespmem:s25+$0x11070];
	v44 =	vmul.f32 v50, v49  }
0x1dc: {  	v2 =	vld [tilespmem:s25+$0x13870];
	_ =	sdelay $0x4  }
0x1dd: {  	[tilespmem:$0x1FD70] =	vst v2;
	v2 =	vld [tilespmem:s25+$0x110F0];
	_ =	sdelay $0x4  }
0x1de: {  	[tilespmem:$0x1FD80] =	vst v2;
	v2 =	vld [tilespmem:s25+$0x138F0];
	_ =	sdelay $0x4  }
0x1df: {  	[tilespmem:$0x1FD90] =	vst v2;
	v2 =	vld [tilespmem:s25+$0x11170];
	_ =	sdelay $0x4  }
0x1e0: {  	[tilespmem:$0x1FDA0] =	vst v2;
	v2 =	vld [tilespmem:s25+$0x13970];
	_ =	sdelay $0x4  }
0x1e1: {  	[tilespmem:$0x1FDB0] =	vst v2;
	v2 =	vld [tilespmem:s25+$0x111F0];
	_ =	sdelay $0x4  }
0x1e2: {  	[tilespmem:$0x1FDC0] =	vst v2;
	v2 =	vld [tilespmem:s25+$0x139F0]  }
0x1e3: {  	s8 =	sadd.s32 @!p0 $0x1E0, s23;
	s9 =	simm.s32 @!p0 $0x50;
	s25 =	simm.s32 @!p0 $0x11000  }
0x1e4: {  	[tilespmem:s25], [sflag:$0x5] =	stream.indirect.gather @!p0 [hbm4b:s1+s9], $0x80, s8, s9, $0xb8;
	[tilespmem:$0x1BC00] =	vst v63  }
0x1e5: {  	s8 =	sadd.s32 @!p0 $0x33E0, s23;
	s23 =	simm.s32 @!p0 $0x13800  }
0x1e6: {  	[tilespmem:s23], [sflag:$0x6] =	stream.indirect.gather @!p0 [hbm4b:s2+s9], $0x80, s8, s9, $0xb8;
	[tilespmem:$0x1BC00] =	vst v63  }
0x1e7: {  	[tilespmem:$0x1FDD0] =	vst v2  }
0x1e8: {  	_ =	swait.ge [sflag:s22], $0x2800  }
0x1e9: {  	[sflag:s22] =	ssyncset.done $0x0  }
0x1ea: {  	[sflag:s22] =	ssyncadd.s32 $0xFFFFD800  }
0x1eb: {  	_ =	swait.ge [sflag:s24], $0x2800  }
0x1ec: {  	v14 =	vmul.f32 v15, v14;
	[sflag:s24] =	ssyncset.done $0x0;
	v15 =	vld [tilespmem:$0x1FD80]  }
0x1ed: {  	v1 =	vmul.f32 v1, v0;
	s23 =	simm.s32 $0x0;
	v0 =	vld [tilespmem:$0x1FDC0];
	[sflag:s24] =	ssyncadd.s32 $0xFFFFD800  }
0x1ee: {  	v2 =	vld [tilespmem:s23+$0x16180]  }
0x1ef: {  	v55 =	vld [tilespmem:s23+$0x18990]  }
0x1f0: {  	v59 =	vld [tilespmem:s23+$0x189B0]  }
0x1f1: {  	v62 =	vld [tilespmem:s23+$0x161D0]  }
0x1f2: {  	v63 =	vld [tilespmem:s23+$0x189D0]  }
0x1f3: {  	v3 =	vld [tilespmem:s23+$0x189E0]  }
0x1f4: {  	v57 =	vld [tilespmem:s23+$0x16100]  }
0x1f5: {  	v52 =	vld [tilespmem:s23+$0x18900]  }
0x1f6: {  	v51 =	vld [tilespmem:s23+$0x16110]  }
0x1f7: {  	v48 =	vld [tilespmem:s23+$0x18910]  }
0x1f8: {  	v10 =	vld [tilespmem:s23+$0x16120]  }
0x1f9: {  	v54 =	vld [tilespmem:s23+$0x18920]  }
0x1fa: {  	v56 =	vld [tilespmem:s23+$0x16130]  }
0x1fb: {  	v61 =	vld [tilespmem:s23+$0x160A0]  }
0x1fc: {  	v53 =	vld [tilespmem:s23+$0x18930]  }
0x1fd: {  	v58 =	vld [tilespmem:s23+$0x18940]  }
0x1fe: {  	v60 =	vld [tilespmem:s23+$0x16150]  }
0x1ff: {  	v49 =	vld [tilespmem:s23+$0x18950]  }
0x200: {  	[tilespmem:$0x1FE80] =	vst v61;
	v61 =	vld [tilespmem:s23+$0x188A0]  }
0x201: {  	[tilespmem:$0x1FDE0] =	vst v2;
	v2 =	vld [tilespmem:s23+$0x18980]  }
0x202: {  	v11 =	vld [tilespmem:s23+$0x18960]  }
0x203: {  	v50 =	vld [tilespmem:s23+$0x16080]  }
0x204: {  	v46 =	vld [tilespmem:s23+$0x18880]  }
0x205: {  	[tilespmem:$0x1FE90] =	vst v61;
	v61 =	vld [tilespmem:s23+$0x160B0]  }
0x206: {  	v37 =	vadd.f32 v37, v40;
	[tilespmem:$0x1FDF0] =	vst v2;
	v2 =	vld [tilespmem:s23+$0x16190]  }
0x207: {  	v47 =	vld [tilespmem:s23+$0x16090]  }
0x208: {  	v38 =	vadd.f32 v38, v41;
	v26 =	vadd.f32 v26, v37;
	v45 =	vld [tilespmem:s23+$0x18890]  }
0x209: {  	v41 =	vld [tilespmem:s23+$0x188B0]  }
0x20a: {  	[tilespmem:$0x1FEA0] =	vst v61;
	v61 =	vmul.f32 v24, v18;
	v18 =	vadd.f32 v28, v38;
	v38 =	vadd.f32 v19, v26;
	v19 =	vld [tilespmem:$0x1FD70]  }
0x20b: {  	[tilespmem:$0x1FE00] =	vst v2;
	v2 =	vld [tilespmem:s23+$0x161A0]  }
0x20c: {  	v26 =	vmul.f32 v7, v6;
	v6 =	vld [tilespmem:$0x1FDA0]  }
0x20d: {  	v7 =	vld [tilespmem:$0x1FDB0]  }
0x20e: {  	v40 =	vmul.f32 v25, v21;
	v42 =	vadd.f32 v44, v42;
	v21 =	vld [tilespmem:s23+$0x160C0]  }
0x20f: {  	v25 =	vld [tilespmem:s23+$0x188C0];
	v19 =	vmul.f32 v19, v36  }
0x210: {  	v27 =	vadd.f32 v27, v42;
	v28 =	vmul.f32 v33, v30;
	[tilespmem:$0x1FE10] =	vst v2;
	v2 =	vld [tilespmem:s23+$0x189A0]  }
0x211: {  	v4 =	vadd.f32 v19, v4;
	v19 =	vld [tilespmem:$0x1FD90]  }
0x212: {  	v42 =	vadd.f32 v20, v27;
	v20 =	vadd.f32 v28, v9;
	v28 =	vmul.f32 v7, v6;
	v6 =	vld [tilespmem:$0x1FDD0]  }
0x213: {  	v39 =	vadd.f32 v39, v43;
	v31 =	vmul.f32 v35, v31;
	v43 =	vld [tilespmem:s23+$0x18810]  }
0x214: {  	v44 =	vld [tilespmem:s23+$0x16020]  }
0x215: {  	v5 =	vadd.f32 v31, v5;
	[tilespmem:$0x1FE60] =	vst v10;
	v10 =	vld [tilespmem:s23+$0x16140]  }
0x216: {  	[tilespmem:$0x1FE20] =	vst v2;
	v2 =	vld [tilespmem:s23+$0x161B0];
	v15 =	vmul.f32 v19, v15  }
0x217: {  	v5 =	vadd.f32 v14, v5;
	v14 =	vmul.f32 v6, v0;
	v6 =	vld [tilespmem:$0x1FDF0]  }
0x218: {  	v0 =	vadd.f32 v15, v4;
	v4 =	vld [tilespmem:$0x1FDE0]  }
0x219: {  	v31 =	vld [tilespmem:s23+$0x16050]  }
0x21a: {  	[tilespmem:$0x1FE70] =	vst v10;
	v10 =	vld [tilespmem:s23+$0x16160]  }
0x21b: {  	v7 =	vld [tilespmem:$0x1FE20]  }
0x21c: {  	[tilespmem:$0x1FE30] =	vst v2;
	v2 =	vld [tilespmem:s23+$0x161C0]  }
0x21d: {  	v19 =	vmul.f32 v6, v4;
	v4 =	vld [tilespmem:$0x1FE00]  }
0x21e: {  	v6 =	vld [tilespmem:$0x1FE10]  }
0x21f: {  	v29 =	vadd.f32 v29, v39;
	v24 =	vld [tilespmem:s23+$0x160D0]  }
0x220: {  	v33 =	vld [tilespmem:s23+$0x16000]  }
0x221: {  	v39 =	vadd.f32 v23, v29;
	v23 =	vadd.f32 v40, v20;
	[tilespmem:$0x1FE40] =	vst v2;
	v2 =	vld [tilespmem:s23+$0x189C0]  }
0x222: {  	v30 =	vmul.f32 v34, v32;
	v34 =	vld [tilespmem:s23+$0x18800]  }
0x223: {  	v20 =	vmul.f32 v55, v4;
	v4 =	vadd.f32 v17, v23;
	v17 =	vmul.f32 v7, v6;
	v6 =	vld [tilespmem:$0x1FE30]  }
0x224: {  	v32 =	vld [tilespmem:s23+$0x18840]  }
0x225: {  	v5 =	vadd.f32 v26, v5;
	v26 =	vmul.f32 v52, v57;
	v57 =	vadd.f32 v28, v0;
	v0 =	vld [tilespmem:$0x1FE60]  }
0x226: {  	v37 =	vadd.f32 v22, v18;
	v22 =	vld [tilespmem:s23+$0x188D0];
	[tilespmem:$0x1FE50] =	vst v2  }
0x227: {  	v7 =	vld [tilespmem:$0x1FE50]  }
0x228: {  	v23 =	vmul.f32 v59, v6;
	v6 =	vld [tilespmem:$0x1FE40]  }
0x229: {  	v18 =	vld [tilespmem:s23+$0x160E0];
	v8 =	vadd.f32 v30, v8  }
0x22a: {  	v28 =	vmul.f32 v54, v0;
	v0 =	vadd.f32 v13, v4;
	v4 =	vld [tilespmem:$0x1FE70]  }
0x22b: {  	v8 =	vadd.f32 v61, v8;
	v40 =	vld [tilespmem:s23+$0x16010]  }
0x22c: {  	v9 =	vld [tilespmem:s23+$0x188E0]  }
0x22d: {  	v8 =	vadd.f32 v16, v8;
	v6 =	vmul.f32 v7, v6;
	v7 =	vmul.f32 v63, v62;
	v62 =	vld [tilespmem:s23+$0x16030]  }
0x22e: {  	v63 =	vld [tilespmem:s23+$0x18830]  }
0x22f: {  	v30 =	vld [tilespmem:s23+$0x16040];
	v15 =	vmul.f32 v58, v4;
	v4 =	vadd.f32 v12, v8;
	v8 =	vmul.f32 v34, v33  }
0x230: {  	v61 =	vld [tilespmem:s23+$0x18820];
	v12 =	vmul.f32 v43, v40  }
0x231: {  	v37 =	vadd.f32 v8, v37;
	v8 =	vld [tilespmem:$0x1FE80]  }
0x232: {  	v38 =	vadd.f32 v12, v38;
	v12 =	vld [tilespmem:$0x1FE90]  }
0x233: {  	v62 =	vmul.f32 v63, v62;
	v63 =	vld [tilespmem:$0x1FEA0]  }
0x234: {  	v27 =	vmul.f32 v48, v51;
	v2 =	vld [tilespmem:s23+$0x161E0]  }
0x235: {  	v29 =	vmul.f32 v53, v56;
	v61 =	vmul.f32 v61, v44;
	v13 =	vld [tilespmem:s23+$0x18860]  }
0x236: {  	v35 =	vmul.f32 v46, v50;
	v1 =	vadd.f32 v1, v5;
	v36 =	vmul.f32 v45, v47;
	v34 =	vld [tilespmem:s23+$0x18850]  }
0x237: {  	v16 =	vmul.f32 v49, v60;
	v39 =	vadd.f32 v61, v39;
	v5 =	vadd.f32 v14, v57;
	v33 =	vld [tilespmem:s23+$0x16060]  }
0x238: {  	s8 =	simm.s32 $0x800;
	v14 =	vmul.f32 v12, v8;
	v8 =	vld [tilespmem:s23+$0x16070];
	v12 =	vadd.f32 v62, v42;
	v40 =	vmul.f32 v41, v63  }
.LBB2_9:
0x239: {  	p0 =	sne.s32 s8, $0x9800;
	v41 =	vld [tilespmem:s23+$0x18870];
	v35 =	vadd.f32 v35, v37;
	v36 =	vadd.f32 v36, v38;
	v21 =	vmul.f32 v25, v21  }
0x23a: {  	v22 =	vmul.f32 v22, v24;
	v14 =	vadd.f32 v14, v39;
	v12 =	vadd.f32 v40, v12;
	v24 =	vld [tilespmem:s23+$0x160F0]  }
0x23b: {  	v25 =	vmul.f32 v32, v30;
	v30 =	vld [tilespmem:s23+$0x188F0];
	v26 =	vadd.f32 v26, v35;
	v27 =	vadd.f32 v27, v36  }
0x23c: {  	v31 =	vmul.f32 v34, v31;
	v28 =	vadd.f32 v28, v14;
	v12 =	vadd.f32 v29, v12;
	v29 =	vld [tilespmem:s23+$0x16170]  }
0x23d: {  	v32 =	vmul.f32 v13, v33;
	v33 =	vld [tilespmem:s23+$0x18970];
	v13 =	vadd.f32 v19, v26;
	v14 =	vadd.f32 v20, v27  }
0x23e: {  	v19 =	vmul.f32 v41, v8;
	v8 =	vadd.f32 v17, v28;
	v12 =	vadd.f32 v23, v12;
	v17 =	vld [tilespmem:s23+$0x161F0]  }
0x23f: {  	v9 =	vmul.f32 v9, v18;
	v0 =	vadd.f32 v25, v0;
	v4 =	vadd.f32 v31, v4;
	v18 =	vld [tilespmem:s23+$0x189F0];
	s23 =	sshra.s32 s8, $0x2  }
0x240: {  	v1 =	vadd.f32 v32, v1;
	v20 =	vld [tilespmem:s23+$0x16180];
	v5 =	vadd.f32 v19, v5;
	v19 =	vmul.f32 v30, v24  }
0x241: {  	v10 =	vmul.f32 v11, v10;
	v0 =	vadd.f32 v21, v0;
	v4 =	vadd.f32 v22, v4;
	v23 =	vld [tilespmem:s23+$0x18980]  }
0x242: {  	v1 =	vadd.f32 v9, v1;
	v26 =	vld [tilespmem:s23+$0x16190];
	v5 =	vadd.f32 v19, v5;
	v9 =	vmul.f32 v33, v29  }
0x243: {  	v2 =	vmul.f32 v3, v2;
	v0 =	vadd.f32 v15, v0;
	v4 =	vadd.f32 v16, v4;
	v27 =	vld [tilespmem:s23+$0x18990]  }
0x244: {  	v1 =	vadd.f32 v10, v1;
	v15 =	vld [tilespmem:s23+$0x161A0];
	v3 =	vadd.f32 v9, v5;
	v5 =	vmul.f32 v18, v17  }
0x245: {  	v0 =	vadd.f32 v6, v0;
	v4 =	vadd.f32 v7, v4;
	v16 =	vld [tilespmem:s23+$0x189A0]  }
0x246: {  	v1 =	vadd.f32 v2, v1;
	v6 =	vld [tilespmem:s23+$0x161B0];
	v5 =	vadd.f32 v5, v3  }
0x247: {  	v7 =	vld [tilespmem:s23+$0x189B0]  }
0x248: {  	v28 =	vld [tilespmem:s23+$0x161C0]  }
0x249: {  	v29 =	vld [tilespmem:s23+$0x189C0]  }
0x24a: {  	v30 =	vld [tilespmem:s23+$0x161D0]  }
0x24b: {  	v31 =	vld [tilespmem:s23+$0x189D0]  }
0x24c: {  	v2 =	vld [tilespmem:s23+$0x161E0]  }
0x24d: {  	v3 =	vld [tilespmem:s23+$0x189E0]  }
0x24e: {  	v32 =	vld [tilespmem:s23+$0x16100]  }
0x24f: {  	v33 =	vld [tilespmem:s23+$0x18900]  }
0x250: {  	v34 =	vld [tilespmem:s23+$0x16110]  }
0x251: {  	v35 =	vld [tilespmem:s23+$0x18910]  }
0x252: {  	v36 =	vld [tilespmem:s23+$0x16120]  }
0x253: {  	v37 =	vld [tilespmem:s23+$0x18920]  }
0x254: {  	v38 =	vld [tilespmem:s23+$0x16130]  }
0x255: {  	v39 =	vld [tilespmem:s23+$0x18930]  }
0x256: {  	v40 =	vld [tilespmem:s23+$0x16140]  }
0x257: {  	v41 =	vld [tilespmem:s23+$0x18940]  }
0x258: {  	v42 =	vld [tilespmem:s23+$0x16150]  }
0x259: {  	v43 =	vld [tilespmem:s23+$0x18950]  }
0x25a: {  	v10 =	vld [tilespmem:s23+$0x16160]  }
0x25b: {  	v11 =	vld [tilespmem:s23+$0x18960]  }
0x25c: {  	v44 =	vld [tilespmem:s23+$0x16080]  }
0x25d: {  	v45 =	vld [tilespmem:s23+$0x18880]  }
0x25e: {  	v46 =	vld [tilespmem:s23+$0x16090]  }
0x25f: {  	v47 =	vld [tilespmem:s23+$0x18890]  }
0x260: {  	v48 =	vld [tilespmem:s23+$0x160A0]  }
0x261: {  	v49 =	vld [tilespmem:s23+$0x188A0]  }
0x262: {  	v50 =	vld [tilespmem:s23+$0x160B0]  }
0x263: {  	v51 =	vld [tilespmem:s23+$0x188B0]  }
0x264: {  	v21 =	vld [tilespmem:s23+$0x160C0]  }
0x265: {  	v25 =	vld [tilespmem:s23+$0x188C0]  }
0x266: {  	v24 =	vld [tilespmem:s23+$0x160D0]  }
0x267: {  	v22 =	vld [tilespmem:s23+$0x188D0]  }
0x268: {  	v18 =	vld [tilespmem:s23+$0x160E0]  }
0x269: {  	v9 =	vld [tilespmem:s23+$0x188E0]  }
0x26a: {  	v52 =	vld [tilespmem:s23+$0x16000]  }
0x26b: {  	v53 =	vld [tilespmem:s23+$0x18800]  }
0x26c: {  	v54 =	vld [tilespmem:s23+$0x16010]  }
0x26d: {  	v55 =	vld [tilespmem:s23+$0x18810]  }
0x26e: {  	v19 =	vmul.f32 v23, v20;
	v20 =	vmul.f32 v27, v26;
	v56 =	vld [tilespmem:s23+$0x16020]  }
0x26f: {  	v17 =	vmul.f32 v16, v15;
	v23 =	vmul.f32 v7, v6;
	v57 =	vld [tilespmem:s23+$0x18820]  }
0x270: {  	v6 =	vmul.f32 v29, v28;
	v7 =	vmul.f32 v31, v30;
	v58 =	vld [tilespmem:s23+$0x16030]  }
0x271: {  	v26 =	vmul.f32 v33, v32;
	v27 =	vmul.f32 v35, v34;
	v59 =	vld [tilespmem:s23+$0x18830]  }
0x272: {  	v28 =	vmul.f32 v37, v36;
	v29 =	vmul.f32 v39, v38;
	v30 =	vld [tilespmem:s23+$0x16040]  }
0x273: {  	v15 =	vmul.f32 v41, v40;
	v16 =	vmul.f32 v43, v42;
	v32 =	vld [tilespmem:s23+$0x18840]  }
.Ltmp3:
0x274: {  	v35 =	vmul.f32 v45, v44;
	v36 =	vmul.f32 v47, v46;
	v31 =	vld [tilespmem:s23+$0x16050];
	(pc) =	sbr.rel @p0 .LBB2_9-.Ltmp3, $4  }
0x275: {  	v37 =	vmul.f32 v53, v52;
	v38 =	vmul.f32 v55, v54;
	v34 =	vld [tilespmem:s23+$0x18850]  }
0x276: {  	v39 =	vmul.f32 v57, v56;
	v40 =	vmul.f32 v59, v58;
	v33 =	vld [tilespmem:s23+$0x16060]  }
0x277: {  	v37 =	vadd.f32 v37, v13;
	v38 =	vadd.f32 v38, v14;
	v14 =	vmul.f32 v49, v48;
	v13 =	vld [tilespmem:s23+$0x18860]  }
0x278: {  	s8 =	sadd.s32 $0x800, s8;
	v39 =	vadd.f32 v39, v8;
	v12 =	vadd.f32 v40, v12;
	v8 =	vld [tilespmem:s23+$0x16070];
	v40 =	vmul.f32 v51, v50  }
0x279: {  	s8 =	smul.u32 $0xCCCCCCCD, s21  }
0x27a: {  	v35 =	vadd.f32 v35, v37;
	v36 =	vadd.f32 v36, v38  }
0x27b: {  	v41 =	vld [tilespmem:s23+$0x18870];
	v58 =	vmul.f32 v32, v30;
	v14 =	vadd.f32 v14, v39;
	v12 =	vadd.f32 v40, v12;
	s8 =	sadd.s32 $0xCCCCCCCB, s8  }
0x27c: {  	v57 =	vld [tilespmem:s23+$0x160F0];
	v31 =	vmul.f32 v34, v31;
	v26 =	vadd.f32 v26, v35;
	v27 =	vadd.f32 v27, v36;
	s9 =	sshll.u32 s8, $0x1F;
	s8 =	sshrl.u32 s8, $0x1  }
0x27d: {  	v21 =	vmul.f32 v25, v21;
	v59 =	vld [tilespmem:s23+$0x188F0];
	v0 =	vadd.f32 v58, v0;
	v14 =	vadd.f32 v28, v14;
	s8 =	sor.u32 s9, s8  }
0x27e: {  	v22 =	vmul.f32 v22, v24;
	v60 =	vld [tilespmem:s23+$0x16170];
	v12 =	vadd.f32 v29, v12;
	v4 =	vadd.f32 v31, v4;
	p0 =	sgt.u32 s8, $0x19999998  }
0x27f: {  	v61 =	vld [tilespmem:s23+$0x18970];
	v13 =	vmul.f32 v13, v33;
	v19 =	vadd.f32 v19, v26;
	v20 =	vadd.f32 v20, v27;
	s8 =	smulhi.u32 @!p0 $0x66666667, s21  }
0x280: {  	v62 =	vld [tilespmem:s23+$0x161F0];
	v0 =	vadd.f32 v21, v0;
	v8 =	vmul.f32 v41, v8;
	v14 =	vadd.f32 v17, v14  }
0x281: {  	v9 =	vmul.f32 v9, v18;
	v63 =	vld [tilespmem:s23+$0x189F0];
	v12 =	vadd.f32 v23, v12;
	v1 =	vadd.f32 v13, v1;
	s8 =	sshll.u32 @!p0 s8, $0x5  }
0x282: {  	v4 =	vadd.f32 v22, v4;
	v5 =	vadd.f32 v8, v5;
	v8 =	vmul.f32 v59, v57;
	s8 =	sand.u32 @!p0 $0x3FFFFF80, s8  }
0x283: {  	v10 =	vmul.f32 v11, v10;
	v0 =	vadd.f32 v15, v0;
	v1 =	vadd.f32 v9, v1;
	[tilespmem:s8+$0x1B000] =	vst @!p0 v19  }
0x284: {  	s20 =	sadd.s32 $0x1, s20;
	v4 =	vadd.f32 v16, v4;
	v5 =	vadd.f32 v8, v5;
	v8 =	vmul.f32 v61, v60;
	[tilespmem:s8+$0x1B010] =	vst @!p0 v20  }
0x285: {  	v2 =	vmul.f32 v3, v2;
	p1 =	sne.s32 s20, $0x28;
	v6 =	vadd.f32 v6, v0;
	v1 =	vadd.f32 v10, v1;
	[tilespmem:s8+$0x1B020] =	vst @!p0 v14  }
.Ltmp4:
0x286: {  	v4 =	vadd.f32 v7, v4;
	[tilespmem:s8+$0x1B030] =	vst @!p0 v12;
	v3 =	vadd.f32 v8, v5;
	v5 =	vmul.f32 v63, v62;
	(pc) =	sbr.rel @p1 .LBB2_2-.Ltmp4, $4  }
0x287: {  	[tilespmem:s8+$0x1B040] =	vst @!p0 v6;
	v2 =	vadd.f32 v2, v1  }
0x288: {  	v11 =	vpsel !p0, $0x0, v19;
	v7 =	vpsel !p0, $0x0, v14;
	[tilespmem:s8+$0x1B050] =	vst @!p0 v4;
	v5 =	vadd.f32 v5, v3  }
0x289: {  	v10 =	vpsel !p0, $0x0, v20;
	v1 =	vpsel !p0, $0x0, v2;
	[tilespmem:s8+$0x1B060] =	vst @!p0 v2;
	v2 =	vpsel !p0, $0x0, v4  }
0x28a: {  	v3 =	vpsel !p0, $0x0, v6;
	v6 =	vpsel !p0, $0x0, v12;
	v0 =	vpsel !p0, $0x0, v5;
	[tilespmem:s8+$0x1B070] =	vst @!p0 v5  }
0x28b: {  	s20 =	simm.s32 $0x0;
	s8 =	rddreg [dreg:$0x8];
	s9 =	simm.s32 $0x1B000  }
0x28c: {  	[hbm4b:s8+s20] =	stream.linear.scatter [tilespmem:s9], [sflag:$0x9], $0x800, $0x38;
	[tilespmem:$0x1BC00] =	vst v63  }
0x28d: {  	_ =	swait.ge [sflag:s16], $0x800  }
0x28e: {  	[sflag:s16] =	ssyncset.done $0x0  }
0x28f: {  	s21 =	simm.s32 $0x7000;
	s23 =	simm.s32 $0x6400;
	[sflag:s16] =	ssyncadd.s32 $0xFFFFF800  }
0x290: {  	[tilespmem:s21], [sflag:$0x1] =	stream.indirect.gather [hbm4b:s3+s26], $0x80, s23, s26, $0xb8;
	[tilespmem:$0x1BC00] =	vst v63  }
0x291: {  	s25 =	simm.s32 $0x9800;
	s28 =	simm.s32 $0x6440  }
0x292: {  	[tilespmem:s25], [sflag:$0x2] =	stream.indirect.gather [hbm4b:s3+s26], $0x80, s28, s26, $0xb8;
	[tilespmem:$0x1BC00] =	vst v63  }
0x293: {  	v0 =	vimm.f32 $0.0e+00;
	v1 =	vimm.f32 $0.0e+00;
	v2 =	vimm.f32 $0.0e+00;
	s21 =	simm.s32 $0xC000;
	s23 =	simm.s32 $0x6800  }
0x294: {  	v3 =	vimm.f32 $0.0e+00;
	v14 =	vimm.f32 $0.0e+00;
	v17 =	vimm.f32 $0.0e+00;
	[tilespmem:s21], [sflag:$0x3] =	stream.indirect.gather [hbm4b:s5+s26], $0x80, s23, s26, $0xb8;
	[tilespmem:$0x1BC00] =	vst v63  }
0x295: {  	v18 =	vimm.f32 $0.0e+00;
	v19 =	vimm.f32 $0.0e+00;
	v8 =	vimm.f32 $0.0e+00;
	s25 =	simm.s32 $0xE800;
	s28 =	simm.s32 $0x6840  }
0x296: {  	v9 =	vimm.f32 $0.0e+00;
	v10 =	vimm.f32 $0.0e+00;
	v11 =	vimm.f32 $0.0e+00;
	[tilespmem:s25], [sflag:$0x4] =	stream.indirect.gather [hbm4b:s5+s26], $0x80, s28, s26, $0xb8;
	[tilespmem:$0x1BC00] =	vst v63  }
0x297: {  	v20 =	vimm.f32 $0.0e+00;
	v21 =	vimm.f32 $0.0e+00;
	v22 =	vimm.f32 $0.0e+00;
	s21 =	simm.s32 $0x11000;
	s23 =	simm.s32 $0x6C00  }
0x298: {  	v23 =	vimm.f32 $0.0e+00;
	v4 =	vimm.f32 $0.0e+00;
	v5 =	vimm.f32 $0.0e+00;
	[tilespmem:s21], [sflag:$0x5] =	stream.indirect.gather [hbm4b:s6+s26], $0x80, s23, s26, $0xb8;
	[tilespmem:$0x1BC00] =	vst v63  }
0x299: {  	v6 =	vimm.f32 $0.0e+00;
	v7 =	vimm.f32 $0.0e+00;
	v13 =	vimm.f32 $0.0e+00;
	s25 =	simm.s32 $0x13800;
	s28 =	simm.s32 $0x6C40  }
0x29a: {  	v12 =	vimm.f32 $0.0e+00;
	v15 =	vimm.f32 $0.0e+00;
	v16 =	vimm.f32 $0.0e+00;
	[tilespmem:s25], [sflag:$0x6] =	stream.indirect.gather [hbm4b:s6+s26], $0x80, s28, s26, $0xb8;
	[tilespmem:$0x1BC00] =	vst v63  }
.LBB2_12:
0x29b: {  	_ =	swait.ge [sflag:s31], $0x2000  }
0x29c: {  	[sflag:s31] =	ssyncset.done $0x0  }
0x29d: {  	s9 =	simm.s32 $0x0;
	[sflag:s31] =	ssyncadd.s32 $0xFFFFE000  }
0x29e: {  	v30 =	vld [tilespmem:s9+$0x7180]  }
0x29f: {  	v32 =	vld [tilespmem:s9+$0x7190]  }
0x2a0: {  	v33 =	vld [tilespmem:s9+$0x71A0]  }
0x2a1: {  	v34 =	vld [tilespmem:s9+$0x71B0]  }
0x2a2: {  	v25 =	vld [tilespmem:s9+$0x71C0]  }
0x2a3: {  	v27 =	vld [tilespmem:s9+$0x71D0]  }
0x2a4: {  	v37 =	vld [tilespmem:s9+$0x7100]  }
0x2a5: {  	v39 =	vld [tilespmem:s9+$0x7110]  }
0x2a6: {  	v31 =	vld [tilespmem:s9+$0x7120]  }
0x2a7: {  	v38 =	vld [tilespmem:s9+$0x7130]  }
0x2a8: {  	v28 =	vld [tilespmem:s9+$0x7140]  }
0x2a9: {  	v29 =	vld [tilespmem:s9+$0x7150]  }
0x2aa: {  	v24 =	vld [tilespmem:s9+$0x7080]  }
0x2ab: {  	v26 =	vld [tilespmem:s9+$0x7090]  }
0x2ac: {  	v35 =	vld [tilespmem:s9+$0x7000]  }
0x2ad: {  	v36 =	vld [tilespmem:s9+$0x7010]  }
0x2ae: {  	v41 =	vld [tilespmem:s9+$0x7020]  }
0x2af: {  	v43 =	vld [tilespmem:s9+$0x7030]  }
0x2b0: {  	v48 =	vld [tilespmem:s9+$0x70A0]  }
0x2b1: {  	v49 =	vld [tilespmem:s9+$0x70B0]  }
0x2b2: {  	v40 =	vld [tilespmem:s9+$0x70C0]  }
0x2b3: {  	v42 =	vld [tilespmem:s9+$0x70D0];
	v16 =	vadd.f32 v35, v16;
	v15 =	vadd.f32 v36, v15  }
0x2b4: {  	v44 =	vld [tilespmem:s9+$0x7050];
	v12 =	vadd.f32 v41, v12;
	v13 =	vadd.f32 v43, v13  }
0x2b5: {  	v45 =	vld [tilespmem:s9+$0x7060];
	v46 =	vadd.f32 v24, v16;
	v47 =	vadd.f32 v26, v15  }
0x2b6: {  	s8 =	simm.s32 $0x800;
	v43 =	vld [tilespmem:s9+$0x7040];
	v48 =	vadd.f32 v48, v12;
	v49 =	vadd.f32 v49, v13  }
.LBB2_13:
0x2b7: {  	p0 =	sne.s32 s8, $0x7800;
	v12 =	vld [tilespmem:s9+$0x7070];
	v13 =	vadd.f32 v37, v46;
	v15 =	vadd.f32 v39, v47  }
0x2b8: {  	v16 =	vld [tilespmem:s9+$0x70E0];
	v24 =	vadd.f32 v31, v48;
	v26 =	vadd.f32 v38, v49  }
0x2b9: {  	v31 =	vld [tilespmem:s9+$0x70F0];
	v13 =	vadd.f32 v30, v13;
	v15 =	vadd.f32 v32, v15  }
0x2ba: {  	v35 =	vld [tilespmem:s9+$0x7160];
	v24 =	vadd.f32 v33, v24;
	v26 =	vadd.f32 v34, v26  }
0x2bb: {  	v7 =	vadd.f32 v43, v7;
	v6 =	vadd.f32 v44, v6;
	v34 =	vld [tilespmem:s9+$0x7170]  }
0x2bc: {  	v5 =	vadd.f32 v45, v5;
	v4 =	vadd.f32 v12, v4;
	v12 =	vld [tilespmem:s9+$0x71E0]  }
0x2bd: {  	v7 =	vadd.f32 v40, v7;
	v6 =	vadd.f32 v42, v6;
	v36 =	vld [tilespmem:s9+$0x71F0];
	s9 =	sshra.s32 s8, $0x2  }
0x2be: {  	v5 =	vadd.f32 v16, v5;
	v30 =	vld [tilespmem:s9+$0x7180];
	v4 =	vadd.f32 v31, v4  }
0x2bf: {  	v7 =	vadd.f32 v28, v7;
	v6 =	vadd.f32 v29, v6;
	v32 =	vld [tilespmem:s9+$0x7190]  }
0x2c0: {  	v5 =	vadd.f32 v35, v5;
	v33 =	vld [tilespmem:s9+$0x71A0];
	v4 =	vadd.f32 v34, v4  }
0x2c1: {  	v7 =	vadd.f32 v25, v7;
	v6 =	vadd.f32 v27, v6;
	v34 =	vld [tilespmem:s9+$0x71B0]  }
0x2c2: {  	v5 =	vadd.f32 v12, v5;
	v25 =	vld [tilespmem:s9+$0x71C0];
	v4 =	vadd.f32 v36, v4  }
0x2c3: {  	v27 =	vld [tilespmem:s9+$0x71D0]  }
0x2c4: {  	v37 =	vld [tilespmem:s9+$0x7100]  }
0x2c5: {  	v39 =	vld [tilespmem:s9+$0x7110]  }
0x2c6: {  	v31 =	vld [tilespmem:s9+$0x7120]  }
0x2c7: {  	v38 =	vld [tilespmem:s9+$0x7130]  }
0x2c8: {  	v28 =	vld [tilespmem:s9+$0x7140]  }
0x2c9: {  	v29 =	vld [tilespmem:s9+$0x7150]  }
0x2ca: {  	v12 =	vld [tilespmem:s9+$0x7080]  }
0x2cb: {  	v16 =	vld [tilespmem:s9+$0x7090]  }
0x2cc: {  	v35 =	vld [tilespmem:s9+$0x7000]  }
0x2cd: {  	v36 =	vld [tilespmem:s9+$0x7010]  }
0x2ce: {  	v41 =	vld [tilespmem:s9+$0x7020]  }
0x2cf: {  	v43 =	vld [tilespmem:s9+$0x7030]  }
0x2d0: {  	v48 =	vld [tilespmem:s9+$0x70A0]  }
0x2d1: {  	v49 =	vld [tilespmem:s9+$0x70B0]  }
.Ltmp5:
0x2d2: {  	v40 =	vld [tilespmem:s9+$0x70C0];
	(pc) =	sbr.rel @p0 .LBB2_13-.Ltmp5, $4  }
0x2d3: {  	v13 =	vadd.f32 v35, v13;
	v15 =	vadd.f32 v36, v15;
	v42 =	vld [tilespmem:s9+$0x70D0]  }
0x2d4: {  	v24 =	vadd.f32 v41, v24;
	v26 =	vadd.f32 v43, v26;
	v43 =	vld [tilespmem:s9+$0x7040]  }
0x2d5: {  	v46 =	vadd.f32 v12, v13;
	v47 =	vadd.f32 v16, v15;
	v44 =	vld [tilespmem:s9+$0x7050]  }
0x2d6: {  	s8 =	sadd.s32 $0x800, s8;
	v48 =	vadd.f32 v48, v24;
	v45 =	vld [tilespmem:s9+$0x7060];
	v49 =	vadd.f32 v49, v26  }
0x2d7: {  	v50 =	vld [tilespmem:s9+$0x7070]  }
0x2d8: {  	v51 =	vld [tilespmem:s9+$0x70E0]  }
0x2d9: {  	v52 =	vld [tilespmem:s9+$0x70F0];
	s8 =	sshll.u32 s20, $0x1  }
0x2da: {  	v53 =	vld [tilespmem:s9+$0x7160];
	p0 =	seq.s32 s20, $0x7;
	s21 =	sadd.s32 $0x2, s8  }
0x2db: {  	v54 =	vld [tilespmem:s9+$0x7170];
	s21 =	sshll.u32 @!p0 s21, $0x6  }
0x2dc: {  	v55 =	vld [tilespmem:s9+$0x71E0];
	s21 =	sand.u32 @!p0 $0x3FFFFFC0, s21  }
0x2dd: {  	v56 =	vld [tilespmem:s9+$0x71F0];
	s23 =	simm.s32 @!p0 $0x40;
	s25 =	simm.s32 @!p0 $0x7000;
	s9 =	sadd.s32 @!p0 $0x6400, s21  }
0x2de: {  	[tilespmem:s25], [sflag:$0x1] =	stream.indirect.gather @!p0 [hbm4b:s3+s23], $0x80, s9, s23, $0xb8;
	[tilespmem:$0x1BC00] =	vst v63  }
0x2df: {  	_ =	swait.ge [sflag:s4], $0x2000  }
0x2e0: {  	[sflag:s4] =	ssyncset.done $0x0  }
0x2e1: {  	s9 =	simm.s32 $0x0;
	[sflag:s4] =	ssyncadd.s32 $0xFFFFE000  }
0x2e2: {  	v12 =	vld [tilespmem:s9+$0x9980]  }
0x2e3: {  	v13 =	vld [tilespmem:s9+$0x9990]  }
0x2e4: {  	v35 =	vld [tilespmem:s9+$0x99A0]  }
0x2e5: {  	v36 =	vld [tilespmem:s9+$0x99B0]  }
0x2e6: {  	v24 =	vld [tilespmem:s9+$0x99C0]  }
0x2e7: {  	v26 =	vld [tilespmem:s9+$0x99D0]  }
0x2e8: {  	v16 =	vld [tilespmem:s9+$0x9900]  }
0x2e9: {  	v41 =	vld [tilespmem:s9+$0x9910]  }
0x2ea: {  	v15 =	vld [tilespmem:s9+$0x9920]  }
0x2eb: {  	v46 =	vadd.f32 v37, v46;
	v39 =	vadd.f32 v39, v47;
	v37 =	vld [tilespmem:s9+$0x9930]  }
0x2ec: {  	v63 =	vadd.f32 v31, v48;
	v38 =	vadd.f32 v38, v49;
	v31 =	vld [tilespmem:s9+$0x9940]  }
0x2ed: {  	v46 =	vadd.f32 v30, v46;
	v32 =	vadd.f32 v32, v39;
	v30 =	vld [tilespmem:s9+$0x9950]  }
0x2ee: {  	v7 =	vadd.f32 v43, v7;
	v33 =	vadd.f32 v33, v63;
	v48 =	vld [tilespmem:s9+$0x9880]  }
0x2ef: {  	v34 =	vadd.f32 v34, v38;
	v6 =	vadd.f32 v44, v6;
	v49 =	vld [tilespmem:s9+$0x9890]  }
0x2f0: {  	v5 =	vadd.f32 v45, v5;
	v4 =	vadd.f32 v50, v4;
	v50 =	vld [tilespmem:s9+$0x9800]  }
0x2f1: {  	v7 =	vadd.f32 v40, v7;
	v6 =	vadd.f32 v42, v6;
	v57 =	vld [tilespmem:s9+$0x9810]  }
0x2f2: {  	v5 =	vadd.f32 v51, v5;
	v4 =	vadd.f32 v52, v4;
	v58 =	vld [tilespmem:s9+$0x9820]  }
0x2f3: {  	v7 =	vadd.f32 v28, v7;
	v28 =	vadd.f32 v29, v6;
	v29 =	vld [tilespmem:s9+$0x9830]  }
0x2f4: {  	v5 =	vadd.f32 v53, v5;
	v59 =	vadd.f32 v54, v4;
	v60 =	vld [tilespmem:s9+$0x98A0]  }
0x2f5: {  	v6 =	vadd.f32 v25, v7;
	v7 =	vadd.f32 v27, v28;
	v61 =	vld [tilespmem:s9+$0x98B0]  }
0x2f6: {  	v25 =	vld [tilespmem:s9+$0x98C0];
	v4 =	vadd.f32 v55, v5;
	v5 =	vadd.f32 v56, v59  }
0x2f7: {  	v27 =	vld [tilespmem:s9+$0x98D0];
	v43 =	vadd.f32 v50, v46;
	v32 =	vadd.f32 v57, v32  }
0x2f8: {  	v28 =	vld [tilespmem:s9+$0x9840];
	v62 =	vadd.f32 v58, v33;
	v63 =	vadd.f32 v29, v34  }
0x2f9: {  	v29 =	vld [tilespmem:s9+$0x9850];
	v33 =	vadd.f32 v48, v43;
	v34 =	vadd.f32 v49, v32  }
0x2fa: {  	s23 =	simm.s32 $0x800;
	v32 =	vld [tilespmem:s9+$0x9860];
	v38 =	vadd.f32 v60, v62;
	v39 =	vadd.f32 v61, v63  }
.LBB2_15:
0x2fb: {  	p1 =	sne.s32 s23, $0x7800;
	v40 =	vld [tilespmem:s9+$0x9870];
	v16 =	vadd.f32 v16, v33;
	v33 =	vadd.f32 v41, v34  }
0x2fc: {  	v34 =	vld [tilespmem:s9+$0x98E0];
	v15 =	vadd.f32 v15, v38;
	v37 =	vadd.f32 v37, v39  }
0x2fd: {  	v38 =	vld [tilespmem:s9+$0x98F0];
	v39 =	vadd.f32 v12, v16;
	v33 =	vadd.f32 v13, v33  }
0x2fe: {  	v16 =	vld [tilespmem:s9+$0x9960];
	v42 =	vadd.f32 v35, v15;
	v43 =	vadd.f32 v36, v37  }
0x2ff: {  	v6 =	vadd.f32 v28, v6;
	v7 =	vadd.f32 v29, v7;
	v15 =	vld [tilespmem:s9+$0x9970]  }
0x300: {  	v4 =	vadd.f32 v32, v4;
	v5 =	vadd.f32 v40, v5;
	v28 =	vld [tilespmem:s9+$0x99E0]  }
0x301: {  	v6 =	vadd.f32 v25, v6;
	v7 =	vadd.f32 v27, v7;
	v25 =	vld [tilespmem:s9+$0x99F0];
	s9 =	sshra.s32 s23, $0x2  }
0x302: {  	v4 =	vadd.f32 v34, v4;
	v12 =	vld [tilespmem:s9+$0x9980];
	v5 =	vadd.f32 v38, v5  }
0x303: {  	v6 =	vadd.f32 v31, v6;
	v7 =	vadd.f32 v30, v7;
	v13 =	vld [tilespmem:s9+$0x9990]  }
0x304: {  	v4 =	vadd.f32 v16, v4;
	v35 =	vld [tilespmem:s9+$0x99A0];
	v5 =	vadd.f32 v15, v5  }
0x305: {  	v6 =	vadd.f32 v24, v6;
	v7 =	vadd.f32 v26, v7;
	v36 =	vld [tilespmem:s9+$0x99B0]  }
0x306: {  	v4 =	vadd.f32 v28, v4;
	v24 =	vld [tilespmem:s9+$0x99C0];
	v5 =	vadd.f32 v25, v5  }
0x307: {  	v26 =	vld [tilespmem:s9+$0x99D0]  }
0x308: {  	v16 =	vld [tilespmem:s9+$0x9900]  }
0x309: {  	v41 =	vld [tilespmem:s9+$0x9910]  }
0x30a: {  	v15 =	vld [tilespmem:s9+$0x9920]  }
0x30b: {  	v37 =	vld [tilespmem:s9+$0x9930]  }
0x30c: {  	v31 =	vld [tilespmem:s9+$0x9940]  }
0x30d: {  	v30 =	vld [tilespmem:s9+$0x9950]  }
0x30e: {  	v32 =	vld [tilespmem:s9+$0x9880]  }
0x30f: {  	v34 =	vld [tilespmem:s9+$0x9890]  }
0x310: {  	v27 =	vld [tilespmem:s9+$0x9800]  }
0x311: {  	v28 =	vld [tilespmem:s9+$0x9810]  }
0x312: {  	v29 =	vld [tilespmem:s9+$0x9820]  }
0x313: {  	v38 =	vld [tilespmem:s9+$0x9830]  }
0x314: {  	v40 =	vld [tilespmem:s9+$0x98A0]  }
0x315: {  	v44 =	vld [tilespmem:s9+$0x98B0]  }
.Ltmp6:
0x316: {  	v25 =	vld [tilespmem:s9+$0x98C0];
	(pc) =	sbr.rel @p1 .LBB2_15-.Ltmp6, $4  }
0x317: {  	v39 =	vadd.f32 v27, v39;
	v45 =	vadd.f32 v28, v33;
	v27 =	vld [tilespmem:s9+$0x98D0]  }
0x318: {  	v42 =	vadd.f32 v29, v42;
	v43 =	vadd.f32 v38, v43;
	v28 =	vld [tilespmem:s9+$0x9840]  }
0x319: {  	v33 =	vadd.f32 v32, v39;
	v34 =	vadd.f32 v34, v45;
	v29 =	vld [tilespmem:s9+$0x9850]  }
0x31a: {  	s23 =	sadd.s32 $0x800, s23;
	v38 =	vadd.f32 v40, v42;
	v32 =	vld [tilespmem:s9+$0x9860];
	v39 =	vadd.f32 v44, v43  }
0x31b: {  	v40 =	vld [tilespmem:s9+$0x9870]  }
0x31c: {  	v58 =	vld [tilespmem:s9+$0x98E0]  }
0x31d: {  	v59 =	vld [tilespmem:s9+$0x98F0]  }
0x31e: {  	v60 =	vld [tilespmem:s9+$0x9960];
	s8 =	sadd.s32 $0x3, s8  }
0x31f: {  	v16 =	vadd.f32 v16, v33;
	v57 =	vadd.f32 v41, v34;
	v61 =	vld [tilespmem:s9+$0x9970];
	s8 =	sshll.u32 @!p0 s8, $0x6  }
0x320: {  	v62 =	vld [tilespmem:s9+$0x99E0];
	v38 =	vadd.f32 v15, v38;
	v37 =	vadd.f32 v37, v39;
	s23 =	sand.u32 @!p0 $0x3FFFFFC0, s8  }
0x321: {  	v63 =	vld [tilespmem:s9+$0x99F0];
	s9 =	simm.s32 @!p0 $0x40;
	s25 =	simm.s32 @!p0 $0x9800;
	v16 =	vadd.f32 v12, v16;
	v15 =	vadd.f32 v13, v57;
	s8 =	sadd.s32 @!p0 $0x6400, s23  }
0x322: {  	v6 =	vadd.f32 v28, v6;
	v12 =	vadd.f32 v35, v38;
	[tilespmem:s25], [sflag:$0x2] =	stream.indirect.gather @!p0 [hbm4b:s3+s9], $0x80, s8, s9, $0xb8;
	[tilespmem:$0x1BC00] =	vst v63  }
0x323: {  	v13 =	vadd.f32 v36, v37;
	v7 =	vadd.f32 v29, v7;
	s8 =	sand.u32 @!p0 $0x3, s20  }
0x324: {  	v4 =	vadd.f32 v32, v4;
	v5 =	vadd.f32 v40, v5;
	p1 =	sne.s32 @!p0 s8, $0x3  }
0x325: {  	v6 =	vadd.f32 v25, v6;
	v7 =	vadd.f32 v27, v7;
	p2 =	por p0, !p1  }
.Ltmp7:
0x326: {  	v4 =	vadd.f32 v58, v4;
	v5 =	vadd.f32 v59, v5;
	(pc) =	sbr.rel @!p2 .LBB2_18-.Ltmp7, $4  }
0x327: {  	v6 =	vadd.f32 v31, v6;
	v27 =	vadd.f32 v30, v7  }
0x328: {  	v4 =	vadd.f32 v60, v4;
	v28 =	vadd.f32 v61, v5  }
0x329: {  	v7 =	vadd.f32 v24, v6;
	v6 =	vadd.f32 v26, v27  }
0x32a: {  	p1 =	por @!p0 $0x0, $0x0;
	v5 =	vadd.f32 v62, v4;
	v4 =	vadd.f32 v63, v28  }
0x32b: {  	s8 =	sshll.u32 s20, $0x5  }
0x32c: {  	s8 =	sand.u32 $0x80, s8  }
0x32d: {  	[tilespmem:s8+$0x1B800] =	vst v16  }
0x32e: {  	[tilespmem:s8+$0x1B810] =	vst v15  }
0x32f: {  	[tilespmem:s8+$0x1B830] =	vst v13  }
0x330: {  	[tilespmem:s8+$0x1B840] =	vst v7  }
0x331: {  	[tilespmem:s8+$0x1B860] =	vst v5  }
0x332: {  	[tilespmem:s8+$0x1B870] =	vst v4;
	v4 =	vimm.f32 $0.0e+00;
	v5 =	vimm.f32 $0.0e+00  }
0x333: {  	[tilespmem:s8+$0x1B850] =	vst v6;
	v6 =	vimm.f32 $0.0e+00;
	v7 =	vimm.f32 $0.0e+00;
	v13 =	vimm.f32 $0.0e+00  }
0x334: {  	p1 =	por $0x1, $0x1;
	[tilespmem:s8+$0x1B820] =	vst v12;
	v12 =	vimm.f32 $0.0e+00;
	v15 =	vimm.f32 $0.0e+00;
	v16 =	vimm.f32 $0.0e+00  }
.LBB2_18:
0x335: {  	_ =	swait.ge [sflag:s0], $0x2000  }
0x336: {  	[sflag:s0] =	ssyncset.done $0x0  }
0x337: {  	s8 =	simm.s32 $0x0;
	[sflag:s0] =	ssyncadd.s32 $0xFFFFE000  }
0x338: {  	v29 =	vld [tilespmem:s8+$0xC180]  }
0x339: {  	v32 =	vld [tilespmem:s8+$0xC190]  }
0x33a: {  	v33 =	vld [tilespmem:s8+$0xC1A0]  }
0x33b: {  	v34 =	vld [tilespmem:s8+$0xC1B0]  }
0x33c: {  	v24 =	vld [tilespmem:s8+$0xC1C0]  }
0x33d: {  	v25 =	vld [tilespmem:s8+$0xC1D0]  }
0x33e: {  	v39 =	vld [tilespmem:s8+$0xC100]  }
0x33f: {  	v41 =	vld [tilespmem:s8+$0xC110]  }
0x340: {  	v38 =	vld [tilespmem:s8+$0xC120]  }
0x341: {  	v40 =	vld [tilespmem:s8+$0xC130]  }
0x342: {  	v26 =	vld [tilespmem:s8+$0xC140]  }
0x343: {  	v27 =	vld [tilespmem:s8+$0xC150]  }
0x344: {  	v28 =	vld [tilespmem:s8+$0xC080]  }
0x345: {  	v30 =	vld [tilespmem:s8+$0xC090]  }
0x346: {  	v31 =	vld [tilespmem:s8+$0xC000]  }
0x347: {  	v35 =	vld [tilespmem:s8+$0xC010]  }
0x348: {  	v36 =	vld [tilespmem:s8+$0xC020]  }
0x349: {  	v37 =	vld [tilespmem:s8+$0xC030]  }
0x34a: {  	v48 =	vld [tilespmem:s8+$0xC0A0]  }
0x34b: {  	v49 =	vld [tilespmem:s8+$0xC0B0]  }
0x34c: {  	v42 =	vld [tilespmem:s8+$0xC0C0]  }
0x34d: {  	v43 =	vld [tilespmem:s8+$0xC0D0];
	v23 =	vadd.f32 v31, v23;
	v22 =	vadd.f32 v35, v22  }
0x34e: {  	v44 =	vld [tilespmem:s8+$0xC040];
	v21 =	vadd.f32 v36, v21;
	v20 =	vadd.f32 v37, v20  }
0x34f: {  	v45 =	vld [tilespmem:s8+$0xC050];
	v23 =	vadd.f32 v28, v23;
	v47 =	vadd.f32 v30, v22  }
0x350: {  	s9 =	simm.s32 $0x800;
	v46 =	vld [tilespmem:s8+$0xC060];
	v48 =	vadd.f32 v48, v21;
	v49 =	vadd.f32 v49, v20  }
.LBB2_19:
0x351: {  	p2 =	sne.s32 s9, $0x7800;
	v20 =	vld [tilespmem:s8+$0xC070];
	v21 =	vadd.f32 v39, v23;
	v22 =	vadd.f32 v41, v47  }
0x352: {  	v23 =	vld [tilespmem:s8+$0xC0E0];
	v28 =	vadd.f32 v38, v48;
	v30 =	vadd.f32 v40, v49  }
0x353: {  	v31 =	vld [tilespmem:s8+$0xC0F0];
	v21 =	vadd.f32 v29, v21;
	v22 =	vadd.f32 v32, v22  }
0x354: {  	v35 =	vld [tilespmem:s8+$0xC160];
	v28 =	vadd.f32 v33, v28;
	v30 =	vadd.f32 v34, v30  }
0x355: {  	v11 =	vadd.f32 v44, v11;
	v10 =	vadd.f32 v45, v10;
	v34 =	vld [tilespmem:s8+$0xC170]  }
0x356: {  	v9 =	vadd.f32 v46, v9;
	v8 =	vadd.f32 v20, v8;
	v20 =	vld [tilespmem:s8+$0xC1E0]  }
0x357: {  	v11 =	vadd.f32 v42, v11;
	v10 =	vadd.f32 v43, v10;
	v36 =	vld [tilespmem:s8+$0xC1F0];
	s8 =	sshra.s32 s9, $0x2  }
0x358: {  	v9 =	vadd.f32 v23, v9;
	v29 =	vld [tilespmem:s8+$0xC180];
	v8 =	vadd.f32 v31, v8  }
0x359: {  	v11 =	vadd.f32 v26, v11;
	v10 =	vadd.f32 v27, v10;
	v32 =	vld [tilespmem:s8+$0xC190]  }
0x35a: {  	v9 =	vadd.f32 v35, v9;
	v33 =	vld [tilespmem:s8+$0xC1A0];
	v8 =	vadd.f32 v34, v8  }
0x35b: {  	v11 =	vadd.f32 v24, v11;
	v10 =	vadd.f32 v25, v10;
	v34 =	vld [tilespmem:s8+$0xC1B0]  }
0x35c: {  	v9 =	vadd.f32 v20, v9;
	v24 =	vld [tilespmem:s8+$0xC1C0];
	v8 =	vadd.f32 v36, v8  }
0x35d: {  	v25 =	vld [tilespmem:s8+$0xC1D0]  }
0x35e: {  	v39 =	vld [tilespmem:s8+$0xC100]  }
0x35f: {  	v41 =	vld [tilespmem:s8+$0xC110]  }
0x360: {  	v38 =	vld [tilespmem:s8+$0xC120]  }
0x361: {  	v40 =	vld [tilespmem:s8+$0xC130]  }
0x362: {  	v26 =	vld [tilespmem:s8+$0xC140]  }
0x363: {  	v27 =	vld [tilespmem:s8+$0xC150]  }
0x364: {  	v20 =	vld [tilespmem:s8+$0xC080]  }
0x365: {  	v31 =	vld [tilespmem:s8+$0xC090]  }
0x366: {  	v23 =	vld [tilespmem:s8+$0xC000]  }
0x367: {  	v35 =	vld [tilespmem:s8+$0xC010]  }
0x368: {  	v36 =	vld [tilespmem:s8+$0xC020]  }
0x369: {  	v37 =	vld [tilespmem:s8+$0xC030]  }
0x36a: {  	v48 =	vld [tilespmem:s8+$0xC0A0]  }
0x36b: {  	v49 =	vld [tilespmem:s8+$0xC0B0]  }
.Ltmp8:
0x36c: {  	v42 =	vld [tilespmem:s8+$0xC0C0];
	(pc) =	sbr.rel @p2 .LBB2_19-.Ltmp8, $4  }
0x36d: {  	v21 =	vadd.f32 v23, v21;
	v22 =	vadd.f32 v35, v22;
	v43 =	vld [tilespmem:s8+$0xC0D0]  }
0x36e: {  	v28 =	vadd.f32 v36, v28;
	v30 =	vadd.f32 v37, v30;
	v44 =	vld [tilespmem:s8+$0xC040]  }
0x36f: {  	v23 =	vadd.f32 v20, v21;
	v47 =	vadd.f32 v31, v22;
	v45 =	vld [tilespmem:s8+$0xC050]  }
0x370: {  	s9 =	sadd.s32 $0x800, s9;
	v48 =	vadd.f32 v48, v28;
	v46 =	vld [tilespmem:s8+$0xC060];
	v49 =	vadd.f32 v49, v30  }
0x371: {  	v50 =	vld [tilespmem:s8+$0xC070]  }
0x372: {  	v51 =	vld [tilespmem:s8+$0xC0E0]  }
0x373: {  	v52 =	vld [tilespmem:s8+$0xC0F0]  }
0x374: {  	v53 =	vld [tilespmem:s8+$0xC160]  }
0x375: {  	v54 =	vld [tilespmem:s8+$0xC170]  }
0x376: {  	v55 =	vld [tilespmem:s8+$0xC1E0]  }
0x377: {  	v56 =	vld [tilespmem:s8+$0xC1F0];
	s8 =	sadd.s32 @!p0 $0x6800, s21;
	s9 =	simm.s32 @!p0 $0x40;
	s25 =	simm.s32 @!p0 $0xC000  }
0x378: {  	[tilespmem:s25], [sflag:$0x3] =	stream.indirect.gather @!p0 [hbm4b:s5+s9], $0x80, s8, s9, $0xb8;
	[tilespmem:$0x1BC00] =	vst v63  }
0x379: {  	_ =	swait.ge [sflag:s14], $0x2000  }
0x37a: {  	[sflag:s14] =	ssyncset.done $0x0  }
0x37b: {  	s8 =	simm.s32 $0x0;
	[sflag:s14] =	ssyncadd.s32 $0xFFFFE000  }
0x37c: {  	v22 =	vld [tilespmem:s8+$0xE980]  }
0x37d: {  	v30 =	vld [tilespmem:s8+$0xE990]  }
0x37e: {  	v31 =	vld [tilespmem:s8+$0xE9A0]  }
0x37f: {  	v28 =	vld [tilespmem:s8+$0xE9B0]  }
0x380: {  	v20 =	vld [tilespmem:s8+$0xE9C0]  }
0x381: {  	v21 =	vld [tilespmem:s8+$0xE9D0]  }
0x382: {  	v36 =	vld [tilespmem:s8+$0xE900]  }
0x383: {  	v37 =	vld [tilespmem:s8+$0xE910]  }
0x384: {  	v35 =	vld [tilespmem:s8+$0xE920]  }
0x385: {  	v57 =	vadd.f32 v39, v23;
	v41 =	vadd.f32 v41, v47;
	v39 =	vld [tilespmem:s8+$0xE930]  }
0x386: {  	v38 =	vadd.f32 v38, v48;
	v40 =	vadd.f32 v40, v49;
	v23 =	vld [tilespmem:s8+$0xE940]  }
0x387: {  	v63 =	vadd.f32 v29, v57;
	v32 =	vadd.f32 v32, v41;
	v29 =	vld [tilespmem:s8+$0xE950]  }
0x388: {  	v11 =	vadd.f32 v44, v11;
	v33 =	vadd.f32 v33, v38;
	v48 =	vld [tilespmem:s8+$0xE880]  }
0x389: {  	v10 =	vadd.f32 v45, v10;
	v9 =	vadd.f32 v46, v9;
	v49 =	vld [tilespmem:s8+$0xE890]  }
0x38a: {  	v11 =	vadd.f32 v42, v11;
	v8 =	vadd.f32 v50, v8;
	v50 =	vld [tilespmem:s8+$0xE800]  }
0x38b: {  	v34 =	vadd.f32 v34, v40;
	v10 =	vadd.f32 v43, v10;
	v57 =	vld [tilespmem:s8+$0xE810]  }
0x38c: {  	v58 =	vld [tilespmem:s8+$0xE820];
	v9 =	vadd.f32 v51, v9;
	v11 =	vadd.f32 v26, v11  }
0x38d: {  	v26 =	vld [tilespmem:s8+$0xE830];
	v8 =	vadd.f32 v52, v8;
	v10 =	vadd.f32 v27, v10  }
0x38e: {  	v59 =	vld [tilespmem:s8+$0xE8A0];
	v27 =	vadd.f32 v53, v9;
	v11 =	vadd.f32 v24, v11  }
0x38f: {  	v60 =	vld [tilespmem:s8+$0xE8B0];
	v8 =	vadd.f32 v54, v8;
	v9 =	vadd.f32 v25, v10  }
0x390: {  	v24 =	vld [tilespmem:s8+$0xE8C0];
	v10 =	vadd.f32 v55, v27;
	v27 =	vadd.f32 v50, v63  }
0x391: {  	v25 =	vld [tilespmem:s8+$0xE8D0];
	v61 =	vadd.f32 v57, v32;
	v62 =	vadd.f32 v58, v33  }
0x392: {  	v32 =	vld [tilespmem:s8+$0xE840];
	v8 =	vadd.f32 v56, v8;
	v63 =	vadd.f32 v26, v34  }
0x393: {  	v26 =	vld [tilespmem:s8+$0xE850];
	v33 =	vadd.f32 v48, v27;
	v34 =	vadd.f32 v49, v61  }
0x394: {  	s9 =	simm.s32 $0x800;
	v27 =	vld [tilespmem:s8+$0xE860];
	v38 =	vadd.f32 v59, v62;
	v40 =	vadd.f32 v60, v63  }
.LBB2_21:
0x395: {  	p2 =	sne.s32 s9, $0x7800;
	v41 =	vld [tilespmem:s8+$0xE870];
	v33 =	vadd.f32 v36, v33;
	v34 =	vadd.f32 v37, v34  }
0x396: {  	v36 =	vld [tilespmem:s8+$0xE8E0];
	v35 =	vadd.f32 v35, v38;
	v37 =	vadd.f32 v39, v40  }
0x397: {  	v38 =	vld [tilespmem:s8+$0xE8F0];
	v33 =	vadd.f32 v22, v33;
	v34 =	vadd.f32 v30, v34  }
0x398: {  	v39 =	vld [tilespmem:s8+$0xE960];
	v40 =	vadd.f32 v31, v35;
	v42 =	vadd.f32 v28, v37  }
0x399: {  	v11 =	vadd.f32 v32, v11;
	v9 =	vadd.f32 v26, v9;
	v26 =	vld [tilespmem:s8+$0xE970]  }
0x39a: {  	v10 =	vadd.f32 v27, v10;
	v8 =	vadd.f32 v41, v8;
	v27 =	vld [tilespmem:s8+$0xE9E0]  }
0x39b: {  	v11 =	vadd.f32 v24, v11;
	v9 =	vadd.f32 v25, v9;
	v24 =	vld [tilespmem:s8+$0xE9F0];
	s8 =	sshra.s32 s9, $0x2  }
0x39c: {  	v10 =	vadd.f32 v36, v10;
	v22 =	vld [tilespmem:s8+$0xE980];
	v8 =	vadd.f32 v38, v8  }
0x39d: {  	v11 =	vadd.f32 v23, v11;
	v9 =	vadd.f32 v29, v9;
	v30 =	vld [tilespmem:s8+$0xE990]  }
0x39e: {  	v10 =	vadd.f32 v39, v10;
	v31 =	vld [tilespmem:s8+$0xE9A0];
	v8 =	vadd.f32 v26, v8  }
0x39f: {  	v11 =	vadd.f32 v20, v11;
	v9 =	vadd.f32 v21, v9;
	v28 =	vld [tilespmem:s8+$0xE9B0]  }
0x3a0: {  	v10 =	vadd.f32 v27, v10;
	v20 =	vld [tilespmem:s8+$0xE9C0];
	v8 =	vadd.f32 v24, v8  }
0x3a1: {  	v21 =	vld [tilespmem:s8+$0xE9D0]  }
0x3a2: {  	v36 =	vld [tilespmem:s8+$0xE900]  }
0x3a3: {  	v37 =	vld [tilespmem:s8+$0xE910]  }
0x3a4: {  	v35 =	vld [tilespmem:s8+$0xE920]  }
0x3a5: {  	v39 =	vld [tilespmem:s8+$0xE930]  }
0x3a6: {  	v23 =	vld [tilespmem:s8+$0xE940]  }
0x3a7: {  	v29 =	vld [tilespmem:s8+$0xE950]  }
0x3a8: {  	v27 =	vld [tilespmem:s8+$0xE880]  }
0x3a9: {  	v38 =	vld [tilespmem:s8+$0xE890]  }
0x3aa: {  	v25 =	vld [tilespmem:s8+$0xE800]  }
0x3ab: {  	v26 =	vld [tilespmem:s8+$0xE810]  }
0x3ac: {  	v32 =	vld [tilespmem:s8+$0xE820]  }
0x3ad: {  	v41 =	vld [tilespmem:s8+$0xE830]  }
0x3ae: {  	v43 =	vld [tilespmem:s8+$0xE8A0]  }
0x3af: {  	v44 =	vld [tilespmem:s8+$0xE8B0]  }
.Ltmp9:
0x3b0: {  	v24 =	vld [tilespmem:s8+$0xE8C0];
	(pc) =	sbr.rel @p2 .LBB2_21-.Ltmp9, $4  }
0x3b1: {  	v33 =	vadd.f32 v25, v33;
	v34 =	vadd.f32 v26, v34;
	v25 =	vld [tilespmem:s8+$0xE8D0]  }
0x3b2: {  	v40 =	vadd.f32 v32, v40;
	v41 =	vadd.f32 v41, v42;
	v32 =	vld [tilespmem:s8+$0xE840]  }
0x3b3: {  	v33 =	vadd.f32 v27, v33;
	v34 =	vadd.f32 v38, v34;
	v26 =	vld [tilespmem:s8+$0xE850]  }
0x3b4: {  	s9 =	sadd.s32 $0x800, s9;
	v38 =	vadd.f32 v43, v40;
	v27 =	vld [tilespmem:s8+$0xE860];
	v40 =	vadd.f32 v44, v41  }
0x3b5: {  	v41 =	vld [tilespmem:s8+$0xE870]  }
0x3b6: {  	v42 =	vld [tilespmem:s8+$0xE8E0]  }
0x3b7: {  	v43 =	vld [tilespmem:s8+$0xE8F0]  }
0x3b8: {  	v33 =	vadd.f32 v36, v33;
	v34 =	vadd.f32 v37, v34;
	v57 =	vld [tilespmem:s8+$0xE960]  }
0x3b9: {  	v59 =	vld [tilespmem:s8+$0xE970];
	v35 =	vadd.f32 v35, v38;
	v58 =	vadd.f32 v39, v40  }
0x3ba: {  	v33 =	vadd.f32 v22, v33;
	v22 =	vadd.f32 v30, v34;
	v30 =	vld [tilespmem:s8+$0xE9E0]  }
0x3bb: {  	s9 =	simm.s32 @!p0 $0x40;
	s25 =	simm.s32 @!p0 $0xE800;
	v11 =	vadd.f32 v32, v11;
	v34 =	vadd.f32 v31, v35;
	v31 =	vld [tilespmem:s8+$0xE9F0];
	s8 =	sadd.s32 @!p0 $0x6800, s23  }
0x3bc: {  	v32 =	vadd.f32 v28, v58;
	v9 =	vadd.f32 v26, v9;
	[tilespmem:s25], [sflag:$0x4] =	stream.indirect.gather @!p0 [hbm4b:s5+s9], $0x80, s8, s9, $0xb8;
	[tilespmem:$0x1BC00] =	vst v63  }
0x3bd: {  	v10 =	vadd.f32 v27, v10;
	v11 =	vadd.f32 v24, v11;
	s8 =	sshll.u32 @p1 s20, $0x5  }
0x3be: {  	v8 =	vadd.f32 v41, v8;
	v9 =	vadd.f32 v25, v9;
	s25 =	sand.u32 @p1 $0x80, s8  }
0x3bf: {  	v10 =	vadd.f32 v42, v10;
	v11 =	vadd.f32 v23, v11;
	[tilespmem:s25+$0x1B900] =	vst @p1 v33  }
0x3c0: {  	[tilespmem:s25+$0x1B910] =	vst @p1 v22;
	v8 =	vadd.f32 v43, v8;
	v9 =	vadd.f32 v29, v9  }
0x3c1: {  	[tilespmem:s25+$0x1B920] =	vst @p1 v34;
	v10 =	vadd.f32 v57, v10;
	v11 =	vadd.f32 v20, v11  }
0x3c2: {  	[tilespmem:s25+$0x1B930] =	vst @p1 v32;
	v8 =	vadd.f32 v59, v8;
	v20 =	vadd.f32 v21, v9  }
0x3c3: {  	v9 =	vadd.f32 v30, v10;
	[tilespmem:s25+$0x1B940] =	vst @p1 v11  }
0x3c4: {  	v8 =	vadd.f32 v31, v8;
	[tilespmem:s25+$0x1B950] =	vst @p1 v20  }
0x3c5: {  	[tilespmem:s25+$0x1B960] =	vst @p1 v9  }
0x3c6: {  	[tilespmem:s25+$0x1B970] =	vst @p1 v8  }
0x3c7: {  	_ =	swait.ge [sflag:s15], $0x2000  }
0x3c8: {  	[sflag:s15] =	ssyncset.done $0x0  }
0x3c9: {  	s8 =	simm.s32 $0x0;
	[sflag:s15] =	ssyncadd.s32 $0xFFFFE000  }
0x3ca: {  	v28 =	vld [tilespmem:s8+$0x11180]  }
0x3cb: {  	v29 =	vld [tilespmem:s8+$0x11190]  }
0x3cc: {  	v30 =	vld [tilespmem:s8+$0x111A0]  }
0x3cd: {  	v31 =	vld [tilespmem:s8+$0x111B0]  }
0x3ce: {  	v24 =	vld [tilespmem:s8+$0x111C0]  }
0x3cf: {  	v25 =	vld [tilespmem:s8+$0x111D0]  }
0x3d0: {  	v36 =	vld [tilespmem:s8+$0x11100]  }
0x3d1: {  	v38 =	vld [tilespmem:s8+$0x11110]  }
0x3d2: {  	v35 =	vld [tilespmem:s8+$0x11120]  }
0x3d3: {  	v37 =	vld [tilespmem:s8+$0x11130]  }
0x3d4: {  	v26 =	vld [tilespmem:s8+$0x11140]  }
0x3d5: {  	v27 =	vld [tilespmem:s8+$0x11150]  }
0x3d6: {  	v23 =	vld [tilespmem:s8+$0x11080]  }
0x3d7: {  	v60 =	vld [tilespmem:s8+$0x11090]  }
0x3d8: {  	v21 =	vld [tilespmem:s8+$0x11000]  }
0x3d9: {  	v61 =	vld [tilespmem:s8+$0x11010]  }
0x3da: {  	v62 =	vld [tilespmem:s8+$0x11020]  }
0x3db: {  	v44 =	vld [tilespmem:s8+$0x11030]  }
0x3dc: {  	v48 =	vld [tilespmem:s8+$0x110A0]  }
0x3dd: {  	v22 =	vpsel p1, $0x0, v22;
	v49 =	vld [tilespmem:s8+$0x110B0]  }
0x3de: {  	v11 =	vpsel p1, $0x0, v11;
	v10 =	vpsel p1, $0x0, v20;
	v20 =	vpsel p1, $0x0, v32;
	v39 =	vld [tilespmem:s8+$0x110C0]  }
0x3df: {  	v9 =	vpsel p1, $0x0, v9;
	v43 =	vld [tilespmem:s8+$0x110D0];
	v19 =	vadd.f32 v21, v19;
	v63 =	vadd.f32 v61, v18  }
0x3e0: {  	v8 =	vpsel p1, $0x0, v8;
	v45 =	vld [tilespmem:s8+$0x11050];
	v17 =	vadd.f32 v62, v17;
	v14 =	vadd.f32 v44, v14  }
0x3e1: {  	v46 =	vld [tilespmem:s8+$0x11060];
	v21 =	vpsel p1, $0x0, v34;
	v18 =	vadd.f32 v23, v19;
	v47 =	vadd.f32 v60, v63  }
0x3e2: {  	s9 =	simm.s32 $0x800;
	v44 =	vld [tilespmem:s8+$0x11040];
	v23 =	vpsel p1, $0x0, v33;
	v48 =	vadd.f32 v48, v17;
	v49 =	vadd.f32 v49, v14  }
.LBB2_23:
0x3e3: {  	p2 =	sne.s32 s9, $0x7800;
	v14 =	vld [tilespmem:s8+$0x11070];
	v17 =	vadd.f32 v36, v18;
	v18 =	vadd.f32 v38, v47  }
0x3e4: {  	v19 =	vld [tilespmem:s8+$0x110E0];
	v32 =	vadd.f32 v35, v48;
	v33 =	vadd.f32 v37, v49  }
0x3e5: {  	v34 =	vld [tilespmem:s8+$0x110F0];
	v17 =	vadd.f32 v28, v17;
	v18 =	vadd.f32 v29, v18  }
0x3e6: {  	v35 =	vld [tilespmem:s8+$0x11160];
	v32 =	vadd.f32 v30, v32;
	v33 =	vadd.f32 v31, v33  }
0x3e7: {  	v3 =	vadd.f32 v44, v3;
	v2 =	vadd.f32 v45, v2;
	v31 =	vld [tilespmem:s8+$0x11170]  }
0x3e8: {  	v1 =	vadd.f32 v46, v1;
	v0 =	vadd.f32 v14, v0;
	v14 =	vld [tilespmem:s8+$0x111E0]  }
0x3e9: {  	v3 =	vadd.f32 v39, v3;
	v2 =	vadd.f32 v43, v2;
	v36 =	vld [tilespmem:s8+$0x111F0];
	s8 =	sshra.s32 s9, $0x2  }
0x3ea: {  	v1 =	vadd.f32 v19, v1;
	v28 =	vld [tilespmem:s8+$0x11180];
	v0 =	vadd.f32 v34, v0  }
0x3eb: {  	v3 =	vadd.f32 v26, v3;
	v2 =	vadd.f32 v27, v2;
	v29 =	vld [tilespmem:s8+$0x11190]  }
0x3ec: {  	v1 =	vadd.f32 v35, v1;
	v30 =	vld [tilespmem:s8+$0x111A0];
	v0 =	vadd.f32 v31, v0  }
0x3ed: {  	v3 =	vadd.f32 v24, v3;
	v2 =	vadd.f32 v25, v2;
	v31 =	vld [tilespmem:s8+$0x111B0]  }
0x3ee: {  	v1 =	vadd.f32 v14, v1;
	v24 =	vld [tilespmem:s8+$0x111C0];
	v0 =	vadd.f32 v36, v0  }
0x3ef: {  	v25 =	vld [tilespmem:s8+$0x111D0]  }
0x3f0: {  	v36 =	vld [tilespmem:s8+$0x11100]  }
0x3f1: {  	v38 =	vld [tilespmem:s8+$0x11110]  }
0x3f2: {  	v35 =	vld [tilespmem:s8+$0x11120]  }
0x3f3: {  	v37 =	vld [tilespmem:s8+$0x11130]  }
0x3f4: {  	v26 =	vld [tilespmem:s8+$0x11140]  }
0x3f5: {  	v27 =	vld [tilespmem:s8+$0x11150]  }
0x3f6: {  	v14 =	vld [tilespmem:s8+$0x11080]  }
0x3f7: {  	v19 =	vld [tilespmem:s8+$0x11090]  }
0x3f8: {  	v34 =	vld [tilespmem:s8+$0x11000]  }
0x3f9: {  	v40 =	vld [tilespmem:s8+$0x11010]  }
0x3fa: {  	v41 =	vld [tilespmem:s8+$0x11020]  }
0x3fb: {  	v42 =	vld [tilespmem:s8+$0x11030]  }
0x3fc: {  	v48 =	vld [tilespmem:s8+$0x110A0]  }
0x3fd: {  	v49 =	vld [tilespmem:s8+$0x110B0]  }
.Ltmp10:
0x3fe: {  	v39 =	vld [tilespmem:s8+$0x110C0];
	(pc) =	sbr.rel @p2 .LBB2_23-.Ltmp10, $4  }
0x3ff: {  	v17 =	vadd.f32 v34, v17;
	v34 =	vadd.f32 v40, v18;
	v43 =	vld [tilespmem:s8+$0x110D0]  }
0x400: {  	v32 =	vadd.f32 v41, v32;
	v33 =	vadd.f32 v42, v33;
	v44 =	vld [tilespmem:s8+$0x11040]  }
0x401: {  	v18 =	vadd.f32 v14, v17;
	v47 =	vadd.f32 v19, v34;
	v45 =	vld [tilespmem:s8+$0x11050]  }
0x402: {  	s9 =	sadd.s32 $0x800, s9;
	v48 =	vadd.f32 v48, v32;
	v46 =	vld [tilespmem:s8+$0x11060];
	v49 =	vadd.f32 v49, v33  }
0x403: {  	v50 =	vld [tilespmem:s8+$0x11070]  }
0x404: {  	v51 =	vld [tilespmem:s8+$0x110E0]  }
0x405: {  	v52 =	vld [tilespmem:s8+$0x110F0]  }
0x406: {  	v53 =	vld [tilespmem:s8+$0x11160]  }
0x407: {  	v54 =	vld [tilespmem:s8+$0x11170]  }
0x408: {  	v55 =	vld [tilespmem:s8+$0x111E0]  }
0x409: {  	v56 =	vld [tilespmem:s8+$0x111F0];
	s8 =	sadd.s32 @!p0 $0x6C00, s21;
	s9 =	simm.s32 @!p0 $0x40;
	s21 =	simm.s32 @!p0 $0x11000  }
0x40a: {  	[tilespmem:s21], [sflag:$0x5] =	stream.indirect.gather @!p0 [hbm4b:s6+s9], $0x80, s8, s9, $0xb8;
	[tilespmem:$0x1BC00] =	vst v63  }
0x40b: {  	_ =	swait.ge [sflag:s19], $0x2000  }
0x40c: {  	[sflag:s19] =	ssyncset.done $0x0  }
0x40d: {  	s8 =	simm.s32 $0x0;
	[sflag:s19] =	ssyncadd.s32 $0xFFFFE000  }
0x40e: {  	v19 =	vld [tilespmem:s8+$0x13980]  }
0x40f: {  	v32 =	vld [tilespmem:s8+$0x13990]  }
0x410: {  	v33 =	vld [tilespmem:s8+$0x139A0]  }
0x411: {  	v34 =	vld [tilespmem:s8+$0x139B0]  }
0x412: {  	v14 =	vld [tilespmem:s8+$0x139C0]  }
0x413: {  	v17 =	vld [tilespmem:s8+$0x139D0]  }
0x414: {  	v41 =	vld [tilespmem:s8+$0x13900]  }
0x415: {  	v42 =	vld [tilespmem:s8+$0x13910]  }
0x416: {  	v40 =	vld [tilespmem:s8+$0x13920]  }
0x417: {  	v57 =	vadd.f32 v36, v18;
	v38 =	vadd.f32 v38, v47;
	v36 =	vld [tilespmem:s8+$0x13930]  }
0x418: {  	v35 =	vadd.f32 v35, v48;
	v37 =	vadd.f32 v37, v49;
	v18 =	vld [tilespmem:s8+$0x13940]  }
0x419: {  	v63 =	vadd.f32 v28, v57;
	v29 =	vadd.f32 v29, v38;
	v28 =	vld [tilespmem:s8+$0x13950]  }
0x41a: {  	v3 =	vadd.f32 v44, v3;
	v30 =	vadd.f32 v30, v35;
	v48 =	vld [tilespmem:s8+$0x13880]  }
0x41b: {  	v31 =	vadd.f32 v31, v37;
	v2 =	vadd.f32 v45, v2;
	v49 =	vld [tilespmem:s8+$0x13890]  }
0x41c: {  	v1 =	vadd.f32 v46, v1;
	v0 =	vadd.f32 v50, v0;
	v50 =	vld [tilespmem:s8+$0x13800]  }
0x41d: {  	v3 =	vadd.f32 v39, v3;
	v2 =	vadd.f32 v43, v2;
	v57 =	vld [tilespmem:s8+$0x13810]  }
0x41e: {  	v58 =	vld [tilespmem:s8+$0x13820];
	v1 =	vadd.f32 v51, v1;
	v0 =	vadd.f32 v52, v0  }
0x41f: {  	v3 =	vadd.f32 v26, v3;
	v26 =	vld [tilespmem:s8+$0x13830];
	v2 =	vadd.f32 v27, v2  }
0x420: {  	v60 =	vld [tilespmem:s8+$0x138A0];
	v27 =	vadd.f32 v53, v1;
	v59 =	vadd.f32 v54, v0  }
0x421: {  	v61 =	vld [tilespmem:s8+$0x138B0];
	v0 =	vadd.f32 v24, v3;
	v1 =	vadd.f32 v25, v2  }
0x422: {  	v24 =	vld [tilespmem:s8+$0x138C0];
	v2 =	vadd.f32 v55, v27;
	v38 =	vadd.f32 v50, v63  }
0x423: {  	v25 =	vld [tilespmem:s8+$0x138D0];
	v29 =	vadd.f32 v57, v29;
	v62 =	vadd.f32 v58, v30  }
0x424: {  	v27 =	vld [tilespmem:s8+$0x13850];
	v3 =	vadd.f32 v56, v59;
	v63 =	vadd.f32 v26, v31  }
0x425: {  	v26 =	vld [tilespmem:s8+$0x13840];
	v30 =	vadd.f32 v48, v38;
	v31 =	vadd.f32 v49, v29  }
0x426: {  	s9 =	simm.s32 $0x800;
	v29 =	vld [tilespmem:s8+$0x13860];
	v35 =	vadd.f32 v60, v62;
	v37 =	vadd.f32 v61, v63  }
.LBB2_25:
0x427: {  	p2 =	sne.s32 s9, $0x7800;
	v38 =	vld [tilespmem:s8+$0x13870];
	v30 =	vadd.f32 v41, v30;
	v31 =	vadd.f32 v42, v31  }
0x428: {  	v39 =	vld [tilespmem:s8+$0x138E0];
	v35 =	vadd.f32 v40, v35;
	v36 =	vadd.f32 v36, v37  }
0x429: {  	v37 =	vld [tilespmem:s8+$0x138F0];
	v30 =	vadd.f32 v19, v30;
	v31 =	vadd.f32 v32, v31  }
0x42a: {  	v40 =	vld [tilespmem:s8+$0x13960];
	v35 =	vadd.f32 v33, v35;
	v43 =	vadd.f32 v34, v36  }
0x42b: {  	v0 =	vadd.f32 v26, v0;
	v1 =	vadd.f32 v27, v1;
	v26 =	vld [tilespmem:s8+$0x13970]  }
0x42c: {  	v2 =	vadd.f32 v29, v2;
	v3 =	vadd.f32 v38, v3;
	v27 =	vld [tilespmem:s8+$0x139E0]  }
0x42d: {  	v0 =	vadd.f32 v24, v0;
	v1 =	vadd.f32 v25, v1;
	v24 =	vld [tilespmem:s8+$0x139F0];
	s8 =	sshra.s32 s9, $0x2  }
0x42e: {  	v2 =	vadd.f32 v39, v2;
	v19 =	vld [tilespmem:s8+$0x13980];
	v3 =	vadd.f32 v37, v3  }
0x42f: {  	v0 =	vadd.f32 v18, v0;
	v1 =	vadd.f32 v28, v1;
	v32 =	vld [tilespmem:s8+$0x13990]  }
0x430: {  	v2 =	vadd.f32 v40, v2;
	v33 =	vld [tilespmem:s8+$0x139A0];
	v3 =	vadd.f32 v26, v3  }
0x431: {  	v0 =	vadd.f32 v14, v0;
	v1 =	vadd.f32 v17, v1;
	v34 =	vld [tilespmem:s8+$0x139B0]  }
0x432: {  	v2 =	vadd.f32 v27, v2;
	v14 =	vld [tilespmem:s8+$0x139C0];
	v3 =	vadd.f32 v24, v3  }
0x433: {  	v17 =	vld [tilespmem:s8+$0x139D0]  }
0x434: {  	v41 =	vld [tilespmem:s8+$0x13900]  }
0x435: {  	v42 =	vld [tilespmem:s8+$0x13910]  }
0x436: {  	v40 =	vld [tilespmem:s8+$0x13920]  }
0x437: {  	v36 =	vld [tilespmem:s8+$0x13930]  }
0x438: {  	v18 =	vld [tilespmem:s8+$0x13940]  }
0x439: {  	v28 =	vld [tilespmem:s8+$0x13950]  }
0x43a: {  	v29 =	vld [tilespmem:s8+$0x13880]  }
0x43b: {  	v37 =	vld [tilespmem:s8+$0x13890]  }
0x43c: {  	v25 =	vld [tilespmem:s8+$0x13800]  }
0x43d: {  	v26 =	vld [tilespmem:s8+$0x13810]  }
0x43e: {  	v27 =	vld [tilespmem:s8+$0x13820]  }
0x43f: {  	v38 =	vld [tilespmem:s8+$0x13830]  }
0x440: {  	v39 =	vld [tilespmem:s8+$0x138A0]  }
0x441: {  	v44 =	vld [tilespmem:s8+$0x138B0]  }
.Ltmp11:
0x442: {  	v24 =	vld [tilespmem:s8+$0x138C0];
	(pc) =	sbr.rel @p2 .LBB2_25-.Ltmp11, $4  }
0x443: {  	v30 =	vadd.f32 v25, v30;
	v31 =	vadd.f32 v26, v31;
	v25 =	vld [tilespmem:s8+$0x138D0]  }
0x444: {  	v35 =	vadd.f32 v27, v35;
	v38 =	vadd.f32 v38, v43;
	v26 =	vld [tilespmem:s8+$0x13840]  }
0x445: {  	v30 =	vadd.f32 v29, v30;
	v31 =	vadd.f32 v37, v31;
	v27 =	vld [tilespmem:s8+$0x13850]  }
0x446: {  	s9 =	sadd.s32 $0x800, s9;
	v35 =	vadd.f32 v39, v35;
	v29 =	vld [tilespmem:s8+$0x13860];
	v37 =	vadd.f32 v44, v38  }
0x447: {  	v38 =	vld [tilespmem:s8+$0x13870]  }
0x448: {  	v30 =	vadd.f32 v41, v30;
	v31 =	vadd.f32 v42, v31;
	v39 =	vld [tilespmem:s8+$0x138E0]  }
0x449: {  	v59 =	vld [tilespmem:s8+$0x138F0];
	v35 =	vadd.f32 v40, v35;
	v36 =	vadd.f32 v36, v37  }
0x44a: {  	v60 =	vld [tilespmem:s8+$0x13960];
	v19 =	vadd.f32 v19, v30;
	v30 =	vadd.f32 v32, v31  }
0x44b: {  	v61 =	vld [tilespmem:s8+$0x13970];
	v0 =	vadd.f32 v26, v0;
	v32 =	vadd.f32 v33, v35  }
0x44c: {  	v62 =	vld [tilespmem:s8+$0x139E0];
	v33 =	vadd.f32 v34, v36;
	v1 =	vadd.f32 v27, v1  }
0x44d: {  	v63 =	vld [tilespmem:s8+$0x139F0];
	s8 =	sadd.s32 @!p0 $0x6C00, s23;
	s9 =	simm.s32 @!p0 $0x40;
	s21 =	simm.s32 @!p0 $0x13800;
	v2 =	vadd.f32 v29, v2;
	v0 =	vadd.f32 v24, v0  }
0x44e: {  	[tilespmem:s21], [sflag:$0x6] =	stream.indirect.gather @!p0 [hbm4b:s6+s9], $0x80, s8, s9, $0xb8;
	v3 =	vadd.f32 v38, v3;
	v1 =	vadd.f32 v25, v1;
	[tilespmem:$0x1BC00] =	vst v63  }
0x44f: {  	[tilespmem:s25+$0x1BA00] =	vst @p1 v19;
	v2 =	vadd.f32 v39, v2;
	v0 =	vadd.f32 v18, v0  }
0x450: {  	s20 =	sadd.s32 $0x1, s20;
	[tilespmem:s25+$0x1BA10] =	vst @p1 v30;
	v3 =	vadd.f32 v59, v3;
	v1 =	vadd.f32 v28, v1  }
0x451: {  	p0 =	sne.s32 s20, $0x8;
	[tilespmem:s25+$0x1BA20] =	vst @p1 v32;
	v2 =	vadd.f32 v60, v2;
	v14 =	vadd.f32 v14, v0  }
.Ltmp12:
0x452: {  	[tilespmem:s25+$0x1BA30] =	vst @p1 v33;
	v3 =	vadd.f32 v61, v3;
	v17 =	vadd.f32 v17, v1;
	(pc) =	sbr.rel @p0 .LBB2_12-.Ltmp12, $4  }
0x453: {  	v2 =	vadd.f32 v62, v2;
	[tilespmem:s25+$0x1BA40] =	vst @p1 v14  }
0x454: {  	v19 =	vpsel p1, $0x0, v19;
	v18 =	vadd.f32 v63, v3;
	[tilespmem:s25+$0x1BA50] =	vst @p1 v17;
	v3 =	vpsel p1, $0x0, v14  }
0x455: {  	v14 =	vpsel p1, $0x0, v33;
	v1 =	vpsel p1, $0x0, v2;
	[tilespmem:s25+$0x1BA60] =	vst @p1 v2;
	v2 =	vpsel p1, $0x0, v17  }
0x456: {  	v17 =	vpsel p1, $0x0, v32;
	v0 =	vpsel p1, $0x0, v18;
	[tilespmem:s25+$0x1BA70] =	vst @p1 v18;
	v18 =	vpsel p1, $0x0, v30  }
0x457: {  	s8 =	simm.s32 $0x1B800  }
0x458: {  	[hbm4b:s10+s7] =	stream.linear.scatter [tilespmem:s8], [sflag:$0x9], $0x100, $0x38;
	[tilespmem:$0x1BC00] =	vst v63  }
0x459: {  	_ =	swait.ge [sflag:s16], $0x100  }
0x45a: {  	[sflag:s16] =	ssyncset.done $0x0  }
0x45b: {  	s25 =	simm.s32 $0x1B900;
	[sflag:s16] =	ssyncadd.s32 $0xFFFFFF00  }
0x45c: {  	[hbm4b:s11+s7] =	stream.linear.scatter [tilespmem:s25], [sflag:$0x9], $0x100, $0x38;
	[tilespmem:$0x1BC00] =	vst v63  }
0x45d: {  	s18 =	sadd.s32 $0x1, s18;
	_ =	swait.ge [sflag:s16], $0x100  }
0x45e: {  	p0 =	sne.s32 s18, s13;
	[sflag:s16] =	ssyncset.done $0x0  }
.Ltmp13:
0x45f: {  	s28 =	simm.s32 $0x1BA00;
	[sflag:s16] =	ssyncadd.s32 $0xFFFFFF00;
	(pc) =	sbr.rel @p0 .LBB2_1-.Ltmp13, $4  }
0x460: {  	[hbm4b:s12+s7] =	stream.linear.scatter [tilespmem:s28], [sflag:$0x9], $0x100, $0x38;
	[tilespmem:$0x1BC00] =	vst v63  }
0x461: {  	_ =	swait.ge [sflag:s16], $0x100  }
0x462: {  	[sflag:s16] =	ssyncset.done $0x0  }
0x463: {  	[sflag:s16] =	ssyncadd.s32 $0xFFFFFF00  }
0x464: {  	_ =	sfence.sel $0x180000  }
0x465: {  	[bflag:$0x0] =	sbarrier.arrive $0xFFFF  }
0x466: {  	_ =	strace $0x90000047  }
0x467: {  	s0 =	stileid.u32;
	[bflag:$0x2] =	sbarrier.arrive $0xFFFF  }
0x468: {  	p0 =	sne.s32 s0, $0x0;
	s0 =	rddreg [dreg:$0x6]  }
0x469: {  	s0 =	sadd.s32 @!p0 $0x100000, s0  }
0x46a: {  	[sflag:s0] =	ssyncadd.tile.s32 @!p0 $0x1;
	_ =	shalt  }
.Lfunc_end2:
_tile_overlayer_lowered:
.L_overlay_start_2:
0x46b: {  	(tag) =	ssettag $0x2  }
0x46c: {  	s0 =	rddreg [dreg:$0x0];
	s2 =	stileid.u32  }
0x46d: {  	s1 =	rddreg [dreg:$0x1];
	p0 =	sne.s32 s2, $0x0  }
0x46e: {  	s3 =	rddreg [dreg:$0x2];
	[bflag:$0x3] =	sbarrier.arrive $0xFFFF;
	s2 =	simm.s32 @!p0 $0x1C09  }
0x46f: {  	[timem:s3], [sflag:s2] =	dma.local @!p0 [hbm:s0], s1  }
0x470: {  	s0 =	simm.s32 @!p0 $0x9  }
0x471: {  	_ =	swait.ge @!p0 [sflag:s0], s1  }
0x472: {  	s1 =	ssub.s32 @!p0 $0x0, s1;
	[sflag:s0] =	ssyncset.done @!p0 $0x0  }
0x473: {  	[sflag:s0] =	ssyncadd.s32 @!p0 s1  }
0x474: {  	[bflag:$0x3] =	sbarrier.arrive $0xFFFF  }
0x475: {  	_ =	shalt  }

</sc_bundles>
